<compile_context>
chip_gen: v7x
topology: tpu7x:2x2x1
jax: 0.10.2.dev20260603
libtpu: 0.0.44.dev20260713+nightly
codegen_flags: <defaults>
</compile_context>

<pallas_src>
import functools

import jax
import jax.numpy as jnp
from jax import lax
from jax.experimental import pallas as pl
from jax.experimental.pallas import tpu as pltpu
from jax.experimental.pallas import tpu_sc as plsc

B = 16384
D = 128
K = 20
U = K + 1
NC, NS = 2, 16
NW = NC * NS
BPW = B // NW
C = 16
NCHUNK = BPW // C
CU = C * U
UP = 24


def _sc_body(cw_hbm, ow_hbm, nw_hbm, win_hbm, wout_hbm, out_hbm,
             idxc_v, idxo_v, idxn_v, cbuf0, obuf0, nbuf0, cbuf1, obuf1, nbuf1,
             sc_v, sem0, sem1):
    cid = lax.axis_index("c")
    sid = lax.axis_index("s")
    wid = sid * NC + cid
    base = wid * BPW

    pltpu.sync_copy(cw_hbm.at[pl.ds(base, BPW)], idxc_v)
    pltpu.sync_copy(ow_hbm.at[pl.ds(base, BPW)], idxo_v)
    pltpu.sync_copy(nw_hbm.at[pl.ds(base * K, BPW * K)], idxn_v)

    eids = lax.iota(jnp.int32, 16)

    def descs(ch, cbuf, obuf, nbuf, sem, make):
        c0 = ch * C
        n0 = ch * C * K
        return [
            make(win_hbm.at[idxc_v.at[pl.ds(c0, C)]], cbuf, sem),
            make(wout_hbm.at[idxo_v.at[pl.ds(c0, C)]], obuf, sem),
            make(wout_hbm.at[idxn_v.at[pl.ds(n0, C * K)]], nbuf, sem),
        ]

    def compute(ch, cbuf, obuf, nbuf):
        def e_body(e, accs):
            v = [cbuf[e, pl.ds(16 * t, 16)] for t in range(8)]
            lane_e = eids == jnp.full((16,), e, jnp.int32)
            new = []
            for j in range(U):
                if j == 0:
                    buf, r = obuf, e
                else:
                    buf, r = nbuf, e * K + (j - 1)
                p = buf[r, pl.ds(0, 16)] * v[0]
                for t in range(1, 8):
                    p = p + buf[r, pl.ds(16 * t, 16)] * v[t]
                new.append(jnp.where(lane_e, jnp.sum(p), accs[j]))
            return tuple(new)

        accs = lax.fori_loop(
            0, C, e_body,
            tuple(jnp.zeros((16,), jnp.float32) for _ in range(U)))
        c0 = ch * C
        for j in range(U):
            sc_v[j, pl.ds(c0, C)] = accs[j]
        for j in range(U, UP):
            sc_v[j, pl.ds(c0, C)] = jnp.zeros((16,), jnp.float32)

    descs(0, cbuf0, obuf0, nbuf0, sem0, pltpu.async_copy)

    def pair_body(i, carry):
        ch0 = i * 2
        descs(ch0 + 1, cbuf1, obuf1, nbuf1, sem1, pltpu.async_copy)
        for w in descs(ch0, cbuf0, obuf0, nbuf0, sem0, pltpu.make_async_copy):
            w.wait()
        compute(ch0, cbuf0, obuf0, nbuf0)

        @pl.when(i < NCHUNK // 2 - 1)
        def _():
            descs(ch0 + 2, cbuf0, obuf0, nbuf0, sem0, pltpu.async_copy)

        for w in descs(ch0 + 1, cbuf1, obuf1, nbuf1, sem1, pltpu.make_async_copy):
            w.wait()
        compute(ch0 + 1, cbuf1, obuf1, nbuf1)
        return carry

    lax.fori_loop(0, NCHUNK // 2, pair_body, 0)
    pltpu.sync_copy(sc_v, out_hbm.at[wid])


_sc_scores = functools.partial(
    pl.kernel,
    mesh=plsc.VectorSubcoreMesh(core_axis_name="c", subcore_axis_name="s"),
    compiler_params=pltpu.CompilerParams(needs_layout_passes=False),
    out_type=jax.ShapeDtypeStruct((NW, UP, BPW), jnp.float32),
    scratch_types=[
        pltpu.VMEM((BPW,), jnp.int32),
        pltpu.VMEM((BPW,), jnp.int32),
        pltpu.VMEM((BPW * K,), jnp.int32),
        pltpu.VMEM((C, D), jnp.float32),
        pltpu.VMEM((C, D), jnp.float32),
        pltpu.VMEM((C * K, D), jnp.float32),
        pltpu.VMEM((C, D), jnp.float32),
        pltpu.VMEM((C, D), jnp.float32),
        pltpu.VMEM((C * K, D), jnp.float32),
        pltpu.VMEM((UP, BPW), jnp.float32),
        pltpu.SemaphoreType.DMA,
        pltpu.SemaphoreType.DMA,
    ],
)(_sc_body)


def _tc_body(s_ref, o_ref):
    pos = s_ref[:, 0:1, :]
    neg = s_ref[:, 1:U, :]
    t = (jnp.sum(-jax.nn.log_sigmoid(pos))
         + jnp.sum(-jax.nn.log_sigmoid(-neg)))
    o_ref[0, 0] = t * (1.0 / B)


_tc_reduce = pl.pallas_call(
    _tc_body,
    out_specs=pl.BlockSpec(memory_space=pltpu.SMEM),
    out_shape=jax.ShapeDtypeStruct((1, 1), jnp.float32),
)


def kernel(center_words, context_words, negative_words, W_in, W_out):
    cw = center_words.astype(jnp.int32)
    ow = context_words.astype(jnp.int32)
    nw = negative_words.astype(jnp.int32).reshape(B * K)
    scores = _sc_scores(cw, ow, nw, W_in, W_out)
    return _tc_reduce(scores)[0, 0]

# --- scband reference (transcript-rebuilt; emitter-appended) ---
"""Pipeline reference for scband-word2-vec-skip-gram-2576980377739 (READ-ONLY COPY).

The authoritative reference and input builder live on the scoring server;
editing this copy changes nothing except your own understanding.
"""

import jax, jax.numpy as jnp
import numpy as np

VOCAB = 100000
DIM = 128
BATCH = 16384
NUM_NEG = 20

def setup_inputs(seed: int = 0) -> dict:
    key = jax.random.key(seed)
    k1, k2, k3, k4, k5 = jax.random.split(key, 5)
    center_words = jax.random.randint(k1, (BATCH,), 0, VOCAB, dtype=jnp.int64 if jax.config.jax_enable_x64 else jnp.int32)
    context_words = jax.random.randint(k2, (BATCH,), 0, VOCAB, dtype=jnp.int64 if jax.config.jax_enable_x64 else jnp.int32)
    negative_words = jax.random.randint(k3, (BATCH, NUM_NEG), 0, VOCAB, dtype=jnp.int64 if jax.config.jax_enable_x64 else jnp.int32)
    # Xavier-uniform init like nn.init.xavier_uniform_
    limit = float(np.sqrt(6.0 / (VOCAB + DIM)))
    W_in = jax.random.uniform(k4, (VOCAB, DIM), minval=-limit, maxval=limit, dtype=jnp.float32)
    W_out = jax.random.uniform(k5, (VOCAB, DIM), minval=-limit, maxval=limit, dtype=jnp.float32)
    return {
        "center_words": center_words,
        "context_words": context_words,
        "negative_words": negative_words,
        "W_in": W_in,
        "W_out": W_out,
    }

def reference(center_words, context_words, negative_words, W_in, W_out):
    # Embedding lookups (gather)
    v_c = jnp.take(W_in, center_words, axis=0)            # [B, D]
    u_o = jnp.take(W_out, context_words, axis=0)          # [B, D]
    u_neg = jnp.take(W_out, negative_words, axis=0)       # [B, K, D]
    # Positive score and loss
    pos_score = jnp.sum(u_o * v_c, axis=1)                # [B]
    pos_loss = -jax.nn.log_sigmoid(pos_score)             # [B]
    # Negative scores via batched matvec (bmm equivalent)
    neg_score = jnp.einsum('bkd,bd->bk', u_neg, v_c)      # [B, K]
    neg_loss = -jnp.sum(jax.nn.log_sigmoid(-neg_score), axis=1)  # [B]
    loss = pos_loss + neg_loss
    return jnp.mean(loss)

if False:  # reference __main__ guard neutralized (emitter)
    out = reference(**setup_inputs())
    print(out)

if __name__ == "__main__":
    import jax
    _d = setup_inputs()
    print(jax.jit(kernel)(*tuple(_d.values())))

</pallas_src>

<mosaic_0001>
#map = affine_map<(d0, d1) -> (0)>
#map1 = affine_map<(d0, d1) -> (0, 0)>
#map2 = affine_map<(d0, d1) -> (0, 0, 0)>
module attributes {stable_mosaic.version = 14 : i64} {
  func.func @_sc_body(%arg0: i32, %arg1: i32, %arg2: memref<16384xi32, #tpu.memory_space<hbm>>, %arg3: memref<16384xi32, #tpu.memory_space<hbm>>, %arg4: memref<327680xi32, #tpu.memory_space<hbm>>, %arg5: memref<100000x128xf32, #tpu.memory_space<hbm>>, %arg6: memref<100000x128xf32, #tpu.memory_space<hbm>>, %arg7: memref<32x24x512xf32, #tpu.memory_space<hbm>>, %arg8: memref<512xi32, #tpu.memory_space<vmem>>, %arg9: memref<512xi32, #tpu.memory_space<vmem>>, %arg10: memref<10240xi32, #tpu.memory_space<vmem>>, %arg11: memref<16x128xf32, #tpu.memory_space<vmem>>, %arg12: memref<16x128xf32, #tpu.memory_space<vmem>>, %arg13: memref<320x128xf32, #tpu.memory_space<vmem>>, %arg14: memref<16x128xf32, #tpu.memory_space<vmem>>, %arg15: memref<16x128xf32, #tpu.memory_space<vmem>>, %arg16: memref<320x128xf32, #tpu.memory_space<vmem>>, %arg17: memref<24x512xf32, #tpu.memory_space<vmem>>, %arg18: memref<!tpu.dma_semaphore, #tpu.memory_space<semaphore_mem>>, %arg19: memref<!tpu.dma_semaphore, #tpu.memory_space<semaphore_mem>>) attributes {dimension_semantics = [#tpu.dimension_semantics<core_parallel>, #tpu.dimension_semantics<subcore_parallel>], iteration_bounds = array<i64: 2, 16>, scalar_prefetch = 0 : i64, scratch_operands = 12 : i64, tpu.core_type = #tpu.core_type<sc_vector_subcore>, window_params = [{transform_indices = #map}, {transform_indices = #map}, {transform_indices = #map}, {transform_indices = #map1}, {transform_indices = #map1}, {transform_indices = #map2}]} {
    %mul3A = arith.constant 2 : i32
    %mul3A_0 = arith.muli %arg1, %mul3A : i32
    %add3A = arith.addi %mul3A_0, %arg0 : i32
    %mul3A_1 = arith.constant 512 : i32
    %mul3A_2 = arith.muli %add3A, %mul3A_1 : i32
    "tpu.region"() ({
      %run_scoped3A = tpu.sem_alloc : memref<!tpu.dma_semaphore, #tpu.memory_space<semaphore_mem>>
      %dma_start3A_24 = tpu.memref_slice %arg2[%mul3A_2] : memref<16384xi32, #tpu.memory_space<hbm>> -> memref<512xi32, #tpu.memory_space<hbm>>
      %dma_start3A_25 = tpu.memref_slice %arg2[%mul3A_2] : memref<16384xi32, #tpu.memory_space<hbm>> -> memref<512xi32, #tpu.memory_space<hbm>>
      tpu.enqueue_dma source(%dma_start3A_25 : memref<512xi32, #tpu.memory_space<hbm>>) target(%arg8 : memref<512xi32, #tpu.memory_space<vmem>>) target_semaphore(%run_scoped3A : memref<!tpu.dma_semaphore, #tpu.memory_space<semaphore_mem>>)
      %dma_wait3A = tpu.memref_slice %arg2[%mul3A_2] : memref<16384xi32, #tpu.memory_space<hbm>> -> memref<512xi32, #tpu.memory_space<hbm>>
      %dma_wait3A_26 = tpu.memref_slice %arg2[%mul3A_2] : memref<16384xi32, #tpu.memory_space<hbm>> -> memref<512xi32, #tpu.memory_space<hbm>>
      tpu.wait_dma2 semaphore(%run_scoped3A : memref<!tpu.dma_semaphore, #tpu.memory_space<semaphore_mem>>) src(%dma_wait3A_26 : memref<512xi32, #tpu.memory_space<hbm>>) dst(%arg8 : memref<512xi32, #tpu.memory_space<vmem>>)
      tpu.yield
    }) : () -> ()
    "tpu.region"() ({
      %run_scoped3A = tpu.sem_alloc : memref<!tpu.dma_semaphore, #tpu.memory_space<semaphore_mem>>
      %dma_start3A_24 = tpu.memref_slice %arg3[%mul3A_2] : memref<16384xi32, #tpu.memory_space<hbm>> -> memref<512xi32, #tpu.memory_space<hbm>>
      %dma_start3A_25 = tpu.memref_slice %arg3[%mul3A_2] : memref<16384xi32, #tpu.memory_space<hbm>> -> memref<512xi32, #tpu.memory_space<hbm>>
      tpu.enqueue_dma source(%dma_start3A_25 : memref<512xi32, #tpu.memory_space<hbm>>) target(%arg9 : memref<512xi32, #tpu.memory_space<vmem>>) target_semaphore(%run_scoped3A : memref<!tpu.dma_semaphore, #tpu.memory_space<semaphore_mem>>)
      %dma_wait3A = tpu.memref_slice %arg3[%mul3A_2] : memref<16384xi32, #tpu.memory_space<hbm>> -> memref<512xi32, #tpu.memory_space<hbm>>
      %dma_wait3A_26 = tpu.memref_slice %arg3[%mul3A_2] : memref<16384xi32, #tpu.memory_space<hbm>> -> memref<512xi32, #tpu.memory_space<hbm>>
      tpu.wait_dma2 semaphore(%run_scoped3A : memref<!tpu.dma_semaphore, #tpu.memory_space<semaphore_mem>>) src(%dma_wait3A_26 : memref<512xi32, #tpu.memory_space<hbm>>) dst(%arg9 : memref<512xi32, #tpu.memory_space<vmem>>)
      tpu.yield
    }) : () -> ()
    %mul3A_3 = arith.constant 20 : i32
    %mul3A_4 = arith.muli %mul3A_2, %mul3A_3 : i32
    "tpu.region"() ({
      %run_scoped3A = tpu.sem_alloc : memref<!tpu.dma_semaphore, #tpu.memory_space<semaphore_mem>>
      %dma_start3A_24 = tpu.memref_slice %arg4[%mul3A_4] : memref<327680xi32, #tpu.memory_space<hbm>> -> memref<10240xi32, #tpu.memory_space<hbm>>
      %dma_start3A_25 = tpu.memref_slice %arg4[%mul3A_4] : memref<327680xi32, #tpu.memory_space<hbm>> -> memref<10240xi32, #tpu.memory_space<hbm>>
      tpu.enqueue_dma source(%dma_start3A_25 : memref<10240xi32, #tpu.memory_space<hbm>>) target(%arg10 : memref<10240xi32, #tpu.memory_space<vmem>>) target_semaphore(%run_scoped3A : memref<!tpu.dma_semaphore, #tpu.memory_space<semaphore_mem>>)
      %dma_wait3A = tpu.memref_slice %arg4[%mul3A_4] : memref<327680xi32, #tpu.memory_space<hbm>> -> memref<10240xi32, #tpu.memory_space<hbm>>
      %dma_wait3A_26 = tpu.memref_slice %arg4[%mul3A_4] : memref<327680xi32, #tpu.memory_space<hbm>> -> memref<10240xi32, #tpu.memory_space<hbm>>
      tpu.wait_dma2 semaphore(%run_scoped3A : memref<!tpu.dma_semaphore, #tpu.memory_space<semaphore_mem>>) src(%dma_wait3A_26 : memref<10240xi32, #tpu.memory_space<hbm>>) dst(%arg10 : memref<10240xi32, #tpu.memory_space<vmem>>)
      tpu.yield
    }) : () -> ()
    %iota3A = tpu.iota {dimensions = array<i32: 0>} : vector<16xi32>
    %dma_start3A = arith.constant 0 : i32
    %dma_start3A_5 = tpu.memref_slice %arg8[%dma_start3A] : memref<512xi32, #tpu.memory_space<vmem>> -> memref<16xi32, #tpu.memory_space<vmem>>
    %dma_start3A_6 = arith.constant 0 : i32
    %dma_start3A_7 = arith.constant 0 : i32
    %dma_start3A_8 = tpu.memref_slice %arg5[%dma_start3A_6, %dma_start3A_7] : memref<100000x128xf32, #tpu.memory_space<hbm>> -> memref<100000x128xf32, #tpu.memory_space<hbm>>
    tpu.enqueue_indirect_dma source(%dma_start3A_8 : memref<100000x128xf32, #tpu.memory_space<hbm>>) target(%arg11 : memref<16x128xf32, #tpu.memory_space<vmem>>) offsets(%dma_start3A_5 : memref<16xi32, #tpu.memory_space<vmem>>) semaphore(%arg18 : memref<!tpu.dma_semaphore, #tpu.memory_space<semaphore_mem>>)
    %dma_start3A_9 = arith.constant 0 : i32
    %dma_start3A_10 = tpu.memref_slice %arg9[%dma_start3A_9] : memref<512xi32, #tpu.memory_space<vmem>> -> memref<16xi32, #tpu.memory_space<vmem>>
    %dma_start3A_11 = arith.constant 0 : i32
    %dma_start3A_12 = arith.constant 0 : i32
    %dma_start3A_13 = tpu.memref_slice %arg6[%dma_start3A_11, %dma_start3A_12] : memref<100000x128xf32, #tpu.memory_space<hbm>> -> memref<100000x128xf32, #tpu.memory_space<hbm>>
    tpu.enqueue_indirect_dma source(%dma_start3A_13 : memref<100000x128xf32, #tpu.memory_space<hbm>>) target(%arg12 : memref<16x128xf32, #tpu.memory_space<vmem>>) offsets(%dma_start3A_10 : memref<16xi32, #tpu.memory_space<vmem>>) semaphore(%arg18 : memref<!tpu.dma_semaphore, #tpu.memory_space<semaphore_mem>>)
    %dma_start3A_14 = arith.constant 0 : i32
    %dma_start3A_15 = tpu.memref_slice %arg10[%dma_start3A_14] : memref<10240xi32, #tpu.memory_space<vmem>> -> memref<320xi32, #tpu.memory_space<vmem>>
    %dma_start3A_16 = arith.constant 0 : i32
    %dma_start3A_17 = arith.constant 0 : i32
    %dma_start3A_18 = tpu.memref_slice %arg6[%dma_start3A_16, %dma_start3A_17] : memref<100000x128xf32, #tpu.memory_space<hbm>> -> memref<100000x128xf32, #tpu.memory_space<hbm>>
    tpu.enqueue_indirect_dma source(%dma_start3A_18 : memref<100000x128xf32, #tpu.memory_space<hbm>>) target(%arg13 : memref<320x128xf32, #tpu.memory_space<vmem>>) offsets(%dma_start3A_15 : memref<320xi32, #tpu.memory_space<vmem>>) semaphore(%arg18 : memref<!tpu.dma_semaphore, #tpu.memory_space<semaphore_mem>>)
    %scan3A = arith.constant 0 : i32
    %scan3A_19 = arith.constant 0 : i32
    %scan3A_20 = arith.constant 16 : i32
    %scan3A_21 = arith.addi %scan3A_19, %scan3A_20 : i32
    %scan3A_22 = arith.constant 1 : i32
    scf.for %scan3A_24 = %scan3A_19 to %scan3A_21 step %scan3A_22  : i32 {
      %mul3A_25 = arith.constant 2 : i32
      %mul3A_26 = arith.muli %scan3A_24, %mul3A_25 : i32
      %add3A_27 = arith.constant 1 : i32
      %add3A_28 = arith.addi %mul3A_26, %add3A_27 : i32
      %mul3A_29 = arith.constant 16 : i32
      %mul3A_30 = arith.muli %add3A_28, %mul3A_29 : i32
      %mul3A_31 = arith.constant 16 : i32
      %mul3A_32 = arith.muli %add3A_28, %mul3A_31 : i32
      %mul3A_33 = arith.constant 20 : i32
      %mul3A_34 = arith.muli %mul3A_32, %mul3A_33 : i32
      %dma_start3A_35 = tpu.memref_slice %arg8[%mul3A_30] : memref<512xi32, #tpu.memory_space<vmem>> -> memref<16xi32, #tpu.memory_space<vmem>>
      %dma_start3A_36 = arith.constant 0 : i32
      %dma_start3A_37 = arith.constant 0 : i32
      %dma_start3A_38 = tpu.memref_slice %arg5[%dma_start3A_36, %dma_start3A_37] : memref<100000x128xf32, #tpu.memory_space<hbm>> -> memref<100000x128xf32, #tpu.memory_space<hbm>>
      tpu.enqueue_indirect_dma source(%dma_start3A_38 : memref<100000x128xf32, #tpu.memory_space<hbm>>) target(%arg14 : memref<16x128xf32, #tpu.memory_space<vmem>>) offsets(%dma_start3A_35 : memref<16xi32, #tpu.memory_space<vmem>>) semaphore(%arg19 : memref<!tpu.dma_semaphore, #tpu.memory_space<semaphore_mem>>)
      %dma_start3A_39 = tpu.memref_slice %arg9[%mul3A_30] : memref<512xi32, #tpu.memory_space<vmem>> -> memref<16xi32, #tpu.memory_space<vmem>>
      %dma_start3A_40 = arith.constant 0 : i32
      %dma_start3A_41 = arith.constant 0 : i32
      %dma_start3A_42 = tpu.memref_slice %arg6[%dma_start3A_40, %dma_start3A_41] : memref<100000x128xf32, #tpu.memory_space<hbm>> -> memref<100000x128xf32, #tpu.memory_space<hbm>>
      tpu.enqueue_indirect_dma source(%dma_start3A_42 : memref<100000x128xf32, #tpu.memory_space<hbm>>) target(%arg15 : memref<16x128xf32, #tpu.memory_space<vmem>>) offsets(%dma_start3A_39 : memref<16xi32, #tpu.memory_space<vmem>>) semaphore(%arg19 : memref<!tpu.dma_semaphore, #tpu.memory_space<semaphore_mem>>)
      %dma_start3A_43 = tpu.memref_slice %arg10[%mul3A_34] : memref<10240xi32, #tpu.memory_space<vmem>> -> memref<320xi32, #tpu.memory_space<vmem>>
      %dma_start3A_44 = arith.constant 0 : i32
      %dma_start3A_45 = arith.constant 0 : i32
      %dma_start3A_46 = tpu.memref_slice %arg6[%dma_start3A_44, %dma_start3A_45] : memref<100000x128xf32, #tpu.memory_space<hbm>> -> memref<100000x128xf32, #tpu.memory_space<hbm>>
      tpu.enqueue_indirect_dma source(%dma_start3A_46 : memref<100000x128xf32, #tpu.memory_space<hbm>>) target(%arg16 : memref<320x128xf32, #tpu.memory_space<vmem>>) offsets(%dma_start3A_43 : memref<320xi32, #tpu.memory_space<vmem>>) semaphore(%arg19 : memref<!tpu.dma_semaphore, #tpu.memory_space<semaphore_mem>>)
      %mul3A_47 = arith.constant 16 : i32
      %mul3A_48 = arith.muli %mul3A_26, %mul3A_47 : i32
      %mul3A_49 = arith.constant 16 : i32
      %mul3A_50 = arith.muli %mul3A_26, %mul3A_49 : i32
      %mul3A_51 = arith.constant 20 : i32
      %mul3A_52 = arith.muli %mul3A_50, %mul3A_51 : i32
      %dma_wait3A = tpu.memref_slice %arg8[%mul3A_48] : memref<512xi32, #tpu.memory_space<vmem>> -> memref<16xi32, #tpu.memory_space<vmem>>
      %dma_wait3A_53 = arith.constant 0 : i32
      %dma_wait3A_54 = arith.constant 0 : i32
      %dma_wait3A_55 = tpu.memref_slice %arg5[%dma_wait3A_53, %dma_wait3A_54] : memref<100000x128xf32, #tpu.memory_space<hbm>> -> memref<100000x128xf32, #tpu.memory_space<hbm>>
      tpu.wait_indirect_dma semaphore(%arg18 : memref<!tpu.dma_semaphore, #tpu.memory_space<semaphore_mem>>) src(%dma_wait3A_55 : memref<100000x128xf32, #tpu.memory_space<hbm>>) dst(%arg11 : memref<16x128xf32, #tpu.memory_space<vmem>>)
      %dma_wait3A_56 = tpu.memref_slice %arg9[%mul3A_48] : memref<512xi32, #tpu.memory_space<vmem>> -> memref<16xi32, #tpu.memory_space<vmem>>
      %dma_wait3A_57 = arith.constant 0 : i32
      %dma_wait3A_58 = arith.constant 0 : i32
      %dma_wait3A_59 = tpu.memref_slice %arg6[%dma_wait3A_57, %dma_wait3A_58] : memref<100000x128xf32, #tpu.memory_space<hbm>> -> memref<100000x128xf32, #tpu.memory_space<hbm>>
      tpu.wait_indirect_dma semaphore(%arg18 : memref<!tpu.dma_semaphore, #tpu.memory_space<semaphore_mem>>) src(%dma_wait3A_59 : memref<100000x128xf32, #tpu.memory_space<hbm>>) dst(%arg12 : memref<16x128xf32, #tpu.memory_space<vmem>>)
      %dma_wait3A_60 = tpu.memref_slice %arg10[%mul3A_52] : memref<10240xi32, #tpu.memory_space<vmem>> -> memref<320xi32, #tpu.memory_space<vmem>>
      %dma_wait3A_61 = arith.constant 0 : i32
      %dma_wait3A_62 = arith.constant 0 : i32
      %dma_wait3A_63 = tpu.memref_slice %arg6[%dma_wait3A_61, %dma_wait3A_62] : memref<100000x128xf32, #tpu.memory_space<hbm>> -> memref<100000x128xf32, #tpu.memory_space<hbm>>
      tpu.wait_indirect_dma semaphore(%arg18 : memref<!tpu.dma_semaphore, #tpu.memory_space<semaphore_mem>>) src(%dma_wait3A_63 : memref<100000x128xf32, #tpu.memory_space<hbm>>) dst(%arg13 : memref<320x128xf32, #tpu.memory_space<vmem>>)
      %broadcast_in_dim3A = arith.constant 0.000000e+00 : f32
      %broadcast_in_dim3A_64 = vector.broadcast %broadcast_in_dim3A : f32 to vector<16xf32>
      %broadcast_in_dim3A_65 = arith.constant 0.000000e+00 : f32
      %broadcast_in_dim3A_66 = vector.broadcast %broadcast_in_dim3A_65 : f32 to vector<16xf32>
      %broadcast_in_dim3A_67 = arith.constant 0.000000e+00 : f32
      %broadcast_in_dim3A_68 = vector.broadcast %broadcast_in_dim3A_67 : f32 to vector<16xf32>
      %broadcast_in_dim3A_69 = arith.constant 0.000000e+00 : f32
      %broadcast_in_dim3A_70 = vector.broadcast %broadcast_in_dim3A_69 : f32 to vector<16xf32>
      %broadcast_in_dim3A_71 = arith.constant 0.000000e+00 : f32
      %broadcast_in_dim3A_72 = vector.broadcast %broadcast_in_dim3A_71 : f32 to vector<16xf32>
      %broadcast_in_dim3A_73 = arith.constant 0.000000e+00 : f32
      %broadcast_in_dim3A_74 = vector.broadcast %broadcast_in_dim3A_73 : f32 to vector<16xf32>
      %broadcast_in_dim3A_75 = arith.constant 0.000000e+00 : f32
      %broadcast_in_dim3A_76 = vector.broadcast %broadcast_in_dim3A_75 : f32 to vector<16xf32>
      %broadcast_in_dim3A_77 = arith.constant 0.000000e+00 : f32
      %broadcast_in_dim3A_78 = vector.broadcast %broadcast_in_dim3A_77 : f32 to vector<16xf32>
      %broadcast_in_dim3A_79 = arith.constant 0.000000e+00 : f32
      %broadcast_in_dim3A_80 = vector.broadcast %broadcast_in_dim3A_79 : f32 to vector<16xf32>
      %broadcast_in_dim3A_81 = arith.constant 0.000000e+00 : f32
      %broadcast_in_dim3A_82 = vector.broadcast %broadcast_in_dim3A_81 : f32 to vector<16xf32>
      %broadcast_in_dim3A_83 = arith.constant 0.000000e+00 : f32
      %broadcast_in_dim3A_84 = vector.broadcast %broadcast_in_dim3A_83 : f32 to vector<16xf32>
      %broadcast_in_dim3A_85 = arith.constant 0.000000e+00 : f32
      %broadcast_in_dim3A_86 = vector.broadcast %broadcast_in_dim3A_85 : f32 to vector<16xf32>
      %broadcast_in_dim3A_87 = arith.constant 0.000000e+00 : f32
      %broadcast_in_dim3A_88 = vector.broadcast %broadcast_in_dim3A_87 : f32 to vector<16xf32>
      %broadcast_in_dim3A_89 = arith.constant 0.000000e+00 : f32
      %broadcast_in_dim3A_90 = vector.broadcast %broadcast_in_dim3A_89 : f32 to vector<16xf32>
      %broadcast_in_dim3A_91 = arith.constant 0.000000e+00 : f32
      %broadcast_in_dim3A_92 = vector.broadcast %broadcast_in_dim3A_91 : f32 to vector<16xf32>
      %broadcast_in_dim3A_93 = arith.constant 0.000000e+00 : f32
      %broadcast_in_dim3A_94 = vector.broadcast %broadcast_in_dim3A_93 : f32 to vector<16xf32>
      %broadcast_in_dim3A_95 = arith.constant 0.000000e+00 : f32
      %broadcast_in_dim3A_96 = vector.broadcast %broadcast_in_dim3A_95 : f32 to vector<16xf32>
      %broadcast_in_dim3A_97 = arith.constant 0.000000e+00 : f32
      %broadcast_in_dim3A_98 = vector.broadcast %broadcast_in_dim3A_97 : f32 to vector<16xf32>
      %broadcast_in_dim3A_99 = arith.constant 0.000000e+00 : f32
      %broadcast_in_dim3A_100 = vector.broadcast %broadcast_in_dim3A_99 : f32 to vector<16xf32>
      %broadcast_in_dim3A_101 = arith.constant 0.000000e+00 : f32
      %broadcast_in_dim3A_102 = vector.broadcast %broadcast_in_dim3A_101 : f32 to vector<16xf32>
      %broadcast_in_dim3A_103 = arith.constant 0.000000e+00 : f32
      %broadcast_in_dim3A_104 = vector.broadcast %broadcast_in_dim3A_103 : f32 to vector<16xf32>
      %scan3A_105 = arith.constant 0 : i32
      %scan3A_106 = arith.constant 16 : i32
      %scan3A_107 = arith.addi %scan3A_105, %scan3A_106 : i32
      %scan3A_108 = arith.constant 1 : i32
      %scan3A_109:21 = scf.for %scan3A_390 = %scan3A_105 to %scan3A_107 step %scan3A_108 iter_args(%scan3A_391 = %broadcast_in_dim3A_64, %scan3A_392 = %broadcast_in_dim3A_66, %scan3A_393 = %broadcast_in_dim3A_68, %scan3A_394 = %broadcast_in_dim3A_70, %scan3A_395 = %broadcast_in_dim3A_72, %scan3A_396 = %broadcast_in_dim3A_74, %scan3A_397 = %broadcast_in_dim3A_76, %scan3A_398 = %broadcast_in_dim3A_78, %scan3A_399 = %broadcast_in_dim3A_80, %scan3A_400 = %broadcast_in_dim3A_82, %scan3A_401 = %broadcast_in_dim3A_84, %scan3A_402 = %broadcast_in_dim3A_86, %scan3A_403 = %broadcast_in_dim3A_88, %scan3A_404 = %broadcast_in_dim3A_90, %scan3A_405 = %broadcast_in_dim3A_92, %scan3A_406 = %broadcast_in_dim3A_94, %scan3A_407 = %broadcast_in_dim3A_96, %scan3A_408 = %broadcast_in_dim3A_98, %scan3A_409 = %broadcast_in_dim3A_100, %scan3A_410 = %broadcast_in_dim3A_102, %scan3A_411 = %broadcast_in_dim3A_104) -> (vector<16xf32>, vector<16xf32>, vector<16xf32>, vector<16xf32>, vector<16xf32>, vector<16xf32>, vector<16xf32>, vector<16xf32>, vector<16xf32>, vector<16xf32>, vector<16xf32>, vector<16xf32>, vector<16xf32>, vector<16xf32>, vector<16xf32>, vector<16xf32>, vector<16xf32>, vector<16xf32>, vector<16xf32>, vector<16xf32>, vector<16xf32>)  : i32 {
        %get3A = arith.index_cast %scan3A_390 : i32 to index
        %get3A_412 = arith.constant 0 : index
        %get3A_413 = tpu.vector_load %arg11[%get3A, %get3A_412] {strides = array<i32>} : memref<16x128xf32, #tpu.memory_space<vmem>>, vector<16xf32>,
        %get3A_414 = arith.index_cast %scan3A_390 : i32 to index
        %get3A_415 = arith.constant 16 : index
        %get3A_416 = tpu.vector_load %arg11[%get3A_414, %get3A_415] {strides = array<i32>} : memref<16x128xf32, #tpu.memory_space<vmem>>, vector<16xf32>,
        %get3A_417 = arith.index_cast %scan3A_390 : i32 to index
        %get3A_418 = arith.constant 32 : index
        %get3A_419 = tpu.vector_load %arg11[%get3A_417, %get3A_418] {strides = array<i32>} : memref<16x128xf32, #tpu.memory_space<vmem>>, vector<16xf32>,
        %get3A_420 = arith.index_cast %scan3A_390 : i32 to index
        %get3A_421 = arith.constant 48 : index
        %get3A_422 = tpu.vector_load %arg11[%get3A_420, %get3A_421] {strides = array<i32>} : memref<16x128xf32, #tpu.memory_space<vmem>>, vector<16xf32>,
        %get3A_423 = arith.index_cast %scan3A_390 : i32 to index
        %get3A_424 = arith.constant 64 : index
        %get3A_425 = tpu.vector_load %arg11[%get3A_423, %get3A_424] {strides = array<i32>} : memref<16x128xf32, #tpu.memory_space<vmem>>, vector<16xf32>,
        %get3A_426 = arith.index_cast %scan3A_390 : i32 to index
        %get3A_427 = arith.constant 80 : index
        %get3A_428 = tpu.vector_load %arg11[%get3A_426, %get3A_427] {strides = array<i32>} : memref<16x128xf32, #tpu.memory_space<vmem>>, vector<16xf32>,
        %get3A_429 = arith.index_cast %scan3A_390 : i32 to index
        %get3A_430 = arith.constant 96 : index
        %get3A_431 = tpu.vector_load %arg11[%get3A_429, %get3A_430] {strides = array<i32>} : memref<16x128xf32, #tpu.memory_space<vmem>>, vector<16xf32>,
        %get3A_432 = arith.index_cast %scan3A_390 : i32 to index
        %get3A_433 = arith.constant 112 : index
        %get3A_434 = tpu.vector_load %arg11[%get3A_432, %get3A_433] {strides = array<i32>} : memref<16x128xf32, #tpu.memory_space<vmem>>, vector<16xf32>,
        %broadcast_in_dim3A_435 = vector.broadcast %scan3A_390 : i32 to vector<16xi32>
        %eq3A = arith.cmpi eq, %iota3A, %broadcast_in_dim3A_435 : vector<16xi32>
        %get3A_436 = arith.index_cast %scan3A_390 : i32 to index
        %get3A_437 = arith.constant 0 : index
        %get3A_438 = tpu.vector_load %arg12[%get3A_436, %get3A_437] {strides = array<i32>} : memref<16x128xf32, #tpu.memory_space<vmem>>, vector<16xf32>,
        %mul3A_439 = arith.mulf %get3A_438, %get3A_413 : vector<16xf32>
        %get3A_440 = arith.index_cast %scan3A_390 : i32 to index
        %get3A_441 = arith.constant 16 : index
        %get3A_442 = tpu.vector_load %arg12[%get3A_440, %get3A_441] {strides = array<i32>} : memref<16x128xf32, #tpu.memory_space<vmem>>, vector<16xf32>,
        %mul3A_443 = arith.mulf %get3A_442, %get3A_416 : vector<16xf32>
        %add3A_444 = arith.addf %mul3A_439, %mul3A_443 : vector<16xf32>
        %get3A_445 = arith.index_cast %scan3A_390 : i32 to index
        %get3A_446 = arith.constant 32 : index
        %get3A_447 = tpu.vector_load %arg12[%get3A_445, %get3A_446] {strides = array<i32>} : memref<16x128xf32, #tpu.memory_space<vmem>>, vector<16xf32>,
        %mul3A_448 = arith.mulf %get3A_447, %get3A_419 : vector<16xf32>
        %add3A_449 = arith.addf %add3A_444, %mul3A_448 : vector<16xf32>
        %get3A_450 = arith.index_cast %scan3A_390 : i32 to index
        %get3A_451 = arith.constant 48 : index
        %get3A_452 = tpu.vector_load %arg12[%get3A_450, %get3A_451] {strides = array<i32>} : memref<16x128xf32, #tpu.memory_space<vmem>>, vector<16xf32>,
        %mul3A_453 = arith.mulf %get3A_452, %get3A_422 : vector<16xf32>
        %add3A_454 = arith.addf %add3A_449, %mul3A_453 : vector<16xf32>
        %get3A_455 = arith.index_cast %scan3A_390 : i32 to index
        %get3A_456 = arith.constant 64 : index
        %get3A_457 = tpu.vector_load %arg12[%get3A_455, %get3A_456] {strides = array<i32>} : memref<16x128xf32, #tpu.memory_space<vmem>>, vector<16xf32>,
        %mul3A_458 = arith.mulf %get3A_457, %get3A_425 : vector<16xf32>
        %add3A_459 = arith.addf %add3A_454, %mul3A_458 : vector<16xf32>
        %get3A_460 = arith.index_cast %scan3A_390 : i32 to index
        %get3A_461 = arith.constant 80 : index
        %get3A_462 = tpu.vector_load %arg12[%get3A_460, %get3A_461] {strides = array<i32>} : memref<16x128xf32, #tpu.memory_space<vmem>>, vector<16xf32>,
        %mul3A_463 = arith.mulf %get3A_462, %get3A_428 : vector<16xf32>
        %add3A_464 = arith.addf %add3A_459, %mul3A_463 : vector<16xf32>
        %get3A_465 = arith.index_cast %scan3A_390 : i32 to index
        %get3A_466 = arith.constant 96 : index
        %get3A_467 = tpu.vector_load %arg12[%get3A_465, %get3A_466] {strides = array<i32>} : memref<16x128xf32, #tpu.memory_space<vmem>>, vector<16xf32>,
        %mul3A_468 = arith.mulf %get3A_467, %get3A_431 : vector<16xf32>
        %add3A_469 = arith.addf %add3A_464, %mul3A_468 : vector<16xf32>
        %get3A_470 = arith.index_cast %scan3A_390 : i32 to index
        %get3A_471 = arith.constant 112 : index
        %get3A_472 = tpu.vector_load %arg12[%get3A_470, %get3A_471] {strides = array<i32>} : memref<16x128xf32, #tpu.memory_space<vmem>>, vector<16xf32>,
        %mul3A_473 = arith.mulf %get3A_472, %get3A_434 : vector<16xf32>
        %add3A_474 = arith.addf %add3A_469, %mul3A_473 : vector<16xf32>
        %reduce_sum3A = arith.constant true
        %reduce_sum3A_475 = vector.broadcast %reduce_sum3A : i1 to vector<16xi1>
        %reduce_sum3A_476 = tpu.scan <sum>, %add3A_474 masked %reduce_sum3A_475 : vector<16xf32>, vector<16xi1> -> vector<16xf32>
        %reduce_sum3A_477 = vector.extract %reduce_sum3A_476[15] : f32 from vector<16xf32>
        %broadcast_in_dim3A_478 = vector.broadcast %reduce_sum3A_477 : f32 to vector<16xf32>
        %select_n3A = arith.select %eq3A, %broadcast_in_dim3A_478, %scan3A_391 : vector<16xi1>, vector<16xf32>
        %mul3A_479 = arith.constant 20 : i32
        %mul3A_480 = arith.muli %scan3A_390, %mul3A_479 : i32
        %add3A_481 = arith.constant 0 : i32
        %add3A_482 = arith.addi %mul3A_480, %add3A_481 : i32
        %get3A_483 = arith.index_cast %add3A_482 : i32 to index
        %get3A_484 = arith.constant 0 : index
        %get3A_485 = tpu.vector_load %arg13[%get3A_483, %get3A_484] {strides = array<i32>} : memref<320x128xf32, #tpu.memory_space<vmem>>, vector<16xf32>,
        %mul3A_486 = arith.mulf %get3A_485, %get3A_413 : vector<16xf32>
        %get3A_487 = arith.index_cast %add3A_482 : i32 to index
        %get3A_488 = arith.constant 16 : index
        %get3A_489 = tpu.vector_load %arg13[%get3A_487, %get3A_488] {strides = array<i32>} : memref<320x128xf32, #tpu.memory_space<vmem>>, vector<16xf32>,
        %mul3A_490 = arith.mulf %get3A_489, %get3A_416 : vector<16xf32>
        %add3A_491 = arith.addf %mul3A_486, %mul3A_490 : vector<16xf32>
        %get3A_492 = arith.index_cast %add3A_482 : i32 to index
        %get3A_493 = arith.constant 32 : index
        %get3A_494 = tpu.vector_load %arg13[%get3A_492, %get3A_493] {strides = array<i32>} : memref<320x128xf32, #tpu.memory_space<vmem>>, vector<16xf32>,
        %mul3A_495 = arith.mulf %get3A_494, %get3A_419 : vector<16xf32>
        %add3A_496 = arith.addf %add3A_491, %mul3A_495 : vector<16xf32>
        %get3A_497 = arith.index_cast %add3A_482 : i32 to index
        %get3A_498 = arith.constant 48 : index
        %get3A_499 = tpu.vector_load %arg13[%get3A_497, %get3A_498] {strides = array<i32>} : memref<320x128xf32, #tpu.memory_space<vmem>>, vector<16xf32>,
        %mul3A_500 = arith.mulf %get3A_499, %get3A_422 : vector<16xf32>
        %add3A_501 = arith.addf %add3A_496, %mul3A_500 : vector<16xf32>
        %get3A_502 = arith.index_cast %add3A_482 : i32 to index
        %get3A_503 = arith.constant 64 : index
        %get3A_504 = tpu.vector_load %arg13[%get3A_502, %get3A_503] {strides = array<i32>} : memref<320x128xf32, #tpu.memory_space<vmem>>, vector<16xf32>,
        %mul3A_505 = arith.mulf %get3A_504, %get3A_425 : vector<16xf32>
        %add3A_506 = arith.addf %add3A_501, %mul3A_505 : vector<16xf32>
        %get3A_507 = arith.index_cast %add3A_482 : i32 to index
        %get3A_508 = arith.constant 80 : index
        %get3A_509 = tpu.vector_load %arg13[%get3A_507, %get3A_508] {strides = array<i32>} : memref<320x128xf32, #tpu.memory_space<vmem>>, vector<16xf32>,
        %mul3A_510 = arith.mulf %get3A_509, %get3A_428 : vector<16xf32>
        %add3A_511 = arith.addf %add3A_506, %mul3A_510 : vector<16xf32>
        %get3A_512 = arith.index_cast %add3A_482 : i32 to index
        %get3A_513 = arith.constant 96 : index
        %get3A_514 = tpu.vector_load %arg13[%get3A_512, %get3A_513] {strides = array<i32>} : memref<320x128xf32, #tpu.memory_space<vmem>>, vector<16xf32>,
        %mul3A_515 = arith.mulf %get3A_514, %get3A_431 : vector<16xf32>
        %add3A_516 = arith.addf %add3A_511, %mul3A_515 : vector<16xf32>
        %get3A_517 = arith.index_cast %add3A_482 : i32 to index
        %get3A_518 = arith.constant 112 : index
        %get3A_519 = tpu.vector_load %arg13[%get3A_517, %get3A_518] {strides = array<i32>} : memref<320x128xf32, #tpu.memory_space<vmem>>, vector<16xf32>,
        %mul3A_520 = arith.mulf %get3A_519, %get3A_434 : vector<16xf32>
        %add3A_521 = arith.addf %add3A_516, %mul3A_520 : vector<16xf32>
        %reduce_sum3A_522 = arith.constant true
        %reduce_sum3A_523 = vector.broadcast %reduce_sum3A_522 : i1 to vector<16xi1>
        %reduce_sum3A_524 = tpu.scan <sum>, %add3A_521 masked %reduce_sum3A_523 : vector<16xf32>, vector<16xi1> -> vector<16xf32>
        %reduce_sum3A_525 = vector.extract %reduce_sum3A_524[15] : f32 from vector<16xf32>
        %broadcast_in_dim3A_526 = vector.broadcast %reduce_sum3A_525 : f32 to vector<16xf32>
        %select_n3A_527 = arith.select %eq3A, %broadcast_in_dim3A_526, %scan3A_392 : vector<16xi1>, vector<16xf32>
        %mul3A_528 = arith.constant 20 : i32
        %mul3A_529 = arith.muli %scan3A_390, %mul3A_528 : i32
        %add3A_530 = arith.constant 1 : i32
        %add3A_531 = arith.addi %mul3A_529, %add3A_530 : i32
        %get3A_532 = arith.index_cast %add3A_531 : i32 to index
        %get3A_533 = arith.constant 0 : index
        %get3A_534 = tpu.vector_load %arg13[%get3A_532, %get3A_533] {strides = array<i32>} : memref<320x128xf32, #tpu.memory_space<vmem>>, vector<16xf32>,
        %mul3A_535 = arith.mulf %get3A_534, %get3A_413 : vector<16xf32>
        %get3A_536 = arith.index_cast %add3A_531 : i32 to index
        %get3A_537 = arith.constant 16 : index
        %get3A_538 = tpu.vector_load %arg13[%get3A_536, %get3A_537] {strides = array<i32>} : memref<320x128xf32, #tpu.memory_space<vmem>>, vector<16xf32>,
        %mul3A_539 = arith.mulf %get3A_538, %get3A_416 : vector<16xf32>
        %add3A_540 = arith.addf %mul3A_535, %mul3A_539 : vector<16xf32>
        %get3A_541 = arith.index_cast %add3A_531 : i32 to index
        %get3A_542 = arith.constant 32 : index
        %get3A_543 = tpu.vector_load %arg13[%get3A_541, %get3A_542] {strides = array<i32>} : memref<320x128xf32, #tpu.memory_space<vmem>>, vector<16xf32>,
        %mul3A_544 = arith.mulf %get3A_543, %get3A_419 : vector<16xf32>
        %add3A_545 = arith.addf %add3A_540, %mul3A_544 : vector<16xf32>
        %get3A_546 = arith.index_cast %add3A_531 : i32 to index
        %get3A_547 = arith.constant 48 : index
        %get3A_548 = tpu.vector_load %arg13[%get3A_546, %get3A_547] {strides = array<i32>} : memref<320x128xf32, #tpu.memory_space<vmem>>, vector<16xf32>,
        %mul3A_549 = arith.mulf %get3A_548, %get3A_422 : vector<16xf32>
        %add3A_550 = arith.addf %add3A_545, %mul3A_549 : vector<16xf32>
        %get3A_551 = arith.index_cast %add3A_531 : i32 to index
        %get3A_552 = arith.constant 64 : index
        %get3A_553 = tpu.vector_load %arg13[%get3A_551, %get3A_552] {strides = array<i32>} : memref<320x128xf32, #tpu.memory_space<vmem>>, vector<16xf32>,
        %mul3A_554 = arith.mulf %get3A_553, %get3A_425 : vector<16xf32>
        %add3A_555 = arith.addf %add3A_550, %mul3A_554 : vector<16xf32>
        %get3A_556 = arith.index_cast %add3A_531 : i32 to index
        %get3A_557 = arith.constant 80 : index
        %get3A_558 = tpu.vector_load %arg13[%get3A_556, %get3A_557] {strides = array<i32>} : memref<320x128xf32, #tpu.memory_space<vmem>>, vector<16xf32>,
        %mul3A_559 = arith.mulf %get3A_558, %get3A_428 : vector<16xf32>
        %add3A_560 = arith.addf %add3A_555, %mul3A_559 : vector<16xf32>
        %get3A_561 = arith.index_cast %add3A_531 : i32 to index
        %get3A_562 = arith.constant 96 : index
        %get3A_563 = tpu.vector_load %arg13[%get3A_561, %get3A_562] {strides = array<i32>} : memref<320x128xf32, #tpu.memory_space<vmem>>, vector<16xf32>,
        %mul3A_564 = arith.mulf %get3A_563, %get3A_431 : vector<16xf32>
        %add3A_565 = arith.addf %add3A_560, %mul3A_564 : vector<16xf32>
        %get3A_566 = arith.index_cast %add3A_531 : i32 to index
        %get3A_567 = arith.constant 112 : index
        %get3A_568 = tpu.vector_load %arg13[%get3A_566, %get3A_567] {strides = array<i32>} : memref<320x128xf32, #tpu.memory_space<vmem>>, vector<16xf32>,
        %mul3A_569 = arith.mulf %get3A_568, %get3A_434 : vector<16xf32>
        %add3A_570 = arith.addf %add3A_565, %mul3A_569 : vector<16xf32>
        %reduce_sum3A_571 = arith.constant true
        %reduce_sum3A_572 = vector.broadcast %reduce_sum3A_571 : i1 to vector<16xi1>
        %reduce_sum3A_573 = tpu.scan <sum>, %add3A_570 masked %reduce_sum3A_572 : vector<16xf32>, vector<16xi1> -> vector<16xf32>
        %reduce_sum3A_574 = vector.extract %reduce_sum3A_573[15] : f32 from vector<16xf32>
        %broadcast_in_dim3A_575 = vector.broadcast %reduce_sum3A_574 : f32 to vector<16xf32>
        %select_n3A_576 = arith.select %eq3A, %broadcast_in_dim3A_575, %scan3A_393 : vector<16xi1>, vector<16xf32>
        %mul3A_577 = arith.constant 20 : i32
        %mul3A_578 = arith.muli %scan3A_390, %mul3A_577 : i32
        %add3A_579 = arith.constant 2 : i32
        %add3A_580 = arith.addi %mul3A_578, %add3A_579 : i32
        %get3A_581 = arith.index_cast %add3A_580 : i32 to index
        %get3A_582 = arith.constant 0 : index
        %get3A_583 = tpu.vector_load %arg13[%get3A_581, %get3A_582] {strides = array<i32>} : memref<320x128xf32, #tpu.memory_space<vmem>>, vector<16xf32>,
        %mul3A_584 = arith.mulf %get3A_583, %get3A_413 : vector<16xf32>
        %get3A_585 = arith.index_cast %add3A_580 : i32 to index
        %get3A_586 = arith.constant 16 : index
        %get3A_587 = tpu.vector_load %arg13[%get3A_585, %get3A_586] {strides = array<i32>} : memref<320x128xf32, #tpu.memory_space<vmem>>, vector<16xf32>,
        %mul3A_588 = arith.mulf %get3A_587, %get3A_416 : vector<16xf32>
        %add3A_589 = arith.addf %mul3A_584, %mul3A_588 : vector<16xf32>
        %get3A_590 = arith.index_cast %add3A_580 : i32 to index
        %get3A_591 = arith.constant 32 : index
        %get3A_592 = tpu.vector_load %arg13[%get3A_590, %get3A_591] {strides = array<i32>} : memref<320x128xf32, #tpu.memory_space<vmem>>, vector<16xf32>,
        %mul3A_593 = arith.mulf %get3A_592, %get3A_419 : vector<16xf32>
        %add3A_594 = arith.addf %add3A_589, %mul3A_593 : vector<16xf32>
        %get3A_595 = arith.index_cast %add3A_580 : i32 to index
        %get3A_596 = arith.constant 48 : index
        %get3A_597 = tpu.vector_load %arg13[%get3A_595, %get3A_596] {strides = array<i32>} : memref<320x128xf32, #tpu.memory_space<vmem>>, vector<16xf32>,
        %mul3A_598 = arith.mulf %get3A_597, %get3A_422 : vector<16xf32>
        %add3A_599 = arith.addf %add3A_594, %mul3A_598 : vector<16xf32>
        %get3A_600 = arith.index_cast %add3A_580 : i32 to index
        %get3A_601 = arith.constant 64 : index
        %get3A_602 = tpu.vector_load %arg13[%get3A_600, %get3A_601] {strides = array<i32>} : memref<320x128xf32, #tpu.memory_space<vmem>>, vector<16xf32>,
        %mul3A_603 = arith.mulf %get3A_602, %get3A_425 : vector<16xf32>
        %add3A_604 = arith.addf %add3A_599, %mul3A_603 : vector<16xf32>
        %get3A_605 = arith.index_cast %add3A_580 : i32 to index
        %get3A_606 = arith.constant 80 : index
        %get3A_607 = tpu.vector_load %arg13[%get3A_605, %get3A_606] {strides = array<i32>} : memref<320x128xf32, #tpu.memory_space<vmem>>, vector<16xf32>,
        %mul3A_608 = arith.mulf %get3A_607, %get3A_428 : vector<16xf32>
        %add3A_609 = arith.addf %add3A_604, %mul3A_608 : vector<16xf32>
        %get3A_610 = arith.index_cast %add3A_580 : i32 to index
        %get3A_611 = arith.constant 96 : index
        %get3A_612 = tpu.vector_load %arg13[%get3A_610, %get3A_611] {strides = array<i32>} : memref<320x128xf32, #tpu.memory_space<vmem>>, vector<16xf32>,
        %mul3A_613 = arith.mulf %get3A_612, %get3A_431 : vector<16xf32>
        %add3A_614 = arith.addf %add3A_609, %mul3A_613 : vector<16xf32>
        %get3A_615 = arith.index_cast %add3A_580 : i32 to index
        %get3A_616 = arith.constant 112 : index
        %get3A_617 = tpu.vector_load %arg13[%get3A_615, %get3A_616] {strides = array<i32>} : memref<320x128xf32, #tpu.memory_space<vmem>>, vector<16xf32>,
        %mul3A_618 = arith.mulf %get3A_617, %get3A_434 : vector<16xf32>
        %add3A_619 = arith.addf %add3A_614, %mul3A_618 : vector<16xf32>
        %reduce_sum3A_620 = arith.constant true
        %reduce_sum3A_621 = vector.broadcast %reduce_sum3A_620 : i1 to vector<16xi1>
        %reduce_sum3A_622 = tpu.scan <sum>, %add3A_619 masked %reduce_sum3A_621 : vector<16xf32>, vector<16xi1> -> vector<16xf32>
        %reduce_sum3A_623 = vector.extract %reduce_sum3A_622[15] : f32 from vector<16xf32>
        %broadcast_in_dim3A_624 = vector.broadcast %reduce_sum3A_623 : f32 to vector<16xf32>
        %select_n3A_625 = arith.select %eq3A, %broadcast_in_dim3A_624, %scan3A_394 : vector<16xi1>, vector<16xf32>
        %mul3A_626 = arith.constant 20 : i32
        %mul3A_627 = arith.muli %scan3A_390, %mul3A_626 : i32
        %add3A_628 = arith.constant 3 : i32
        %add3A_629 = arith.addi %mul3A_627, %add3A_628 : i32
        %get3A_630 = arith.index_cast %add3A_629 : i32 to index
        %get3A_631 = arith.constant 0 : index
        %get3A_632 = tpu.vector_load %arg13[%get3A_630, %get3A_631] {strides = array<i32>} : memref<320x128xf32, #tpu.memory_space<vmem>>, vector<16xf32>,
        %mul3A_633 = arith.mulf %get3A_632, %get3A_413 : vector<16xf32>
        %get3A_634 = arith.index_cast %add3A_629 : i32 to index
        %get3A_635 = arith.constant 16 : index
        %get3A_636 = tpu.vector_load %arg13[%get3A_634, %get3A_635] {strides = array<i32>} : memref<320x128xf32, #tpu.memory_space<vmem>>, vector<16xf32>,
        %mul3A_637 = arith.mulf %get3A_636, %get3A_416 : vector<16xf32>
        %add3A_638 = arith.addf %mul3A_633, %mul3A_637 : vector<16xf32>
        %get3A_639 = arith.index_cast %add3A_629 : i32 to index
        %get3A_640 = arith.constant 32 : index
        %get3A_641 = tpu.vector_load %arg13[%get3A_639, %get3A_640] {strides = array<i32>} : memref<320x128xf32, #tpu.memory_space<vmem>>, vector<16xf32>,
        %mul3A_642 = arith.mulf %get3A_641, %get3A_419 : vector<16xf32>
        %add3A_643 = arith.addf %add3A_638, %mul3A_642 : vector<16xf32>
        %get3A_644 = arith.index_cast %add3A_629 : i32 to index
        %get3A_645 = arith.constant 48 : index
        %get3A_646 = tpu.vector_load %arg13[%get3A_644, %get3A_645] {strides = array<i32>} : memref<320x128xf32, #tpu.memory_space<vmem>>, vector<16xf32>,
        %mul3A_647 = arith.mulf %get3A_646, %get3A_422 : vector<16xf32>
        %add3A_648 = arith.addf %add3A_643, %mul3A_647 : vector<16xf32>
        %get3A_649 = arith.index_cast %add3A_629 : i32 to index
        %get3A_650 = arith.constant 64 : index
        %get3A_651 = tpu.vector_load %arg13[%get3A_649, %get3A_650] {strides = array<i32>} : memref<320x128xf32, #tpu.memory_space<vmem>>, vector<16xf32>,
        %mul3A_652 = arith.mulf %get3A_651, %get3A_425 : vector<16xf32>
        %add3A_653 = arith.addf %add3A_648, %mul3A_652 : vector<16xf32>
        %get3A_654 = arith.index_cast %add3A_629 : i32 to index
        %get3A_655 = arith.constant 80 : index
        %get3A_656 = tpu.vector_load %arg13[%get3A_654, %get3A_655] {strides = array<i32>} : memref<320x128xf32, #tpu.memory_space<vmem>>, vector<16xf32>,
        %mul3A_657 = arith.mulf %get3A_656, %get3A_428 : vector<16xf32>
        %add3A_658 = arith.addf %add3A_653, %mul3A_657 : vector<16xf32>
        %get3A_659 = arith.index_cast %add3A_629 : i32 to index
        %get3A_660 = arith.constant 96 : index
        %get3A_661 = tpu.vector_load %arg13[%get3A_659, %get3A_660] {strides = array<i32>} : memref<320x128xf32, #tpu.memory_space<vmem>>, vector<16xf32>,
        %mul3A_662 = arith.mulf %get3A_661, %get3A_431 : vector<16xf32>
        %add3A_663 = arith.addf %add3A_658, %mul3A_662 : vector<16xf32>
        %get3A_664 = arith.index_cast %add3A_629 : i32 to index
        %get3A_665 = arith.constant 112 : index
        %get3A_666 = tpu.vector_load %arg13[%get3A_664, %get3A_665] {strides = array<i32>} : memref<320x128xf32, #tpu.memory_space<vmem>>, vector<16xf32>,
        %mul3A_667 = arith.mulf %get3A_666, %get3A_434 : vector<16xf32>
        %add3A_668 = arith.addf %add3A_663, %mul3A_667 : vector<16xf32>
        %reduce_sum3A_669 = arith.constant true
        %reduce_sum3A_670 = vector.broadcast %reduce_sum3A_669 : i1 to vector<16xi1>
        %reduce_sum3A_671 = tpu.scan <sum>, %add3A_668 masked %reduce_sum3A_670 : vector<16xf32>, vector<16xi1> -> vector<16xf32>
        %reduce_sum3A_672 = vector.extract %reduce_sum3A_671[15] : f32 from vector<16xf32>
        %broadcast_in_dim3A_673 = vector.broadcast %reduce_sum3A_672 : f32 to vector<16xf32>
        %select_n3A_674 = arith.select %eq3A, %broadcast_in_dim3A_673, %scan3A_395 : vector<16xi1>, vector<16xf32>
        %mul3A_675 = arith.constant 20 : i32
        %mul3A_676 = arith.muli %scan3A_390, %mul3A_675 : i32
        %add3A_677 = arith.constant 4 : i32
        %add3A_678 = arith.addi %mul3A_676, %add3A_677 : i32
        %get3A_679 = arith.index_cast %add3A_678 : i32 to index
        %get3A_680 = arith.constant 0 : index
        %get3A_681 = tpu.vector_load %arg13[%get3A_679, %get3A_680] {strides = array<i32>} : memref<320x128xf32, #tpu.memory_space<vmem>>, vector<16xf32>,
        %mul3A_682 = arith.mulf %get3A_681, %get3A_413 : vector<16xf32>
        %get3A_683 = arith.index_cast %add3A_678 : i32 to index
        %get3A_684 = arith.constant 16 : index
        %get3A_685 = tpu.vector_load %arg13[%get3A_683, %get3A_684] {strides = array<i32>} : memref<320x128xf32, #tpu.memory_space<vmem>>, vector<16xf32>,
        %mul3A_686 = arith.mulf %get3A_685, %get3A_416 : vector<16xf32>
        %add3A_687 = arith.addf %mul3A_682, %mul3A_686 : vector<16xf32>
        %get3A_688 = arith.index_cast %add3A_678 : i32 to index
        %get3A_689 = arith.constant 32 : index
        %get3A_690 = tpu.vector_load %arg13[%get3A_688, %get3A_689] {strides = array<i32>} : memref<320x128xf32, #tpu.memory_space<vmem>>, vector<16xf32>,
        %mul3A_691 = arith.mulf %get3A_690, %get3A_419 : vector<16xf32>
        %add3A_692 = arith.addf %add3A_687, %mul3A_691 : vector<16xf32>
        %get3A_693 = arith.index_cast %add3A_678 : i32 to index
        %get3A_694 = arith.constant 48 : index
        %get3A_695 = tpu.vector_load %arg13[%get3A_693, %get3A_694] {strides = array<i32>} : memref<320x128xf32, #tpu.memory_space<vmem>>, vector<16xf32>,
        %mul3A_696 = arith.mulf %get3A_695, %get3A_422 : vector<16xf32>
        %add3A_697 = arith.addf %add3A_692, %mul3A_696 : vector<16xf32>
        %get3A_698 = arith.index_cast %add3A_678 : i32 to index
        %get3A_699 = arith.constant 64 : index
        %get3A_700 = tpu.vector_load %arg13[%get3A_698, %get3A_699] {strides = array<i32>} : memref<320x128xf32, #tpu.memory_space<vmem>>, vector<16xf32>,
        %mul3A_701 = arith.mulf %get3A_700, %get3A_425 : vector<16xf32>
        %add3A_702 = arith.addf %add3A_697, %mul3A_701 : vector<16xf32>
        %get3A_703 = arith.index_cast %add3A_678 : i32 to index
        %get3A_704 = arith.constant 80 : index
        %get3A_705 = tpu.vector_load %arg13[%get3A_703, %get3A_704] {strides = array<i32>} : memref<320x128xf32, #tpu.memory_space<vmem>>, vector<16xf32>,
        %mul3A_706 = arith.mulf %get3A_705, %get3A_428 : vector<16xf32>
        %add3A_707 = arith.addf %add3A_702, %mul3A_706 : vector<16xf32>
        %get3A_708 = arith.index_cast %add3A_678 : i32 to index
        %get3A_709 = arith.constant 96 : index
        %get3A_710 = tpu.vector_load %arg13[%get3A_708, %get3A_709] {strides = array<i32>} : memref<320x128xf32, #tpu.memory_space<vmem>>, vector<16xf32>,
        %mul3A_711 = arith.mulf %get3A_710, %get3A_431 : vector<16xf32>
        %add3A_712 = arith.addf %add3A_707, %mul3A_711 : vector<16xf32>
        %get3A_713 = arith.index_cast %add3A_678 : i32 to index
        %get3A_714 = arith.constant 112 : index
        %get3A_715 = tpu.vector_load %arg13[%get3A_713, %get3A_714] {strides = array<i32>} : memref<320x128xf32, #tpu.memory_space<vmem>>, vector<16xf32>,
        %mul3A_716 = arith.mulf %get3A_715, %get3A_434 : vector<16xf32>
        %add3A_717 = arith.addf %add3A_712, %mul3A_716 : vector<16xf32>
        %reduce_sum3A_718 = arith.constant true
        %reduce_sum3A_719 = vector.broadcast %reduce_sum3A_718 : i1 to vector<16xi1>
        %reduce_sum3A_720 = tpu.scan <sum>, %add3A_717 masked %reduce_sum3A_719 : vector<16xf32>, vector<16xi1> -> vector<16xf32>
        %reduce_sum3A_721 = vector.extract %reduce_sum3A_720[15] : f32 from vector<16xf32>
        %broadcast_in_dim3A_722 = vector.broadcast %reduce_sum3A_721 : f32 to vector<16xf32>
        %select_n3A_723 = arith.select %eq3A, %broadcast_in_dim3A_722, %scan3A_396 : vector<16xi1>, vector<16xf32>
        %mul3A_724 = arith.constant 20 : i32
        %mul3A_725 = arith.muli %scan3A_390, %mul3A_724 : i32
        %add3A_726 = arith.constant 5 : i32
        %add3A_727 = arith.addi %mul3A_725, %add3A_726 : i32
        %get3A_728 = arith.index_cast %add3A_727 : i32 to index
        %get3A_729 = arith.constant 0 : index
        %get3A_730 = tpu.vector_load %arg13[%get3A_728, %get3A_729] {strides = array<i32>} : memref<320x128xf32, #tpu.memory_space<vmem>>, vector<16xf32>,
        %mul3A_731 = arith.mulf %get3A_730, %get3A_413 : vector<16xf32>
        %get3A_732 = arith.index_cast %add3A_727 : i32 to index
        %get3A_733 = arith.constant 16 : index
        %get3A_734 = tpu.vector_load %arg13[%get3A_732, %get3A_733] {strides = array<i32>} : memref<320x128xf32, #tpu.memory_space<vmem>>, vector<16xf32>,
        %mul3A_735 = arith.mulf %get3A_734, %get3A_416 : vector<16xf32>
        %add3A_736 = arith.addf %mul3A_731, %mul3A_735 : vector<16xf32>
        %get3A_737 = arith.index_cast %add3A_727 : i32 to index
        %get3A_738 = arith.constant 32 : index
        %get3A_739 = tpu.vector_load %arg13[%get3A_737, %get3A_738] {strides = array<i32>} : memref<320x128xf32, #tpu.memory_space<vmem>>, vector<16xf32>,
        %mul3A_740 = arith.mulf %get3A_739, %get3A_419 : vector<16xf32>
        %add3A_741 = arith.addf %add3A_736, %mul3A_740 : vector<16xf32>
        %get3A_742 = arith.index_cast %add3A_727 : i32 to index
        %get3A_743 = arith.constant 48 : index
        %get3A_744 = tpu.vector_load %arg13[%get3A_742, %get3A_743] {strides = array<i32>} : memref<320x128xf32, #tpu.memory_space<vmem>>, vector<16xf32>,
        %mul3A_745 = arith.mulf %get3A_744, %get3A_422 : vector<16xf32>
        %add3A_746 = arith.addf %add3A_741, %mul3A_745 : vector<16xf32>
        %get3A_747 = arith.index_cast %add3A_727 : i32 to index
        %get3A_748 = arith.constant 64 : index
        %get3A_749 = tpu.vector_load %arg13[%get3A_747, %get3A_748] {strides = array<i32>} : memref<320x128xf32, #tpu.memory_space<vmem>>, vector<16xf32>,
        %mul3A_750 = arith.mulf %get3A_749, %get3A_425 : vector<16xf32>
        %add3A_751 = arith.addf %add3A_746, %mul3A_750 : vector<16xf32>
        %get3A_752 = arith.index_cast %add3A_727 : i32 to index
        %get3A_753 = arith.constant 80 : index
        %get3A_754 = tpu.vector_load %arg13[%get3A_752, %get3A_753] {strides = array<i32>} : memref<320x128xf32, #tpu.memory_space<vmem>>, vector<16xf32>,
        %mul3A_755 = arith.mulf %get3A_754, %get3A_428 : vector<16xf32>
        %add3A_756 = arith.addf %add3A_751, %mul3A_755 : vector<16xf32>
        %get3A_757 = arith.index_cast %add3A_727 : i32 to index
        %get3A_758 = arith.constant 96 : index
        %get3A_759 = tpu.vector_load %arg13[%get3A_757, %get3A_758] {strides = array<i32>} : memref<320x128xf32, #tpu.memory_space<vmem>>, vector<16xf32>,
        %mul3A_760 = arith.mulf %get3A_759, %get3A_431 : vector<16xf32>
        %add3A_761 = arith.addf %add3A_756, %mul3A_760 : vector<16xf32>
        %get3A_762 = arith.index_cast %add3A_727 : i32 to index
        %get3A_763 = arith.constant 112 : index
        %get3A_764 = tpu.vector_load %arg13[%get3A_762, %get3A_763] {strides = array<i32>} : memref<320x128xf32, #tpu.memory_space<vmem>>, vector<16xf32>,
        %mul3A_765 = arith.mulf %get3A_764, %get3A_434 : vector<16xf32>
        %add3A_766 = arith.addf %add3A_761, %mul3A_765 : vector<16xf32>
        %reduce_sum3A_767 = arith.constant true
        %reduce_sum3A_768 = vector.broadcast %reduce_sum3A_767 : i1 to vector<16xi1>
        %reduce_sum3A_769 = tpu.scan <sum>, %add3A_766 masked %reduce_sum3A_768 : vector<16xf32>, vector<16xi1> -> vector<16xf32>
        %reduce_sum3A_770 = vector.extract %reduce_sum3A_769[15] : f32 from vector<16xf32>
        %broadcast_in_dim3A_771 = vector.broadcast %reduce_sum3A_770 : f32 to vector<16xf32>
        %select_n3A_772 = arith.select %eq3A, %broadcast_in_dim3A_771, %scan3A_397 : vector<16xi1>, vector<16xf32>
        %mul3A_773 = arith.constant 20 : i32
        %mul3A_774 = arith.muli %scan3A_390, %mul3A_773 : i32
        %add3A_775 = arith.constant 6 : i32
        %add3A_776 = arith.addi %mul3A_774, %add3A_775 : i32
        %get3A_777 = arith.index_cast %add3A_776 : i32 to index
        %get3A_778 = arith.constant 0 : index
        %get3A_779 = tpu.vector_load %arg13[%get3A_777, %get3A_778] {strides = array<i32>} : memref<320x128xf32, #tpu.memory_space<vmem>>, vector<16xf32>,
        %mul3A_780 = arith.mulf %get3A_779, %get3A_413 : vector<16xf32>
        %get3A_781 = arith.index_cast %add3A_776 : i32 to index
        %get3A_782 = arith.constant 16 : index
        %get3A_783 = tpu.vector_load %arg13[%get3A_781, %get3A_782] {strides = array<i32>} : memref<320x128xf32, #tpu.memory_space<vmem>>, vector<16xf32>,
        %mul3A_784 = arith.mulf %get3A_783, %get3A_416 : vector<16xf32>
        %add3A_785 = arith.addf %mul3A_780, %mul3A_784 : vector<16xf32>
        %get3A_786 = arith.index_cast %add3A_776 : i32 to index
        %get3A_787 = arith.constant 32 : index
        %get3A_788 = tpu.vector_load %arg13[%get3A_786, %get3A_787] {strides = array<i32>} : memref<320x128xf32, #tpu.memory_space<vmem>>, vector<16xf32>,
        %mul3A_789 = arith.mulf %get3A_788, %get3A_419 : vector<16xf32>
        %add3A_790 = arith.addf %add3A_785, %mul3A_789 : vector<16xf32>
        %get3A_791 = arith.index_cast %add3A_776 : i32 to index
        %get3A_792 = arith.constant 48 : index
        %get3A_793 = tpu.vector_load %arg13[%get3A_791, %get3A_792] {strides = array<i32>} : memref<320x128xf32, #tpu.memory_space<vmem>>, vector<16xf32>,
        %mul3A_794 = arith.mulf %get3A_793, %get3A_422 : vector<16xf32>
        %add3A_795 = arith.addf %add3A_790, %mul3A_794 : vector<16xf32>
        %get3A_796 = arith.index_cast %add3A_776 : i32 to index
        %get3A_797 = arith.constant 64 : index
        %get3A_798 = tpu.vector_load %arg13[%get3A_796, %get3A_797] {strides = array<i32>} : memref<320x128xf32, #tpu.memory_space<vmem>>, vector<16xf32>,
        %mul3A_799 = arith.mulf %get3A_798, %get3A_425 : vector<16xf32>
        %add3A_800 = arith.addf %add3A_795, %mul3A_799 : vector<16xf32>
        %get3A_801 = arith.index_cast %add3A_776 : i32 to index
        %get3A_802 = arith.constant 80 : index
        %get3A_803 = tpu.vector_load %arg13[%get3A_801, %get3A_802] {strides = array<i32>} : memref<320x128xf32, #tpu.memory_space<vmem>>, vector<16xf32>,
        %mul3A_804 = arith.mulf %get3A_803, %get3A_428 : vector<16xf32>
        %add3A_805 = arith.addf %add3A_800, %mul3A_804 : vector<16xf32>
        %get3A_806 = arith.index_cast %add3A_776 : i32 to index
        %get3A_807 = arith.constant 96 : index
        %get3A_808 = tpu.vector_load %arg13[%get3A_806, %get3A_807] {strides = array<i32>} : memref<320x128xf32, #tpu.memory_space<vmem>>, vector<16xf32>,
        %mul3A_809 = arith.mulf %get3A_808, %get3A_431 : vector<16xf32>
        %add3A_810 = arith.addf %add3A_805, %mul3A_809 : vector<16xf32>
        %get3A_811 = arith.index_cast %add3A_776 : i32 to index
        %get3A_812 = arith.constant 112 : index
        %get3A_813 = tpu.vector_load %arg13[%get3A_811, %get3A_812] {strides = array<i32>} : memref<320x128xf32, #tpu.memory_space<vmem>>, vector<16xf32>,
        %mul3A_814 = arith.mulf %get3A_813, %get3A_434 : vector<16xf32>
        %add3A_815 = arith.addf %add3A_810, %mul3A_814 : vector<16xf32>
        %reduce_sum3A_816 = arith.constant true
        %reduce_sum3A_817 = vector.broadcast %reduce_sum3A_816 : i1 to vector<16xi1>
        %reduce_sum3A_818 = tpu.scan <sum>, %add3A_815 masked %reduce_sum3A_817 : vector<16xf32>, vector<16xi1> -> vector<16xf32>
        %reduce_sum3A_819 = vector.extract %reduce_sum3A_818[15] : f32 from vector<16xf32>
        %broadcast_in_dim3A_820 = vector.broadcast %reduce_sum3A_819 : f32 to vector<16xf32>
        %select_n3A_821 = arith.select %eq3A, %broadcast_in_dim3A_820, %scan3A_398 : vector<16xi1>, vector<16xf32>
        %mul3A_822 = arith.constant 20 : i32
        %mul3A_823 = arith.muli %scan3A_390, %mul3A_822 : i32
        %add3A_824 = arith.constant 7 : i32
        %add3A_825 = arith.addi %mul3A_823, %add3A_824 : i32
        %get3A_826 = arith.index_cast %add3A_825 : i32 to index
        %get3A_827 = arith.constant 0 : index
        %get3A_828 = tpu.vector_load %arg13[%get3A_826, %get3A_827] {strides = array<i32>} : memref<320x128xf32, #tpu.memory_space<vmem>>, vector<16xf32>,
        %mul3A_829 = arith.mulf %get3A_828, %get3A_413 : vector<16xf32>
        %get3A_830 = arith.index_cast %add3A_825 : i32 to index
        %get3A_831 = arith.constant 16 : index
        %get3A_832 = tpu.vector_load %arg13[%get3A_830, %get3A_831] {strides = array<i32>} : memref<320x128xf32, #tpu.memory_space<vmem>>, vector<16xf32>,
        %mul3A_833 = arith.mulf %get3A_832, %get3A_416 : vector<16xf32>
        %add3A_834 = arith.addf %mul3A_829, %mul3A_833 : vector<16xf32>
        %get3A_835 = arith.index_cast %add3A_825 : i32 to index
        %get3A_836 = arith.constant 32 : index
        %get3A_837 = tpu.vector_load %arg13[%get3A_835, %get3A_836] {strides = array<i32>} : memref<320x128xf32, #tpu.memory_space<vmem>>, vector<16xf32>,
        %mul3A_838 = arith.mulf %get3A_837, %get3A_419 : vector<16xf32>
        %add3A_839 = arith.addf %add3A_834, %mul3A_838 : vector<16xf32>
        %get3A_840 = arith.index_cast %add3A_825 : i32 to index
        %get3A_841 = arith.constant 48 : index
        %get3A_842 = tpu.vector_load %arg13[%get3A_840, %get3A_841] {strides = array<i32>} : memref<320x128xf32, #tpu.memory_space<vmem>>, vector<16xf32>,
        %mul3A_843 = arith.mulf %get3A_842, %get3A_422 : vector<16xf32>
        %add3A_844 = arith.addf %add3A_839, %mul3A_843 : vector<16xf32>
        %get3A_845 = arith.index_cast %add3A_825 : i32 to index
        %get3A_846 = arith.constant 64 : index
        %get3A_847 = tpu.vector_load %arg13[%get3A_845, %get3A_846] {strides = array<i32>} : memref<320x128xf32, #tpu.memory_space<vmem>>, vector<16xf32>,
        %mul3A_848 = arith.mulf %get3A_847, %get3A_425 : vector<16xf32>
        %add3A_849 = arith.addf %add3A_844, %mul3A_848 : vector<16xf32>
        %get3A_850 = arith.index_cast %add3A_825 : i32 to index
        %get3A_851 = arith.constant 80 : index
        %get3A_852 = tpu.vector_load %arg13[%get3A_850, %get3A_851] {strides = array<i32>} : memref<320x128xf32, #tpu.memory_space<vmem>>, vector<16xf32>,
        %mul3A_853 = arith.mulf %get3A_852, %get3A_428 : vector<16xf32>
        %add3A_854 = arith.addf %add3A_849, %mul3A_853 : vector<16xf32>
        %get3A_855 = arith.index_cast %add3A_825 : i32 to index
        %get3A_856 = arith.constant 96 : index
        %get3A_857 = tpu.vector_load %arg13[%get3A_855, %get3A_856] {strides = array<i32>} : memref<320x128xf32, #tpu.memory_space<vmem>>, vector<16xf32>,
        %mul3A_858 = arith.mulf %get3A_857, %get3A_431 : vector<16xf32>
        %add3A_859 = arith.addf %add3A_854, %mul3A_858 : vector<16xf32>
        %get3A_860 = arith.index_cast %add3A_825 : i32 to index
        %get3A_861 = arith.constant 112 : index
        %get3A_862 = tpu.vector_load %arg13[%get3A_860, %get3A_861] {strides = array<i32>} : memref<320x128xf32, #tpu.memory_space<vmem>>, vector<16xf32>,
        %mul3A_863 = arith.mulf %get3A_862, %get3A_434 : vector<16xf32>
        %add3A_864 = arith.addf %add3A_859, %mul3A_863 : vector<16xf32>
        %reduce_sum3A_865 = arith.constant true
        %reduce_sum3A_866 = vector.broadcast %reduce_sum3A_865 : i1 to vector<16xi1>
        %reduce_sum3A_867 = tpu.scan <sum>, %add3A_864 masked %reduce_sum3A_866 : vector<16xf32>, vector<16xi1> -> vector<16xf32>
        %reduce_sum3A_868 = vector.extract %reduce_sum3A_867[15] : f32 from vector<16xf32>
        %broadcast_in_dim3A_869 = vector.broadcast %reduce_sum3A_868 : f32 to vector<16xf32>
        %select_n3A_870 = arith.select %eq3A, %broadcast_in_dim3A_869, %scan3A_399 : vector<16xi1>, vector<16xf32>
        %mul3A_871 = arith.constant 20 : i32
        %mul3A_872 = arith.muli %scan3A_390, %mul3A_871 : i32
        %add3A_873 = arith.constant 8 : i32
        %add3A_874 = arith.addi %mul3A_872, %add3A_873 : i32
        %get3A_875 = arith.index_cast %add3A_874 : i32 to index
        %get3A_876 = arith.constant 0 : index
        %get3A_877 = tpu.vector_load %arg13[%get3A_875, %get3A_876] {strides = array<i32>} : memref<320x128xf32, #tpu.memory_space<vmem>>, vector<16xf32>,
        %mul3A_878 = arith.mulf %get3A_877, %get3A_413 : vector<16xf32>
        %get3A_879 = arith.index_cast %add3A_874 : i32 to index
        %get3A_880 = arith.constant 16 : index
        %get3A_881 = tpu.vector_load %arg13[%get3A_879, %get3A_880] {strides = array<i32>} : memref<320x128xf32, #tpu.memory_space<vmem>>, vector<16xf32>,
        %mul3A_882 = arith.mulf %get3A_881, %get3A_416 : vector<16xf32>
        %add3A_883 = arith.addf %mul3A_878, %mul3A_882 : vector<16xf32>
        %get3A_884 = arith.index_cast %add3A_874 : i32 to index
        %get3A_885 = arith.constant 32 : index
        %get3A_886 = tpu.vector_load %arg13[%get3A_884, %get3A_885] {strides = array<i32>} : memref<320x128xf32, #tpu.memory_space<vmem>>, vector<16xf32>,
        %mul3A_887 = arith.mulf %get3A_886, %get3A_419 : vector<16xf32>
        %add3A_888 = arith.addf %add3A_883, %mul3A_887 : vector<16xf32>
        %get3A_889 = arith.index_cast %add3A_874 : i32 to index
        %get3A_890 = arith.constant 48 : index
        %get3A_891 = tpu.vector_load %arg13[%get3A_889, %get3A_890] {strides = array<i32>} : memref<320x128xf32, #tpu.memory_space<vmem>>, vector<16xf32>,
        %mul3A_892 = arith.mulf %get3A_891, %get3A_422 : vector<16xf32>
        %add3A_893 = arith.addf %add3A_888, %mul3A_892 : vector<16xf32>
        %get3A_894 = arith.index_cast %add3A_874 : i32 to index
        %get3A_895 = arith.constant 64 : index
        %get3A_896 = tpu.vector_load %arg13[%get3A_894, %get3A_895] {strides = array<i32>} : memref<320x128xf32, #tpu.memory_space<vmem>>, vector<16xf32>,
        %mul3A_897 = arith.mulf %get3A_896, %get3A_425 : vector<16xf32>
        %add3A_898 = arith.addf %add3A_893, %mul3A_897 : vector<16xf32>
        %get3A_899 = arith.index_cast %add3A_874 : i32 to index
        %get3A_900 = arith.constant 80 : index
        %get3A_901 = tpu.vector_load %arg13[%get3A_899, %get3A_900] {strides = array<i32>} : memref<320x128xf32, #tpu.memory_space<vmem>>, vector<16xf32>,
        %mul3A_902 = arith.mulf %get3A_901, %get3A_428 : vector<16xf32>
        %add3A_903 = arith.addf %add3A_898, %mul3A_902 : vector<16xf32>
        %get3A_904 = arith.index_cast %add3A_874 : i32 to index
        %get3A_905 = arith.constant 96 : index
        %get3A_906 = tpu.vector_load %arg13[%get3A_904, %get3A_905] {strides = array<i32>} : memref<320x128xf32, #tpu.memory_space<vmem>>, vector<16xf32>,
        %mul3A_907 = arith.mulf %get3A_906, %get3A_431 : vector<16xf32>
        %add3A_908 = arith.addf %add3A_903, %mul3A_907 : vector<16xf32>
        %get3A_909 = arith.index_cast %add3A_874 : i32 to index
        %get3A_910 = arith.constant 112 : index
        %get3A_911 = tpu.vector_load %arg13[%get3A_909, %get3A_910] {strides = array<i32>} : memref<320x128xf32, #tpu.memory_space<vmem>>, vector<16xf32>,
        %mul3A_912 = arith.mulf %get3A_911, %get3A_434 : vector<16xf32>
        %add3A_913 = arith.addf %add3A_908, %mul3A_912 : vector<16xf32>
        %reduce_sum3A_914 = arith.constant true
        %reduce_sum3A_915 = vector.broadcast %reduce_sum3A_914 : i1 to vector<16xi1>
        %reduce_sum3A_916 = tpu.scan <sum>, %add3A_913 masked %reduce_sum3A_915 : vector<16xf32>, vector<16xi1> -> vector<16xf32>
        %reduce_sum3A_917 = vector.extract %reduce_sum3A_916[15] : f32 from vector<16xf32>
        %broadcast_in_dim3A_918 = vector.broadcast %reduce_sum3A_917 : f32 to vector<16xf32>
        %select_n3A_919 = arith.select %eq3A, %broadcast_in_dim3A_918, %scan3A_400 : vector<16xi1>, vector<16xf32>
        %mul3A_920 = arith.constant 20 : i32
        %mul3A_921 = arith.muli %scan3A_390, %mul3A_920 : i32
        %add3A_922 = arith.constant 9 : i32
        %add3A_923 = arith.addi %mul3A_921, %add3A_922 : i32
        %get3A_924 = arith.index_cast %add3A_923 : i32 to index
        %get3A_925 = arith.constant 0 : index
        %get3A_926 = tpu.vector_load %arg13[%get3A_924, %get3A_925] {strides = array<i32>} : memref<320x128xf32, #tpu.memory_space<vmem>>, vector<16xf32>,
        %mul3A_927 = arith.mulf %get3A_926, %get3A_413 : vector<16xf32>
        %get3A_928 = arith.index_cast %add3A_923 : i32 to index
        %get3A_929 = arith.constant 16 : index
        %get3A_930 = tpu.vector_load %arg13[%get3A_928, %get3A_929] {strides = array<i32>} : memref<320x128xf32, #tpu.memory_space<vmem>>, vector<16xf32>,
        %mul3A_931 = arith.mulf %get3A_930, %get3A_416 : vector<16xf32>
        %add3A_932 = arith.addf %mul3A_927, %mul3A_931 : vector<16xf32>
        %get3A_933 = arith.index_cast %add3A_923 : i32 to index
        %get3A_934 = arith.constant 32 : index
        %get3A_935 = tpu.vector_load %arg13[%get3A_933, %get3A_934] {strides = array<i32>} : memref<320x128xf32, #tpu.memory_space<vmem>>, vector<16xf32>,
        %mul3A_936 = arith.mulf %get3A_935, %get3A_419 : vector<16xf32>
        %add3A_937 = arith.addf %add3A_932, %mul3A_936 : vector<16xf32>
        %get3A_938 = arith.index_cast %add3A_923 : i32 to index
        %get3A_939 = arith.constant 48 : index
        %get3A_940 = tpu.vector_load %arg13[%get3A_938, %get3A_939] {strides = array<i32>} : memref<320x128xf32, #tpu.memory_space<vmem>>, vector<16xf32>,
        %mul3A_941 = arith.mulf %get3A_940, %get3A_422 : vector<16xf32>
        %add3A_942 = arith.addf %add3A_937, %mul3A_941 : vector<16xf32>
        %get3A_943 = arith.index_cast %add3A_923 : i32 to index
        %get3A_944 = arith.constant 64 : index
        %get3A_945 = tpu.vector_load %arg13[%get3A_943, %get3A_944] {strides = array<i32>} : memref<320x128xf32, #tpu.memory_space<vmem>>, vector<16xf32>,
        %mul3A_946 = arith.mulf %get3A_945, %get3A_425 : vector<16xf32>
        %add3A_947 = arith.addf %add3A_942, %mul3A_946 : vector<16xf32>
        %get3A_948 = arith.index_cast %add3A_923 : i32 to index
        %get3A_949 = arith.constant 80 : index
        %get3A_950 = tpu.vector_load %arg13[%get3A_948, %get3A_949] {strides = array<i32>} : memref<320x128xf32, #tpu.memory_space<vmem>>, vector<16xf32>,
        %mul3A_951 = arith.mulf %get3A_950, %get3A_428 : vector<16xf32>
        %add3A_952 = arith.addf %add3A_947, %mul3A_951 : vector<16xf32>
        %get3A_953 = arith.index_cast %add3A_923 : i32 to index
        %get3A_954 = arith.constant 96 : index
        %get3A_955 = tpu.vector_load %arg13[%get3A_953, %get3A_954] {strides = array<i32>} : memref<320x128xf32, #tpu.memory_space<vmem>>, vector<16xf32>,
        %mul3A_956 = arith.mulf %get3A_955, %get3A_431 : vector<16xf32>
        %add3A_957 = arith.addf %add3A_952, %mul3A_956 : vector<16xf32>
        %get3A_958 = arith.index_cast %add3A_923 : i32 to index
        %get3A_959 = arith.constant 112 : index
        %get3A_960 = tpu.vector_load %arg13[%get3A_958, %get3A_959] {strides = array<i32>} : memref<320x128xf32, #tpu.memory_space<vmem>>, vector<16xf32>,
        %mul3A_961 = arith.mulf %get3A_960, %get3A_434 : vector<16xf32>
        %add3A_962 = arith.addf %add3A_957, %mul3A_961 : vector<16xf32>
        %reduce_sum3A_963 = arith.constant true
        %reduce_sum3A_964 = vector.broadcast %reduce_sum3A_963 : i1 to vector<16xi1>
        %reduce_sum3A_965 = tpu.scan <sum>, %add3A_962 masked %reduce_sum3A_964 : vector<16xf32>, vector<16xi1> -> vector<16xf32>
        %reduce_sum3A_966 = vector.extract %reduce_sum3A_965[15] : f32 from vector<16xf32>
        %broadcast_in_dim3A_967 = vector.broadcast %reduce_sum3A_966 : f32 to vector<16xf32>
        %select_n3A_968 = arith.select %eq3A, %broadcast_in_dim3A_967, %scan3A_401 : vector<16xi1>, vector<16xf32>
        %mul3A_969 = arith.constant 20 : i32
        %mul3A_970 = arith.muli %scan3A_390, %mul3A_969 : i32
        %add3A_971 = arith.constant 10 : i32
        %add3A_972 = arith.addi %mul3A_970, %add3A_971 : i32
        %get3A_973 = arith.index_cast %add3A_972 : i32 to index
        %get3A_974 = arith.constant 0 : index
        %get3A_975 = tpu.vector_load %arg13[%get3A_973, %get3A_974] {strides = array<i32>} : memref<320x128xf32, #tpu.memory_space<vmem>>, vector<16xf32>,
        %mul3A_976 = arith.mulf %get3A_975, %get3A_413 : vector<16xf32>
        %get3A_977 = arith.index_cast %add3A_972 : i32 to index
        %get3A_978 = arith.constant 16 : index
        %get3A_979 = tpu.vector_load %arg13[%get3A_977, %get3A_978] {strides = array<i32>} : memref<320x128xf32, #tpu.memory_space<vmem>>, vector<16xf32>,
        %mul3A_980 = arith.mulf %get3A_979, %get3A_416 : vector<16xf32>
        %add3A_981 = arith.addf %mul3A_976, %mul3A_980 : vector<16xf32>
        %get3A_982 = arith.index_cast %add3A_972 : i32 to index
        %get3A_983 = arith.constant 32 : index
        %get3A_984 = tpu.vector_load %arg13[%get3A_982, %get3A_983] {strides = array<i32>} : memref<320x128xf32, #tpu.memory_space<vmem>>, vector<16xf32>,
        %mul3A_985 = arith.mulf %get3A_984, %get3A_419 : vector<16xf32>
        %add3A_986 = arith.addf %add3A_981, %mul3A_985 : vector<16xf32>
        %get3A_987 = arith.index_cast %add3A_972 : i32 to index
        %get3A_988 = arith.constant 48 : index
        %get3A_989 = tpu.vector_load %arg13[%get3A_987, %get3A_988] {strides = array<i32>} : memref<320x128xf32, #tpu.memory_space<vmem>>, vector<16xf32>,
        %mul3A_990 = arith.mulf %get3A_989, %get3A_422 : vector<16xf32>
        %add3A_991 = arith.addf %add3A_986, %mul3A_990 : vector<16xf32>
        %get3A_992 = arith.index_cast %add3A_972 : i32 to index
        %get3A_993 = arith.constant 64 : index
        %get3A_994 = tpu.vector_load %arg13[%get3A_992, %get3A_993] {strides = array<i32>} : memref<320x128xf32, #tpu.memory_space<vmem>>, vector<16xf32>,
        %mul3A_995 = arith.mulf %get3A_994, %get3A_425 : vector<16xf32>
        %add3A_996 = arith.addf %add3A_991, %mul3A_995 : vector<16xf32>
        %get3A_997 = arith.index_cast %add3A_972 : i32 to index
        %get3A_998 = arith.constant 80 : index
        %get3A_999 = tpu.vector_load %arg13[%get3A_997, %get3A_998] {strides = array<i32>} : memref<320x128xf32, #tpu.memory_space<vmem>>, vector<16xf32>,
        %mul3A_1000 = arith.mulf %get3A_999, %get3A_428 : vector<16xf32>
        %add3A_1001 = arith.addf %add3A_996, %mul3A_1000 : vector<16xf32>
        %get3A_1002 = arith.index_cast %add3A_972 : i32 to index
        %get3A_1003 = arith.constant 96 : index
        %get3A_1004 = tpu.vector_load %arg13[%get3A_1002, %get3A_1003] {strides = array<i32>} : memref<320x128xf32, #tpu.memory_space<vmem>>, vector<16xf32>,
        %mul3A_1005 = arith.mulf %get3A_1004, %get3A_431 : vector<16xf32>
        %add3A_1006 = arith.addf %add3A_1001, %mul3A_1005 : vector<16xf32>
        %get3A_1007 = arith.index_cast %add3A_972 : i32 to index
        %get3A_1008 = arith.constant 112 : index
        %get3A_1009 = tpu.vector_load %arg13[%get3A_1007, %get3A_1008] {strides = array<i32>} : memref<320x128xf32, #tpu.memory_space<vmem>>, vector<16xf32>,
        %mul3A_1010 = arith.mulf %get3A_1009, %get3A_434 : vector<16xf32>
        %add3A_1011 = arith.addf %add3A_1006, %mul3A_1010 : vector<16xf32>
        %reduce_sum3A_1012 = arith.constant true
        %reduce_sum3A_1013 = vector.broadcast %reduce_sum3A_1012 : i1 to vector<16xi1>
        %reduce_sum3A_1014 = tpu.scan <sum>, %add3A_1011 masked %reduce_sum3A_1013 : vector<16xf32>, vector<16xi1> -> vector<16xf32>
        %reduce_sum3A_1015 = vector.extract %reduce_sum3A_1014[15] : f32 from vector<16xf32>
        %broadcast_in_dim3A_1016 = vector.broadcast %reduce_sum3A_1015 : f32 to vector<16xf32>
        %select_n3A_1017 = arith.select %eq3A, %broadcast_in_dim3A_1016, %scan3A_402 : vector<16xi1>, vector<16xf32>
        %mul3A_1018 = arith.constant 20 : i32
        %mul3A_1019 = arith.muli %scan3A_390, %mul3A_1018 : i32
        %add3A_1020 = arith.constant 11 : i32
        %add3A_1021 = arith.addi %mul3A_1019, %add3A_1020 : i32
        %get3A_1022 = arith.index_cast %add3A_1021 : i32 to index
        %get3A_1023 = arith.constant 0 : index
        %get3A_1024 = tpu.vector_load %arg13[%get3A_1022, %get3A_1023] {strides = array<i32>} : memref<320x128xf32, #tpu.memory_space<vmem>>, vector<16xf32>,
        %mul3A_1025 = arith.mulf %get3A_1024, %get3A_413 : vector<16xf32>
        %get3A_1026 = arith.index_cast %add3A_1021 : i32 to index
        %get3A_1027 = arith.constant 16 : index
        %get3A_1028 = tpu.vector_load %arg13[%get3A_1026, %get3A_1027] {strides = array<i32>} : memref<320x128xf32, #tpu.memory_space<vmem>>, vector<16xf32>,
        %mul3A_1029 = arith.mulf %get3A_1028, %get3A_416 : vector<16xf32>
        %add3A_1030 = arith.addf %mul3A_1025, %mul3A_1029 : vector<16xf32>
        %get3A_1031 = arith.index_cast %add3A_1021 : i32 to index
        %get3A_1032 = arith.constant 32 : index
        %get3A_1033 = tpu.vector_load %arg13[%get3A_1031, %get3A_1032] {strides = array<i32>} : memref<320x128xf32, #tpu.memory_space<vmem>>, vector<16xf32>,
        %mul3A_1034 = arith.mulf %get3A_1033, %get3A_419 : vector<16xf32>
        %add3A_1035 = arith.addf %add3A_1030, %mul3A_1034 : vector<16xf32>
        %get3A_1036 = arith.index_cast %add3A_1021 : i32 to index
        %get3A_1037 = arith.constant 48 : index
        %get3A_1038 = tpu.vector_load %arg13[%get3A_1036, %get3A_1037] {strides = array<i32>} : memref<320x128xf32, #tpu.memory_space<vmem>>, vector<16xf32>,
        %mul3A_1039 = arith.mulf %get3A_1038, %get3A_422 : vector<16xf32>
        %add3A_1040 = arith.addf %add3A_1035, %mul3A_1039 : vector<16xf32>
        %get3A_1041 = arith.index_cast %add3A_1021 : i32 to index
        %get3A_1042 = arith.constant 64 : index
        %get3A_1043 = tpu.vector_load %arg13[%get3A_1041, %get3A_1042] {strides = array<i32>} : memref<320x128xf32, #tpu.memory_space<vmem>>, vector<16xf32>,
        %mul3A_1044 = arith.mulf %get3A_1043, %get3A_425 : vector<16xf32>
        %add3A_1045 = arith.addf %add3A_1040, %mul3A_1044 : vector<16xf32>
        %get3A_1046 = arith.index_cast %add3A_1021 : i32 to index
        %get3A_1047 = arith.constant 80 : index
        %get3A_1048 = tpu.vector_load %arg13[%get3A_1046, %get3A_1047] {strides = array<i32>} : memref<320x128xf32, #tpu.memory_space<vmem>>, vector<16xf32>,
        %mul3A_1049 = arith.mulf %get3A_1048, %get3A_428 : vector<16xf32>
        %add3A_1050 = arith.addf %add3A_1045, %mul3A_1049 : vector<16xf32>
        %get3A_1051 = arith.index_cast %add3A_1021 : i32 to index
        %get3A_1052 = arith.constant 96 : index
        %get3A_1053 = tpu.vector_load %arg13[%get3A_1051, %get3A_1052] {strides = array<i32>} : memref<320x128xf32, #tpu.memory_space<vmem>>, vector<16xf32>,
        %mul3A_1054 = arith.mulf %get3A_1053, %get3A_431 : vector<16xf32>
        %add3A_1055 = arith.addf %add3A_1050, %mul3A_1054 : vector<16xf32>
        %get3A_1056 = arith.index_cast %add3A_1021 : i32 to index
        %get3A_1057 = arith.constant 112 : index
        %get3A_1058 = tpu.vector_load %arg13[%get3A_1056, %get3A_1057] {strides = array<i32>} : memref<320x128xf32, #tpu.memory_space<vmem>>, vector<16xf32>,
        %mul3A_1059 = arith.mulf %get3A_1058, %get3A_434 : vector<16xf32>
        %add3A_1060 = arith.addf %add3A_1055, %mul3A_1059 : vector<16xf32>
        %reduce_sum3A_1061 = arith.constant true
        %reduce_sum3A_1062 = vector.broadcast %reduce_sum3A_1061 : i1 to vector<16xi1>
        %reduce_sum3A_1063 = tpu.scan <sum>, %add3A_1060 masked %reduce_sum3A_1062 : vector<16xf32>, vector<16xi1> -> vector<16xf32>
        %reduce_sum3A_1064 = vector.extract %reduce_sum3A_1063[15] : f32 from vector<16xf32>
        %broadcast_in_dim3A_1065 = vector.broadcast %reduce_sum3A_1064 : f32 to vector<16xf32>
        %select_n3A_1066 = arith.select %eq3A, %broadcast_in_dim3A_1065, %scan3A_403 : vector<16xi1>, vector<16xf32>
        %mul3A_1067 = arith.constant 20 : i32
        %mul3A_1068 = arith.muli %scan3A_390, %mul3A_1067 : i32
        %add3A_1069 = arith.constant 12 : i32
        %add3A_1070 = arith.addi %mul3A_1068, %add3A_1069 : i32
        %get3A_1071 = arith.index_cast %add3A_1070 : i32 to index
        %get3A_1072 = arith.constant 0 : index
        %get3A_1073 = tpu.vector_load %arg13[%get3A_1071, %get3A_1072] {strides = array<i32>} : memref<320x128xf32, #tpu.memory_space<vmem>>, vector<16xf32>,
        %mul3A_1074 = arith.mulf %get3A_1073, %get3A_413 : vector<16xf32>
        %get3A_1075 = arith.index_cast %add3A_1070 : i32 to index
        %get3A_1076 = arith.constant 16 : index
        %get3A_1077 = tpu.vector_load %arg13[%get3A_1075, %get3A_1076] {strides = array<i32>} : memref<320x128xf32, #tpu.memory_space<vmem>>, vector<16xf32>,
        %mul3A_1078 = arith.mulf %get3A_1077, %get3A_416 : vector<16xf32>
        %add3A_1079 = arith.addf %mul3A_1074, %mul3A_1078 : vector<16xf32>
        %get3A_1080 = arith.index_cast %add3A_1070 : i32 to index
        %get3A_1081 = arith.constant 32 : index
        %get3A_1082 = tpu.vector_load %arg13[%get3A_1080, %get3A_1081] {strides = array<i32>} : memref<320x128xf32, #tpu.memory_space<vmem>>, vector<16xf32>,
        %mul3A_1083 = arith.mulf %get3A_1082, %get3A_419 : vector<16xf32>
        %add3A_1084 = arith.addf %add3A_1079, %mul3A_1083 : vector<16xf32>
        %get3A_1085 = arith.index_cast %add3A_1070 : i32 to index
        %get3A_1086 = arith.constant 48 : index
        %get3A_1087 = tpu.vector_load %arg13[%get3A_1085, %get3A_1086] {strides = array<i32>} : memref<320x128xf32, #tpu.memory_space<vmem>>, vector<16xf32>,
        %mul3A_1088 = arith.mulf %get3A_1087, %get3A_422 : vector<16xf32>
        %add3A_1089 = arith.addf %add3A_1084, %mul3A_1088 : vector<16xf32>
        %get3A_1090 = arith.index_cast %add3A_1070 : i32 to index
        %get3A_1091 = arith.constant 64 : index
        %get3A_1092 = tpu.vector_load %arg13[%get3A_1090, %get3A_1091] {strides = array<i32>} : memref<320x128xf32, #tpu.memory_space<vmem>>, vector<16xf32>,
        %mul3A_1093 = arith.mulf %get3A_1092, %get3A_425 : vector<16xf32>
        %add3A_1094 = arith.addf %add3A_1089, %mul3A_1093 : vector<16xf32>
        %get3A_1095 = arith.index_cast %add3A_1070 : i32 to index
        %get3A_1096 = arith.constant 80 : index
        %get3A_1097 = tpu.vector_load %arg13[%get3A_1095, %get3A_1096] {strides = array<i32>} : memref<320x128xf32, #tpu.memory_space<vmem>>, vector<16xf32>,
        %mul3A_1098 = arith.mulf %get3A_1097, %get3A_428 : vector<16xf32>
        %add3A_1099 = arith.addf %add3A_1094, %mul3A_1098 : vector<16xf32>
        %get3A_1100 = arith.index_cast %add3A_1070 : i32 to index
        %get3A_1101 = arith.constant 96 : index
        %get3A_1102 = tpu.vector_load %arg13[%get3A_1100, %get3A_1101] {strides = array<i32>} : memref<320x128xf32, #tpu.memory_space<vmem>>, vector<16xf32>,
        %mul3A_1103 = arith.mulf %get3A_1102, %get3A_431 : vector<16xf32>
        %add3A_1104 = arith.addf %add3A_1099, %mul3A_1103 : vector<16xf32>
        %get3A_1105 = arith.index_cast %add3A_1070 : i32 to index
        %get3A_1106 = arith.constant 112 : index
        %get3A_1107 = tpu.vector_load %arg13[%get3A_1105, %get3A_1106] {strides = array<i32>} : memref<320x128xf32, #tpu.memory_space<vmem>>, vector<16xf32>,
        %mul3A_1108 = arith.mulf %get3A_1107, %get3A_434 : vector<16xf32>
        %add3A_1109 = arith.addf %add3A_1104, %mul3A_1108 : vector<16xf32>
        %reduce_sum3A_1110 = arith.constant true
        %reduce_sum3A_1111 = vector.broadcast %reduce_sum3A_1110 : i1 to vector<16xi1>
        %reduce_sum3A_1112 = tpu.scan <sum>, %add3A_1109 masked %reduce_sum3A_1111 : vector<16xf32>, vector<16xi1> -> vector<16xf32>
        %reduce_sum3A_1113 = vector.extract %reduce_sum3A_1112[15] : f32 from vector<16xf32>
        %broadcast_in_dim3A_1114 = vector.broadcast %reduce_sum3A_1113 : f32 to vector<16xf32>
        %select_n3A_1115 = arith.select %eq3A, %broadcast_in_dim3A_1114, %scan3A_404 : vector<16xi1>, vector<16xf32>
        %mul3A_1116 = arith.constant 20 : i32
        %mul3A_1117 = arith.muli %scan3A_390, %mul3A_1116 : i32
        %add3A_1118 = arith.constant 13 : i32
        %add3A_1119 = arith.addi %mul3A_1117, %add3A_1118 : i32
        %get3A_1120 = arith.index_cast %add3A_1119 : i32 to index
        %get3A_1121 = arith.constant 0 : index
        %get3A_1122 = tpu.vector_load %arg13[%get3A_1120, %get3A_1121] {strides = array<i32>} : memref<320x128xf32, #tpu.memory_space<vmem>>, vector<16xf32>,
        %mul3A_1123 = arith.mulf %get3A_1122, %get3A_413 : vector<16xf32>
        %get3A_1124 = arith.index_cast %add3A_1119 : i32 to index
        %get3A_1125 = arith.constant 16 : index
        %get3A_1126 = tpu.vector_load %arg13[%get3A_1124, %get3A_1125] {strides = array<i32>} : memref<320x128xf32, #tpu.memory_space<vmem>>, vector<16xf32>,
        %mul3A_1127 = arith.mulf %get3A_1126, %get3A_416 : vector<16xf32>
        %add3A_1128 = arith.addf %mul3A_1123, %mul3A_1127 : vector<16xf32>
        %get3A_1129 = arith.index_cast %add3A_1119 : i32 to index
        %get3A_1130 = arith.constant 32 : index
        %get3A_1131 = tpu.vector_load %arg13[%get3A_1129, %get3A_1130] {strides = array<i32>} : memref<320x128xf32, #tpu.memory_space<vmem>>, vector<16xf32>,
        %mul3A_1132 = arith.mulf %get3A_1131, %get3A_419 : vector<16xf32>
        %add3A_1133 = arith.addf %add3A_1128, %mul3A_1132 : vector<16xf32>
        %get3A_1134 = arith.index_cast %add3A_1119 : i32 to index
        %get3A_1135 = arith.constant 48 : index
        %get3A_1136 = tpu.vector_load %arg13[%get3A_1134, %get3A_1135] {strides = array<i32>} : memref<320x128xf32, #tpu.memory_space<vmem>>, vector<16xf32>,
        %mul3A_1137 = arith.mulf %get3A_1136, %get3A_422 : vector<16xf32>
        %add3A_1138 = arith.addf %add3A_1133, %mul3A_1137 : vector<16xf32>
        %get3A_1139 = arith.index_cast %add3A_1119 : i32 to index
        %get3A_1140 = arith.constant 64 : index
        %get3A_1141 = tpu.vector_load %arg13[%get3A_1139, %get3A_1140] {strides = array<i32>} : memref<320x128xf32, #tpu.memory_space<vmem>>, vector<16xf32>,
        %mul3A_1142 = arith.mulf %get3A_1141, %get3A_425 : vector<16xf32>
        %add3A_1143 = arith.addf %add3A_1138, %mul3A_1142 : vector<16xf32>
        %get3A_1144 = arith.index_cast %add3A_1119 : i32 to index
        %get3A_1145 = arith.constant 80 : index
        %get3A_1146 = tpu.vector_load %arg13[%get3A_1144, %get3A_1145] {strides = array<i32>} : memref<320x128xf32, #tpu.memory_space<vmem>>, vector<16xf32>,
        %mul3A_1147 = arith.mulf %get3A_1146, %get3A_428 : vector<16xf32>
        %add3A_1148 = arith.addf %add3A_1143, %mul3A_1147 : vector<16xf32>
        %get3A_1149 = arith.index_cast %add3A_1119 : i32 to index
        %get3A_1150 = arith.constant 96 : index
        %get3A_1151 = tpu.vector_load %arg13[%get3A_1149, %get3A_1150] {strides = array<i32>} : memref<320x128xf32, #tpu.memory_space<vmem>>, vector<16xf32>,
        %mul3A_1152 = arith.mulf %get3A_1151, %get3A_431 : vector<16xf32>
        %add3A_1153 = arith.addf %add3A_1148, %mul3A_1152 : vector<16xf32>
        %get3A_1154 = arith.index_cast %add3A_1119 : i32 to index
        %get3A_1155 = arith.constant 112 : index
        %get3A_1156 = tpu.vector_load %arg13[%get3A_1154, %get3A_1155] {strides = array<i32>} : memref<320x128xf32, #tpu.memory_space<vmem>>, vector<16xf32>,
        %mul3A_1157 = arith.mulf %get3A_1156, %get3A_434 : vector<16xf32>
        %add3A_1158 = arith.addf %add3A_1153, %mul3A_1157 : vector<16xf32>
        %reduce_sum3A_1159 = arith.constant true
        %reduce_sum3A_1160 = vector.broadcast %reduce_sum3A_1159 : i1 to vector<16xi1>
        %reduce_sum3A_1161 = tpu.scan <sum>, %add3A_1158 masked %reduce_sum3A_1160 : vector<16xf32>, vector<16xi1> -> vector<16xf32>
        %reduce_sum3A_1162 = vector.extract %reduce_sum3A_1161[15] : f32 from vector<16xf32>
        %broadcast_in_dim3A_1163 = vector.broadcast %reduce_sum3A_1162 : f32 to vector<16xf32>
        %select_n3A_1164 = arith.select %eq3A, %broadcast_in_dim3A_1163, %scan3A_405 : vector<16xi1>, vector<16xf32>
        %mul3A_1165 = arith.constant 20 : i32
        %mul3A_1166 = arith.muli %scan3A_390, %mul3A_1165 : i32
        %add3A_1167 = arith.constant 14 : i32
        %add3A_1168 = arith.addi %mul3A_1166, %add3A_1167 : i32
        %get3A_1169 = arith.index_cast %add3A_1168 : i32 to index
        %get3A_1170 = arith.constant 0 : index
        %get3A_1171 = tpu.vector_load %arg13[%get3A_1169, %get3A_1170] {strides = array<i32>} : memref<320x128xf32, #tpu.memory_space<vmem>>, vector<16xf32>,
        %mul3A_1172 = arith.mulf %get3A_1171, %get3A_413 : vector<16xf32>
        %get3A_1173 = arith.index_cast %add3A_1168 : i32 to index
        %get3A_1174 = arith.constant 16 : index
        %get3A_1175 = tpu.vector_load %arg13[%get3A_1173, %get3A_1174] {strides = array<i32>} : memref<320x128xf32, #tpu.memory_space<vmem>>, vector<16xf32>,
        %mul3A_1176 = arith.mulf %get3A_1175, %get3A_416 : vector<16xf32>
        %add3A_1177 = arith.addf %mul3A_1172, %mul3A_1176 : vector<16xf32>
        %get3A_1178 = arith.index_cast %add3A_1168 : i32 to index
        %get3A_1179 = arith.constant 32 : index
        %get3A_1180 = tpu.vector_load %arg13[%get3A_1178, %get3A_1179] {strides = array<i32>} : memref<320x128xf32, #tpu.memory_space<vmem>>, vector<16xf32>,
        %mul3A_1181 = arith.mulf %get3A_1180, %get3A_419 : vector<16xf32>
        %add3A_1182 = arith.addf %add3A_1177, %mul3A_1181 : vector<16xf32>
        %get3A_1183 = arith.index_cast %add3A_1168 : i32 to index
        %get3A_1184 = arith.constant 48 : index
        %get3A_1185 = tpu.vector_load %arg13[%get3A_1183, %get3A_1184] {strides = array<i32>} : memref<320x128xf32, #tpu.memory_space<vmem>>, vector<16xf32>,
        %mul3A_1186 = arith.mulf %get3A_1185, %get3A_422 : vector<16xf32>
        %add3A_1187 = arith.addf %add3A_1182, %mul3A_1186 : vector<16xf32>
        %get3A_1188 = arith.index_cast %add3A_1168 : i32 to index
        %get3A_1189 = arith.constant 64 : index
        %get3A_1190 = tpu.vector_load %arg13[%get3A_1188, %get3A_1189] {strides = array<i32>} : memref<320x128xf32, #tpu.memory_space<vmem>>, vector<16xf32>,
        %mul3A_1191 = arith.mulf %get3A_1190, %get3A_425 : vector<16xf32>
        %add3A_1192 = arith.addf %add3A_1187, %mul3A_1191 : vector<16xf32>
        %get3A_1193 = arith.index_cast %add3A_1168 : i32 to index
        %get3A_1194 = arith.constant 80 : index
        %get3A_1195 = tpu.vector_load %arg13[%get3A_1193, %get3A_1194] {strides = array<i32>} : memref<320x128xf32, #tpu.memory_space<vmem>>, vector<16xf32>,
        %mul3A_1196 = arith.mulf %get3A_1195, %get3A_428 : vector<16xf32>
        %add3A_1197 = arith.addf %add3A_1192, %mul3A_1196 : vector<16xf32>
        %get3A_1198 = arith.index_cast %add3A_1168 : i32 to index
        %get3A_1199 = arith.constant 96 : index
        %get3A_1200 = tpu.vector_load %arg13[%get3A_1198, %get3A_1199] {strides = array<i32>} : memref<320x128xf32, #tpu.memory_space<vmem>>, vector<16xf32>,
        %mul3A_1201 = arith.mulf %get3A_1200, %get3A_431 : vector<16xf32>
        %add3A_1202 = arith.addf %add3A_1197, %mul3A_1201 : vector<16xf32>
        %get3A_1203 = arith.index_cast %add3A_1168 : i32 to index
        %get3A_1204 = arith.constant 112 : index
        %get3A_1205 = tpu.vector_load %arg13[%get3A_1203, %get3A_1204] {strides = array<i32>} : memref<320x128xf32, #tpu.memory_space<vmem>>, vector<16xf32>,
        %mul3A_1206 = arith.mulf %get3A_1205, %get3A_434 : vector<16xf32>
        %add3A_1207 = arith.addf %add3A_1202, %mul3A_1206 : vector<16xf32>
        %reduce_sum3A_1208 = arith.constant true
        %reduce_sum3A_1209 = vector.broadcast %reduce_sum3A_1208 : i1 to vector<16xi1>
        %reduce_sum3A_1210 = tpu.scan <sum>, %add3A_1207 masked %reduce_sum3A_1209 : vector<16xf32>, vector<16xi1> -> vector<16xf32>
        %reduce_sum3A_1211 = vector.extract %reduce_sum3A_1210[15] : f32 from vector<16xf32>
        %broadcast_in_dim3A_1212 = vector.broadcast %reduce_sum3A_1211 : f32 to vector<16xf32>
        %select_n3A_1213 = arith.select %eq3A, %broadcast_in_dim3A_1212, %scan3A_406 : vector<16xi1>, vector<16xf32>
        %mul3A_1214 = arith.constant 20 : i32
        %mul3A_1215 = arith.muli %scan3A_390, %mul3A_1214 : i32
        %add3A_1216 = arith.constant 15 : i32
        %add3A_1217 = arith.addi %mul3A_1215, %add3A_1216 : i32
        %get3A_1218 = arith.index_cast %add3A_1217 : i32 to index
        %get3A_1219 = arith.constant 0 : index
        %get3A_1220 = tpu.vector_load %arg13[%get3A_1218, %get3A_1219] {strides = array<i32>} : memref<320x128xf32, #tpu.memory_space<vmem>>, vector<16xf32>,
        %mul3A_1221 = arith.mulf %get3A_1220, %get3A_413 : vector<16xf32>
        %get3A_1222 = arith.index_cast %add3A_1217 : i32 to index
        %get3A_1223 = arith.constant 16 : index
        %get3A_1224 = tpu.vector_load %arg13[%get3A_1222, %get3A_1223] {strides = array<i32>} : memref<320x128xf32, #tpu.memory_space<vmem>>, vector<16xf32>,
        %mul3A_1225 = arith.mulf %get3A_1224, %get3A_416 : vector<16xf32>
        %add3A_1226 = arith.addf %mul3A_1221, %mul3A_1225 : vector<16xf32>
        %get3A_1227 = arith.index_cast %add3A_1217 : i32 to index
        %get3A_1228 = arith.constant 32 : index
        %get3A_1229 = tpu.vector_load %arg13[%get3A_1227, %get3A_1228] {strides = array<i32>} : memref<320x128xf32, #tpu.memory_space<vmem>>, vector<16xf32>,
        %mul3A_1230 = arith.mulf %get3A_1229, %get3A_419 : vector<16xf32>
        %add3A_1231 = arith.addf %add3A_1226, %mul3A_1230 : vector<16xf32>
        %get3A_1232 = arith.index_cast %add3A_1217 : i32 to index
        %get3A_1233 = arith.constant 48 : index
        %get3A_1234 = tpu.vector_load %arg13[%get3A_1232, %get3A_1233] {strides = array<i32>} : memref<320x128xf32, #tpu.memory_space<vmem>>, vector<16xf32>,
        %mul3A_1235 = arith.mulf %get3A_1234, %get3A_422 : vector<16xf32>
        %add3A_1236 = arith.addf %add3A_1231, %mul3A_1235 : vector<16xf32>
        %get3A_1237 = arith.index_cast %add3A_1217 : i32 to index
        %get3A_1238 = arith.constant 64 : index
        %get3A_1239 = tpu.vector_load %arg13[%get3A_1237, %get3A_1238] {strides = array<i32>} : memref<320x128xf32, #tpu.memory_space<vmem>>, vector<16xf32>,
        %mul3A_1240 = arith.mulf %get3A_1239, %get3A_425 : vector<16xf32>
        %add3A_1241 = arith.addf %add3A_1236, %mul3A_1240 : vector<16xf32>
        %get3A_1242 = arith.index_cast %add3A_1217 : i32 to index
        %get3A_1243 = arith.constant 80 : index
        %get3A_1244 = tpu.vector_load %arg13[%get3A_1242, %get3A_1243] {strides = array<i32>} : memref<320x128xf32, #tpu.memory_space<vmem>>, vector<16xf32>,
        %mul3A_1245 = arith.mulf %get3A_1244, %get3A_428 : vector<16xf32>
        %add3A_1246 = arith.addf %add3A_1241, %mul3A_1245 : vector<16xf32>
        %get3A_1247 = arith.index_cast %add3A_1217 : i32 to index
        %get3A_1248 = arith.constant 96 : index
        %get3A_1249 = tpu.vector_load %arg13[%get3A_1247, %get3A_1248] {strides = array<i32>} : memref<320x128xf32, #tpu.memory_space<vmem>>, vector<16xf32>,
        %mul3A_1250 = arith.mulf %get3A_1249, %get3A_431 : vector<16xf32>
        %add3A_1251 = arith.addf %add3A_1246, %mul3A_1250 : vector<16xf32>
        %get3A_1252 = arith.index_cast %add3A_1217 : i32 to index
        %get3A_1253 = arith.constant 112 : index
        %get3A_1254 = tpu.vector_load %arg13[%get3A_1252, %get3A_1253] {strides = array<i32>} : memref<320x128xf32, #tpu.memory_space<vmem>>, vector<16xf32>,
        %mul3A_1255 = arith.mulf %get3A_1254, %get3A_434 : vector<16xf32>
        %add3A_1256 = arith.addf %add3A_1251, %mul3A_1255 : vector<16xf32>
        %reduce_sum3A_1257 = arith.constant true
        %reduce_sum3A_1258 = vector.broadcast %reduce_sum3A_1257 : i1 to vector<16xi1>
        %reduce_sum3A_1259 = tpu.scan <sum>, %add3A_1256 masked %reduce_sum3A_1258 : vector<16xf32>, vector<16xi1> -> vector<16xf32>
        %reduce_sum3A_1260 = vector.extract %reduce_sum3A_1259[15] : f32 from vector<16xf32>
        %broadcast_in_dim3A_1261 = vector.broadcast %reduce_sum3A_1260 : f32 to vector<16xf32>
        %select_n3A_1262 = arith.select %eq3A, %broadcast_in_dim3A_1261, %scan3A_407 : vector<16xi1>, vector<16xf32>
        %mul3A_1263 = arith.constant 20 : i32
        %mul3A_1264 = arith.muli %scan3A_390, %mul3A_1263 : i32
        %add3A_1265 = arith.constant 16 : i32
        %add3A_1266 = arith.addi %mul3A_1264, %add3A_1265 : i32
        %get3A_1267 = arith.index_cast %add3A_1266 : i32 to index
        %get3A_1268 = arith.constant 0 : index
        %get3A_1269 = tpu.vector_load %arg13[%get3A_1267, %get3A_1268] {strides = array<i32>} : memref<320x128xf32, #tpu.memory_space<vmem>>, vector<16xf32>,
        %mul3A_1270 = arith.mulf %get3A_1269, %get3A_413 : vector<16xf32>
        %get3A_1271 = arith.index_cast %add3A_1266 : i32 to index
        %get3A_1272 = arith.constant 16 : index
        %get3A_1273 = tpu.vector_load %arg13[%get3A_1271, %get3A_1272] {strides = array<i32>} : memref<320x128xf32, #tpu.memory_space<vmem>>, vector<16xf32>,
        %mul3A_1274 = arith.mulf %get3A_1273, %get3A_416 : vector<16xf32>
        %add3A_1275 = arith.addf %mul3A_1270, %mul3A_1274 : vector<16xf32>
        %get3A_1276 = arith.index_cast %add3A_1266 : i32 to index
        %get3A_1277 = arith.constant 32 : index
        %get3A_1278 = tpu.vector_load %arg13[%get3A_1276, %get3A_1277] {strides = array<i32>} : memref<320x128xf32, #tpu.memory_space<vmem>>, vector<16xf32>,
        %mul3A_1279 = arith.mulf %get3A_1278, %get3A_419 : vector<16xf32>
        %add3A_1280 = arith.addf %add3A_1275, %mul3A_1279 : vector<16xf32>
        %get3A_1281 = arith.index_cast %add3A_1266 : i32 to index
        %get3A_1282 = arith.constant 48 : index
        %get3A_1283 = tpu.vector_load %arg13[%get3A_1281, %get3A_1282] {strides = array<i32>} : memref<320x128xf32, #tpu.memory_space<vmem>>, vector<16xf32>,
        %mul3A_1284 = arith.mulf %get3A_1283, %get3A_422 : vector<16xf32>
        %add3A_1285 = arith.addf %add3A_1280, %mul3A_1284 : vector<16xf32>
        %get3A_1286 = arith.index_cast %add3A_1266 : i32 to index
        %get3A_1287 = arith.constant 64 : index
        %get3A_1288 = tpu.vector_load %arg13[%get3A_1286, %get3A_1287] {strides = array<i32>} : memref<320x128xf32, #tpu.memory_space<vmem>>, vector<16xf32>,
        %mul3A_1289 = arith.mulf %get3A_1288, %get3A_425 : vector<16xf32>
        %add3A_1290 = arith.addf %add3A_1285, %mul3A_1289 : vector<16xf32>
        %get3A_1291 = arith.index_cast %add3A_1266 : i32 to index
        %get3A_1292 = arith.constant 80 : index
        %get3A_1293 = tpu.vector_load %arg13[%get3A_1291, %get3A_1292] {strides = array<i32>} : memref<320x128xf32, #tpu.memory_space<vmem>>, vector<16xf32>,
        %mul3A_1294 = arith.mulf %get3A_1293, %get3A_428 : vector<16xf32>
        %add3A_1295 = arith.addf %add3A_1290, %mul3A_1294 : vector<16xf32>
        %get3A_1296 = arith.index_cast %add3A_1266 : i32 to index
        %get3A_1297 = arith.constant 96 : index
        %get3A_1298 = tpu.vector_load %arg13[%get3A_1296, %get3A_1297] {strides = array<i32>} : memref<320x128xf32, #tpu.memory_space<vmem>>, vector<16xf32>,
        %mul3A_1299 = arith.mulf %get3A_1298, %get3A_431 : vector<16xf32>
        %add3A_1300 = arith.addf %add3A_1295, %mul3A_1299 : vector<16xf32>
        %get3A_1301 = arith.index_cast %add3A_1266 : i32 to index
        %get3A_1302 = arith.constant 112 : index
        %get3A_1303 = tpu.vector_load %arg13[%get3A_1301, %get3A_1302] {strides = array<i32>} : memref<320x128xf32, #tpu.memory_space<vmem>>, vector<16xf32>,
        %mul3A_1304 = arith.mulf %get3A_1303, %get3A_434 : vector<16xf32>
        %add3A_1305 = arith.addf %add3A_1300, %mul3A_1304 : vector<16xf32>
        %reduce_sum3A_1306 = arith.constant true
        %reduce_sum3A_1307 = vector.broadcast %reduce_sum3A_1306 : i1 to vector<16xi1>
        %reduce_sum3A_1308 = tpu.scan <sum>, %add3A_1305 masked %reduce_sum3A_1307 : vector<16xf32>, vector<16xi1> -> vector<16xf32>
        %reduce_sum3A_1309 = vector.extract %reduce_sum3A_1308[15] : f32 from vector<16xf32>
        %broadcast_in_dim3A_1310 = vector.broadcast %reduce_sum3A_1309 : f32 to vector<16xf32>
        %select_n3A_1311 = arith.select %eq3A, %broadcast_in_dim3A_1310, %scan3A_408 : vector<16xi1>, vector<16xf32>
        %mul3A_1312 = arith.constant 20 : i32
        %mul3A_1313 = arith.muli %scan3A_390, %mul3A_1312 : i32
        %add3A_1314 = arith.constant 17 : i32
        %add3A_1315 = arith.addi %mul3A_1313, %add3A_1314 : i32
        %get3A_1316 = arith.index_cast %add3A_1315 : i32 to index
        %get3A_1317 = arith.constant 0 : index
        %get3A_1318 = tpu.vector_load %arg13[%get3A_1316, %get3A_1317] {strides = array<i32>} : memref<320x128xf32, #tpu.memory_space<vmem>>, vector<16xf32>,
        %mul3A_1319 = arith.mulf %get3A_1318, %get3A_413 : vector<16xf32>
        %get3A_1320 = arith.index_cast %add3A_1315 : i32 to index
        %get3A_1321 = arith.constant 16 : index
        %get3A_1322 = tpu.vector_load %arg13[%get3A_1320, %get3A_1321] {strides = array<i32>} : memref<320x128xf32, #tpu.memory_space<vmem>>, vector<16xf32>,
        %mul3A_1323 = arith.mulf %get3A_1322, %get3A_416 : vector<16xf32>
        %add3A_1324 = arith.addf %mul3A_1319, %mul3A_1323 : vector<16xf32>
        %get3A_1325 = arith.index_cast %add3A_1315 : i32 to index
        %get3A_1326 = arith.constant 32 : index
        %get3A_1327 = tpu.vector_load %arg13[%get3A_1325, %get3A_1326] {strides = array<i32>} : memref<320x128xf32, #tpu.memory_space<vmem>>, vector<16xf32>,
        %mul3A_1328 = arith.mulf %get3A_1327, %get3A_419 : vector<16xf32>
        %add3A_1329 = arith.addf %add3A_1324, %mul3A_1328 : vector<16xf32>
        %get3A_1330 = arith.index_cast %add3A_1315 : i32 to index
        %get3A_1331 = arith.constant 48 : index
        %get3A_1332 = tpu.vector_load %arg13[%get3A_1330, %get3A_1331] {strides = array<i32>} : memref<320x128xf32, #tpu.memory_space<vmem>>, vector<16xf32>,
        %mul3A_1333 = arith.mulf %get3A_1332, %get3A_422 : vector<16xf32>
        %add3A_1334 = arith.addf %add3A_1329, %mul3A_1333 : vector<16xf32>
        %get3A_1335 = arith.index_cast %add3A_1315 : i32 to index
        %get3A_1336 = arith.constant 64 : index
        %get3A_1337 = tpu.vector_load %arg13[%get3A_1335, %get3A_1336] {strides = array<i32>} : memref<320x128xf32, #tpu.memory_space<vmem>>, vector<16xf32>,
        %mul3A_1338 = arith.mulf %get3A_1337, %get3A_425 : vector<16xf32>
        %add3A_1339 = arith.addf %add3A_1334, %mul3A_1338 : vector<16xf32>
        %get3A_1340 = arith.index_cast %add3A_1315 : i32 to index
        %get3A_1341 = arith.constant 80 : index
        %get3A_1342 = tpu.vector_load %arg13[%get3A_1340, %get3A_1341] {strides = array<i32>} : memref<320x128xf32, #tpu.memory_space<vmem>>, vector<16xf32>,
        %mul3A_1343 = arith.mulf %get3A_1342, %get3A_428 : vector<16xf32>
        %add3A_1344 = arith.addf %add3A_1339, %mul3A_1343 : vector<16xf32>
        %get3A_1345 = arith.index_cast %add3A_1315 : i32 to index
        %get3A_1346 = arith.constant 96 : index
        %get3A_1347 = tpu.vector_load %arg13[%get3A_1345, %get3A_1346] {strides = array<i32>} : memref<320x128xf32, #tpu.memory_space<vmem>>, vector<16xf32>,
        %mul3A_1348 = arith.mulf %get3A_1347, %get3A_431 : vector<16xf32>
        %add3A_1349 = arith.addf %add3A_1344, %mul3A_1348 : vector<16xf32>
        %get3A_1350 = arith.index_cast %add3A_1315 : i32 to index
        %get3A_1351 = arith.constant 112 : index
        %get3A_1352 = tpu.vector_load %arg13[%get3A_1350, %get3A_1351] {strides = array<i32>} : memref<320x128xf32, #tpu.memory_space<vmem>>, vector<16xf32>,
        %mul3A_1353 = arith.mulf %get3A_1352, %get3A_434 : vector<16xf32>
        %add3A_1354 = arith.addf %add3A_1349, %mul3A_1353 : vector<16xf32>
        %reduce_sum3A_1355 = arith.constant true
        %reduce_sum3A_1356 = vector.broadcast %reduce_sum3A_1355 : i1 to vector<16xi1>
        %reduce_sum3A_1357 = tpu.scan <sum>, %add3A_1354 masked %reduce_sum3A_1356 : vector<16xf32>, vector<16xi1> -> vector<16xf32>
        %reduce_sum3A_1358 = vector.extract %reduce_sum3A_1357[15] : f32 from vector<16xf32>
        %broadcast_in_dim3A_1359 = vector.broadcast %reduce_sum3A_1358 : f32 to vector<16xf32>
        %select_n3A_1360 = arith.select %eq3A, %broadcast_in_dim3A_1359, %scan3A_409 : vector<16xi1>, vector<16xf32>
        %mul3A_1361 = arith.constant 20 : i32
        %mul3A_1362 = arith.muli %scan3A_390, %mul3A_1361 : i32
        %add3A_1363 = arith.constant 18 : i32
        %add3A_1364 = arith.addi %mul3A_1362, %add3A_1363 : i32
        %get3A_1365 = arith.index_cast %add3A_1364 : i32 to index
        %get3A_1366 = arith.constant 0 : index
        %get3A_1367 = tpu.vector_load %arg13[%get3A_1365, %get3A_1366] {strides = array<i32>} : memref<320x128xf32, #tpu.memory_space<vmem>>, vector<16xf32>,
        %mul3A_1368 = arith.mulf %get3A_1367, %get3A_413 : vector<16xf32>
        %get3A_1369 = arith.index_cast %add3A_1364 : i32 to index
        %get3A_1370 = arith.constant 16 : index
        %get3A_1371 = tpu.vector_load %arg13[%get3A_1369, %get3A_1370] {strides = array<i32>} : memref<320x128xf32, #tpu.memory_space<vmem>>, vector<16xf32>,
        %mul3A_1372 = arith.mulf %get3A_1371, %get3A_416 : vector<16xf32>
        %add3A_1373 = arith.addf %mul3A_1368, %mul3A_1372 : vector<16xf32>
        %get3A_1374 = arith.index_cast %add3A_1364 : i32 to index
        %get3A_1375 = arith.constant 32 : index
        %get3A_1376 = tpu.vector_load %arg13[%get3A_1374, %get3A_1375] {strides = array<i32>} : memref<320x128xf32, #tpu.memory_space<vmem>>, vector<16xf32>,
        %mul3A_1377 = arith.mulf %get3A_1376, %get3A_419 : vector<16xf32>
        %add3A_1378 = arith.addf %add3A_1373, %mul3A_1377 : vector<16xf32>
        %get3A_1379 = arith.index_cast %add3A_1364 : i32 to index
        %get3A_1380 = arith.constant 48 : index
        %get3A_1381 = tpu.vector_load %arg13[%get3A_1379, %get3A_1380] {strides = array<i32>} : memref<320x128xf32, #tpu.memory_space<vmem>>, vector<16xf32>,
        %mul3A_1382 = arith.mulf %get3A_1381, %get3A_422 : vector<16xf32>
        %add3A_1383 = arith.addf %add3A_1378, %mul3A_1382 : vector<16xf32>
        %get3A_1384 = arith.index_cast %add3A_1364 : i32 to index
        %get3A_1385 = arith.constant 64 : index
        %get3A_1386 = tpu.vector_load %arg13[%get3A_1384, %get3A_1385] {strides = array<i32>} : memref<320x128xf32, #tpu.memory_space<vmem>>, vector<16xf32>,
        %mul3A_1387 = arith.mulf %get3A_1386, %get3A_425 : vector<16xf32>
        %add3A_1388 = arith.addf %add3A_1383, %mul3A_1387 : vector<16xf32>
        %get3A_1389 = arith.index_cast %add3A_1364 : i32 to index
        %get3A_1390 = arith.constant 80 : index
        %get3A_1391 = tpu.vector_load %arg13[%get3A_1389, %get3A_1390] {strides = array<i32>} : memref<320x128xf32, #tpu.memory_space<vmem>>, vector<16xf32>,
        %mul3A_1392 = arith.mulf %get3A_1391, %get3A_428 : vector<16xf32>
        %add3A_1393 = arith.addf %add3A_1388, %mul3A_1392 : vector<16xf32>
        %get3A_1394 = arith.index_cast %add3A_1364 : i32 to index
        %get3A_1395 = arith.constant 96 : index
        %get3A_1396 = tpu.vector_load %arg13[%get3A_1394, %get3A_1395] {strides = array<i32>} : memref<320x128xf32, #tpu.memory_space<vmem>>, vector<16xf32>,
        %mul3A_1397 = arith.mulf %get3A_1396, %get3A_431 : vector<16xf32>
        %add3A_1398 = arith.addf %add3A_1393, %mul3A_1397 : vector<16xf32>
        %get3A_1399 = arith.index_cast %add3A_1364 : i32 to index
        %get3A_1400 = arith.constant 112 : index
        %get3A_1401 = tpu.vector_load %arg13[%get3A_1399, %get3A_1400] {strides = array<i32>} : memref<320x128xf32, #tpu.memory_space<vmem>>, vector<16xf32>,
        %mul3A_1402 = arith.mulf %get3A_1401, %get3A_434 : vector<16xf32>
        %add3A_1403 = arith.addf %add3A_1398, %mul3A_1402 : vector<16xf32>
        %reduce_sum3A_1404 = arith.constant true
        %reduce_sum3A_1405 = vector.broadcast %reduce_sum3A_1404 : i1 to vector<16xi1>
        %reduce_sum3A_1406 = tpu.scan <sum>, %add3A_1403 masked %reduce_sum3A_1405 : vector<16xf32>, vector<16xi1> -> vector<16xf32>
        %reduce_sum3A_1407 = vector.extract %reduce_sum3A_1406[15] : f32 from vector<16xf32>
        %broadcast_in_dim3A_1408 = vector.broadcast %reduce_sum3A_1407 : f32 to vector<16xf32>
        %select_n3A_1409 = arith.select %eq3A, %broadcast_in_dim3A_1408, %scan3A_410 : vector<16xi1>, vector<16xf32>
        %mul3A_1410 = arith.constant 20 : i32
        %mul3A_1411 = arith.muli %scan3A_390, %mul3A_1410 : i32
        %add3A_1412 = arith.constant 19 : i32
        %add3A_1413 = arith.addi %mul3A_1411, %add3A_1412 : i32
        %get3A_1414 = arith.index_cast %add3A_1413 : i32 to index
        %get3A_1415 = arith.constant 0 : index
        %get3A_1416 = tpu.vector_load %arg13[%get3A_1414, %get3A_1415] {strides = array<i32>} : memref<320x128xf32, #tpu.memory_space<vmem>>, vector<16xf32>,
        %mul3A_1417 = arith.mulf %get3A_1416, %get3A_413 : vector<16xf32>
        %get3A_1418 = arith.index_cast %add3A_1413 : i32 to index
        %get3A_1419 = arith.constant 16 : index
        %get3A_1420 = tpu.vector_load %arg13[%get3A_1418, %get3A_1419] {strides = array<i32>} : memref<320x128xf32, #tpu.memory_space<vmem>>, vector<16xf32>,
        %mul3A_1421 = arith.mulf %get3A_1420, %get3A_416 : vector<16xf32>
        %add3A_1422 = arith.addf %mul3A_1417, %mul3A_1421 : vector<16xf32>
        %get3A_1423 = arith.index_cast %add3A_1413 : i32 to index
        %get3A_1424 = arith.constant 32 : index
        %get3A_1425 = tpu.vector_load %arg13[%get3A_1423, %get3A_1424] {strides = array<i32>} : memref<320x128xf32, #tpu.memory_space<vmem>>, vector<16xf32>,
        %mul3A_1426 = arith.mulf %get3A_1425, %get3A_419 : vector<16xf32>
        %add3A_1427 = arith.addf %add3A_1422, %mul3A_1426 : vector<16xf32>
        %get3A_1428 = arith.index_cast %add3A_1413 : i32 to index
        %get3A_1429 = arith.constant 48 : index
        %get3A_1430 = tpu.vector_load %arg13[%get3A_1428, %get3A_1429] {strides = array<i32>} : memref<320x128xf32, #tpu.memory_space<vmem>>, vector<16xf32>,
        %mul3A_1431 = arith.mulf %get3A_1430, %get3A_422 : vector<16xf32>
        %add3A_1432 = arith.addf %add3A_1427, %mul3A_1431 : vector<16xf32>
        %get3A_1433 = arith.index_cast %add3A_1413 : i32 to index
        %get3A_1434 = arith.constant 64 : index
        %get3A_1435 = tpu.vector_load %arg13[%get3A_1433, %get3A_1434] {strides = array<i32>} : memref<320x128xf32, #tpu.memory_space<vmem>>, vector<16xf32>,
        %mul3A_1436 = arith.mulf %get3A_1435, %get3A_425 : vector<16xf32>
        %add3A_1437 = arith.addf %add3A_1432, %mul3A_1436 : vector<16xf32>
        %get3A_1438 = arith.index_cast %add3A_1413 : i32 to index
        %get3A_1439 = arith.constant 80 : index
        %get3A_1440 = tpu.vector_load %arg13[%get3A_1438, %get3A_1439] {strides = array<i32>} : memref<320x128xf32, #tpu.memory_space<vmem>>, vector<16xf32>,
        %mul3A_1441 = arith.mulf %get3A_1440, %get3A_428 : vector<16xf32>
        %add3A_1442 = arith.addf %add3A_1437, %mul3A_1441 : vector<16xf32>
        %get3A_1443 = arith.index_cast %add3A_1413 : i32 to index
        %get3A_1444 = arith.constant 96 : index
        %get3A_1445 = tpu.vector_load %arg13[%get3A_1443, %get3A_1444] {strides = array<i32>} : memref<320x128xf32, #tpu.memory_space<vmem>>, vector<16xf32>,
        %mul3A_1446 = arith.mulf %get3A_1445, %get3A_431 : vector<16xf32>
        %add3A_1447 = arith.addf %add3A_1442, %mul3A_1446 : vector<16xf32>
        %get3A_1448 = arith.index_cast %add3A_1413 : i32 to index
        %get3A_1449 = arith.constant 112 : index
        %get3A_1450 = tpu.vector_load %arg13[%get3A_1448, %get3A_1449] {strides = array<i32>} : memref<320x128xf32, #tpu.memory_space<vmem>>, vector<16xf32>,
        %mul3A_1451 = arith.mulf %get3A_1450, %get3A_434 : vector<16xf32>
        %add3A_1452 = arith.addf %add3A_1447, %mul3A_1451 : vector<16xf32>
        %reduce_sum3A_1453 = arith.constant true
        %reduce_sum3A_1454 = vector.broadcast %reduce_sum3A_1453 : i1 to vector<16xi1>
        %reduce_sum3A_1455 = tpu.scan <sum>, %add3A_1452 masked %reduce_sum3A_1454 : vector<16xf32>, vector<16xi1> -> vector<16xf32>
        %reduce_sum3A_1456 = vector.extract %reduce_sum3A_1455[15] : f32 from vector<16xf32>
        %broadcast_in_dim3A_1457 = vector.broadcast %reduce_sum3A_1456 : f32 to vector<16xf32>
        %select_n3A_1458 = arith.select %eq3A, %broadcast_in_dim3A_1457, %scan3A_411 : vector<16xi1>, vector<16xf32>
        scf.yield %select_n3A, %select_n3A_527, %select_n3A_576, %select_n3A_625, %select_n3A_674, %select_n3A_723, %select_n3A_772, %select_n3A_821, %select_n3A_870, %select_n3A_919, %select_n3A_968, %select_n3A_1017, %select_n3A_1066, %select_n3A_1115, %select_n3A_1164, %select_n3A_1213, %select_n3A_1262, %select_n3A_1311, %select_n3A_1360, %select_n3A_1409, %select_n3A_1458 : vector<16xf32>, vector<16xf32>, vector<16xf32>, vector<16xf32>, vector<16xf32>, vector<16xf32>, vector<16xf32>, vector<16xf32>, vector<16xf32>, vector<16xf32>, vector<16xf32>, vector<16xf32>, vector<16xf32>, vector<16xf32>, vector<16xf32>, vector<16xf32>, vector<16xf32>, vector<16xf32>, vector<16xf32>, vector<16xf32>, vector<16xf32>
      }
      %scan3A_110 = arith.constant 16 : i32
      %mul3A_111 = arith.constant 16 : i32
      %mul3A_112 = arith.muli %mul3A_26, %mul3A_111 : i32
      %swap3A = arith.constant 0 : i32
      %swap3A_113 = arith.index_cast %swap3A : i32 to index
      %swap3A_114 = arith.index_cast %mul3A_112 : i32 to index
      %swap3A_115 = tpu.vector_load %arg17[%swap3A_113, %swap3A_114] {strides = array<i32>} : memref<24x512xf32, #tpu.memory_space<vmem>>, vector<16xf32>,
      tpu.vector_store %arg17[%swap3A_113, %swap3A_114], %scan3A_109#0 {strides = array<i32>} : memref<24x512xf32, #tpu.memory_space<vmem>>, vector<16xf32>,
      %swap3A_116 = arith.constant 1 : i32
      %swap3A_117 = arith.index_cast %swap3A_116 : i32 to index
      %swap3A_118 = arith.index_cast %mul3A_112 : i32 to index
      %swap3A_119 = tpu.vector_load %arg17[%swap3A_117, %swap3A_118] {strides = array<i32>} : memref<24x512xf32, #tpu.memory_space<vmem>>, vector<16xf32>,
      tpu.vector_store %arg17[%swap3A_117, %swap3A_118], %scan3A_109#1 {strides = array<i32>} : memref<24x512xf32, #tpu.memory_space<vmem>>, vector<16xf32>,
      %swap3A_120 = arith.constant 2 : i32
      %swap3A_121 = arith.index_cast %swap3A_120 : i32 to index
      %swap3A_122 = arith.index_cast %mul3A_112 : i32 to index
      %swap3A_123 = tpu.vector_load %arg17[%swap3A_121, %swap3A_122] {strides = array<i32>} : memref<24x512xf32, #tpu.memory_space<vmem>>, vector<16xf32>,
      tpu.vector_store %arg17[%swap3A_121, %swap3A_122], %scan3A_109#2 {strides = array<i32>} : memref<24x512xf32, #tpu.memory_space<vmem>>, vector<16xf32>,
      %swap3A_124 = arith.constant 3 : i32
      %swap3A_125 = arith.index_cast %swap3A_124 : i32 to index
      %swap3A_126 = arith.index_cast %mul3A_112 : i32 to index
      %swap3A_127 = tpu.vector_load %arg17[%swap3A_125, %swap3A_126] {strides = array<i32>} : memref<24x512xf32, #tpu.memory_space<vmem>>, vector<16xf32>,
      tpu.vector_store %arg17[%swap3A_125, %swap3A_126], %scan3A_109#3 {strides = array<i32>} : memref<24x512xf32, #tpu.memory_space<vmem>>, vector<16xf32>,
      %swap3A_128 = arith.constant 4 : i32
      %swap3A_129 = arith.index_cast %swap3A_128 : i32 to index
      %swap3A_130 = arith.index_cast %mul3A_112 : i32 to index
      %swap3A_131 = tpu.vector_load %arg17[%swap3A_129, %swap3A_130] {strides = array<i32>} : memref<24x512xf32, #tpu.memory_space<vmem>>, vector<16xf32>,
      tpu.vector_store %arg17[%swap3A_129, %swap3A_130], %scan3A_109#4 {strides = array<i32>} : memref<24x512xf32, #tpu.memory_space<vmem>>, vector<16xf32>,
      %swap3A_132 = arith.constant 5 : i32
      %swap3A_133 = arith.index_cast %swap3A_132 : i32 to index
      %swap3A_134 = arith.index_cast %mul3A_112 : i32 to index
      %swap3A_135 = tpu.vector_load %arg17[%swap3A_133, %swap3A_134] {strides = array<i32>} : memref<24x512xf32, #tpu.memory_space<vmem>>, vector<16xf32>,
      tpu.vector_store %arg17[%swap3A_133, %swap3A_134], %scan3A_109#5 {strides = array<i32>} : memref<24x512xf32, #tpu.memory_space<vmem>>, vector<16xf32>,
      %swap3A_136 = arith.constant 6 : i32
      %swap3A_137 = arith.index_cast %swap3A_136 : i32 to index
      %swap3A_138 = arith.index_cast %mul3A_112 : i32 to index
      %swap3A_139 = tpu.vector_load %arg17[%swap3A_137, %swap3A_138] {strides = array<i32>} : memref<24x512xf32, #tpu.memory_space<vmem>>, vector<16xf32>,
      tpu.vector_store %arg17[%swap3A_137, %swap3A_138], %scan3A_109#6 {strides = array<i32>} : memref<24x512xf32, #tpu.memory_space<vmem>>, vector<16xf32>,
      %swap3A_140 = arith.constant 7 : i32
      %swap3A_141 = arith.index_cast %swap3A_140 : i32 to index
      %swap3A_142 = arith.index_cast %mul3A_112 : i32 to index
      %swap3A_143 = tpu.vector_load %arg17[%swap3A_141, %swap3A_142] {strides = array<i32>} : memref<24x512xf32, #tpu.memory_space<vmem>>, vector<16xf32>,
      tpu.vector_store %arg17[%swap3A_141, %swap3A_142], %scan3A_109#7 {strides = array<i32>} : memref<24x512xf32, #tpu.memory_space<vmem>>, vector<16xf32>,
      %swap3A_144 = arith.constant 8 : i32
      %swap3A_145 = arith.index_cast %swap3A_144 : i32 to index
      %swap3A_146 = arith.index_cast %mul3A_112 : i32 to index
      %swap3A_147 = tpu.vector_load %arg17[%swap3A_145, %swap3A_146] {strides = array<i32>} : memref<24x512xf32, #tpu.memory_space<vmem>>, vector<16xf32>,
      tpu.vector_store %arg17[%swap3A_145, %swap3A_146], %scan3A_109#8 {strides = array<i32>} : memref<24x512xf32, #tpu.memory_space<vmem>>, vector<16xf32>,
      %swap3A_148 = arith.constant 9 : i32
      %swap3A_149 = arith.index_cast %swap3A_148 : i32 to index
      %swap3A_150 = arith.index_cast %mul3A_112 : i32 to index
      %swap3A_151 = tpu.vector_load %arg17[%swap3A_149, %swap3A_150] {strides = array<i32>} : memref<24x512xf32, #tpu.memory_space<vmem>>, vector<16xf32>,
      tpu.vector_store %arg17[%swap3A_149, %swap3A_150], %scan3A_109#9 {strides = array<i32>} : memref<24x512xf32, #tpu.memory_space<vmem>>, vector<16xf32>,
      %swap3A_152 = arith.constant 10 : i32
      %swap3A_153 = arith.index_cast %swap3A_152 : i32 to index
      %swap3A_154 = arith.index_cast %mul3A_112 : i32 to index
      %swap3A_155 = tpu.vector_load %arg17[%swap3A_153, %swap3A_154] {strides = array<i32>} : memref<24x512xf32, #tpu.memory_space<vmem>>, vector<16xf32>,
      tpu.vector_store %arg17[%swap3A_153, %swap3A_154], %scan3A_109#10 {strides = array<i32>} : memref<24x512xf32, #tpu.memory_space<vmem>>, vector<16xf32>,
      %swap3A_156 = arith.constant 11 : i32
      %swap3A_157 = arith.index_cast %swap3A_156 : i32 to index
      %swap3A_158 = arith.index_cast %mul3A_112 : i32 to index
      %swap3A_159 = tpu.vector_load %arg17[%swap3A_157, %swap3A_158] {strides = array<i32>} : memref<24x512xf32, #tpu.memory_space<vmem>>, vector<16xf32>,
      tpu.vector_store %arg17[%swap3A_157, %swap3A_158], %scan3A_109#11 {strides = array<i32>} : memref<24x512xf32, #tpu.memory_space<vmem>>, vector<16xf32>,
      %swap3A_160 = arith.constant 12 : i32
      %swap3A_161 = arith.index_cast %swap3A_160 : i32 to index
      %swap3A_162 = arith.index_cast %mul3A_112 : i32 to index
      %swap3A_163 = tpu.vector_load %arg17[%swap3A_161, %swap3A_162] {strides = array<i32>} : memref<24x512xf32, #tpu.memory_space<vmem>>, vector<16xf32>,
      tpu.vector_store %arg17[%swap3A_161, %swap3A_162], %scan3A_109#12 {strides = array<i32>} : memref<24x512xf32, #tpu.memory_space<vmem>>, vector<16xf32>,
      %swap3A_164 = arith.constant 13 : i32
      %swap3A_165 = arith.index_cast %swap3A_164 : i32 to index
      %swap3A_166 = arith.index_cast %mul3A_112 : i32 to index
      %swap3A_167 = tpu.vector_load %arg17[%swap3A_165, %swap3A_166] {strides = array<i32>} : memref<24x512xf32, #tpu.memory_space<vmem>>, vector<16xf32>,
      tpu.vector_store %arg17[%swap3A_165, %swap3A_166], %scan3A_109#13 {strides = array<i32>} : memref<24x512xf32, #tpu.memory_space<vmem>>, vector<16xf32>,
      %swap3A_168 = arith.constant 14 : i32
      %swap3A_169 = arith.index_cast %swap3A_168 : i32 to index
      %swap3A_170 = arith.index_cast %mul3A_112 : i32 to index
      %swap3A_171 = tpu.vector_load %arg17[%swap3A_169, %swap3A_170] {strides = array<i32>} : memref<24x512xf32, #tpu.memory_space<vmem>>, vector<16xf32>,
      tpu.vector_store %arg17[%swap3A_169, %swap3A_170], %scan3A_109#14 {strides = array<i32>} : memref<24x512xf32, #tpu.memory_space<vmem>>, vector<16xf32>,
      %swap3A_172 = arith.constant 15 : i32
      %swap3A_173 = arith.index_cast %swap3A_172 : i32 to index
      %swap3A_174 = arith.index_cast %mul3A_112 : i32 to index
      %swap3A_175 = tpu.vector_load %arg17[%swap3A_173, %swap3A_174] {strides = array<i32>} : memref<24x512xf32, #tpu.memory_space<vmem>>, vector<16xf32>,
      tpu.vector_store %arg17[%swap3A_173, %swap3A_174], %scan3A_109#15 {strides = array<i32>} : memref<24x512xf32, #tpu.memory_space<vmem>>, vector<16xf32>,
      %swap3A_176 = arith.constant 16 : i32
      %swap3A_177 = arith.index_cast %swap3A_176 : i32 to index
      %swap3A_178 = arith.index_cast %mul3A_112 : i32 to index
      %swap3A_179 = tpu.vector_load %arg17[%swap3A_177, %swap3A_178] {strides = array<i32>} : memref<24x512xf32, #tpu.memory_space<vmem>>, vector<16xf32>,
      tpu.vector_store %arg17[%swap3A_177, %swap3A_178], %scan3A_109#16 {strides = array<i32>} : memref<24x512xf32, #tpu.memory_space<vmem>>, vector<16xf32>,
      %swap3A_180 = arith.constant 17 : i32
      %swap3A_181 = arith.index_cast %swap3A_180 : i32 to index
      %swap3A_182 = arith.index_cast %mul3A_112 : i32 to index
      %swap3A_183 = tpu.vector_load %arg17[%swap3A_181, %swap3A_182] {strides = array<i32>} : memref<24x512xf32, #tpu.memory_space<vmem>>, vector<16xf32>,
      tpu.vector_store %arg17[%swap3A_181, %swap3A_182], %scan3A_109#17 {strides = array<i32>} : memref<24x512xf32, #tpu.memory_space<vmem>>, vector<16xf32>,
      %swap3A_184 = arith.constant 18 : i32
      %swap3A_185 = arith.index_cast %swap3A_184 : i32 to index
      %swap3A_186 = arith.index_cast %mul3A_112 : i32 to index
      %swap3A_187 = tpu.vector_load %arg17[%swap3A_185, %swap3A_186] {strides = array<i32>} : memref<24x512xf32, #tpu.memory_space<vmem>>, vector<16xf32>,
      tpu.vector_store %arg17[%swap3A_185, %swap3A_186], %scan3A_109#18 {strides = array<i32>} : memref<24x512xf32, #tpu.memory_space<vmem>>, vector<16xf32>,
      %swap3A_188 = arith.constant 19 : i32
      %swap3A_189 = arith.index_cast %swap3A_188 : i32 to index
      %swap3A_190 = arith.index_cast %mul3A_112 : i32 to index
      %swap3A_191 = tpu.vector_load %arg17[%swap3A_189, %swap3A_190] {strides = array<i32>} : memref<24x512xf32, #tpu.memory_space<vmem>>, vector<16xf32>,
      tpu.vector_store %arg17[%swap3A_189, %swap3A_190], %scan3A_109#19 {strides = array<i32>} : memref<24x512xf32, #tpu.memory_space<vmem>>, vector<16xf32>,
      %swap3A_192 = arith.constant 20 : i32
      %swap3A_193 = arith.index_cast %swap3A_192 : i32 to index
      %swap3A_194 = arith.index_cast %mul3A_112 : i32 to index
      %swap3A_195 = tpu.vector_load %arg17[%swap3A_193, %swap3A_194] {strides = array<i32>} : memref<24x512xf32, #tpu.memory_space<vmem>>, vector<16xf32>,
      tpu.vector_store %arg17[%swap3A_193, %swap3A_194], %scan3A_109#20 {strides = array<i32>} : memref<24x512xf32, #tpu.memory_space<vmem>>, vector<16xf32>,
      %broadcast_in_dim3A_196 = arith.constant 0.000000e+00 : f32
      %broadcast_in_dim3A_197 = vector.broadcast %broadcast_in_dim3A_196 : f32 to vector<16xf32>
      %swap3A_198 = arith.constant 21 : i32
      %swap3A_199 = arith.index_cast %swap3A_198 : i32 to index
      %swap3A_200 = arith.index_cast %mul3A_112 : i32 to index
      %swap3A_201 = tpu.vector_load %arg17[%swap3A_199, %swap3A_200] {strides = array<i32>} : memref<24x512xf32, #tpu.memory_space<vmem>>, vector<16xf32>,
      tpu.vector_store %arg17[%swap3A_199, %swap3A_200], %broadcast_in_dim3A_197 {strides = array<i32>} : memref<24x512xf32, #tpu.memory_space<vmem>>, vector<16xf32>,
      %broadcast_in_dim3A_202 = arith.constant 0.000000e+00 : f32
      %broadcast_in_dim3A_203 = vector.broadcast %broadcast_in_dim3A_202 : f32 to vector<16xf32>
      %swap3A_204 = arith.constant 22 : i32
      %swap3A_205 = arith.index_cast %swap3A_204 : i32 to index
      %swap3A_206 = arith.index_cast %mul3A_112 : i32 to index
      %swap3A_207 = tpu.vector_load %arg17[%swap3A_205, %swap3A_206] {strides = array<i32>} : memref<24x512xf32, #tpu.memory_space<vmem>>, vector<16xf32>,
      tpu.vector_store %arg17[%swap3A_205, %swap3A_206], %broadcast_in_dim3A_203 {strides = array<i32>} : memref<24x512xf32, #tpu.memory_space<vmem>>, vector<16xf32>,
      %broadcast_in_dim3A_208 = arith.constant 0.000000e+00 : f32
      %broadcast_in_dim3A_209 = vector.broadcast %broadcast_in_dim3A_208 : f32 to vector<16xf32>
      %swap3A_210 = arith.constant 23 : i32
      %swap3A_211 = arith.index_cast %swap3A_210 : i32 to index
      %swap3A_212 = arith.index_cast %mul3A_112 : i32 to index
      %swap3A_213 = tpu.vector_load %arg17[%swap3A_211, %swap3A_212] {strides = array<i32>} : memref<24x512xf32, #tpu.memory_space<vmem>>, vector<16xf32>,
      tpu.vector_store %arg17[%swap3A_211, %swap3A_212], %broadcast_in_dim3A_209 {strides = array<i32>} : memref<24x512xf32, #tpu.memory_space<vmem>>, vector<16xf32>,
      %lt3A = arith.constant 15 : i32
      %lt3A_214 = arith.cmpi slt, %scan3A_24, %lt3A : i32
      %convert_element_type3A = arith.extui %lt3A_214 : i1 to i32
      %cond3A = arith.constant 0 : i32
      %cond3A_215 = arith.cmpi ne, %convert_element_type3A, %cond3A : i32
      scf.if %cond3A_215 {
        %add3A_390 = arith.constant 2 : i32
        %add3A_391 = arith.addi %mul3A_26, %add3A_390 : i32
        %mul3A_392 = arith.constant 16 : i32
        %mul3A_393 = arith.muli %add3A_391, %mul3A_392 : i32
        %mul3A_394 = arith.constant 16 : i32
        %mul3A_395 = arith.muli %add3A_391, %mul3A_394 : i32
        %mul3A_396 = arith.constant 20 : i32
        %mul3A_397 = arith.muli %mul3A_395, %mul3A_396 : i32
        %dma_start3A_398 = tpu.memref_slice %arg8[%mul3A_393] : memref<512xi32, #tpu.memory_space<vmem>> -> memref<16xi32, #tpu.memory_space<vmem>>
        %dma_start3A_399 = arith.constant 0 : i32
        %dma_start3A_400 = arith.constant 0 : i32
        %dma_start3A_401 = tpu.memref_slice %arg5[%dma_start3A_399, %dma_start3A_400] : memref<100000x128xf32, #tpu.memory_space<hbm>> -> memref<100000x128xf32, #tpu.memory_space<hbm>>
        tpu.enqueue_indirect_dma source(%dma_start3A_401 : memref<100000x128xf32, #tpu.memory_space<hbm>>) target(%arg11 : memref<16x128xf32, #tpu.memory_space<vmem>>) offsets(%dma_start3A_398 : memref<16xi32, #tpu.memory_space<vmem>>) semaphore(%arg18 : memref<!tpu.dma_semaphore, #tpu.memory_space<semaphore_mem>>)
        %dma_start3A_402 = tpu.memref_slice %arg9[%mul3A_393] : memref<512xi32, #tpu.memory_space<vmem>> -> memref<16xi32, #tpu.memory_space<vmem>>
        %dma_start3A_403 = arith.constant 0 : i32
        %dma_start3A_404 = arith.constant 0 : i32
        %dma_start3A_405 = tpu.memref_slice %arg6[%dma_start3A_403, %dma_start3A_404] : memref<100000x128xf32, #tpu.memory_space<hbm>> -> memref<100000x128xf32, #tpu.memory_space<hbm>>
        tpu.enqueue_indirect_dma source(%dma_start3A_405 : memref<100000x128xf32, #tpu.memory_space<hbm>>) target(%arg12 : memref<16x128xf32, #tpu.memory_space<vmem>>) offsets(%dma_start3A_402 : memref<16xi32, #tpu.memory_space<vmem>>) semaphore(%arg18 : memref<!tpu.dma_semaphore, #tpu.memory_space<semaphore_mem>>)
        %dma_start3A_406 = tpu.memref_slice %arg10[%mul3A_397] : memref<10240xi32, #tpu.memory_space<vmem>> -> memref<320xi32, #tpu.memory_space<vmem>>
        %dma_start3A_407 = arith.constant 0 : i32
        %dma_start3A_408 = arith.constant 0 : i32
        %dma_start3A_409 = tpu.memref_slice %arg6[%dma_start3A_407, %dma_start3A_408] : memref<100000x128xf32, #tpu.memory_space<hbm>> -> memref<100000x128xf32, #tpu.memory_space<hbm>>
        tpu.enqueue_indirect_dma source(%dma_start3A_409 : memref<100000x128xf32, #tpu.memory_space<hbm>>) target(%arg13 : memref<320x128xf32, #tpu.memory_space<vmem>>) offsets(%dma_start3A_406 : memref<320xi32, #tpu.memory_space<vmem>>) semaphore(%arg18 : memref<!tpu.dma_semaphore, #tpu.memory_space<semaphore_mem>>)
      } else {
      }
      %add3A_216 = arith.constant 1 : i32
      %add3A_217 = arith.addi %mul3A_26, %add3A_216 : i32
      %mul3A_218 = arith.constant 16 : i32
      %mul3A_219 = arith.muli %add3A_217, %mul3A_218 : i32
      %mul3A_220 = arith.constant 16 : i32
      %mul3A_221 = arith.muli %add3A_217, %mul3A_220 : i32
      %mul3A_222 = arith.constant 20 : i32
      %mul3A_223 = arith.muli %mul3A_221, %mul3A_222 : i32
      %dma_wait3A_224 = tpu.memref_slice %arg8[%mul3A_219] : memref<512xi32, #tpu.memory_space<vmem>> -> memref<16xi32, #tpu.memory_space<vmem>>
      %dma_wait3A_225 = arith.constant 0 : i32
      %dma_wait3A_226 = arith.constant 0 : i32
      %dma_wait3A_227 = tpu.memref_slice %arg5[%dma_wait3A_225, %dma_wait3A_226] : memref<100000x128xf32, #tpu.memory_space<hbm>> -> memref<100000x128xf32, #tpu.memory_space<hbm>>
      tpu.wait_indirect_dma semaphore(%arg19 : memref<!tpu.dma_semaphore, #tpu.memory_space<semaphore_mem>>) src(%dma_wait3A_227 : memref<100000x128xf32, #tpu.memory_space<hbm>>) dst(%arg14 : memref<16x128xf32, #tpu.memory_space<vmem>>)
      %dma_wait3A_228 = tpu.memref_slice %arg9[%mul3A_219] : memref<512xi32, #tpu.memory_space<vmem>> -> memref<16xi32, #tpu.memory_space<vmem>>
      %dma_wait3A_229 = arith.constant 0 : i32
      %dma_wait3A_230 = arith.constant 0 : i32
      %dma_wait3A_231 = tpu.memref_slice %arg6[%dma_wait3A_229, %dma_wait3A_230] : memref<100000x128xf32, #tpu.memory_space<hbm>> -> memref<100000x128xf32, #tpu.memory_space<hbm>>
      tpu.wait_indirect_dma semaphore(%arg19 : memref<!tpu.dma_semaphore, #tpu.memory_space<semaphore_mem>>) src(%dma_wait3A_231 : memref<100000x128xf32, #tpu.memory_space<hbm>>) dst(%arg15 : memref<16x128xf32, #tpu.memory_space<vmem>>)
      %dma_wait3A_232 = tpu.memref_slice %arg10[%mul3A_223] : memref<10240xi32, #tpu.memory_space<vmem>> -> memref<320xi32, #tpu.memory_space<vmem>>
      %dma_wait3A_233 = arith.constant 0 : i32
      %dma_wait3A_234 = arith.constant 0 : i32
      %dma_wait3A_235 = tpu.memref_slice %arg6[%dma_wait3A_233, %dma_wait3A_234] : memref<100000x128xf32, #tpu.memory_space<hbm>> -> memref<100000x128xf32, #tpu.memory_space<hbm>>
      tpu.wait_indirect_dma semaphore(%arg19 : memref<!tpu.dma_semaphore, #tpu.memory_space<semaphore_mem>>) src(%dma_wait3A_235 : memref<100000x128xf32, #tpu.memory_space<hbm>>) dst(%arg16 : memref<320x128xf32, #tpu.memory_space<vmem>>)
      %add3A_236 = arith.constant 1 : i32
      %add3A_237 = arith.addi %mul3A_26, %add3A_236 : i32
      %broadcast_in_dim3A_238 = arith.constant 0.000000e+00 : f32
      %broadcast_in_dim3A_239 = vector.broadcast %broadcast_in_dim3A_238 : f32 to vector<16xf32>
      %broadcast_in_dim3A_240 = arith.constant 0.000000e+00 : f32
      %broadcast_in_dim3A_241 = vector.broadcast %broadcast_in_dim3A_240 : f32 to vector<16xf32>
      %broadcast_in_dim3A_242 = arith.constant 0.000000e+00 : f32
      %broadcast_in_dim3A_243 = vector.broadcast %broadcast_in_dim3A_242 : f32 to vector<16xf32>
      %broadcast_in_dim3A_244 = arith.constant 0.000000e+00 : f32
      %broadcast_in_dim3A_245 = vector.broadcast %broadcast_in_dim3A_244 : f32 to vector<16xf32>
      %broadcast_in_dim3A_246 = arith.constant 0.000000e+00 : f32
      %broadcast_in_dim3A_247 = vector.broadcast %broadcast_in_dim3A_246 : f32 to vector<16xf32>
      %broadcast_in_dim3A_248 = arith.constant 0.000000e+00 : f32
      %broadcast_in_dim3A_249 = vector.broadcast %broadcast_in_dim3A_248 : f32 to vector<16xf32>
      %broadcast_in_dim3A_250 = arith.constant 0.000000e+00 : f32
      %broadcast_in_dim3A_251 = vector.broadcast %broadcast_in_dim3A_250 : f32 to vector<16xf32>
      %broadcast_in_dim3A_252 = arith.constant 0.000000e+00 : f32
      %broadcast_in_dim3A_253 = vector.broadcast %broadcast_in_dim3A_252 : f32 to vector<16xf32>
      %broadcast_in_dim3A_254 = arith.constant 0.000000e+00 : f32
      %broadcast_in_dim3A_255 = vector.broadcast %broadcast_in_dim3A_254 : f32 to vector<16xf32>
      %broadcast_in_dim3A_256 = arith.constant 0.000000e+00 : f32
      %broadcast_in_dim3A_257 = vector.broadcast %broadcast_in_dim3A_256 : f32 to vector<16xf32>
      %broadcast_in_dim3A_258 = arith.constant 0.000000e+00 : f32
      %broadcast_in_dim3A_259 = vector.broadcast %broadcast_in_dim3A_258 : f32 to vector<16xf32>
      %broadcast_in_dim3A_260 = arith.constant 0.000000e+00 : f32
      %broadcast_in_dim3A_261 = vector.broadcast %broadcast_in_dim3A_260 : f32 to vector<16xf32>
      %broadcast_in_dim3A_262 = arith.constant 0.000000e+00 : f32
      %broadcast_in_dim3A_263 = vector.broadcast %broadcast_in_dim3A_262 : f32 to vector<16xf32>
      %broadcast_in_dim3A_264 = arith.constant 0.000000e+00 : f32
      %broadcast_in_dim3A_265 = vector.broadcast %broadcast_in_dim3A_264 : f32 to vector<16xf32>
      %broadcast_in_dim3A_266 = arith.constant 0.000000e+00 : f32
      %broadcast_in_dim3A_267 = vector.broadcast %broadcast_in_dim3A_266 : f32 to vector<16xf32>
      %broadcast_in_dim3A_268 = arith.constant 0.000000e+00 : f32
      %broadcast_in_dim3A_269 = vector.broadcast %broadcast_in_dim3A_268 : f32 to vector<16xf32>
      %broadcast_in_dim3A_270 = arith.constant 0.000000e+00 : f32
      %broadcast_in_dim3A_271 = vector.broadcast %broadcast_in_dim3A_270 : f32 to vector<16xf32>
      %broadcast_in_dim3A_272 = arith.constant 0.000000e+00 : f32
      %broadcast_in_dim3A_273 = vector.broadcast %broadcast_in_dim3A_272 : f32 to vector<16xf32>
      %broadcast_in_dim3A_274 = arith.constant 0.000000e+00 : f32
      %broadcast_in_dim3A_275 = vector.broadcast %broadcast_in_dim3A_274 : f32 to vector<16xf32>
      %broadcast_in_dim3A_276 = arith.constant 0.000000e+00 : f32
      %broadcast_in_dim3A_277 = vector.broadcast %broadcast_in_dim3A_276 : f32 to vector<16xf32>
      %broadcast_in_dim3A_278 = arith.constant 0.000000e+00 : f32
      %broadcast_in_dim3A_279 = vector.broadcast %broadcast_in_dim3A_278 : f32 to vector<16xf32>
      %scan3A_280 = arith.constant 0 : i32
      %scan3A_281 = arith.constant 16 : i32
      %scan3A_282 = arith.addi %scan3A_280, %scan3A_281 : i32
      %scan3A_283 = arith.constant 1 : i32
      %scan3A_284:21 = scf.for %scan3A_390 = %scan3A_280 to %scan3A_282 step %scan3A_283 iter_args(%scan3A_391 = %broadcast_in_dim3A_239, %scan3A_392 = %broadcast_in_dim3A_241, %scan3A_393 = %broadcast_in_dim3A_243, %scan3A_394 = %broadcast_in_dim3A_245, %scan3A_395 = %broadcast_in_dim3A_247, %scan3A_396 = %broadcast_in_dim3A_249, %scan3A_397 = %broadcast_in_dim3A_251, %scan3A_398 = %broadcast_in_dim3A_253, %scan3A_399 = %broadcast_in_dim3A_255, %scan3A_400 = %broadcast_in_dim3A_257, %scan3A_401 = %broadcast_in_dim3A_259, %scan3A_402 = %broadcast_in_dim3A_261, %scan3A_403 = %broadcast_in_dim3A_263, %scan3A_404 = %broadcast_in_dim3A_265, %scan3A_405 = %broadcast_in_dim3A_267, %scan3A_406 = %broadcast_in_dim3A_269, %scan3A_407 = %broadcast_in_dim3A_271, %scan3A_408 = %broadcast_in_dim3A_273, %scan3A_409 = %broadcast_in_dim3A_275, %scan3A_410 = %broadcast_in_dim3A_277, %scan3A_411 = %broadcast_in_dim3A_279) -> (vector<16xf32>, vector<16xf32>, vector<16xf32>, vector<16xf32>, vector<16xf32>, vector<16xf32>, vector<16xf32>, vector<16xf32>, vector<16xf32>, vector<16xf32>, vector<16xf32>, vector<16xf32>, vector<16xf32>, vector<16xf32>, vector<16xf32>, vector<16xf32>, vector<16xf32>, vector<16xf32>, vector<16xf32>, vector<16xf32>, vector<16xf32>)  : i32 {
        %get3A = arith.index_cast %scan3A_390 : i32 to index
        %get3A_412 = arith.constant 0 : index
        %get3A_413 = tpu.vector_load %arg14[%get3A, %get3A_412] {strides = array<i32>} : memref<16x128xf32, #tpu.memory_space<vmem>>, vector<16xf32>,
        %get3A_414 = arith.index_cast %scan3A_390 : i32 to index
        %get3A_415 = arith.constant 16 : index
        %get3A_416 = tpu.vector_load %arg14[%get3A_414, %get3A_415] {strides = array<i32>} : memref<16x128xf32, #tpu.memory_space<vmem>>, vector<16xf32>,
        %get3A_417 = arith.index_cast %scan3A_390 : i32 to index
        %get3A_418 = arith.constant 32 : index
        %get3A_419 = tpu.vector_load %arg14[%get3A_417, %get3A_418] {strides = array<i32>} : memref<16x128xf32, #tpu.memory_space<vmem>>, vector<16xf32>,
        %get3A_420 = arith.index_cast %scan3A_390 : i32 to index
        %get3A_421 = arith.constant 48 : index
        %get3A_422 = tpu.vector_load %arg14[%get3A_420, %get3A_421] {strides = array<i32>} : memref<16x128xf32, #tpu.memory_space<vmem>>, vector<16xf32>,
        %get3A_423 = arith.index_cast %scan3A_390 : i32 to index
        %get3A_424 = arith.constant 64 : index
        %get3A_425 = tpu.vector_load %arg14[%get3A_423, %get3A_424] {strides = array<i32>} : memref<16x128xf32, #tpu.memory_space<vmem>>, vector<16xf32>,
        %get3A_426 = arith.index_cast %scan3A_390 : i32 to index
        %get3A_427 = arith.constant 80 : index
        %get3A_428 = tpu.vector_load %arg14[%get3A_426, %get3A_427] {strides = array<i32>} : memref<16x128xf32, #tpu.memory_space<vmem>>, vector<16xf32>,
        %get3A_429 = arith.index_cast %scan3A_390 : i32 to index
        %get3A_430 = arith.constant 96 : index
        %get3A_431 = tpu.vector_load %arg14[%get3A_429, %get3A_430] {strides = array<i32>} : memref<16x128xf32, #tpu.memory_space<vmem>>, vector<16xf32>,
        %get3A_432 = arith.index_cast %scan3A_390 : i32 to index
        %get3A_433 = arith.constant 112 : index
        %get3A_434 = tpu.vector_load %arg14[%get3A_432, %get3A_433] {strides = array<i32>} : memref<16x128xf32, #tpu.memory_space<vmem>>, vector<16xf32>,
        %broadcast_in_dim3A_435 = vector.broadcast %scan3A_390 : i32 to vector<16xi32>
        %eq3A = arith.cmpi eq, %iota3A, %broadcast_in_dim3A_435 : vector<16xi32>
        %get3A_436 = arith.index_cast %scan3A_390 : i32 to index
        %get3A_437 = arith.constant 0 : index
        %get3A_438 = tpu.vector_load %arg15[%get3A_436, %get3A_437] {strides = array<i32>} : memref<16x128xf32, #tpu.memory_space<vmem>>, vector<16xf32>,
        %mul3A_439 = arith.mulf %get3A_438, %get3A_413 : vector<16xf32>
        %get3A_440 = arith.index_cast %scan3A_390 : i32 to index
        %get3A_441 = arith.constant 16 : index
        %get3A_442 = tpu.vector_load %arg15[%get3A_440, %get3A_441] {strides = array<i32>} : memref<16x128xf32, #tpu.memory_space<vmem>>, vector<16xf32>,
        %mul3A_443 = arith.mulf %get3A_442, %get3A_416 : vector<16xf32>
        %add3A_444 = arith.addf %mul3A_439, %mul3A_443 : vector<16xf32>
        %get3A_445 = arith.index_cast %scan3A_390 : i32 to index
        %get3A_446 = arith.constant 32 : index
        %get3A_447 = tpu.vector_load %arg15[%get3A_445, %get3A_446] {strides = array<i32>} : memref<16x128xf32, #tpu.memory_space<vmem>>, vector<16xf32>,
        %mul3A_448 = arith.mulf %get3A_447, %get3A_419 : vector<16xf32>
        %add3A_449 = arith.addf %add3A_444, %mul3A_448 : vector<16xf32>
        %get3A_450 = arith.index_cast %scan3A_390 : i32 to index
        %get3A_451 = arith.constant 48 : index
        %get3A_452 = tpu.vector_load %arg15[%get3A_450, %get3A_451] {strides = array<i32>} : memref<16x128xf32, #tpu.memory_space<vmem>>, vector<16xf32>,
        %mul3A_453 = arith.mulf %get3A_452, %get3A_422 : vector<16xf32>
        %add3A_454 = arith.addf %add3A_449, %mul3A_453 : vector<16xf32>
        %get3A_455 = arith.index_cast %scan3A_390 : i32 to index
        %get3A_456 = arith.constant 64 : index
        %get3A_457 = tpu.vector_load %arg15[%get3A_455, %get3A_456] {strides = array<i32>} : memref<16x128xf32, #tpu.memory_space<vmem>>, vector<16xf32>,
        %mul3A_458 = arith.mulf %get3A_457, %get3A_425 : vector<16xf32>
        %add3A_459 = arith.addf %add3A_454, %mul3A_458 : vector<16xf32>
        %get3A_460 = arith.index_cast %scan3A_390 : i32 to index
        %get3A_461 = arith.constant 80 : index
        %get3A_462 = tpu.vector_load %arg15[%get3A_460, %get3A_461] {strides = array<i32>} : memref<16x128xf32, #tpu.memory_space<vmem>>, vector<16xf32>,
        %mul3A_463 = arith.mulf %get3A_462, %get3A_428 : vector<16xf32>
        %add3A_464 = arith.addf %add3A_459, %mul3A_463 : vector<16xf32>
        %get3A_465 = arith.index_cast %scan3A_390 : i32 to index
        %get3A_466 = arith.constant 96 : index
        %get3A_467 = tpu.vector_load %arg15[%get3A_465, %get3A_466] {strides = array<i32>} : memref<16x128xf32, #tpu.memory_space<vmem>>, vector<16xf32>,
        %mul3A_468 = arith.mulf %get3A_467, %get3A_431 : vector<16xf32>
        %add3A_469 = arith.addf %add3A_464, %mul3A_468 : vector<16xf32>
        %get3A_470 = arith.index_cast %scan3A_390 : i32 to index
        %get3A_471 = arith.constant 112 : index
        %get3A_472 = tpu.vector_load %arg15[%get3A_470, %get3A_471] {strides = array<i32>} : memref<16x128xf32, #tpu.memory_space<vmem>>, vector<16xf32>,
        %mul3A_473 = arith.mulf %get3A_472, %get3A_434 : vector<16xf32>
        %add3A_474 = arith.addf %add3A_469, %mul3A_473 : vector<16xf32>
        %reduce_sum3A = arith.constant true
        %reduce_sum3A_475 = vector.broadcast %reduce_sum3A : i1 to vector<16xi1>
        %reduce_sum3A_476 = tpu.scan <sum>, %add3A_474 masked %reduce_sum3A_475 : vector<16xf32>, vector<16xi1> -> vector<16xf32>
        %reduce_sum3A_477 = vector.extract %reduce_sum3A_476[15] : f32 from vector<16xf32>
        %broadcast_in_dim3A_478 = vector.broadcast %reduce_sum3A_477 : f32 to vector<16xf32>
        %select_n3A = arith.select %eq3A, %broadcast_in_dim3A_478, %scan3A_391 : vector<16xi1>, vector<16xf32>
        %mul3A_479 = arith.constant 20 : i32
        %mul3A_480 = arith.muli %scan3A_390, %mul3A_479 : i32
        %add3A_481 = arith.constant 0 : i32
        %add3A_482 = arith.addi %mul3A_480, %add3A_481 : i32
        %get3A_483 = arith.index_cast %add3A_482 : i32 to index
        %get3A_484 = arith.constant 0 : index
        %get3A_485 = tpu.vector_load %arg16[%get3A_483, %get3A_484] {strides = array<i32>} : memref<320x128xf32, #tpu.memory_space<vmem>>, vector<16xf32>,
        %mul3A_486 = arith.mulf %get3A_485, %get3A_413 : vector<16xf32>
        %get3A_487 = arith.index_cast %add3A_482 : i32 to index
        %get3A_488 = arith.constant 16 : index
        %get3A_489 = tpu.vector_load %arg16[%get3A_487, %get3A_488] {strides = array<i32>} : memref<320x128xf32, #tpu.memory_space<vmem>>, vector<16xf32>,
        %mul3A_490 = arith.mulf %get3A_489, %get3A_416 : vector<16xf32>
        %add3A_491 = arith.addf %mul3A_486, %mul3A_490 : vector<16xf32>
        %get3A_492 = arith.index_cast %add3A_482 : i32 to index
        %get3A_493 = arith.constant 32 : index
        %get3A_494 = tpu.vector_load %arg16[%get3A_492, %get3A_493] {strides = array<i32>} : memref<320x128xf32, #tpu.memory_space<vmem>>, vector<16xf32>,
        %mul3A_495 = arith.mulf %get3A_494, %get3A_419 : vector<16xf32>
        %add3A_496 = arith.addf %add3A_491, %mul3A_495 : vector<16xf32>
        %get3A_497 = arith.index_cast %add3A_482 : i32 to index
        %get3A_498 = arith.constant 48 : index
        %get3A_499 = tpu.vector_load %arg16[%get3A_497, %get3A_498] {strides = array<i32>} : memref<320x128xf32, #tpu.memory_space<vmem>>, vector<16xf32>,
        %mul3A_500 = arith.mulf %get3A_499, %get3A_422 : vector<16xf32>
        %add3A_501 = arith.addf %add3A_496, %mul3A_500 : vector<16xf32>
        %get3A_502 = arith.index_cast %add3A_482 : i32 to index
        %get3A_503 = arith.constant 64 : index
        %get3A_504 = tpu.vector_load %arg16[%get3A_502, %get3A_503] {strides = array<i32>} : memref<320x128xf32, #tpu.memory_space<vmem>>, vector<16xf32>,
        %mul3A_505 = arith.mulf %get3A_504, %get3A_425 : vector<16xf32>
        %add3A_506 = arith.addf %add3A_501, %mul3A_505 : vector<16xf32>
        %get3A_507 = arith.index_cast %add3A_482 : i32 to index
        %get3A_508 = arith.constant 80 : index
        %get3A_509 = tpu.vector_load %arg16[%get3A_507, %get3A_508] {strides = array<i32>} : memref<320x128xf32, #tpu.memory_space<vmem>>, vector<16xf32>,
        %mul3A_510 = arith.mulf %get3A_509, %get3A_428 : vector<16xf32>
        %add3A_511 = arith.addf %add3A_506, %mul3A_510 : vector<16xf32>
        %get3A_512 = arith.index_cast %add3A_482 : i32 to index
        %get3A_513 = arith.constant 96 : index
        %get3A_514 = tpu.vector_load %arg16[%get3A_512, %get3A_513] {strides = array<i32>} : memref<320x128xf32, #tpu.memory_space<vmem>>, vector<16xf32>,
        %mul3A_515 = arith.mulf %get3A_514, %get3A_431 : vector<16xf32>
        %add3A_516 = arith.addf %add3A_511, %mul3A_515 : vector<16xf32>
        %get3A_517 = arith.index_cast %add3A_482 : i32 to index
        %get3A_518 = arith.constant 112 : index
        %get3A_519 = tpu.vector_load %arg16[%get3A_517, %get3A_518] {strides = array<i32>} : memref<320x128xf32, #tpu.memory_space<vmem>>, vector<16xf32>,
        %mul3A_520 = arith.mulf %get3A_519, %get3A_434 : vector<16xf32>
        %add3A_521 = arith.addf %add3A_516, %mul3A_520 : vector<16xf32>
        %reduce_sum3A_522 = arith.constant true
        %reduce_sum3A_523 = vector.broadcast %reduce_sum3A_522 : i1 to vector<16xi1>
        %reduce_sum3A_524 = tpu.scan <sum>, %add3A_521 masked %reduce_sum3A_523 : vector<16xf32>, vector<16xi1> -> vector<16xf32>
        %reduce_sum3A_525 = vector.extract %reduce_sum3A_524[15] : f32 from vector<16xf32>
        %broadcast_in_dim3A_526 = vector.broadcast %reduce_sum3A_525 : f32 to vector<16xf32>
        %select_n3A_527 = arith.select %eq3A, %broadcast_in_dim3A_526, %scan3A_392 : vector<16xi1>, vector<16xf32>
        %mul3A_528 = arith.constant 20 : i32
        %mul3A_529 = arith.muli %scan3A_390, %mul3A_528 : i32
        %add3A_530 = arith.constant 1 : i32
        %add3A_531 = arith.addi %mul3A_529, %add3A_530 : i32
        %get3A_532 = arith.index_cast %add3A_531 : i32 to index
        %get3A_533 = arith.constant 0 : index
        %get3A_534 = tpu.vector_load %arg16[%get3A_532, %get3A_533] {strides = array<i32>} : memref<320x128xf32, #tpu.memory_space<vmem>>, vector<16xf32>,
        %mul3A_535 = arith.mulf %get3A_534, %get3A_413 : vector<16xf32>
        %get3A_536 = arith.index_cast %add3A_531 : i32 to index
        %get3A_537 = arith.constant 16 : index
        %get3A_538 = tpu.vector_load %arg16[%get3A_536, %get3A_537] {strides = array<i32>} : memref<320x128xf32, #tpu.memory_space<vmem>>, vector<16xf32>,
        %mul3A_539 = arith.mulf %get3A_538, %get3A_416 : vector<16xf32>
        %add3A_540 = arith.addf %mul3A_535, %mul3A_539 : vector<16xf32>
        %get3A_541 = arith.index_cast %add3A_531 : i32 to index
        %get3A_542 = arith.constant 32 : index
        %get3A_543 = tpu.vector_load %arg16[%get3A_541, %get3A_542] {strides = array<i32>} : memref<320x128xf32, #tpu.memory_space<vmem>>, vector<16xf32>,
        %mul3A_544 = arith.mulf %get3A_543, %get3A_419 : vector<16xf32>
        %add3A_545 = arith.addf %add3A_540, %mul3A_544 : vector<16xf32>
        %get3A_546 = arith.index_cast %add3A_531 : i32 to index
        %get3A_547 = arith.constant 48 : index
        %get3A_548 = tpu.vector_load %arg16[%get3A_546, %get3A_547] {strides = array<i32>} : memref<320x128xf32, #tpu.memory_space<vmem>>, vector<16xf32>,
        %mul3A_549 = arith.mulf %get3A_548, %get3A_422 : vector<16xf32>
        %add3A_550 = arith.addf %add3A_545, %mul3A_549 : vector<16xf32>
        %get3A_551 = arith.index_cast %add3A_531 : i32 to index
        %get3A_552 = arith.constant 64 : index
        %get3A_553 = tpu.vector_load %arg16[%get3A_551, %get3A_552] {strides = array<i32>} : memref<320x128xf32, #tpu.memory_space<vmem>>, vector<16xf32>,
        %mul3A_554 = arith.mulf %get3A_553, %get3A_425 : vector<16xf32>
        %add3A_555 = arith.addf %add3A_550, %mul3A_554 : vector<16xf32>
        %get3A_556 = arith.index_cast %add3A_531 : i32 to index
        %get3A_557 = arith.constant 80 : index
        %get3A_558 = tpu.vector_load %arg16[%get3A_556, %get3A_557] {strides = array<i32>} : memref<320x128xf32, #tpu.memory_space<vmem>>, vector<16xf32>,
        %mul3A_559 = arith.mulf %get3A_558, %get3A_428 : vector<16xf32>
        %add3A_560 = arith.addf %add3A_555, %mul3A_559 : vector<16xf32>
        %get3A_561 = arith.index_cast %add3A_531 : i32 to index
        %get3A_562 = arith.constant 96 : index
        %get3A_563 = tpu.vector_load %arg16[%get3A_561, %get3A_562] {strides = array<i32>} : memref<320x128xf32, #tpu.memory_space<vmem>>, vector<16xf32>,
        %mul3A_564 = arith.mulf %get3A_563, %get3A_431 : vector<16xf32>
        %add3A_565 = arith.addf %add3A_560, %mul3A_564 : vector<16xf32>
        %get3A_566 = arith.index_cast %add3A_531 : i32 to index
        %get3A_567 = arith.constant 112 : index
        %get3A_568 = tpu.vector_load %arg16[%get3A_566, %get3A_567] {strides = array<i32>} : memref<320x128xf32, #tpu.memory_space<vmem>>, vector<16xf32>,
        %mul3A_569 = arith.mulf %get3A_568, %get3A_434 : vector<16xf32>
        %add3A_570 = arith.addf %add3A_565, %mul3A_569 : vector<16xf32>
        %reduce_sum3A_571 = arith.constant true
        %reduce_sum3A_572 = vector.broadcast %reduce_sum3A_571 : i1 to vector<16xi1>
        %reduce_sum3A_573 = tpu.scan <sum>, %add3A_570 masked %reduce_sum3A_572 : vector<16xf32>, vector<16xi1> -> vector<16xf32>
        %reduce_sum3A_574 = vector.extract %reduce_sum3A_573[15] : f32 from vector<16xf32>
        %broadcast_in_dim3A_575 = vector.broadcast %reduce_sum3A_574 : f32 to vector<16xf32>
        %select_n3A_576 = arith.select %eq3A, %broadcast_in_dim3A_575, %scan3A_393 : vector<16xi1>, vector<16xf32>
        %mul3A_577 = arith.constant 20 : i32
        %mul3A_578 = arith.muli %scan3A_390, %mul3A_577 : i32
        %add3A_579 = arith.constant 2 : i32
        %add3A_580 = arith.addi %mul3A_578, %add3A_579 : i32
        %get3A_581 = arith.index_cast %add3A_580 : i32 to index
        %get3A_582 = arith.constant 0 : index
        %get3A_583 = tpu.vector_load %arg16[%get3A_581, %get3A_582] {strides = array<i32>} : memref<320x128xf32, #tpu.memory_space<vmem>>, vector<16xf32>,
        %mul3A_584 = arith.mulf %get3A_583, %get3A_413 : vector<16xf32>
        %get3A_585 = arith.index_cast %add3A_580 : i32 to index
        %get3A_586 = arith.constant 16 : index
        %get3A_587 = tpu.vector_load %arg16[%get3A_585, %get3A_586] {strides = array<i32>} : memref<320x128xf32, #tpu.memory_space<vmem>>, vector<16xf32>,
        %mul3A_588 = arith.mulf %get3A_587, %get3A_416 : vector<16xf32>
        %add3A_589 = arith.addf %mul3A_584, %mul3A_588 : vector<16xf32>
        %get3A_590 = arith.index_cast %add3A_580 : i32 to index
        %get3A_591 = arith.constant 32 : index
        %get3A_592 = tpu.vector_load %arg16[%get3A_590, %get3A_591] {strides = array<i32>} : memref<320x128xf32, #tpu.memory_space<vmem>>, vector<16xf32>,
        %mul3A_593 = arith.mulf %get3A_592, %get3A_419 : vector<16xf32>
        %add3A_594 = arith.addf %add3A_589, %mul3A_593 : vector<16xf32>
        %get3A_595 = arith.index_cast %add3A_580 : i32 to index
        %get3A_596 = arith.constant 48 : index
        %get3A_597 = tpu.vector_load %arg16[%get3A_595, %get3A_596] {strides = array<i32>} : memref<320x128xf32, #tpu.memory_space<vmem>>, vector<16xf32>,
        %mul3A_598 = arith.mulf %get3A_597, %get3A_422 : vector<16xf32>
        %add3A_599 = arith.addf %add3A_594, %mul3A_598 : vector<16xf32>
        %get3A_600 = arith.index_cast %add3A_580 : i32 to index
        %get3A_601 = arith.constant 64 : index
        %get3A_602 = tpu.vector_load %arg16[%get3A_600, %get3A_601] {strides = array<i32>} : memref<320x128xf32, #tpu.memory_space<vmem>>, vector<16xf32>,
        %mul3A_603 = arith.mulf %get3A_602, %get3A_425 : vector<16xf32>
        %add3A_604 = arith.addf %add3A_599, %mul3A_603 : vector<16xf32>
        %get3A_605 = arith.index_cast %add3A_580 : i32 to index
        %get3A_606 = arith.constant 80 : index
        %get3A_607 = tpu.vector_load %arg16[%get3A_605, %get3A_606] {strides = array<i32>} : memref<320x128xf32, #tpu.memory_space<vmem>>, vector<16xf32>,
        %mul3A_608 = arith.mulf %get3A_607, %get3A_428 : vector<16xf32>
        %add3A_609 = arith.addf %add3A_604, %mul3A_608 : vector<16xf32>
        %get3A_610 = arith.index_cast %add3A_580 : i32 to index
        %get3A_611 = arith.constant 96 : index
        %get3A_612 = tpu.vector_load %arg16[%get3A_610, %get3A_611] {strides = array<i32>} : memref<320x128xf32, #tpu.memory_space<vmem>>, vector<16xf32>,
        %mul3A_613 = arith.mulf %get3A_612, %get3A_431 : vector<16xf32>
        %add3A_614 = arith.addf %add3A_609, %mul3A_613 : vector<16xf32>
        %get3A_615 = arith.index_cast %add3A_580 : i32 to index
        %get3A_616 = arith.constant 112 : index
        %get3A_617 = tpu.vector_load %arg16[%get3A_615, %get3A_616] {strides = array<i32>} : memref<320x128xf32, #tpu.memory_space<vmem>>, vector<16xf32>,
        %mul3A_618 = arith.mulf %get3A_617, %get3A_434 : vector<16xf32>
        %add3A_619 = arith.addf %add3A_614, %mul3A_618 : vector<16xf32>
        %reduce_sum3A_620 = arith.constant true
        %reduce_sum3A_621 = vector.broadcast %reduce_sum3A_620 : i1 to vector<16xi1>
        %reduce_sum3A_622 = tpu.scan <sum>, %add3A_619 masked %reduce_sum3A_621 : vector<16xf32>, vector<16xi1> -> vector<16xf32>
        %reduce_sum3A_623 = vector.extract %reduce_sum3A_622[15] : f32 from vector<16xf32>
        %broadcast_in_dim3A_624 = vector.broadcast %reduce_sum3A_623 : f32 to vector<16xf32>
        %select_n3A_625 = arith.select %eq3A, %broadcast_in_dim3A_624, %scan3A_394 : vector<16xi1>, vector<16xf32>
        %mul3A_626 = arith.constant 20 : i32
        %mul3A_627 = arith.muli %scan3A_390, %mul3A_626 : i32
        %add3A_628 = arith.constant 3 : i32
        %add3A_629 = arith.addi %mul3A_627, %add3A_628 : i32
        %get3A_630 = arith.index_cast %add3A_629 : i32 to index
        %get3A_631 = arith.constant 0 : index
        %get3A_632 = tpu.vector_load %arg16[%get3A_630, %get3A_631] {strides = array<i32>} : memref<320x128xf32, #tpu.memory_space<vmem>>, vector<16xf32>,
        %mul3A_633 = arith.mulf %get3A_632, %get3A_413 : vector<16xf32>
        %get3A_634 = arith.index_cast %add3A_629 : i32 to index
        %get3A_635 = arith.constant 16 : index
        %get3A_636 = tpu.vector_load %arg16[%get3A_634, %get3A_635] {strides = array<i32>} : memref<320x128xf32, #tpu.memory_space<vmem>>, vector<16xf32>,
        %mul3A_637 = arith.mulf %get3A_636, %get3A_416 : vector<16xf32>
        %add3A_638 = arith.addf %mul3A_633, %mul3A_637 : vector<16xf32>
        %get3A_639 = arith.index_cast %add3A_629 : i32 to index
        %get3A_640 = arith.constant 32 : index
        %get3A_641 = tpu.vector_load %arg16[%get3A_639, %get3A_640] {strides = array<i32>} : memref<320x128xf32, #tpu.memory_space<vmem>>, vector<16xf32>,
        %mul3A_642 = arith.mulf %get3A_641, %get3A_419 : vector<16xf32>
        %add3A_643 = arith.addf %add3A_638, %mul3A_642 : vector<16xf32>
        %get3A_644 = arith.index_cast %add3A_629 : i32 to index
        %get3A_645 = arith.constant 48 : index
        %get3A_646 = tpu.vector_load %arg16[%get3A_644, %get3A_645] {strides = array<i32>} : memref<320x128xf32, #tpu.memory_space<vmem>>, vector<16xf32>,
        %mul3A_647 = arith.mulf %get3A_646, %get3A_422 : vector<16xf32>
        %add3A_648 = arith.addf %add3A_643, %mul3A_647 : vector<16xf32>
        %get3A_649 = arith.index_cast %add3A_629 : i32 to index
        %get3A_650 = arith.constant 64 : index
        %get3A_651 = tpu.vector_load %arg16[%get3A_649, %get3A_650] {strides = array<i32>} : memref<320x128xf32, #tpu.memory_space<vmem>>, vector<16xf32>,
        %mul3A_652 = arith.mulf %get3A_651, %get3A_425 : vector<16xf32>
        %add3A_653 = arith.addf %add3A_648, %mul3A_652 : vector<16xf32>
        %get3A_654 = arith.index_cast %add3A_629 : i32 to index
        %get3A_655 = arith.constant 80 : index
        %get3A_656 = tpu.vector_load %arg16[%get3A_654, %get3A_655] {strides = array<i32>} : memref<320x128xf32, #tpu.memory_space<vmem>>, vector<16xf32>,
        %mul3A_657 = arith.mulf %get3A_656, %get3A_428 : vector<16xf32>
        %add3A_658 = arith.addf %add3A_653, %mul3A_657 : vector<16xf32>
        %get3A_659 = arith.index_cast %add3A_629 : i32 to index
        %get3A_660 = arith.constant 96 : index
        %get3A_661 = tpu.vector_load %arg16[%get3A_659, %get3A_660] {strides = array<i32>} : memref<320x128xf32, #tpu.memory_space<vmem>>, vector<16xf32>,
        %mul3A_662 = arith.mulf %get3A_661, %get3A_431 : vector<16xf32>
        %add3A_663 = arith.addf %add3A_658, %mul3A_662 : vector<16xf32>
        %get3A_664 = arith.index_cast %add3A_629 : i32 to index
        %get3A_665 = arith.constant 112 : index
        %get3A_666 = tpu.vector_load %arg16[%get3A_664, %get3A_665] {strides = array<i32>} : memref<320x128xf32, #tpu.memory_space<vmem>>, vector<16xf32>,
        %mul3A_667 = arith.mulf %get3A_666, %get3A_434 : vector<16xf32>
        %add3A_668 = arith.addf %add3A_663, %mul3A_667 : vector<16xf32>
        %reduce_sum3A_669 = arith.constant true
        %reduce_sum3A_670 = vector.broadcast %reduce_sum3A_669 : i1 to vector<16xi1>
        %reduce_sum3A_671 = tpu.scan <sum>, %add3A_668 masked %reduce_sum3A_670 : vector<16xf32>, vector<16xi1> -> vector<16xf32>
        %reduce_sum3A_672 = vector.extract %reduce_sum3A_671[15] : f32 from vector<16xf32>
        %broadcast_in_dim3A_673 = vector.broadcast %reduce_sum3A_672 : f32 to vector<16xf32>
        %select_n3A_674 = arith.select %eq3A, %broadcast_in_dim3A_673, %scan3A_395 : vector<16xi1>, vector<16xf32>
        %mul3A_675 = arith.constant 20 : i32
        %mul3A_676 = arith.muli %scan3A_390, %mul3A_675 : i32
        %add3A_677 = arith.constant 4 : i32
        %add3A_678 = arith.addi %mul3A_676, %add3A_677 : i32
        %get3A_679 = arith.index_cast %add3A_678 : i32 to index
        %get3A_680 = arith.constant 0 : index
        %get3A_681 = tpu.vector_load %arg16[%get3A_679, %get3A_680] {strides = array<i32>} : memref<320x128xf32, #tpu.memory_space<vmem>>, vector<16xf32>,
        %mul3A_682 = arith.mulf %get3A_681, %get3A_413 : vector<16xf32>
        %get3A_683 = arith.index_cast %add3A_678 : i32 to index
        %get3A_684 = arith.constant 16 : index
        %get3A_685 = tpu.vector_load %arg16[%get3A_683, %get3A_684] {strides = array<i32>} : memref<320x128xf32, #tpu.memory_space<vmem>>, vector<16xf32>,
        %mul3A_686 = arith.mulf %get3A_685, %get3A_416 : vector<16xf32>
        %add3A_687 = arith.addf %mul3A_682, %mul3A_686 : vector<16xf32>
        %get3A_688 = arith.index_cast %add3A_678 : i32 to index
        %get3A_689 = arith.constant 32 : index
        %get3A_690 = tpu.vector_load %arg16[%get3A_688, %get3A_689] {strides = array<i32>} : memref<320x128xf32, #tpu.memory_space<vmem>>, vector<16xf32>,
        %mul3A_691 = arith.mulf %get3A_690, %get3A_419 : vector<16xf32>
        %add3A_692 = arith.addf %add3A_687, %mul3A_691 : vector<16xf32>
        %get3A_693 = arith.index_cast %add3A_678 : i32 to index
        %get3A_694 = arith.constant 48 : index
        %get3A_695 = tpu.vector_load %arg16[%get3A_693, %get3A_694] {strides = array<i32>} : memref<320x128xf32, #tpu.memory_space<vmem>>, vector<16xf32>,
        %mul3A_696 = arith.mulf %get3A_695, %get3A_422 : vector<16xf32>
        %add3A_697 = arith.addf %add3A_692, %mul3A_696 : vector<16xf32>
        %get3A_698 = arith.index_cast %add3A_678 : i32 to index
        %get3A_699 = arith.constant 64 : index
        %get3A_700 = tpu.vector_load %arg16[%get3A_698, %get3A_699] {strides = array<i32>} : memref<320x128xf32, #tpu.memory_space<vmem>>, vector<16xf32>,
        %mul3A_701 = arith.mulf %get3A_700, %get3A_425 : vector<16xf32>
        %add3A_702 = arith.addf %add3A_697, %mul3A_701 : vector<16xf32>
        %get3A_703 = arith.index_cast %add3A_678 : i32 to index
        %get3A_704 = arith.constant 80 : index
        %get3A_705 = tpu.vector_load %arg16[%get3A_703, %get3A_704] {strides = array<i32>} : memref<320x128xf32, #tpu.memory_space<vmem>>, vector<16xf32>,
        %mul3A_706 = arith.mulf %get3A_705, %get3A_428 : vector<16xf32>
        %add3A_707 = arith.addf %add3A_702, %mul3A_706 : vector<16xf32>
        %get3A_708 = arith.index_cast %add3A_678 : i32 to index
        %get3A_709 = arith.constant 96 : index
        %get3A_710 = tpu.vector_load %arg16[%get3A_708, %get3A_709] {strides = array<i32>} : memref<320x128xf32, #tpu.memory_space<vmem>>, vector<16xf32>,
        %mul3A_711 = arith.mulf %get3A_710, %get3A_431 : vector<16xf32>
        %add3A_712 = arith.addf %add3A_707, %mul3A_711 : vector<16xf32>
        %get3A_713 = arith.index_cast %add3A_678 : i32 to index
        %get3A_714 = arith.constant 112 : index
        %get3A_715 = tpu.vector_load %arg16[%get3A_713, %get3A_714] {strides = array<i32>} : memref<320x128xf32, #tpu.memory_space<vmem>>, vector<16xf32>,
        %mul3A_716 = arith.mulf %get3A_715, %get3A_434 : vector<16xf32>
        %add3A_717 = arith.addf %add3A_712, %mul3A_716 : vector<16xf32>
        %reduce_sum3A_718 = arith.constant true
        %reduce_sum3A_719 = vector.broadcast %reduce_sum3A_718 : i1 to vector<16xi1>
        %reduce_sum3A_720 = tpu.scan <sum>, %add3A_717 masked %reduce_sum3A_719 : vector<16xf32>, vector<16xi1> -> vector<16xf32>
        %reduce_sum3A_721 = vector.extract %reduce_sum3A_720[15] : f32 from vector<16xf32>
        %broadcast_in_dim3A_722 = vector.broadcast %reduce_sum3A_721 : f32 to vector<16xf32>
        %select_n3A_723 = arith.select %eq3A, %broadcast_in_dim3A_722, %scan3A_396 : vector<16xi1>, vector<16xf32>
        %mul3A_724 = arith.constant 20 : i32
        %mul3A_725 = arith.muli %scan3A_390, %mul3A_724 : i32
        %add3A_726 = arith.constant 5 : i32
        %add3A_727 = arith.addi %mul3A_725, %add3A_726 : i32
        %get3A_728 = arith.index_cast %add3A_727 : i32 to index
        %get3A_729 = arith.constant 0 : index
        %get3A_730 = tpu.vector_load %arg16[%get3A_728, %get3A_729] {strides = array<i32>} : memref<320x128xf32, #tpu.memory_space<vmem>>, vector<16xf32>,
        %mul3A_731 = arith.mulf %get3A_730, %get3A_413 : vector<16xf32>
        %get3A_732 = arith.index_cast %add3A_727 : i32 to index
        %get3A_733 = arith.constant 16 : index
        %get3A_734 = tpu.vector_load %arg16[%get3A_732, %get3A_733] {strides = array<i32>} : memref<320x128xf32, #tpu.memory_space<vmem>>, vector<16xf32>,
        %mul3A_735 = arith.mulf %get3A_734, %get3A_416 : vector<16xf32>
        %add3A_736 = arith.addf %mul3A_731, %mul3A_735 : vector<16xf32>
        %get3A_737 = arith.index_cast %add3A_727 : i32 to index
        %get3A_738 = arith.constant 32 : index
        %get3A_739 = tpu.vector_load %arg16[%get3A_737, %get3A_738] {strides = array<i32>} : memref<320x128xf32, #tpu.memory_space<vmem>>, vector<16xf32>,
        %mul3A_740 = arith.mulf %get3A_739, %get3A_419 : vector<16xf32>
        %add3A_741 = arith.addf %add3A_736, %mul3A_740 : vector<16xf32>
        %get3A_742 = arith.index_cast %add3A_727 : i32 to index
        %get3A_743 = arith.constant 48 : index
        %get3A_744 = tpu.vector_load %arg16[%get3A_742, %get3A_743] {strides = array<i32>} : memref<320x128xf32, #tpu.memory_space<vmem>>, vector<16xf32>,
        %mul3A_745 = arith.mulf %get3A_744, %get3A_422 : vector<16xf32>
        %add3A_746 = arith.addf %add3A_741, %mul3A_745 : vector<16xf32>
        %get3A_747 = arith.index_cast %add3A_727 : i32 to index
        %get3A_748 = arith.constant 64 : index
        %get3A_749 = tpu.vector_load %arg16[%get3A_747, %get3A_748] {strides = array<i32>} : memref<320x128xf32, #tpu.memory_space<vmem>>, vector<16xf32>,
        %mul3A_750 = arith.mulf %get3A_749, %get3A_425 : vector<16xf32>
        %add3A_751 = arith.addf %add3A_746, %mul3A_750 : vector<16xf32>
        %get3A_752 = arith.index_cast %add3A_727 : i32 to index
        %get3A_753 = arith.constant 80 : index
        %get3A_754 = tpu.vector_load %arg16[%get3A_752, %get3A_753] {strides = array<i32>} : memref<320x128xf32, #tpu.memory_space<vmem>>, vector<16xf32>,
        %mul3A_755 = arith.mulf %get3A_754, %get3A_428 : vector<16xf32>
        %add3A_756 = arith.addf %add3A_751, %mul3A_755 : vector<16xf32>
        %get3A_757 = arith.index_cast %add3A_727 : i32 to index
        %get3A_758 = arith.constant 96 : index
        %get3A_759 = tpu.vector_load %arg16[%get3A_757, %get3A_758] {strides = array<i32>} : memref<320x128xf32, #tpu.memory_space<vmem>>, vector<16xf32>,
        %mul3A_760 = arith.mulf %get3A_759, %get3A_431 : vector<16xf32>
        %add3A_761 = arith.addf %add3A_756, %mul3A_760 : vector<16xf32>
        %get3A_762 = arith.index_cast %add3A_727 : i32 to index
        %get3A_763 = arith.constant 112 : index
        %get3A_764 = tpu.vector_load %arg16[%get3A_762, %get3A_763] {strides = array<i32>} : memref<320x128xf32, #tpu.memory_space<vmem>>, vector<16xf32>,
        %mul3A_765 = arith.mulf %get3A_764, %get3A_434 : vector<16xf32>
        %add3A_766 = arith.addf %add3A_761, %mul3A_765 : vector<16xf32>
        %reduce_sum3A_767 = arith.constant true
        %reduce_sum3A_768 = vector.broadcast %reduce_sum3A_767 : i1 to vector<16xi1>
        %reduce_sum3A_769 = tpu.scan <sum>, %add3A_766 masked %reduce_sum3A_768 : vector<16xf32>, vector<16xi1> -> vector<16xf32>
        %reduce_sum3A_770 = vector.extract %reduce_sum3A_769[15] : f32 from vector<16xf32>
        %broadcast_in_dim3A_771 = vector.broadcast %reduce_sum3A_770 : f32 to vector<16xf32>
        %select_n3A_772 = arith.select %eq3A, %broadcast_in_dim3A_771, %scan3A_397 : vector<16xi1>, vector<16xf32>
        %mul3A_773 = arith.constant 20 : i32
        %mul3A_774 = arith.muli %scan3A_390, %mul3A_773 : i32
        %add3A_775 = arith.constant 6 : i32
        %add3A_776 = arith.addi %mul3A_774, %add3A_775 : i32
        %get3A_777 = arith.index_cast %add3A_776 : i32 to index
        %get3A_778 = arith.constant 0 : index
        %get3A_779 = tpu.vector_load %arg16[%get3A_777, %get3A_778] {strides = array<i32>} : memref<320x128xf32, #tpu.memory_space<vmem>>, vector<16xf32>,
        %mul3A_780 = arith.mulf %get3A_779, %get3A_413 : vector<16xf32>
        %get3A_781 = arith.index_cast %add3A_776 : i32 to index
        %get3A_782 = arith.constant 16 : index
        %get3A_783 = tpu.vector_load %arg16[%get3A_781, %get3A_782] {strides = array<i32>} : memref<320x128xf32, #tpu.memory_space<vmem>>, vector<16xf32>,
        %mul3A_784 = arith.mulf %get3A_783, %get3A_416 : vector<16xf32>
        %add3A_785 = arith.addf %mul3A_780, %mul3A_784 : vector<16xf32>
        %get3A_786 = arith.index_cast %add3A_776 : i32 to index
        %get3A_787 = arith.constant 32 : index
        %get3A_788 = tpu.vector_load %arg16[%get3A_786, %get3A_787] {strides = array<i32>} : memref<320x128xf32, #tpu.memory_space<vmem>>, vector<16xf32>,
        %mul3A_789 = arith.mulf %get3A_788, %get3A_419 : vector<16xf32>
        %add3A_790 = arith.addf %add3A_785, %mul3A_789 : vector<16xf32>
        %get3A_791 = arith.index_cast %add3A_776 : i32 to index
        %get3A_792 = arith.constant 48 : index
        %get3A_793 = tpu.vector_load %arg16[%get3A_791, %get3A_792] {strides = array<i32>} : memref<320x128xf32, #tpu.memory_space<vmem>>, vector<16xf32>,
        %mul3A_794 = arith.mulf %get3A_793, %get3A_422 : vector<16xf32>
        %add3A_795 = arith.addf %add3A_790, %mul3A_794 : vector<16xf32>
        %get3A_796 = arith.index_cast %add3A_776 : i32 to index
        %get3A_797 = arith.constant 64 : index
        %get3A_798 = tpu.vector_load %arg16[%get3A_796, %get3A_797] {strides = array<i32>} : memref<320x128xf32, #tpu.memory_space<vmem>>, vector<16xf32>,
        %mul3A_799 = arith.mulf %get3A_798, %get3A_425 : vector<16xf32>
        %add3A_800 = arith.addf %add3A_795, %mul3A_799 : vector<16xf32>
        %get3A_801 = arith.index_cast %add3A_776 : i32 to index
        %get3A_802 = arith.constant 80 : index
        %get3A_803 = tpu.vector_load %arg16[%get3A_801, %get3A_802] {strides = array<i32>} : memref<320x128xf32, #tpu.memory_space<vmem>>, vector<16xf32>,
        %mul3A_804 = arith.mulf %get3A_803, %get3A_428 : vector<16xf32>
        %add3A_805 = arith.addf %add3A_800, %mul3A_804 : vector<16xf32>
        %get3A_806 = arith.index_cast %add3A_776 : i32 to index
        %get3A_807 = arith.constant 96 : index
        %get3A_808 = tpu.vector_load %arg16[%get3A_806, %get3A_807] {strides = array<i32>} : memref<320x128xf32, #tpu.memory_space<vmem>>, vector<16xf32>,
        %mul3A_809 = arith.mulf %get3A_808, %get3A_431 : vector<16xf32>
        %add3A_810 = arith.addf %add3A_805, %mul3A_809 : vector<16xf32>
        %get3A_811 = arith.index_cast %add3A_776 : i32 to index
        %get3A_812 = arith.constant 112 : index
        %get3A_813 = tpu.vector_load %arg16[%get3A_811, %get3A_812] {strides = array<i32>} : memref<320x128xf32, #tpu.memory_space<vmem>>, vector<16xf32>,
        %mul3A_814 = arith.mulf %get3A_813, %get3A_434 : vector<16xf32>
        %add3A_815 = arith.addf %add3A_810, %mul3A_814 : vector<16xf32>
        %reduce_sum3A_816 = arith.constant true
        %reduce_sum3A_817 = vector.broadcast %reduce_sum3A_816 : i1 to vector<16xi1>
        %reduce_sum3A_818 = tpu.scan <sum>, %add3A_815 masked %reduce_sum3A_817 : vector<16xf32>, vector<16xi1> -> vector<16xf32>
        %reduce_sum3A_819 = vector.extract %reduce_sum3A_818[15] : f32 from vector<16xf32>
        %broadcast_in_dim3A_820 = vector.broadcast %reduce_sum3A_819 : f32 to vector<16xf32>
        %select_n3A_821 = arith.select %eq3A, %broadcast_in_dim3A_820, %scan3A_398 : vector<16xi1>, vector<16xf32>
        %mul3A_822 = arith.constant 20 : i32
        %mul3A_823 = arith.muli %scan3A_390, %mul3A_822 : i32
        %add3A_824 = arith.constant 7 : i32
        %add3A_825 = arith.addi %mul3A_823, %add3A_824 : i32
        %get3A_826 = arith.index_cast %add3A_825 : i32 to index
        %get3A_827 = arith.constant 0 : index
        %get3A_828 = tpu.vector_load %arg16[%get3A_826, %get3A_827] {strides = array<i32>} : memref<320x128xf32, #tpu.memory_space<vmem>>, vector<16xf32>,
        %mul3A_829 = arith.mulf %get3A_828, %get3A_413 : vector<16xf32>
        %get3A_830 = arith.index_cast %add3A_825 : i32 to index
        %get3A_831 = arith.constant 16 : index
        %get3A_832 = tpu.vector_load %arg16[%get3A_830, %get3A_831] {strides = array<i32>} : memref<320x128xf32, #tpu.memory_space<vmem>>, vector<16xf32>,
        %mul3A_833 = arith.mulf %get3A_832, %get3A_416 : vector<16xf32>
        %add3A_834 = arith.addf %mul3A_829, %mul3A_833 : vector<16xf32>
        %get3A_835 = arith.index_cast %add3A_825 : i32 to index
        %get3A_836 = arith.constant 32 : index
        %get3A_837 = tpu.vector_load %arg16[%get3A_835, %get3A_836] {strides = array<i32>} : memref<320x128xf32, #tpu.memory_space<vmem>>, vector<16xf32>,
        %mul3A_838 = arith.mulf %get3A_837, %get3A_419 : vector<16xf32>
        %add3A_839 = arith.addf %add3A_834, %mul3A_838 : vector<16xf32>
        %get3A_840 = arith.index_cast %add3A_825 : i32 to index
        %get3A_841 = arith.constant 48 : index
        %get3A_842 = tpu.vector_load %arg16[%get3A_840, %get3A_841] {strides = array<i32>} : memref<320x128xf32, #tpu.memory_space<vmem>>, vector<16xf32>,
        %mul3A_843 = arith.mulf %get3A_842, %get3A_422 : vector<16xf32>
        %add3A_844 = arith.addf %add3A_839, %mul3A_843 : vector<16xf32>
        %get3A_845 = arith.index_cast %add3A_825 : i32 to index
        %get3A_846 = arith.constant 64 : index
        %get3A_847 = tpu.vector_load %arg16[%get3A_845, %get3A_846] {strides = array<i32>} : memref<320x128xf32, #tpu.memory_space<vmem>>, vector<16xf32>,
        %mul3A_848 = arith.mulf %get3A_847, %get3A_425 : vector<16xf32>
        %add3A_849 = arith.addf %add3A_844, %mul3A_848 : vector<16xf32>
        %get3A_850 = arith.index_cast %add3A_825 : i32 to index
        %get3A_851 = arith.constant 80 : index
        %get3A_852 = tpu.vector_load %arg16[%get3A_850, %get3A_851] {strides = array<i32>} : memref<320x128xf32, #tpu.memory_space<vmem>>, vector<16xf32>,
        %mul3A_853 = arith.mulf %get3A_852, %get3A_428 : vector<16xf32>
        %add3A_854 = arith.addf %add3A_849, %mul3A_853 : vector<16xf32>
        %get3A_855 = arith.index_cast %add3A_825 : i32 to index
        %get3A_856 = arith.constant 96 : index
        %get3A_857 = tpu.vector_load %arg16[%get3A_855, %get3A_856] {strides = array<i32>} : memref<320x128xf32, #tpu.memory_space<vmem>>, vector<16xf32>,
        %mul3A_858 = arith.mulf %get3A_857, %get3A_431 : vector<16xf32>
        %add3A_859 = arith.addf %add3A_854, %mul3A_858 : vector<16xf32>
        %get3A_860 = arith.index_cast %add3A_825 : i32 to index
        %get3A_861 = arith.constant 112 : index
        %get3A_862 = tpu.vector_load %arg16[%get3A_860, %get3A_861] {strides = array<i32>} : memref<320x128xf32, #tpu.memory_space<vmem>>, vector<16xf32>,
        %mul3A_863 = arith.mulf %get3A_862, %get3A_434 : vector<16xf32>
        %add3A_864 = arith.addf %add3A_859, %mul3A_863 : vector<16xf32>
        %reduce_sum3A_865 = arith.constant true
        %reduce_sum3A_866 = vector.broadcast %reduce_sum3A_865 : i1 to vector<16xi1>
        %reduce_sum3A_867 = tpu.scan <sum>, %add3A_864 masked %reduce_sum3A_866 : vector<16xf32>, vector<16xi1> -> vector<16xf32>
        %reduce_sum3A_868 = vector.extract %reduce_sum3A_867[15] : f32 from vector<16xf32>
        %broadcast_in_dim3A_869 = vector.broadcast %reduce_sum3A_868 : f32 to vector<16xf32>
        %select_n3A_870 = arith.select %eq3A, %broadcast_in_dim3A_869, %scan3A_399 : vector<16xi1>, vector<16xf32>
        %mul3A_871 = arith.constant 20 : i32
        %mul3A_872 = arith.muli %scan3A_390, %mul3A_871 : i32
        %add3A_873 = arith.constant 8 : i32
        %add3A_874 = arith.addi %mul3A_872, %add3A_873 : i32
        %get3A_875 = arith.index_cast %add3A_874 : i32 to index
        %get3A_876 = arith.constant 0 : index
        %get3A_877 = tpu.vector_load %arg16[%get3A_875, %get3A_876] {strides = array<i32>} : memref<320x128xf32, #tpu.memory_space<vmem>>, vector<16xf32>,
        %mul3A_878 = arith.mulf %get3A_877, %get3A_413 : vector<16xf32>
        %get3A_879 = arith.index_cast %add3A_874 : i32 to index
        %get3A_880 = arith.constant 16 : index
        %get3A_881 = tpu.vector_load %arg16[%get3A_879, %get3A_880] {strides = array<i32>} : memref<320x128xf32, #tpu.memory_space<vmem>>, vector<16xf32>,
        %mul3A_882 = arith.mulf %get3A_881, %get3A_416 : vector<16xf32>
        %add3A_883 = arith.addf %mul3A_878, %mul3A_882 : vector<16xf32>
        %get3A_884 = arith.index_cast %add3A_874 : i32 to index
        %get3A_885 = arith.constant 32 : index
        %get3A_886 = tpu.vector_load %arg16[%get3A_884, %get3A_885] {strides = array<i32>} : memref<320x128xf32, #tpu.memory_space<vmem>>, vector<16xf32>,
        %mul3A_887 = arith.mulf %get3A_886, %get3A_419 : vector<16xf32>
        %add3A_888 = arith.addf %add3A_883, %mul3A_887 : vector<16xf32>
        %get3A_889 = arith.index_cast %add3A_874 : i32 to index
        %get3A_890 = arith.constant 48 : index
        %get3A_891 = tpu.vector_load %arg16[%get3A_889, %get3A_890] {strides = array<i32>} : memref<320x128xf32, #tpu.memory_space<vmem>>, vector<16xf32>,
        %mul3A_892 = arith.mulf %get3A_891, %get3A_422 : vector<16xf32>
        %add3A_893 = arith.addf %add3A_888, %mul3A_892 : vector<16xf32>
        %get3A_894 = arith.index_cast %add3A_874 : i32 to index
        %get3A_895 = arith.constant 64 : index
        %get3A_896 = tpu.vector_load %arg16[%get3A_894, %get3A_895] {strides = array<i32>} : memref<320x128xf32, #tpu.memory_space<vmem>>, vector<16xf32>,
        %mul3A_897 = arith.mulf %get3A_896, %get3A_425 : vector<16xf32>
        %add3A_898 = arith.addf %add3A_893, %mul3A_897 : vector<16xf32>
        %get3A_899 = arith.index_cast %add3A_874 : i32 to index
        %get3A_900 = arith.constant 80 : index
        %get3A_901 = tpu.vector_load %arg16[%get3A_899, %get3A_900] {strides = array<i32>} : memref<320x128xf32, #tpu.memory_space<vmem>>, vector<16xf32>,
        %mul3A_902 = arith.mulf %get3A_901, %get3A_428 : vector<16xf32>
        %add3A_903 = arith.addf %add3A_898, %mul3A_902 : vector<16xf32>
        %get3A_904 = arith.index_cast %add3A_874 : i32 to index
        %get3A_905 = arith.constant 96 : index
        %get3A_906 = tpu.vector_load %arg16[%get3A_904, %get3A_905] {strides = array<i32>} : memref<320x128xf32, #tpu.memory_space<vmem>>, vector<16xf32>,
        %mul3A_907 = arith.mulf %get3A_906, %get3A_431 : vector<16xf32>
        %add3A_908 = arith.addf %add3A_903, %mul3A_907 : vector<16xf32>
        %get3A_909 = arith.index_cast %add3A_874 : i32 to index
        %get3A_910 = arith.constant 112 : index
        %get3A_911 = tpu.vector_load %arg16[%get3A_909, %get3A_910] {strides = array<i32>} : memref<320x128xf32, #tpu.memory_space<vmem>>, vector<16xf32>,
        %mul3A_912 = arith.mulf %get3A_911, %get3A_434 : vector<16xf32>
        %add3A_913 = arith.addf %add3A_908, %mul3A_912 : vector<16xf32>
        %reduce_sum3A_914 = arith.constant true
        %reduce_sum3A_915 = vector.broadcast %reduce_sum3A_914 : i1 to vector<16xi1>
        %reduce_sum3A_916 = tpu.scan <sum>, %add3A_913 masked %reduce_sum3A_915 : vector<16xf32>, vector<16xi1> -> vector<16xf32>
        %reduce_sum3A_917 = vector.extract %reduce_sum3A_916[15] : f32 from vector<16xf32>
        %broadcast_in_dim3A_918 = vector.broadcast %reduce_sum3A_917 : f32 to vector<16xf32>
        %select_n3A_919 = arith.select %eq3A, %broadcast_in_dim3A_918, %scan3A_400 : vector<16xi1>, vector<16xf32>
        %mul3A_920 = arith.constant 20 : i32
        %mul3A_921 = arith.muli %scan3A_390, %mul3A_920 : i32
        %add3A_922 = arith.constant 9 : i32
        %add3A_923 = arith.addi %mul3A_921, %add3A_922 : i32
        %get3A_924 = arith.index_cast %add3A_923 : i32 to index
        %get3A_925 = arith.constant 0 : index
        %get3A_926 = tpu.vector_load %arg16[%get3A_924, %get3A_925] {strides = array<i32>} : memref<320x128xf32, #tpu.memory_space<vmem>>, vector<16xf32>,
        %mul3A_927 = arith.mulf %get3A_926, %get3A_413 : vector<16xf32>
        %get3A_928 = arith.index_cast %add3A_923 : i32 to index
        %get3A_929 = arith.constant 16 : index
        %get3A_930 = tpu.vector_load %arg16[%get3A_928, %get3A_929] {strides = array<i32>} : memref<320x128xf32, #tpu.memory_space<vmem>>, vector<16xf32>,
        %mul3A_931 = arith.mulf %get3A_930, %get3A_416 : vector<16xf32>
        %add3A_932 = arith.addf %mul3A_927, %mul3A_931 : vector<16xf32>
        %get3A_933 = arith.index_cast %add3A_923 : i32 to index
        %get3A_934 = arith.constant 32 : index
        %get3A_935 = tpu.vector_load %arg16[%get3A_933, %get3A_934] {strides = array<i32>} : memref<320x128xf32, #tpu.memory_space<vmem>>, vector<16xf32>,
        %mul3A_936 = arith.mulf %get3A_935, %get3A_419 : vector<16xf32>
        %add3A_937 = arith.addf %add3A_932, %mul3A_936 : vector<16xf32>
        %get3A_938 = arith.index_cast %add3A_923 : i32 to index
        %get3A_939 = arith.constant 48 : index
        %get3A_940 = tpu.vector_load %arg16[%get3A_938, %get3A_939] {strides = array<i32>} : memref<320x128xf32, #tpu.memory_space<vmem>>, vector<16xf32>,
        %mul3A_941 = arith.mulf %get3A_940, %get3A_422 : vector<16xf32>
        %add3A_942 = arith.addf %add3A_937, %mul3A_941 : vector<16xf32>
        %get3A_943 = arith.index_cast %add3A_923 : i32 to index
        %get3A_944 = arith.constant 64 : index
        %get3A_945 = tpu.vector_load %arg16[%get3A_943, %get3A_944] {strides = array<i32>} : memref<320x128xf32, #tpu.memory_space<vmem>>, vector<16xf32>,
        %mul3A_946 = arith.mulf %get3A_945, %get3A_425 : vector<16xf32>
        %add3A_947 = arith.addf %add3A_942, %mul3A_946 : vector<16xf32>
        %get3A_948 = arith.index_cast %add3A_923 : i32 to index
        %get3A_949 = arith.constant 80 : index
        %get3A_950 = tpu.vector_load %arg16[%get3A_948, %get3A_949] {strides = array<i32>} : memref<320x128xf32, #tpu.memory_space<vmem>>, vector<16xf32>,
        %mul3A_951 = arith.mulf %get3A_950, %get3A_428 : vector<16xf32>
        %add3A_952 = arith.addf %add3A_947, %mul3A_951 : vector<16xf32>
        %get3A_953 = arith.index_cast %add3A_923 : i32 to index
        %get3A_954 = arith.constant 96 : index
        %get3A_955 = tpu.vector_load %arg16[%get3A_953, %get3A_954] {strides = array<i32>} : memref<320x128xf32, #tpu.memory_space<vmem>>, vector<16xf32>,
        %mul3A_956 = arith.mulf %get3A_955, %get3A_431 : vector<16xf32>
        %add3A_957 = arith.addf %add3A_952, %mul3A_956 : vector<16xf32>
        %get3A_958 = arith.index_cast %add3A_923 : i32 to index
        %get3A_959 = arith.constant 112 : index
        %get3A_960 = tpu.vector_load %arg16[%get3A_958, %get3A_959] {strides = array<i32>} : memref<320x128xf32, #tpu.memory_space<vmem>>, vector<16xf32>,
        %mul3A_961 = arith.mulf %get3A_960, %get3A_434 : vector<16xf32>
        %add3A_962 = arith.addf %add3A_957, %mul3A_961 : vector<16xf32>
        %reduce_sum3A_963 = arith.constant true
        %reduce_sum3A_964 = vector.broadcast %reduce_sum3A_963 : i1 to vector<16xi1>
        %reduce_sum3A_965 = tpu.scan <sum>, %add3A_962 masked %reduce_sum3A_964 : vector<16xf32>, vector<16xi1> -> vector<16xf32>
        %reduce_sum3A_966 = vector.extract %reduce_sum3A_965[15] : f32 from vector<16xf32>
        %broadcast_in_dim3A_967 = vector.broadcast %reduce_sum3A_966 : f32 to vector<16xf32>
        %select_n3A_968 = arith.select %eq3A, %broadcast_in_dim3A_967, %scan3A_401 : vector<16xi1>, vector<16xf32>
        %mul3A_969 = arith.constant 20 : i32
        %mul3A_970 = arith.muli %scan3A_390, %mul3A_969 : i32
        %add3A_971 = arith.constant 10 : i32
        %add3A_972 = arith.addi %mul3A_970, %add3A_971 : i32
        %get3A_973 = arith.index_cast %add3A_972 : i32 to index
        %get3A_974 = arith.constant 0 : index
        %get3A_975 = tpu.vector_load %arg16[%get3A_973, %get3A_974] {strides = array<i32>} : memref<320x128xf32, #tpu.memory_space<vmem>>, vector<16xf32>,
        %mul3A_976 = arith.mulf %get3A_975, %get3A_413 : vector<16xf32>
        %get3A_977 = arith.index_cast %add3A_972 : i32 to index
        %get3A_978 = arith.constant 16 : index
        %get3A_979 = tpu.vector_load %arg16[%get3A_977, %get3A_978] {strides = array<i32>} : memref<320x128xf32, #tpu.memory_space<vmem>>, vector<16xf32>,
        %mul3A_980 = arith.mulf %get3A_979, %get3A_416 : vector<16xf32>
        %add3A_981 = arith.addf %mul3A_976, %mul3A_980 : vector<16xf32>
        %get3A_982 = arith.index_cast %add3A_972 : i32 to index
        %get3A_983 = arith.constant 32 : index
        %get3A_984 = tpu.vector_load %arg16[%get3A_982, %get3A_983] {strides = array<i32>} : memref<320x128xf32, #tpu.memory_space<vmem>>, vector<16xf32>,
        %mul3A_985 = arith.mulf %get3A_984, %get3A_419 : vector<16xf32>
        %add3A_986 = arith.addf %add3A_981, %mul3A_985 : vector<16xf32>
        %get3A_987 = arith.index_cast %add3A_972 : i32 to index
        %get3A_988 = arith.constant 48 : index
        %get3A_989 = tpu.vector_load %arg16[%get3A_987, %get3A_988] {strides = array<i32>} : memref<320x128xf32, #tpu.memory_space<vmem>>, vector<16xf32>,
        %mul3A_990 = arith.mulf %get3A_989, %get3A_422 : vector<16xf32>
        %add3A_991 = arith.addf %add3A_986, %mul3A_990 : vector<16xf32>
        %get3A_992 = arith.index_cast %add3A_972 : i32 to index
        %get3A_993 = arith.constant 64 : index
        %get3A_994 = tpu.vector_load %arg16[%get3A_992, %get3A_993] {strides = array<i32>} : memref<320x128xf32, #tpu.memory_space<vmem>>, vector<16xf32>,
        %mul3A_995 = arith.mulf %get3A_994, %get3A_425 : vector<16xf32>
        %add3A_996 = arith.addf %add3A_991, %mul3A_995 : vector<16xf32>
        %get3A_997 = arith.index_cast %add3A_972 : i32 to index
        %get3A_998 = arith.constant 80 : index
        %get3A_999 = tpu.vector_load %arg16[%get3A_997, %get3A_998] {strides = array<i32>} : memref<320x128xf32, #tpu.memory_space<vmem>>, vector<16xf32>,
        %mul3A_1000 = arith.mulf %get3A_999, %get3A_428 : vector<16xf32>
        %add3A_1001 = arith.addf %add3A_996, %mul3A_1000 : vector<16xf32>
        %get3A_1002 = arith.index_cast %add3A_972 : i32 to index
        %get3A_1003 = arith.constant 96 : index
        %get3A_1004 = tpu.vector_load %arg16[%get3A_1002, %get3A_1003] {strides = array<i32>} : memref<320x128xf32, #tpu.memory_space<vmem>>, vector<16xf32>,
        %mul3A_1005 = arith.mulf %get3A_1004, %get3A_431 : vector<16xf32>
        %add3A_1006 = arith.addf %add3A_1001, %mul3A_1005 : vector<16xf32>
        %get3A_1007 = arith.index_cast %add3A_972 : i32 to index
        %get3A_1008 = arith.constant 112 : index
        %get3A_1009 = tpu.vector_load %arg16[%get3A_1007, %get3A_1008] {strides = array<i32>} : memref<320x128xf32, #tpu.memory_space<vmem>>, vector<16xf32>,
        %mul3A_1010 = arith.mulf %get3A_1009, %get3A_434 : vector<16xf32>
        %add3A_1011 = arith.addf %add3A_1006, %mul3A_1010 : vector<16xf32>
        %reduce_sum3A_1012 = arith.constant true
        %reduce_sum3A_1013 = vector.broadcast %reduce_sum3A_1012 : i1 to vector<16xi1>
        %reduce_sum3A_1014 = tpu.scan <sum>, %add3A_1011 masked %reduce_sum3A_1013 : vector<16xf32>, vector<16xi1> -> vector<16xf32>
        %reduce_sum3A_1015 = vector.extract %reduce_sum3A_1014[15] : f32 from vector<16xf32>
        %broadcast_in_dim3A_1016 = vector.broadcast %reduce_sum3A_1015 : f32 to vector<16xf32>
        %select_n3A_1017 = arith.select %eq3A, %broadcast_in_dim3A_1016, %scan3A_402 : vector<16xi1>, vector<16xf32>
        %mul3A_1018 = arith.constant 20 : i32
        %mul3A_1019 = arith.muli %scan3A_390, %mul3A_1018 : i32
        %add3A_1020 = arith.constant 11 : i32
        %add3A_1021 = arith.addi %mul3A_1019, %add3A_1020 : i32
        %get3A_1022 = arith.index_cast %add3A_1021 : i32 to index
        %get3A_1023 = arith.constant 0 : index
        %get3A_1024 = tpu.vector_load %arg16[%get3A_1022, %get3A_1023] {strides = array<i32>} : memref<320x128xf32, #tpu.memory_space<vmem>>, vector<16xf32>,
        %mul3A_1025 = arith.mulf %get3A_1024, %get3A_413 : vector<16xf32>
        %get3A_1026 = arith.index_cast %add3A_1021 : i32 to index
        %get3A_1027 = arith.constant 16 : index
        %get3A_1028 = tpu.vector_load %arg16[%get3A_1026, %get3A_1027] {strides = array<i32>} : memref<320x128xf32, #tpu.memory_space<vmem>>, vector<16xf32>,
        %mul3A_1029 = arith.mulf %get3A_1028, %get3A_416 : vector<16xf32>
        %add3A_1030 = arith.addf %mul3A_1025, %mul3A_1029 : vector<16xf32>
        %get3A_1031 = arith.index_cast %add3A_1021 : i32 to index
        %get3A_1032 = arith.constant 32 : index
        %get3A_1033 = tpu.vector_load %arg16[%get3A_1031, %get3A_1032] {strides = array<i32>} : memref<320x128xf32, #tpu.memory_space<vmem>>, vector<16xf32>,
        %mul3A_1034 = arith.mulf %get3A_1033, %get3A_419 : vector<16xf32>
        %add3A_1035 = arith.addf %add3A_1030, %mul3A_1034 : vector<16xf32>
        %get3A_1036 = arith.index_cast %add3A_1021 : i32 to index
        %get3A_1037 = arith.constant 48 : index
        %get3A_1038 = tpu.vector_load %arg16[%get3A_1036, %get3A_1037] {strides = array<i32>} : memref<320x128xf32, #tpu.memory_space<vmem>>, vector<16xf32>,
        %mul3A_1039 = arith.mulf %get3A_1038, %get3A_422 : vector<16xf32>
        %add3A_1040 = arith.addf %add3A_1035, %mul3A_1039 : vector<16xf32>
        %get3A_1041 = arith.index_cast %add3A_1021 : i32 to index
        %get3A_1042 = arith.constant 64 : index
        %get3A_1043 = tpu.vector_load %arg16[%get3A_1041, %get3A_1042] {strides = array<i32>} : memref<320x128xf32, #tpu.memory_space<vmem>>, vector<16xf32>,
        %mul3A_1044 = arith.mulf %get3A_1043, %get3A_425 : vector<16xf32>
        %add3A_1045 = arith.addf %add3A_1040, %mul3A_1044 : vector<16xf32>
        %get3A_1046 = arith.index_cast %add3A_1021 : i32 to index
        %get3A_1047 = arith.constant 80 : index
        %get3A_1048 = tpu.vector_load %arg16[%get3A_1046, %get3A_1047] {strides = array<i32>} : memref<320x128xf32, #tpu.memory_space<vmem>>, vector<16xf32>,
        %mul3A_1049 = arith.mulf %get3A_1048, %get3A_428 : vector<16xf32>
        %add3A_1050 = arith.addf %add3A_1045, %mul3A_1049 : vector<16xf32>
        %get3A_1051 = arith.index_cast %add3A_1021 : i32 to index
        %get3A_1052 = arith.constant 96 : index
        %get3A_1053 = tpu.vector_load %arg16[%get3A_1051, %get3A_1052] {strides = array<i32>} : memref<320x128xf32, #tpu.memory_space<vmem>>, vector<16xf32>,
        %mul3A_1054 = arith.mulf %get3A_1053, %get3A_431 : vector<16xf32>
        %add3A_1055 = arith.addf %add3A_1050, %mul3A_1054 : vector<16xf32>
        %get3A_1056 = arith.index_cast %add3A_1021 : i32 to index
        %get3A_1057 = arith.constant 112 : index
        %get3A_1058 = tpu.vector_load %arg16[%get3A_1056, %get3A_1057] {strides = array<i32>} : memref<320x128xf32, #tpu.memory_space<vmem>>, vector<16xf32>,
        %mul3A_1059 = arith.mulf %get3A_1058, %get3A_434 : vector<16xf32>
        %add3A_1060 = arith.addf %add3A_1055, %mul3A_1059 : vector<16xf32>
        %reduce_sum3A_1061 = arith.constant true
        %reduce_sum3A_1062 = vector.broadcast %reduce_sum3A_1061 : i1 to vector<16xi1>
        %reduce_sum3A_1063 = tpu.scan <sum>, %add3A_1060 masked %reduce_sum3A_1062 : vector<16xf32>, vector<16xi1> -> vector<16xf32>
        %reduce_sum3A_1064 = vector.extract %reduce_sum3A_1063[15] : f32 from vector<16xf32>
        %broadcast_in_dim3A_1065 = vector.broadcast %reduce_sum3A_1064 : f32 to vector<16xf32>
        %select_n3A_1066 = arith.select %eq3A, %broadcast_in_dim3A_1065, %scan3A_403 : vector<16xi1>, vector<16xf32>
        %mul3A_1067 = arith.constant 20 : i32
        %mul3A_1068 = arith.muli %scan3A_390, %mul3A_1067 : i32
        %add3A_1069 = arith.constant 12 : i32
        %add3A_1070 = arith.addi %mul3A_1068, %add3A_1069 : i32
        %get3A_1071 = arith.index_cast %add3A_1070 : i32 to index
        %get3A_1072 = arith.constant 0 : index
        %get3A_1073 = tpu.vector_load %arg16[%get3A_1071, %get3A_1072] {strides = array<i32>} : memref<320x128xf32, #tpu.memory_space<vmem>>, vector<16xf32>,
        %mul3A_1074 = arith.mulf %get3A_1073, %get3A_413 : vector<16xf32>
        %get3A_1075 = arith.index_cast %add3A_1070 : i32 to index
        %get3A_1076 = arith.constant 16 : index
        %get3A_1077 = tpu.vector_load %arg16[%get3A_1075, %get3A_1076] {strides = array<i32>} : memref<320x128xf32, #tpu.memory_space<vmem>>, vector<16xf32>,
        %mul3A_1078 = arith.mulf %get3A_1077, %get3A_416 : vector<16xf32>
        %add3A_1079 = arith.addf %mul3A_1074, %mul3A_1078 : vector<16xf32>
        %get3A_1080 = arith.index_cast %add3A_1070 : i32 to index
        %get3A_1081 = arith.constant 32 : index
        %get3A_1082 = tpu.vector_load %arg16[%get3A_1080, %get3A_1081] {strides = array<i32>} : memref<320x128xf32, #tpu.memory_space<vmem>>, vector<16xf32>,
        %mul3A_1083 = arith.mulf %get3A_1082, %get3A_419 : vector<16xf32>
        %add3A_1084 = arith.addf %add3A_1079, %mul3A_1083 : vector<16xf32>
        %get3A_1085 = arith.index_cast %add3A_1070 : i32 to index
        %get3A_1086 = arith.constant 48 : index
        %get3A_1087 = tpu.vector_load %arg16[%get3A_1085, %get3A_1086] {strides = array<i32>} : memref<320x128xf32, #tpu.memory_space<vmem>>, vector<16xf32>,
        %mul3A_1088 = arith.mulf %get3A_1087, %get3A_422 : vector<16xf32>
        %add3A_1089 = arith.addf %add3A_1084, %mul3A_1088 : vector<16xf32>
        %get3A_1090 = arith.index_cast %add3A_1070 : i32 to index
        %get3A_1091 = arith.constant 64 : index
        %get3A_1092 = tpu.vector_load %arg16[%get3A_1090, %get3A_1091] {strides = array<i32>} : memref<320x128xf32, #tpu.memory_space<vmem>>, vector<16xf32>,
        %mul3A_1093 = arith.mulf %get3A_1092, %get3A_425 : vector<16xf32>
        %add3A_1094 = arith.addf %add3A_1089, %mul3A_1093 : vector<16xf32>
        %get3A_1095 = arith.index_cast %add3A_1070 : i32 to index
        %get3A_1096 = arith.constant 80 : index
        %get3A_1097 = tpu.vector_load %arg16[%get3A_1095, %get3A_1096] {strides = array<i32>} : memref<320x128xf32, #tpu.memory_space<vmem>>, vector<16xf32>,
        %mul3A_1098 = arith.mulf %get3A_1097, %get3A_428 : vector<16xf32>
        %add3A_1099 = arith.addf %add3A_1094, %mul3A_1098 : vector<16xf32>
        %get3A_1100 = arith.index_cast %add3A_1070 : i32 to index
        %get3A_1101 = arith.constant 96 : index
        %get3A_1102 = tpu.vector_load %arg16[%get3A_1100, %get3A_1101] {strides = array<i32>} : memref<320x128xf32, #tpu.memory_space<vmem>>, vector<16xf32>,
        %mul3A_1103 = arith.mulf %get3A_1102, %get3A_431 : vector<16xf32>
        %add3A_1104 = arith.addf %add3A_1099, %mul3A_1103 : vector<16xf32>
        %get3A_1105 = arith.index_cast %add3A_1070 : i32 to index
        %get3A_1106 = arith.constant 112 : index
        %get3A_1107 = tpu.vector_load %arg16[%get3A_1105, %get3A_1106] {strides = array<i32>} : memref<320x128xf32, #tpu.memory_space<vmem>>, vector<16xf32>,
        %mul3A_1108 = arith.mulf %get3A_1107, %get3A_434 : vector<16xf32>
        %add3A_1109 = arith.addf %add3A_1104, %mul3A_1108 : vector<16xf32>
        %reduce_sum3A_1110 = arith.constant true
        %reduce_sum3A_1111 = vector.broadcast %reduce_sum3A_1110 : i1 to vector<16xi1>
        %reduce_sum3A_1112 = tpu.scan <sum>, %add3A_1109 masked %reduce_sum3A_1111 : vector<16xf32>, vector<16xi1> -> vector<16xf32>
        %reduce_sum3A_1113 = vector.extract %reduce_sum3A_1112[15] : f32 from vector<16xf32>
        %broadcast_in_dim3A_1114 = vector.broadcast %reduce_sum3A_1113 : f32 to vector<16xf32>
        %select_n3A_1115 = arith.select %eq3A, %broadcast_in_dim3A_1114, %scan3A_404 : vector<16xi1>, vector<16xf32>
        %mul3A_1116 = arith.constant 20 : i32
        %mul3A_1117 = arith.muli %scan3A_390, %mul3A_1116 : i32
        %add3A_1118 = arith.constant 13 : i32
        %add3A_1119 = arith.addi %mul3A_1117, %add3A_1118 : i32
        %get3A_1120 = arith.index_cast %add3A_1119 : i32 to index
        %get3A_1121 = arith.constant 0 : index
        %get3A_1122 = tpu.vector_load %arg16[%get3A_1120, %get3A_1121] {strides = array<i32>} : memref<320x128xf32, #tpu.memory_space<vmem>>, vector<16xf32>,
        %mul3A_1123 = arith.mulf %get3A_1122, %get3A_413 : vector<16xf32>
        %get3A_1124 = arith.index_cast %add3A_1119 : i32 to index
        %get3A_1125 = arith.constant 16 : index
        %get3A_1126 = tpu.vector_load %arg16[%get3A_1124, %get3A_1125] {strides = array<i32>} : memref<320x128xf32, #tpu.memory_space<vmem>>, vector<16xf32>,
        %mul3A_1127 = arith.mulf %get3A_1126, %get3A_416 : vector<16xf32>
        %add3A_1128 = arith.addf %mul3A_1123, %mul3A_1127 : vector<16xf32>
        %get3A_1129 = arith.index_cast %add3A_1119 : i32 to index
        %get3A_1130 = arith.constant 32 : index
        %get3A_1131 = tpu.vector_load %arg16[%get3A_1129, %get3A_1130] {strides = array<i32>} : memref<320x128xf32, #tpu.memory_space<vmem>>, vector<16xf32>,
        %mul3A_1132 = arith.mulf %get3A_1131, %get3A_419 : vector<16xf32>
        %add3A_1133 = arith.addf %add3A_1128, %mul3A_1132 : vector<16xf32>
        %get3A_1134 = arith.index_cast %add3A_1119 : i32 to index
        %get3A_1135 = arith.constant 48 : index
        %get3A_1136 = tpu.vector_load %arg16[%get3A_1134, %get3A_1135] {strides = array<i32>} : memref<320x128xf32, #tpu.memory_space<vmem>>, vector<16xf32>,
        %mul3A_1137 = arith.mulf %get3A_1136, %get3A_422 : vector<16xf32>
        %add3A_1138 = arith.addf %add3A_1133, %mul3A_1137 : vector<16xf32>
        %get3A_1139 = arith.index_cast %add3A_1119 : i32 to index
        %get3A_1140 = arith.constant 64 : index
        %get3A_1141 = tpu.vector_load %arg16[%get3A_1139, %get3A_1140] {strides = array<i32>} : memref<320x128xf32, #tpu.memory_space<vmem>>, vector<16xf32>,
        %mul3A_1142 = arith.mulf %get3A_1141, %get3A_425 : vector<16xf32>
        %add3A_1143 = arith.addf %add3A_1138, %mul3A_1142 : vector<16xf32>
        %get3A_1144 = arith.index_cast %add3A_1119 : i32 to index
        %get3A_1145 = arith.constant 80 : index
        %get3A_1146 = tpu.vector_load %arg16[%get3A_1144, %get3A_1145] {strides = array<i32>} : memref<320x128xf32, #tpu.memory_space<vmem>>, vector<16xf32>,
        %mul3A_1147 = arith.mulf %get3A_1146, %get3A_428 : vector<16xf32>
        %add3A_1148 = arith.addf %add3A_1143, %mul3A_1147 : vector<16xf32>
        %get3A_1149 = arith.index_cast %add3A_1119 : i32 to index
        %get3A_1150 = arith.constant 96 : index
        %get3A_1151 = tpu.vector_load %arg16[%get3A_1149, %get3A_1150] {strides = array<i32>} : memref<320x128xf32, #tpu.memory_space<vmem>>, vector<16xf32>,
        %mul3A_1152 = arith.mulf %get3A_1151, %get3A_431 : vector<16xf32>
        %add3A_1153 = arith.addf %add3A_1148, %mul3A_1152 : vector<16xf32>
        %get3A_1154 = arith.index_cast %add3A_1119 : i32 to index
        %get3A_1155 = arith.constant 112 : index
        %get3A_1156 = tpu.vector_load %arg16[%get3A_1154, %get3A_1155] {strides = array<i32>} : memref<320x128xf32, #tpu.memory_space<vmem>>, vector<16xf32>,
        %mul3A_1157 = arith.mulf %get3A_1156, %get3A_434 : vector<16xf32>
        %add3A_1158 = arith.addf %add3A_1153, %mul3A_1157 : vector<16xf32>
        %reduce_sum3A_1159 = arith.constant true
        %reduce_sum3A_1160 = vector.broadcast %reduce_sum3A_1159 : i1 to vector<16xi1>
        %reduce_sum3A_1161 = tpu.scan <sum>, %add3A_1158 masked %reduce_sum3A_1160 : vector<16xf32>, vector<16xi1> -> vector<16xf32>
        %reduce_sum3A_1162 = vector.extract %reduce_sum3A_1161[15] : f32 from vector<16xf32>
        %broadcast_in_dim3A_1163 = vector.broadcast %reduce_sum3A_1162 : f32 to vector<16xf32>
        %select_n3A_1164 = arith.select %eq3A, %broadcast_in_dim3A_1163, %scan3A_405 : vector<16xi1>, vector<16xf32>
        %mul3A_1165 = arith.constant 20 : i32
        %mul3A_1166 = arith.muli %scan3A_390, %mul3A_1165 : i32
        %add3A_1167 = arith.constant 14 : i32
        %add3A_1168 = arith.addi %mul3A_1166, %add3A_1167 : i32
        %get3A_1169 = arith.index_cast %add3A_1168 : i32 to index
        %get3A_1170 = arith.constant 0 : index
        %get3A_1171 = tpu.vector_load %arg16[%get3A_1169, %get3A_1170] {strides = array<i32>} : memref<320x128xf32, #tpu.memory_space<vmem>>, vector<16xf32>,
        %mul3A_1172 = arith.mulf %get3A_1171, %get3A_413 : vector<16xf32>
        %get3A_1173 = arith.index_cast %add3A_1168 : i32 to index
        %get3A_1174 = arith.constant 16 : index
        %get3A_1175 = tpu.vector_load %arg16[%get3A_1173, %get3A_1174] {strides = array<i32>} : memref<320x128xf32, #tpu.memory_space<vmem>>, vector<16xf32>,
        %mul3A_1176 = arith.mulf %get3A_1175, %get3A_416 : vector<16xf32>
        %add3A_1177 = arith.addf %mul3A_1172, %mul3A_1176 : vector<16xf32>
        %get3A_1178 = arith.index_cast %add3A_1168 : i32 to index
        %get3A_1179 = arith.constant 32 : index
        %get3A_1180 = tpu.vector_load %arg16[%get3A_1178, %get3A_1179] {strides = array<i32>} : memref<320x128xf32, #tpu.memory_space<vmem>>, vector<16xf32>,
        %mul3A_1181 = arith.mulf %get3A_1180, %get3A_419 : vector<16xf32>
        %add3A_1182 = arith.addf %add3A_1177, %mul3A_1181 : vector<16xf32>
        %get3A_1183 = arith.index_cast %add3A_1168 : i32 to index
        %get3A_1184 = arith.constant 48 : index
        %get3A_1185 = tpu.vector_load %arg16[%get3A_1183, %get3A_1184] {strides = array<i32>} : memref<320x128xf32, #tpu.memory_space<vmem>>, vector<16xf32>,
        %mul3A_1186 = arith.mulf %get3A_1185, %get3A_422 : vector<16xf32>
        %add3A_1187 = arith.addf %add3A_1182, %mul3A_1186 : vector<16xf32>
        %get3A_1188 = arith.index_cast %add3A_1168 : i32 to index
        %get3A_1189 = arith.constant 64 : index
        %get3A_1190 = tpu.vector_load %arg16[%get3A_1188, %get3A_1189] {strides = array<i32>} : memref<320x128xf32, #tpu.memory_space<vmem>>, vector<16xf32>,
        %mul3A_1191 = arith.mulf %get3A_1190, %get3A_425 : vector<16xf32>
        %add3A_1192 = arith.addf %add3A_1187, %mul3A_1191 : vector<16xf32>
        %get3A_1193 = arith.index_cast %add3A_1168 : i32 to index
        %get3A_1194 = arith.constant 80 : index
        %get3A_1195 = tpu.vector_load %arg16[%get3A_1193, %get3A_1194] {strides = array<i32>} : memref<320x128xf32, #tpu.memory_space<vmem>>, vector<16xf32>,
        %mul3A_1196 = arith.mulf %get3A_1195, %get3A_428 : vector<16xf32>
        %add3A_1197 = arith.addf %add3A_1192, %mul3A_1196 : vector<16xf32>
        %get3A_1198 = arith.index_cast %add3A_1168 : i32 to index
        %get3A_1199 = arith.constant 96 : index
        %get3A_1200 = tpu.vector_load %arg16[%get3A_1198, %get3A_1199] {strides = array<i32>} : memref<320x128xf32, #tpu.memory_space<vmem>>, vector<16xf32>,
        %mul3A_1201 = arith.mulf %get3A_1200, %get3A_431 : vector<16xf32>
        %add3A_1202 = arith.addf %add3A_1197, %mul3A_1201 : vector<16xf32>
        %get3A_1203 = arith.index_cast %add3A_1168 : i32 to index
        %get3A_1204 = arith.constant 112 : index
        %get3A_1205 = tpu.vector_load %arg16[%get3A_1203, %get3A_1204] {strides = array<i32>} : memref<320x128xf32, #tpu.memory_space<vmem>>, vector<16xf32>,
        %mul3A_1206 = arith.mulf %get3A_1205, %get3A_434 : vector<16xf32>
        %add3A_1207 = arith.addf %add3A_1202, %mul3A_1206 : vector<16xf32>
        %reduce_sum3A_1208 = arith.constant true
        %reduce_sum3A_1209 = vector.broadcast %reduce_sum3A_1208 : i1 to vector<16xi1>
        %reduce_sum3A_1210 = tpu.scan <sum>, %add3A_1207 masked %reduce_sum3A_1209 : vector<16xf32>, vector<16xi1> -> vector<16xf32>
        %reduce_sum3A_1211 = vector.extract %reduce_sum3A_1210[15] : f32 from vector<16xf32>
        %broadcast_in_dim3A_1212 = vector.broadcast %reduce_sum3A_1211 : f32 to vector<16xf32>
        %select_n3A_1213 = arith.select %eq3A, %broadcast_in_dim3A_1212, %scan3A_406 : vector<16xi1>, vector<16xf32>
        %mul3A_1214 = arith.constant 20 : i32
        %mul3A_1215 = arith.muli %scan3A_390, %mul3A_1214 : i32
        %add3A_1216 = arith.constant 15 : i32
        %add3A_1217 = arith.addi %mul3A_1215, %add3A_1216 : i32
        %get3A_1218 = arith.index_cast %add3A_1217 : i32 to index
        %get3A_1219 = arith.constant 0 : index
        %get3A_1220 = tpu.vector_load %arg16[%get3A_1218, %get3A_1219] {strides = array<i32>} : memref<320x128xf32, #tpu.memory_space<vmem>>, vector<16xf32>,
        %mul3A_1221 = arith.mulf %get3A_1220, %get3A_413 : vector<16xf32>
        %get3A_1222 = arith.index_cast %add3A_1217 : i32 to index
        %get3A_1223 = arith.constant 16 : index
        %get3A_1224 = tpu.vector_load %arg16[%get3A_1222, %get3A_1223] {strides = array<i32>} : memref<320x128xf32, #tpu.memory_space<vmem>>, vector<16xf32>,
        %mul3A_1225 = arith.mulf %get3A_1224, %get3A_416 : vector<16xf32>
        %add3A_1226 = arith.addf %mul3A_1221, %mul3A_1225 : vector<16xf32>
        %get3A_1227 = arith.index_cast %add3A_1217 : i32 to index
        %get3A_1228 = arith.constant 32 : index
        %get3A_1229 = tpu.vector_load %arg16[%get3A_1227, %get3A_1228] {strides = array<i32>} : memref<320x128xf32, #tpu.memory_space<vmem>>, vector<16xf32>,
        %mul3A_1230 = arith.mulf %get3A_1229, %get3A_419 : vector<16xf32>
        %add3A_1231 = arith.addf %add3A_1226, %mul3A_1230 : vector<16xf32>
        %get3A_1232 = arith.index_cast %add3A_1217 : i32 to index
        %get3A_1233 = arith.constant 48 : index
        %get3A_1234 = tpu.vector_load %arg16[%get3A_1232, %get3A_1233] {strides = array<i32>} : memref<320x128xf32, #tpu.memory_space<vmem>>, vector<16xf32>,
        %mul3A_1235 = arith.mulf %get3A_1234, %get3A_422 : vector<16xf32>
        %add3A_1236 = arith.addf %add3A_1231, %mul3A_1235 : vector<16xf32>
        %get3A_1237 = arith.index_cast %add3A_1217 : i32 to index
        %get3A_1238 = arith.constant 64 : index
        %get3A_1239 = tpu.vector_load %arg16[%get3A_1237, %get3A_1238] {strides = array<i32>} : memref<320x128xf32, #tpu.memory_space<vmem>>, vector<16xf32>,
        %mul3A_1240 = arith.mulf %get3A_1239, %get3A_425 : vector<16xf32>
        %add3A_1241 = arith.addf %add3A_1236, %mul3A_1240 : vector<16xf32>
        %get3A_1242 = arith.index_cast %add3A_1217 : i32 to index
        %get3A_1243 = arith.constant 80 : index
        %get3A_1244 = tpu.vector_load %arg16[%get3A_1242, %get3A_1243] {strides = array<i32>} : memref<320x128xf32, #tpu.memory_space<vmem>>, vector<16xf32>,
        %mul3A_1245 = arith.mulf %get3A_1244, %get3A_428 : vector<16xf32>
        %add3A_1246 = arith.addf %add3A_1241, %mul3A_1245 : vector<16xf32>
        %get3A_1247 = arith.index_cast %add3A_1217 : i32 to index
        %get3A_1248 = arith.constant 96 : index
        %get3A_1249 = tpu.vector_load %arg16[%get3A_1247, %get3A_1248] {strides = array<i32>} : memref<320x128xf32, #tpu.memory_space<vmem>>, vector<16xf32>,
        %mul3A_1250 = arith.mulf %get3A_1249, %get3A_431 : vector<16xf32>
        %add3A_1251 = arith.addf %add3A_1246, %mul3A_1250 : vector<16xf32>
        %get3A_1252 = arith.index_cast %add3A_1217 : i32 to index
        %get3A_1253 = arith.constant 112 : index
        %get3A_1254 = tpu.vector_load %arg16[%get3A_1252, %get3A_1253] {strides = array<i32>} : memref<320x128xf32, #tpu.memory_space<vmem>>, vector<16xf32>,
        %mul3A_1255 = arith.mulf %get3A_1254, %get3A_434 : vector<16xf32>
        %add3A_1256 = arith.addf %add3A_1251, %mul3A_1255 : vector<16xf32>
        %reduce_sum3A_1257 = arith.constant true
        %reduce_sum3A_1258 = vector.broadcast %reduce_sum3A_1257 : i1 to vector<16xi1>
        %reduce_sum3A_1259 = tpu.scan <sum>, %add3A_1256 masked %reduce_sum3A_1258 : vector<16xf32>, vector<16xi1> -> vector<16xf32>
        %reduce_sum3A_1260 = vector.extract %reduce_sum3A_1259[15] : f32 from vector<16xf32>
        %broadcast_in_dim3A_1261 = vector.broadcast %reduce_sum3A_1260 : f32 to vector<16xf32>
        %select_n3A_1262 = arith.select %eq3A, %broadcast_in_dim3A_1261, %scan3A_407 : vector<16xi1>, vector<16xf32>
        %mul3A_1263 = arith.constant 20 : i32
        %mul3A_1264 = arith.muli %scan3A_390, %mul3A_1263 : i32
        %add3A_1265 = arith.constant 16 : i32
        %add3A_1266 = arith.addi %mul3A_1264, %add3A_1265 : i32
        %get3A_1267 = arith.index_cast %add3A_1266 : i32 to index
        %get3A_1268 = arith.constant 0 : index
        %get3A_1269 = tpu.vector_load %arg16[%get3A_1267, %get3A_1268] {strides = array<i32>} : memref<320x128xf32, #tpu.memory_space<vmem>>, vector<16xf32>,
        %mul3A_1270 = arith.mulf %get3A_1269, %get3A_413 : vector<16xf32>
        %get3A_1271 = arith.index_cast %add3A_1266 : i32 to index
        %get3A_1272 = arith.constant 16 : index
        %get3A_1273 = tpu.vector_load %arg16[%get3A_1271, %get3A_1272] {strides = array<i32>} : memref<320x128xf32, #tpu.memory_space<vmem>>, vector<16xf32>,
        %mul3A_1274 = arith.mulf %get3A_1273, %get3A_416 : vector<16xf32>
        %add3A_1275 = arith.addf %mul3A_1270, %mul3A_1274 : vector<16xf32>
        %get3A_1276 = arith.index_cast %add3A_1266 : i32 to index
        %get3A_1277 = arith.constant 32 : index
        %get3A_1278 = tpu.vector_load %arg16[%get3A_1276, %get3A_1277] {strides = array<i32>} : memref<320x128xf32, #tpu.memory_space<vmem>>, vector<16xf32>,
        %mul3A_1279 = arith.mulf %get3A_1278, %get3A_419 : vector<16xf32>
        %add3A_1280 = arith.addf %add3A_1275, %mul3A_1279 : vector<16xf32>
        %get3A_1281 = arith.index_cast %add3A_1266 : i32 to index
        %get3A_1282 = arith.constant 48 : index
        %get3A_1283 = tpu.vector_load %arg16[%get3A_1281, %get3A_1282] {strides = array<i32>} : memref<320x128xf32, #tpu.memory_space<vmem>>, vector<16xf32>,
        %mul3A_1284 = arith.mulf %get3A_1283, %get3A_422 : vector<16xf32>
        %add3A_1285 = arith.addf %add3A_1280, %mul3A_1284 : vector<16xf32>
        %get3A_1286 = arith.index_cast %add3A_1266 : i32 to index
        %get3A_1287 = arith.constant 64 : index
        %get3A_1288 = tpu.vector_load %arg16[%get3A_1286, %get3A_1287] {strides = array<i32>} : memref<320x128xf32, #tpu.memory_space<vmem>>, vector<16xf32>,
        %mul3A_1289 = arith.mulf %get3A_1288, %get3A_425 : vector<16xf32>
        %add3A_1290 = arith.addf %add3A_1285, %mul3A_1289 : vector<16xf32>
        %get3A_1291 = arith.index_cast %add3A_1266 : i32 to index
        %get3A_1292 = arith.constant 80 : index
        %get3A_1293 = tpu.vector_load %arg16[%get3A_1291, %get3A_1292] {strides = array<i32>} : memref<320x128xf32, #tpu.memory_space<vmem>>, vector<16xf32>,
        %mul3A_1294 = arith.mulf %get3A_1293, %get3A_428 : vector<16xf32>
        %add3A_1295 = arith.addf %add3A_1290, %mul3A_1294 : vector<16xf32>
        %get3A_1296 = arith.index_cast %add3A_1266 : i32 to index
        %get3A_1297 = arith.constant 96 : index
        %get3A_1298 = tpu.vector_load %arg16[%get3A_1296, %get3A_1297] {strides = array<i32>} : memref<320x128xf32, #tpu.memory_space<vmem>>, vector<16xf32>,
        %mul3A_1299 = arith.mulf %get3A_1298, %get3A_431 : vector<16xf32>
        %add3A_1300 = arith.addf %add3A_1295, %mul3A_1299 : vector<16xf32>
        %get3A_1301 = arith.index_cast %add3A_1266 : i32 to index
        %get3A_1302 = arith.constant 112 : index
        %get3A_1303 = tpu.vector_load %arg16[%get3A_1301, %get3A_1302] {strides = array<i32>} : memref<320x128xf32, #tpu.memory_space<vmem>>, vector<16xf32>,
        %mul3A_1304 = arith.mulf %get3A_1303, %get3A_434 : vector<16xf32>
        %add3A_1305 = arith.addf %add3A_1300, %mul3A_1304 : vector<16xf32>
        %reduce_sum3A_1306 = arith.constant true
        %reduce_sum3A_1307 = vector.broadcast %reduce_sum3A_1306 : i1 to vector<16xi1>
        %reduce_sum3A_1308 = tpu.scan <sum>, %add3A_1305 masked %reduce_sum3A_1307 : vector<16xf32>, vector<16xi1> -> vector<16xf32>
        %reduce_sum3A_1309 = vector.extract %reduce_sum3A_1308[15] : f32 from vector<16xf32>
        %broadcast_in_dim3A_1310 = vector.broadcast %reduce_sum3A_1309 : f32 to vector<16xf32>
        %select_n3A_1311 = arith.select %eq3A, %broadcast_in_dim3A_1310, %scan3A_408 : vector<16xi1>, vector<16xf32>
        %mul3A_1312 = arith.constant 20 : i32
        %mul3A_1313 = arith.muli %scan3A_390, %mul3A_1312 : i32
        %add3A_1314 = arith.constant 17 : i32
        %add3A_1315 = arith.addi %mul3A_1313, %add3A_1314 : i32
        %get3A_1316 = arith.index_cast %add3A_1315 : i32 to index
        %get3A_1317 = arith.constant 0 : index
        %get3A_1318 = tpu.vector_load %arg16[%get3A_1316, %get3A_1317] {strides = array<i32>} : memref<320x128xf32, #tpu.memory_space<vmem>>, vector<16xf32>,
        %mul3A_1319 = arith.mulf %get3A_1318, %get3A_413 : vector<16xf32>
        %get3A_1320 = arith.index_cast %add3A_1315 : i32 to index
        %get3A_1321 = arith.constant 16 : index
        %get3A_1322 = tpu.vector_load %arg16[%get3A_1320, %get3A_1321] {strides = array<i32>} : memref<320x128xf32, #tpu.memory_space<vmem>>, vector<16xf32>,
        %mul3A_1323 = arith.mulf %get3A_1322, %get3A_416 : vector<16xf32>
        %add3A_1324 = arith.addf %mul3A_1319, %mul3A_1323 : vector<16xf32>
        %get3A_1325 = arith.index_cast %add3A_1315 : i32 to index
        %get3A_1326 = arith.constant 32 : index
        %get3A_1327 = tpu.vector_load %arg16[%get3A_1325, %get3A_1326] {strides = array<i32>} : memref<320x128xf32, #tpu.memory_space<vmem>>, vector<16xf32>,
        %mul3A_1328 = arith.mulf %get3A_1327, %get3A_419 : vector<16xf32>
        %add3A_1329 = arith.addf %add3A_1324, %mul3A_1328 : vector<16xf32>
        %get3A_1330 = arith.index_cast %add3A_1315 : i32 to index
        %get3A_1331 = arith.constant 48 : index
        %get3A_1332 = tpu.vector_load %arg16[%get3A_1330, %get3A_1331] {strides = array<i32>} : memref<320x128xf32, #tpu.memory_space<vmem>>, vector<16xf32>,
        %mul3A_1333 = arith.mulf %get3A_1332, %get3A_422 : vector<16xf32>
        %add3A_1334 = arith.addf %add3A_1329, %mul3A_1333 : vector<16xf32>
        %get3A_1335 = arith.index_cast %add3A_1315 : i32 to index
        %get3A_1336 = arith.constant 64 : index
        %get3A_1337 = tpu.vector_load %arg16[%get3A_1335, %get3A_1336] {strides = array<i32>} : memref<320x128xf32, #tpu.memory_space<vmem>>, vector<16xf32>,
        %mul3A_1338 = arith.mulf %get3A_1337, %get3A_425 : vector<16xf32>
        %add3A_1339 = arith.addf %add3A_1334, %mul3A_1338 : vector<16xf32>
        %get3A_1340 = arith.index_cast %add3A_1315 : i32 to index
        %get3A_1341 = arith.constant 80 : index
        %get3A_1342 = tpu.vector_load %arg16[%get3A_1340, %get3A_1341] {strides = array<i32>} : memref<320x128xf32, #tpu.memory_space<vmem>>, vector<16xf32>,
        %mul3A_1343 = arith.mulf %get3A_1342, %get3A_428 : vector<16xf32>
        %add3A_1344 = arith.addf %add3A_1339, %mul3A_1343 : vector<16xf32>
        %get3A_1345 = arith.index_cast %add3A_1315 : i32 to index
        %get3A_1346 = arith.constant 96 : index
        %get3A_1347 = tpu.vector_load %arg16[%get3A_1345, %get3A_1346] {strides = array<i32>} : memref<320x128xf32, #tpu.memory_space<vmem>>, vector<16xf32>,
        %mul3A_1348 = arith.mulf %get3A_1347, %get3A_431 : vector<16xf32>
        %add3A_1349 = arith.addf %add3A_1344, %mul3A_1348 : vector<16xf32>
        %get3A_1350 = arith.index_cast %add3A_1315 : i32 to index
        %get3A_1351 = arith.constant 112 : index
        %get3A_1352 = tpu.vector_load %arg16[%get3A_1350, %get3A_1351] {strides = array<i32>} : memref<320x128xf32, #tpu.memory_space<vmem>>, vector<16xf32>,
        %mul3A_1353 = arith.mulf %get3A_1352, %get3A_434 : vector<16xf32>
        %add3A_1354 = arith.addf %add3A_1349, %mul3A_1353 : vector<16xf32>
        %reduce_sum3A_1355 = arith.constant true
        %reduce_sum3A_1356 = vector.broadcast %reduce_sum3A_1355 : i1 to vector<16xi1>
        %reduce_sum3A_1357 = tpu.scan <sum>, %add3A_1354 masked %reduce_sum3A_1356 : vector<16xf32>, vector<16xi1> -> vector<16xf32>
        %reduce_sum3A_1358 = vector.extract %reduce_sum3A_1357[15] : f32 from vector<16xf32>
        %broadcast_in_dim3A_1359 = vector.broadcast %reduce_sum3A_1358 : f32 to vector<16xf32>
        %select_n3A_1360 = arith.select %eq3A, %broadcast_in_dim3A_1359, %scan3A_409 : vector<16xi1>, vector<16xf32>
        %mul3A_1361 = arith.constant 20 : i32
        %mul3A_1362 = arith.muli %scan3A_390, %mul3A_1361 : i32
        %add3A_1363 = arith.constant 18 : i32
        %add3A_1364 = arith.addi %mul3A_1362, %add3A_1363 : i32
        %get3A_1365 = arith.index_cast %add3A_1364 : i32 to index
        %get3A_1366 = arith.constant 0 : index
        %get3A_1367 = tpu.vector_load %arg16[%get3A_1365, %get3A_1366] {strides = array<i32>} : memref<320x128xf32, #tpu.memory_space<vmem>>, vector<16xf32>,
        %mul3A_1368 = arith.mulf %get3A_1367, %get3A_413 : vector<16xf32>
        %get3A_1369 = arith.index_cast %add3A_1364 : i32 to index
        %get3A_1370 = arith.constant 16 : index
        %get3A_1371 = tpu.vector_load %arg16[%get3A_1369, %get3A_1370] {strides = array<i32>} : memref<320x128xf32, #tpu.memory_space<vmem>>, vector<16xf32>,
        %mul3A_1372 = arith.mulf %get3A_1371, %get3A_416 : vector<16xf32>
        %add3A_1373 = arith.addf %mul3A_1368, %mul3A_1372 : vector<16xf32>
        %get3A_1374 = arith.index_cast %add3A_1364 : i32 to index
        %get3A_1375 = arith.constant 32 : index
        %get3A_1376 = tpu.vector_load %arg16[%get3A_1374, %get3A_1375] {strides = array<i32>} : memref<320x128xf32, #tpu.memory_space<vmem>>, vector<16xf32>,
        %mul3A_1377 = arith.mulf %get3A_1376, %get3A_419 : vector<16xf32>
        %add3A_1378 = arith.addf %add3A_1373, %mul3A_1377 : vector<16xf32>
        %get3A_1379 = arith.index_cast %add3A_1364 : i32 to index
        %get3A_1380 = arith.constant 48 : index
        %get3A_1381 = tpu.vector_load %arg16[%get3A_1379, %get3A_1380] {strides = array<i32>} : memref<320x128xf32, #tpu.memory_space<vmem>>, vector<16xf32>,
        %mul3A_1382 = arith.mulf %get3A_1381, %get3A_422 : vector<16xf32>
        %add3A_1383 = arith.addf %add3A_1378, %mul3A_1382 : vector<16xf32>
        %get3A_1384 = arith.index_cast %add3A_1364 : i32 to index
        %get3A_1385 = arith.constant 64 : index
        %get3A_1386 = tpu.vector_load %arg16[%get3A_1384, %get3A_1385] {strides = array<i32>} : memref<320x128xf32, #tpu.memory_space<vmem>>, vector<16xf32>,
        %mul3A_1387 = arith.mulf %get3A_1386, %get3A_425 : vector<16xf32>
        %add3A_1388 = arith.addf %add3A_1383, %mul3A_1387 : vector<16xf32>
        %get3A_1389 = arith.index_cast %add3A_1364 : i32 to index
        %get3A_1390 = arith.constant 80 : index
        %get3A_1391 = tpu.vector_load %arg16[%get3A_1389, %get3A_1390] {strides = array<i32>} : memref<320x128xf32, #tpu.memory_space<vmem>>, vector<16xf32>,
        %mul3A_1392 = arith.mulf %get3A_1391, %get3A_428 : vector<16xf32>
        %add3A_1393 = arith.addf %add3A_1388, %mul3A_1392 : vector<16xf32>
        %get3A_1394 = arith.index_cast %add3A_1364 : i32 to index
        %get3A_1395 = arith.constant 96 : index
        %get3A_1396 = tpu.vector_load %arg16[%get3A_1394, %get3A_1395] {strides = array<i32>} : memref<320x128xf32, #tpu.memory_space<vmem>>, vector<16xf32>,
        %mul3A_1397 = arith.mulf %get3A_1396, %get3A_431 : vector<16xf32>
        %add3A_1398 = arith.addf %add3A_1393, %mul3A_1397 : vector<16xf32>
        %get3A_1399 = arith.index_cast %add3A_1364 : i32 to index
        %get3A_1400 = arith.constant 112 : index
        %get3A_1401 = tpu.vector_load %arg16[%get3A_1399, %get3A_1400] {strides = array<i32>} : memref<320x128xf32, #tpu.memory_space<vmem>>, vector<16xf32>,
        %mul3A_1402 = arith.mulf %get3A_1401, %get3A_434 : vector<16xf32>
        %add3A_1403 = arith.addf %add3A_1398, %mul3A_1402 : vector<16xf32>
        %reduce_sum3A_1404 = arith.constant true
        %reduce_sum3A_1405 = vector.broadcast %reduce_sum3A_1404 : i1 to vector<16xi1>
        %reduce_sum3A_1406 = tpu.scan <sum>, %add3A_1403 masked %reduce_sum3A_1405 : vector<16xf32>, vector<16xi1> -> vector<16xf32>
        %reduce_sum3A_1407 = vector.extract %reduce_sum3A_1406[15] : f32 from vector<16xf32>
        %broadcast_in_dim3A_1408 = vector.broadcast %reduce_sum3A_1407 : f32 to vector<16xf32>
        %select_n3A_1409 = arith.select %eq3A, %broadcast_in_dim3A_1408, %scan3A_410 : vector<16xi1>, vector<16xf32>
        %mul3A_1410 = arith.constant 20 : i32
        %mul3A_1411 = arith.muli %scan3A_390, %mul3A_1410 : i32
        %add3A_1412 = arith.constant 19 : i32
        %add3A_1413 = arith.addi %mul3A_1411, %add3A_1412 : i32
        %get3A_1414 = arith.index_cast %add3A_1413 : i32 to index
        %get3A_1415 = arith.constant 0 : index
        %get3A_1416 = tpu.vector_load %arg16[%get3A_1414, %get3A_1415] {strides = array<i32>} : memref<320x128xf32, #tpu.memory_space<vmem>>, vector<16xf32>,
        %mul3A_1417 = arith.mulf %get3A_1416, %get3A_413 : vector<16xf32>
        %get3A_1418 = arith.index_cast %add3A_1413 : i32 to index
        %get3A_1419 = arith.constant 16 : index
        %get3A_1420 = tpu.vector_load %arg16[%get3A_1418, %get3A_1419] {strides = array<i32>} : memref<320x128xf32, #tpu.memory_space<vmem>>, vector<16xf32>,
        %mul3A_1421 = arith.mulf %get3A_1420, %get3A_416 : vector<16xf32>
        %add3A_1422 = arith.addf %mul3A_1417, %mul3A_1421 : vector<16xf32>
        %get3A_1423 = arith.index_cast %add3A_1413 : i32 to index
        %get3A_1424 = arith.constant 32 : index
        %get3A_1425 = tpu.vector_load %arg16[%get3A_1423, %get3A_1424] {strides = array<i32>} : memref<320x128xf32, #tpu.memory_space<vmem>>, vector<16xf32>,
        %mul3A_1426 = arith.mulf %get3A_1425, %get3A_419 : vector<16xf32>
        %add3A_1427 = arith.addf %add3A_1422, %mul3A_1426 : vector<16xf32>
        %get3A_1428 = arith.index_cast %add3A_1413 : i32 to index
        %get3A_1429 = arith.constant 48 : index
        %get3A_1430 = tpu.vector_load %arg16[%get3A_1428, %get3A_1429] {strides = array<i32>} : memref<320x128xf32, #tpu.memory_space<vmem>>, vector<16xf32>,
        %mul3A_1431 = arith.mulf %get3A_1430, %get3A_422 : vector<16xf32>
        %add3A_1432 = arith.addf %add3A_1427, %mul3A_1431 : vector<16xf32>
        %get3A_1433 = arith.index_cast %add3A_1413 : i32 to index
        %get3A_1434 = arith.constant 64 : index
        %get3A_1435 = tpu.vector_load %arg16[%get3A_1433, %get3A_1434] {strides = array<i32>} : memref<320x128xf32, #tpu.memory_space<vmem>>, vector<16xf32>,
        %mul3A_1436 = arith.mulf %get3A_1435, %get3A_425 : vector<16xf32>
        %add3A_1437 = arith.addf %add3A_1432, %mul3A_1436 : vector<16xf32>
        %get3A_1438 = arith.index_cast %add3A_1413 : i32 to index
        %get3A_1439 = arith.constant 80 : index
        %get3A_1440 = tpu.vector_load %arg16[%get3A_1438, %get3A_1439] {strides = array<i32>} : memref<320x128xf32, #tpu.memory_space<vmem>>, vector<16xf32>,
        %mul3A_1441 = arith.mulf %get3A_1440, %get3A_428 : vector<16xf32>
        %add3A_1442 = arith.addf %add3A_1437, %mul3A_1441 : vector<16xf32>
        %get3A_1443 = arith.index_cast %add3A_1413 : i32 to index
        %get3A_1444 = arith.constant 96 : index
        %get3A_1445 = tpu.vector_load %arg16[%get3A_1443, %get3A_1444] {strides = array<i32>} : memref<320x128xf32, #tpu.memory_space<vmem>>, vector<16xf32>,
        %mul3A_1446 = arith.mulf %get3A_1445, %get3A_431 : vector<16xf32>
        %add3A_1447 = arith.addf %add3A_1442, %mul3A_1446 : vector<16xf32>
        %get3A_1448 = arith.index_cast %add3A_1413 : i32 to index
        %get3A_1449 = arith.constant 112 : index
        %get3A_1450 = tpu.vector_load %arg16[%get3A_1448, %get3A_1449] {strides = array<i32>} : memref<320x128xf32, #tpu.memory_space<vmem>>, vector<16xf32>,
        %mul3A_1451 = arith.mulf %get3A_1450, %get3A_434 : vector<16xf32>
        %add3A_1452 = arith.addf %add3A_1447, %mul3A_1451 : vector<16xf32>
        %reduce_sum3A_1453 = arith.constant true
        %reduce_sum3A_1454 = vector.broadcast %reduce_sum3A_1453 : i1 to vector<16xi1>
        %reduce_sum3A_1455 = tpu.scan <sum>, %add3A_1452 masked %reduce_sum3A_1454 : vector<16xf32>, vector<16xi1> -> vector<16xf32>
        %reduce_sum3A_1456 = vector.extract %reduce_sum3A_1455[15] : f32 from vector<16xf32>
        %broadcast_in_dim3A_1457 = vector.broadcast %reduce_sum3A_1456 : f32 to vector<16xf32>
        %select_n3A_1458 = arith.select %eq3A, %broadcast_in_dim3A_1457, %scan3A_411 : vector<16xi1>, vector<16xf32>
        scf.yield %select_n3A, %select_n3A_527, %select_n3A_576, %select_n3A_625, %select_n3A_674, %select_n3A_723, %select_n3A_772, %select_n3A_821, %select_n3A_870, %select_n3A_919, %select_n3A_968, %select_n3A_1017, %select_n3A_1066, %select_n3A_1115, %select_n3A_1164, %select_n3A_1213, %select_n3A_1262, %select_n3A_1311, %select_n3A_1360, %select_n3A_1409, %select_n3A_1458 : vector<16xf32>, vector<16xf32>, vector<16xf32>, vector<16xf32>, vector<16xf32>, vector<16xf32>, vector<16xf32>, vector<16xf32>, vector<16xf32>, vector<16xf32>, vector<16xf32>, vector<16xf32>, vector<16xf32>, vector<16xf32>, vector<16xf32>, vector<16xf32>, vector<16xf32>, vector<16xf32>, vector<16xf32>, vector<16xf32>, vector<16xf32>
      }
      %scan3A_285 = arith.constant 16 : i32
      %mul3A_286 = arith.constant 16 : i32
      %mul3A_287 = arith.muli %add3A_237, %mul3A_286 : i32
      %swap3A_288 = arith.constant 0 : i32
      %swap3A_289 = arith.index_cast %swap3A_288 : i32 to index
      %swap3A_290 = arith.index_cast %mul3A_287 : i32 to index
      %swap3A_291 = tpu.vector_load %arg17[%swap3A_289, %swap3A_290] {strides = array<i32>} : memref<24x512xf32, #tpu.memory_space<vmem>>, vector<16xf32>,
      tpu.vector_store %arg17[%swap3A_289, %swap3A_290], %scan3A_284#0 {strides = array<i32>} : memref<24x512xf32, #tpu.memory_space<vmem>>, vector<16xf32>,
      %swap3A_292 = arith.constant 1 : i32
      %swap3A_293 = arith.index_cast %swap3A_292 : i32 to index
      %swap3A_294 = arith.index_cast %mul3A_287 : i32 to index
      %swap3A_295 = tpu.vector_load %arg17[%swap3A_293, %swap3A_294] {strides = array<i32>} : memref<24x512xf32, #tpu.memory_space<vmem>>, vector<16xf32>,
      tpu.vector_store %arg17[%swap3A_293, %swap3A_294], %scan3A_284#1 {strides = array<i32>} : memref<24x512xf32, #tpu.memory_space<vmem>>, vector<16xf32>,
      %swap3A_296 = arith.constant 2 : i32
      %swap3A_297 = arith.index_cast %swap3A_296 : i32 to index
      %swap3A_298 = arith.index_cast %mul3A_287 : i32 to index
      %swap3A_299 = tpu.vector_load %arg17[%swap3A_297, %swap3A_298] {strides = array<i32>} : memref<24x512xf32, #tpu.memory_space<vmem>>, vector<16xf32>,
      tpu.vector_store %arg17[%swap3A_297, %swap3A_298], %scan3A_284#2 {strides = array<i32>} : memref<24x512xf32, #tpu.memory_space<vmem>>, vector<16xf32>,
      %swap3A_300 = arith.constant 3 : i32
      %swap3A_301 = arith.index_cast %swap3A_300 : i32 to index
      %swap3A_302 = arith.index_cast %mul3A_287 : i32 to index
      %swap3A_303 = tpu.vector_load %arg17[%swap3A_301, %swap3A_302] {strides = array<i32>} : memref<24x512xf32, #tpu.memory_space<vmem>>, vector<16xf32>,
      tpu.vector_store %arg17[%swap3A_301, %swap3A_302], %scan3A_284#3 {strides = array<i32>} : memref<24x512xf32, #tpu.memory_space<vmem>>, vector<16xf32>,
      %swap3A_304 = arith.constant 4 : i32
      %swap3A_305 = arith.index_cast %swap3A_304 : i32 to index
      %swap3A_306 = arith.index_cast %mul3A_287 : i32 to index
      %swap3A_307 = tpu.vector_load %arg17[%swap3A_305, %swap3A_306] {strides = array<i32>} : memref<24x512xf32, #tpu.memory_space<vmem>>, vector<16xf32>,
      tpu.vector_store %arg17[%swap3A_305, %swap3A_306], %scan3A_284#4 {strides = array<i32>} : memref<24x512xf32, #tpu.memory_space<vmem>>, vector<16xf32>,
      %swap3A_308 = arith.constant 5 : i32
      %swap3A_309 = arith.index_cast %swap3A_308 : i32 to index
      %swap3A_310 = arith.index_cast %mul3A_287 : i32 to index
      %swap3A_311 = tpu.vector_load %arg17[%swap3A_309, %swap3A_310] {strides = array<i32>} : memref<24x512xf32, #tpu.memory_space<vmem>>, vector<16xf32>,
      tpu.vector_store %arg17[%swap3A_309, %swap3A_310], %scan3A_284#5 {strides = array<i32>} : memref<24x512xf32, #tpu.memory_space<vmem>>, vector<16xf32>,
      %swap3A_312 = arith.constant 6 : i32
      %swap3A_313 = arith.index_cast %swap3A_312 : i32 to index
      %swap3A_314 = arith.index_cast %mul3A_287 : i32 to index
      %swap3A_315 = tpu.vector_load %arg17[%swap3A_313, %swap3A_314] {strides = array<i32>} : memref<24x512xf32, #tpu.memory_space<vmem>>, vector<16xf32>,
      tpu.vector_store %arg17[%swap3A_313, %swap3A_314], %scan3A_284#6 {strides = array<i32>} : memref<24x512xf32, #tpu.memory_space<vmem>>, vector<16xf32>,
      %swap3A_316 = arith.constant 7 : i32
      %swap3A_317 = arith.index_cast %swap3A_316 : i32 to index
      %swap3A_318 = arith.index_cast %mul3A_287 : i32 to index
      %swap3A_319 = tpu.vector_load %arg17[%swap3A_317, %swap3A_318] {strides = array<i32>} : memref<24x512xf32, #tpu.memory_space<vmem>>, vector<16xf32>,
      tpu.vector_store %arg17[%swap3A_317, %swap3A_318], %scan3A_284#7 {strides = array<i32>} : memref<24x512xf32, #tpu.memory_space<vmem>>, vector<16xf32>,
      %swap3A_320 = arith.constant 8 : i32
      %swap3A_321 = arith.index_cast %swap3A_320 : i32 to index
      %swap3A_322 = arith.index_cast %mul3A_287 : i32 to index
      %swap3A_323 = tpu.vector_load %arg17[%swap3A_321, %swap3A_322] {strides = array<i32>} : memref<24x512xf32, #tpu.memory_space<vmem>>, vector<16xf32>,
      tpu.vector_store %arg17[%swap3A_321, %swap3A_322], %scan3A_284#8 {strides = array<i32>} : memref<24x512xf32, #tpu.memory_space<vmem>>, vector<16xf32>,
      %swap3A_324 = arith.constant 9 : i32
      %swap3A_325 = arith.index_cast %swap3A_324 : i32 to index
      %swap3A_326 = arith.index_cast %mul3A_287 : i32 to index
      %swap3A_327 = tpu.vector_load %arg17[%swap3A_325, %swap3A_326] {strides = array<i32>} : memref<24x512xf32, #tpu.memory_space<vmem>>, vector<16xf32>,
      tpu.vector_store %arg17[%swap3A_325, %swap3A_326], %scan3A_284#9 {strides = array<i32>} : memref<24x512xf32, #tpu.memory_space<vmem>>, vector<16xf32>,
      %swap3A_328 = arith.constant 10 : i32
      %swap3A_329 = arith.index_cast %swap3A_328 : i32 to index
      %swap3A_330 = arith.index_cast %mul3A_287 : i32 to index
      %swap3A_331 = tpu.vector_load %arg17[%swap3A_329, %swap3A_330] {strides = array<i32>} : memref<24x512xf32, #tpu.memory_space<vmem>>, vector<16xf32>,
      tpu.vector_store %arg17[%swap3A_329, %swap3A_330], %scan3A_284#10 {strides = array<i32>} : memref<24x512xf32, #tpu.memory_space<vmem>>, vector<16xf32>,
      %swap3A_332 = arith.constant 11 : i32
      %swap3A_333 = arith.index_cast %swap3A_332 : i32 to index
      %swap3A_334 = arith.index_cast %mul3A_287 : i32 to index
      %swap3A_335 = tpu.vector_load %arg17[%swap3A_333, %swap3A_334] {strides = array<i32>} : memref<24x512xf32, #tpu.memory_space<vmem>>, vector<16xf32>,
      tpu.vector_store %arg17[%swap3A_333, %swap3A_334], %scan3A_284#11 {strides = array<i32>} : memref<24x512xf32, #tpu.memory_space<vmem>>, vector<16xf32>,
      %swap3A_336 = arith.constant 12 : i32
      %swap3A_337 = arith.index_cast %swap3A_336 : i32 to index
      %swap3A_338 = arith.index_cast %mul3A_287 : i32 to index
      %swap3A_339 = tpu.vector_load %arg17[%swap3A_337, %swap3A_338] {strides = array<i32>} : memref<24x512xf32, #tpu.memory_space<vmem>>, vector<16xf32>,
      tpu.vector_store %arg17[%swap3A_337, %swap3A_338], %scan3A_284#12 {strides = array<i32>} : memref<24x512xf32, #tpu.memory_space<vmem>>, vector<16xf32>,
      %swap3A_340 = arith.constant 13 : i32
      %swap3A_341 = arith.index_cast %swap3A_340 : i32 to index
      %swap3A_342 = arith.index_cast %mul3A_287 : i32 to index
      %swap3A_343 = tpu.vector_load %arg17[%swap3A_341, %swap3A_342] {strides = array<i32>} : memref<24x512xf32, #tpu.memory_space<vmem>>, vector<16xf32>,
      tpu.vector_store %arg17[%swap3A_341, %swap3A_342], %scan3A_284#13 {strides = array<i32>} : memref<24x512xf32, #tpu.memory_space<vmem>>, vector<16xf32>,
      %swap3A_344 = arith.constant 14 : i32
      %swap3A_345 = arith.index_cast %swap3A_344 : i32 to index
      %swap3A_346 = arith.index_cast %mul3A_287 : i32 to index
      %swap3A_347 = tpu.vector_load %arg17[%swap3A_345, %swap3A_346] {strides = array<i32>} : memref<24x512xf32, #tpu.memory_space<vmem>>, vector<16xf32>,
      tpu.vector_store %arg17[%swap3A_345, %swap3A_346], %scan3A_284#14 {strides = array<i32>} : memref<24x512xf32, #tpu.memory_space<vmem>>, vector<16xf32>,
      %swap3A_348 = arith.constant 15 : i32
      %swap3A_349 = arith.index_cast %swap3A_348 : i32 to index
      %swap3A_350 = arith.index_cast %mul3A_287 : i32 to index
      %swap3A_351 = tpu.vector_load %arg17[%swap3A_349, %swap3A_350] {strides = array<i32>} : memref<24x512xf32, #tpu.memory_space<vmem>>, vector<16xf32>,
      tpu.vector_store %arg17[%swap3A_349, %swap3A_350], %scan3A_284#15 {strides = array<i32>} : memref<24x512xf32, #tpu.memory_space<vmem>>, vector<16xf32>,
      %swap3A_352 = arith.constant 16 : i32
      %swap3A_353 = arith.index_cast %swap3A_352 : i32 to index
      %swap3A_354 = arith.index_cast %mul3A_287 : i32 to index
      %swap3A_355 = tpu.vector_load %arg17[%swap3A_353, %swap3A_354] {strides = array<i32>} : memref<24x512xf32, #tpu.memory_space<vmem>>, vector<16xf32>,
      tpu.vector_store %arg17[%swap3A_353, %swap3A_354], %scan3A_284#16 {strides = array<i32>} : memref<24x512xf32, #tpu.memory_space<vmem>>, vector<16xf32>,
      %swap3A_356 = arith.constant 17 : i32
      %swap3A_357 = arith.index_cast %swap3A_356 : i32 to index
      %swap3A_358 = arith.index_cast %mul3A_287 : i32 to index
      %swap3A_359 = tpu.vector_load %arg17[%swap3A_357, %swap3A_358] {strides = array<i32>} : memref<24x512xf32, #tpu.memory_space<vmem>>, vector<16xf32>,
      tpu.vector_store %arg17[%swap3A_357, %swap3A_358], %scan3A_284#17 {strides = array<i32>} : memref<24x512xf32, #tpu.memory_space<vmem>>, vector<16xf32>,
      %swap3A_360 = arith.constant 18 : i32
      %swap3A_361 = arith.index_cast %swap3A_360 : i32 to index
      %swap3A_362 = arith.index_cast %mul3A_287 : i32 to index
      %swap3A_363 = tpu.vector_load %arg17[%swap3A_361, %swap3A_362] {strides = array<i32>} : memref<24x512xf32, #tpu.memory_space<vmem>>, vector<16xf32>,
      tpu.vector_store %arg17[%swap3A_361, %swap3A_362], %scan3A_284#18 {strides = array<i32>} : memref<24x512xf32, #tpu.memory_space<vmem>>, vector<16xf32>,
      %swap3A_364 = arith.constant 19 : i32
      %swap3A_365 = arith.index_cast %swap3A_364 : i32 to index
      %swap3A_366 = arith.index_cast %mul3A_287 : i32 to index
      %swap3A_367 = tpu.vector_load %arg17[%swap3A_365, %swap3A_366] {strides = array<i32>} : memref<24x512xf32, #tpu.memory_space<vmem>>, vector<16xf32>,
      tpu.vector_store %arg17[%swap3A_365, %swap3A_366], %scan3A_284#19 {strides = array<i32>} : memref<24x512xf32, #tpu.memory_space<vmem>>, vector<16xf32>,
      %swap3A_368 = arith.constant 20 : i32
      %swap3A_369 = arith.index_cast %swap3A_368 : i32 to index
      %swap3A_370 = arith.index_cast %mul3A_287 : i32 to index
      %swap3A_371 = tpu.vector_load %arg17[%swap3A_369, %swap3A_370] {strides = array<i32>} : memref<24x512xf32, #tpu.memory_space<vmem>>, vector<16xf32>,
      tpu.vector_store %arg17[%swap3A_369, %swap3A_370], %scan3A_284#20 {strides = array<i32>} : memref<24x512xf32, #tpu.memory_space<vmem>>, vector<16xf32>,
      %broadcast_in_dim3A_372 = arith.constant 0.000000e+00 : f32
      %broadcast_in_dim3A_373 = vector.broadcast %broadcast_in_dim3A_372 : f32 to vector<16xf32>
      %swap3A_374 = arith.constant 21 : i32
      %swap3A_375 = arith.index_cast %swap3A_374 : i32 to index
      %swap3A_376 = arith.index_cast %mul3A_287 : i32 to index
      %swap3A_377 = tpu.vector_load %arg17[%swap3A_375, %swap3A_376] {strides = array<i32>} : memref<24x512xf32, #tpu.memory_space<vmem>>, vector<16xf32>,
      tpu.vector_store %arg17[%swap3A_375, %swap3A_376], %broadcast_in_dim3A_373 {strides = array<i32>} : memref<24x512xf32, #tpu.memory_space<vmem>>, vector<16xf32>,
      %broadcast_in_dim3A_378 = arith.constant 0.000000e+00 : f32
      %broadcast_in_dim3A_379 = vector.broadcast %broadcast_in_dim3A_378 : f32 to vector<16xf32>
      %swap3A_380 = arith.constant 22 : i32
      %swap3A_381 = arith.index_cast %swap3A_380 : i32 to index
      %swap3A_382 = arith.index_cast %mul3A_287 : i32 to index
      %swap3A_383 = tpu.vector_load %arg17[%swap3A_381, %swap3A_382] {strides = array<i32>} : memref<24x512xf32, #tpu.memory_space<vmem>>, vector<16xf32>,
      tpu.vector_store %arg17[%swap3A_381, %swap3A_382], %broadcast_in_dim3A_379 {strides = array<i32>} : memref<24x512xf32, #tpu.memory_space<vmem>>, vector<16xf32>,
      %broadcast_in_dim3A_384 = arith.constant 0.000000e+00 : f32
      %broadcast_in_dim3A_385 = vector.broadcast %broadcast_in_dim3A_384 : f32 to vector<16xf32>
      %swap3A_386 = arith.constant 23 : i32
      %swap3A_387 = arith.index_cast %swap3A_386 : i32 to index
      %swap3A_388 = arith.index_cast %mul3A_287 : i32 to index
      %swap3A_389 = tpu.vector_load %arg17[%swap3A_387, %swap3A_388] {strides = array<i32>} : memref<24x512xf32, #tpu.memory_space<vmem>>, vector<16xf32>,
      tpu.vector_store %arg17[%swap3A_387, %swap3A_388], %broadcast_in_dim3A_385 {strides = array<i32>} : memref<24x512xf32, #tpu.memory_space<vmem>>, vector<16xf32>,
    }
    %scan3A_23 = arith.constant 16 : i32
    "tpu.region"() ({
      %run_scoped3A = tpu.sem_alloc : memref<!tpu.dma_semaphore, #tpu.memory_space<semaphore_mem>>
      %dma_start3A_24 = arith.constant 0 : i32
      %dma_start3A_25 = arith.constant 0 : i32
      %dma_start3A_26 = tpu.memref_slice %arg7[%add3A, %dma_start3A_24, %dma_start3A_25] : memref<32x24x512xf32, #tpu.memory_space<hbm>> -> memref<1x24x512xf32, #tpu.memory_space<hbm>>
      %dma_start3A_27 = tpu.memref_squeeze %dma_start3A_26 : memref<1x24x512xf32, #tpu.memory_space<hbm>> -> memref<24x512xf32, #tpu.memory_space<hbm>>
      %dma_start3A_28 = arith.constant 0 : i32
      %dma_start3A_29 = arith.constant 0 : i32
      %dma_start3A_30 = tpu.memref_slice %arg7[%add3A, %dma_start3A_28, %dma_start3A_29] : memref<32x24x512xf32, #tpu.memory_space<hbm>> -> memref<1x24x512xf32, #tpu.memory_space<hbm>>
      %dma_start3A_31 = tpu.memref_squeeze %dma_start3A_30 : memref<1x24x512xf32, #tpu.memory_space<hbm>> -> memref<24x512xf32, #tpu.memory_space<hbm>>
      tpu.enqueue_dma source(%arg17 : memref<24x512xf32, #tpu.memory_space<vmem>>) target(%dma_start3A_31 : memref<24x512xf32, #tpu.memory_space<hbm>>) target_semaphore(%run_scoped3A : memref<!tpu.dma_semaphore, #tpu.memory_space<semaphore_mem>>)
      %dma_wait3A = arith.constant 0 : i32
      %dma_wait3A_32 = arith.constant 0 : i32
      %dma_wait3A_33 = tpu.memref_slice %arg7[%add3A, %dma_wait3A, %dma_wait3A_32] : memref<32x24x512xf32, #tpu.memory_space<hbm>> -> memref<1x24x512xf32, #tpu.memory_space<hbm>>
      %dma_wait3A_34 = tpu.memref_squeeze %dma_wait3A_33 : memref<1x24x512xf32, #tpu.memory_space<hbm>> -> memref<24x512xf32, #tpu.memory_space<hbm>>
      %dma_wait3A_35 = arith.constant 0 : i32
      %dma_wait3A_36 = arith.constant 0 : i32
      %dma_wait3A_37 = tpu.memref_slice %arg7[%add3A, %dma_wait3A_35, %dma_wait3A_36] : memref<32x24x512xf32, #tpu.memory_space<hbm>> -> memref<1x24x512xf32, #tpu.memory_space<hbm>>
      %dma_wait3A_38 = tpu.memref_squeeze %dma_wait3A_37 : memref<1x24x512xf32, #tpu.memory_space<hbm>> -> memref<24x512xf32, #tpu.memory_space<hbm>>
      tpu.wait_dma2 semaphore(%run_scoped3A : memref<!tpu.dma_semaphore, #tpu.memory_space<semaphore_mem>>) src(%arg17 : memref<24x512xf32, #tpu.memory_space<vmem>>) dst(%dma_wait3A_38 : memref<24x512xf32, #tpu.memory_space<hbm>>)
      tpu.yield
    }) : () -> ()
    return
  }
}

module attributes {stable_mosaic.version = 14 : i64} {
  func.func @_tc_body(%arg0: memref<32x24x512xf32, #tpu.memory_space<vmem>>, %arg1: memref<1x1xf32, #tpu.memory_space<smem>>) attributes {dimension_semantics = [], scalar_prefetch = 0 : i64, scratch_operands = 0 : i64, tpu.core_type = #tpu.core_type<tc>} {
    %get3A = arith.constant 0 : index
    %get3A_0 = arith.constant 0 : index
    %get3A_1 = arith.constant 0 : index
    %get3A_2 = vector.load %arg0[%get3A, %get3A_0, %get3A_1] : memref<32x24x512xf32, #tpu.memory_space<vmem>>, vector<32x1x512xf32>
    %get3A_3 = arith.constant 0 : index
    %get3A_4 = arith.constant 1 : index
    %get3A_5 = arith.constant 0 : index
    %get3A_6 = vector.load %arg0[%get3A_3, %get3A_4, %get3A_5] : memref<32x24x512xf32, #tpu.memory_space<vmem>>, vector<32x20x512xf32>
    %neg3A = arith.constant 0.000000e+00 : f32
    %neg3A_7 = vector.broadcast %neg3A : f32 to vector<32x1x512xf32>
    %neg3A_8 = arith.subf %neg3A_7, %get3A_2 : vector<32x1x512xf32>
    %custom_jvp_call3A = arith.constant 0.000000e+00 : f32
    %max3A = vector.broadcast %custom_jvp_call3A : f32 to vector<32x1x512xf32>
    %max3A_9 = arith.maximumf %neg3A_8, %max3A : vector<32x1x512xf32>
    %sub3A = vector.broadcast %custom_jvp_call3A : f32 to vector<32x1x512xf32>
    %sub3A_10 = arith.subf %neg3A_8, %sub3A : vector<32x1x512xf32>
    %ne3A = arith.cmpf one, %sub3A_10, %sub3A_10 : vector<32x1x512xf32>
    %add3A = vector.broadcast %custom_jvp_call3A : f32 to vector<32x1x512xf32>
    %add3A_11 = arith.addf %neg3A_8, %add3A : vector<32x1x512xf32>
    %abs3A = math.absf %sub3A_10 : vector<32x1x512xf32>
    %neg3A_12 = arith.constant 0.000000e+00 : f32
    %neg3A_13 = vector.broadcast %neg3A_12 : f32 to vector<32x1x512xf32>
    %neg3A_14 = arith.subf %neg3A_13, %abs3A : vector<32x1x512xf32>
    %exp3A = math.exp %neg3A_14 : vector<32x1x512xf32>
    %log1p3A = math.log1p %exp3A : vector<32x1x512xf32>
    %add3A_15 = arith.addf %max3A_9, %log1p3A : vector<32x1x512xf32>
    %select_n3A = arith.select %ne3A, %add3A_11, %add3A_15 : vector<32x1x512xi1>, vector<32x1x512xf32>
    %neg3A_16 = arith.constant 0.000000e+00 : f32
    %neg3A_17 = vector.broadcast %neg3A_16 : f32 to vector<32x1x512xf32>
    %neg3A_18 = arith.subf %neg3A_17, %select_n3A : vector<32x1x512xf32>
    %neg3A_19 = arith.constant 0.000000e+00 : f32
    %neg3A_20 = vector.broadcast %neg3A_19 : f32 to vector<32x1x512xf32>
    %neg3A_21 = arith.subf %neg3A_20, %neg3A_18 : vector<32x1x512xf32>
    %reduce_sum3A = vector.shape_cast %neg3A_21 : vector<32x1x512xf32> to vector<1x32x1x512xf32>
    %reduce_sum3A_22 = arith.constant dense<0.000000e+00> : vector<1xf32>
    %reduce_sum3A_23 = vector.multi_reduction <add>, %reduce_sum3A, %reduce_sum3A_22 [1, 2, 3] : vector<1x32x1x512xf32> to vector<1xf32>
    %reduce_sum3A_24 = vector.shape_cast %reduce_sum3A_23 : vector<1xf32> to vector<1x1x1x1xf32>
    %reduce_sum3A_25 = vector.extract %reduce_sum3A_24[0, 0, 0, 0] : f32 from vector<1x1x1x1xf32>
    %neg3A_26 = arith.constant 0.000000e+00 : f32
    %neg3A_27 = vector.broadcast %neg3A_26 : f32 to vector<32x20x512xf32>
    %neg3A_28 = arith.subf %neg3A_27, %get3A_6 : vector<32x20x512xf32>
    %neg3A_29 = arith.constant 0.000000e+00 : f32
    %neg3A_30 = vector.broadcast %neg3A_29 : f32 to vector<32x20x512xf32>
    %neg3A_31 = arith.subf %neg3A_30, %neg3A_28 : vector<32x20x512xf32>
    %custom_jvp_call3A_32 = arith.constant 0.000000e+00 : f32
    %max3A_33 = vector.broadcast %custom_jvp_call3A_32 : f32 to vector<32x20x512xf32>
    %max3A_34 = arith.maximumf %neg3A_31, %max3A_33 : vector<32x20x512xf32>
    %sub3A_35 = vector.broadcast %custom_jvp_call3A_32 : f32 to vector<32x20x512xf32>
    %sub3A_36 = arith.subf %neg3A_31, %sub3A_35 : vector<32x20x512xf32>
    %ne3A_37 = arith.cmpf one, %sub3A_36, %sub3A_36 : vector<32x20x512xf32>
    %add3A_38 = vector.broadcast %custom_jvp_call3A_32 : f32 to vector<32x20x512xf32>
    %add3A_39 = arith.addf %neg3A_31, %add3A_38 : vector<32x20x512xf32>
    %abs3A_40 = math.absf %sub3A_36 : vector<32x20x512xf32>
    %neg3A_41 = arith.constant 0.000000e+00 : f32
    %neg3A_42 = vector.broadcast %neg3A_41 : f32 to vector<32x20x512xf32>
    %neg3A_43 = arith.subf %neg3A_42, %abs3A_40 : vector<32x20x512xf32>
    %exp3A_44 = math.exp %neg3A_43 : vector<32x20x512xf32>
    %log1p3A_45 = math.log1p %exp3A_44 : vector<32x20x512xf32>
    %add3A_46 = arith.addf %max3A_34, %log1p3A_45 : vector<32x20x512xf32>
    %select_n3A_47 = arith.select %ne3A_37, %add3A_39, %add3A_46 : vector<32x20x512xi1>, vector<32x20x512xf32>
    %neg3A_48 = arith.constant 0.000000e+00 : f32
    %neg3A_49 = vector.broadcast %neg3A_48 : f32 to vector<32x20x512xf32>
    %neg3A_50 = arith.subf %neg3A_49, %select_n3A_47 : vector<32x20x512xf32>
    %neg3A_51 = arith.constant 0.000000e+00 : f32
    %neg3A_52 = vector.broadcast %neg3A_51 : f32 to vector<32x20x512xf32>
    %neg3A_53 = arith.subf %neg3A_52, %neg3A_50 : vector<32x20x512xf32>
    %reduce_sum3A_54 = vector.shape_cast %neg3A_53 : vector<32x20x512xf32> to vector<1x32x20x512xf32>
    %reduce_sum3A_55 = arith.constant dense<0.000000e+00> : vector<1xf32>
    %reduce_sum3A_56 = vector.multi_reduction <add>, %reduce_sum3A_54, %reduce_sum3A_55 [1, 2, 3] : vector<1x32x20x512xf32> to vector<1xf32>
    %reduce_sum3A_57 = vector.shape_cast %reduce_sum3A_56 : vector<1xf32> to vector<1x1x1x1xf32>
    %reduce_sum3A_58 = vector.extract %reduce_sum3A_57[0, 0, 0, 0] : f32 from vector<1x1x1x1xf32>
    %add3A_59 = arith.addf %reduce_sum3A_25, %reduce_sum3A_58 : f32
    %mul3A = arith.constant 6.10351563E-5 : f32
    %mul3A_60 = arith.mulf %add3A_59, %mul3A : f32
    %swap3A = arith.constant 0 : index
    %swap3A_61 = arith.constant 0 : index
    %swap3A_62 = memref.load %arg1[%swap3A, %swap3A_61] : memref<1x1xf32, #tpu.memory_space<smem>>
    memref.store %mul3A_60, %arg1[%swap3A, %swap3A_61] : memref<1x1xf32, #tpu.memory_space<smem>>
    return
  }
}

</mosaic_0001>

<sc_bundles>
// kernel: kernel.4.cloned.1.call-start
scs
__scs_entry_jumppad:
0x0: {  	(pc) =	sbr.rel $0x88, $3  }
0x1: {  	(tag) =	ssettag $0x0;
	lr =	simm.s32 $0x1  }
0x2: {  	[smem:$0x3F9C] =	sst lr;
	_ =	strace $0xD0000000  }
0x3: {  	_ = 	snop  }
0x4: {  	_ = 	snop  }
0x5: {  	_ = 	snop  }
0x6: {  	_ = 	snop  }
0x7: {  	_ = 	snop  }
__scs_overlays_trampoline_lowered:
0x8: {  	[smem:$0x3FAB] =	sst s0  }
0x9: {  	[smem:$0x3FAC] =	sst s1  }
0xa: {  	[smem:$0x3FAD] =	sst s2  }
0xb: {  	[smem:$0x3FAE] =	sst s3  }
0xc: {  	[smem:$0x3FAF] =	sst s4  }
0xd: {  	[smem:$0x3FB0] =	sst s5  }
0xe: {  	[smem:$0x3FB1] =	sst s6  }
0xf: {  	[smem:$0x3FB2] =	sst s7  }
0x10: {  	[smem:$0x3FB3] =	sst s8  }
0x11: {  	[smem:$0x3FB4] =	sst s9;
	s0 =	simm.s32 @!p0 $0x0  }
0x12: {  	s1 =	sld [smem:$0x3F9A];
	s0 =	simm.s32 @p0 $0x1  }
0x13: {  	[smem:$0x3FB5] =	sst s0;
	s0 =	simm.s32 @!p1 $0x0  }
0x14: {  	s2 =	sld [smem:$0x3F99];
	s0 =	simm.s32 @p1 $0x1  }
0x15: {  	[smem:$0x3FB6] =	sst s0;
	s0 =	simm.s32 @!p2 $0x0  }
0x16: {  	s3 =	sld [smem:$0x3FDB];
	s0 =	simm.s32 @p2 $0x1  }
0x17: {  	s4 =	simm.s32 $0x1BF5;
	[smem:$0x3FB8] =	sst s0  }
0x18: {  	s0 =	sld [smem:$0x3F9B];
	_ =	swait.ge [sflag:s4], $0x0  }
0x19: {  	s7 =	sld [smem:$0x3F9C]  }
0x1a: {  	s8 =	sadd.s32 $0xFFFFE003, lr  }
0x1b: {  	s9 =	sadd.s32 $0xFFFFFEF7, lr;
	s5 =	simm.s32 $0xFFFFFFFF;
	p2 =	slt.u32 s8, $0xFFFFF086  }
0x1c: {  	p1 =	slt.u32 s9, $0xF7A;
	s5 =	simm.s32 @!p2 $0x0  }
0x1d: {  	s5 =	simm.s32 @p1 $0x1;
	p0 =	seq.s32 s7, s2  }
0x1e: {  	s7 =	smul.u32 @!p0 $0xF7A, s2;
	p2 =	seq.s32 @!p0 s5, $0x0  }
0x1f: {  	s9 =	smul.u32 $0xF7A, s1;
	s8 =	simm.s32 @!p0 $0x1BF5;
	p2 =	por !p2, p0  }
0x20: {  	[sflag:s8] =	ssyncset.s32 @!p0 $0xFFFFF086;
	s6 =	sadd.s32 @!p0 s3, s7;
	s7 =	simm.s32 @!p0 $0x108  }
0x21: {  	s3 =	sadd.s32 s3, s9;
	s6 =	sadd.s32 @!p0 $0x88, s6;
	s7 =	simm.s32 @p2 $0x1082  }
0x22: {  	[simem:s7], [sflag:s8] =	dma.local @!p0 [hbm:s6], $0xF7A  }
0x23: {  	s9 =	sor.u32 $0xD0000000, s2;
	s6 =	simm.s32 $0x108;
	_ =	swait.ge @!p0 [sflag:s8], $0x0  }
0x24: {  	s3 =	sadd.s32 $0x88, s3;
	s6 =	simm.s32 @!p1 $0x1082;
	[sflag:s4] =	ssyncset.s32 $0xFFFFF086  }
0x25: {  	[simem:s6], [sflag:s4] =	dma.local [hbm:s3], $0xF7A  }
0x26: {  	[smem:$0x3F9C] =	sst s1;
	(tag) =	ssettag s2;
	_ =	strace s9  }
0x27: {  	s1 =	sld [smem:$0x3FAC]  }
0x28: {  	s2 =	sld [smem:$0x3FAD]  }
0x29: {  	s4 =	sld [smem:$0x3FAF]  }
0x2a: {  	p0 =	seq.s32 s5, $0x0;
	s5 =	sld [smem:$0x3FB0]  }
0x2b: {  	s6 =	sld [smem:$0x3FB1]  }
0x2c: {  	s7 =	sld [smem:$0x3FB2]  }
0x2d: {  	s3 =	simm.s32 $0x108;
	s8 =	sld [smem:$0x3FB3]  }
0x2e: {  	s3 =	simm.s32 @!p0 $0x1082;
	s9 =	sld [smem:$0x3FB4]  }
0x2f: {  	lr =	sadd.s32 s0, s3;
	s0 =	sld [smem:$0x3FAB]  }
0x30: {  	s3 =	sld [smem:$0x3FAE]  }
0x31: {  	[smem:$0x3FB7] =	sst s10  }
0x32: {  	s10 =	sld [smem:$0x3FB5];
	_ =	sdelay $0x3  }
0x33: {  	p0 =	seq.s32 s10, $0x1;
	s10 =	sld [smem:$0x3FB7];
	_ =	sdelay $0x3  }
0x34: {  	[smem:$0x3FB7] =	sst s10  }
0x35: {  	s10 =	sld [smem:$0x3FB6];
	_ =	sdelay $0x3  }
0x36: {  	p1 =	seq.s32 s10, $0x1;
	s10 =	sld [smem:$0x3FB7];
	_ =	sdelay $0x3  }
0x37: {  	[smem:$0x3FB7] =	sst s10  }
0x38: {  	s10 =	sld [smem:$0x3FB8]  }
0x39: {  	_ = 	snop;
	(pc) =	sbr.ind lr, $3  }
0x3a: {  	_ = 	snop  }
0x3b: {  	_ = 	snop  }
0x3c: {  	p2 =	seq.s32 s10, $0x1;
	s10 =	sld [smem:$0x3FB7]  }
0x3d: {  	_ =	shalt  }
0x3e: {  	_ =	shalt  }
0x3f: {  	_ =	shalt  }
0x40: {  	_ =	shalt  }
0x41: {  	_ =	shalt  }
0x42: {  	_ =	shalt  }
0x43: {  	_ =	shalt  }
0x44: {  	_ =	shalt  }
0x45: {  	_ =	shalt  }
0x46: {  	_ =	shalt  }
0x47: {  	_ =	shalt  }
0x48: {  	_ =	shalt  }
0x49: {  	_ =	shalt  }
0x4a: {  	_ =	shalt  }
0x4b: {  	_ =	shalt  }
0x4c: {  	_ =	shalt  }
0x4d: {  	_ =	shalt  }
0x4e: {  	_ =	shalt  }
0x4f: {  	_ =	shalt  }
0x50: {  	_ =	shalt  }
0x51: {  	_ =	shalt  }
0x52: {  	_ =	shalt  }
0x53: {  	_ =	shalt  }
0x54: {  	_ =	shalt  }
0x55: {  	_ =	shalt  }
0x56: {  	_ =	shalt  }
0x57: {  	_ =	shalt  }
0x58: {  	_ =	shalt  }
0x59: {  	_ =	shalt  }
0x5a: {  	_ =	shalt  }
0x5b: {  	_ =	shalt  }
0x5c: {  	_ =	shalt  }
0x5d: {  	_ =	shalt  }
0x5e: {  	_ =	shalt  }
0x5f: {  	_ =	shalt  }
0x60: {  	_ =	shalt  }
0x61: {  	_ =	shalt  }
0x62: {  	_ =	shalt  }
0x63: {  	_ =	shalt  }
0x64: {  	_ =	shalt  }
0x65: {  	_ =	shalt  }
0x66: {  	_ =	shalt  }
0x67: {  	_ =	shalt  }
0x68: {  	_ =	shalt  }
0x69: {  	_ =	shalt  }
0x6a: {  	_ =	shalt  }
0x6b: {  	_ =	shalt  }
0x6c: {  	_ =	shalt  }
0x6d: {  	_ =	shalt  }
0x6e: {  	_ =	shalt  }
0x6f: {  	_ =	shalt  }
0x70: {  	_ =	shalt  }
0x71: {  	_ =	shalt  }
0x72: {  	_ =	shalt  }
0x73: {  	_ =	shalt  }
0x74: {  	_ =	shalt  }
0x75: {  	_ =	shalt  }
0x76: {  	_ =	shalt  }
0x77: {  	_ =	shalt  }
0x78: {  	_ =	shalt  }
0x79: {  	_ =	shalt  }
0x7a: {  	_ =	shalt  }
0x7b: {  	_ =	shalt  }
0x7c: {  	_ =	shalt  }
0x7d: {  	_ =	shalt  }
0x7e: {  	_ =	shalt  }
0x7f: {  	_ =	shalt  }
0x80: {  	_ =	shalt  }
0x81: {  	_ =	shalt  }
0x82: {  	_ =	shalt  }
0x83: {  	_ =	shalt  }
0x84: {  	_ =	shalt  }
0x85: {  	_ =	shalt  }
0x86: {  	_ =	shalt  }
0x87: {  	_ =	shalt  }
.Lfunc_end0:
.L_simem_size_0:
called_computation_lowered:
.L_overlay_start_0:
0x88: {  	s2 =	sld [smem:$0x3FD9]  }
0x89: {  	s3 =	sld [smem:$0x3FFE];
	_ =	sdelay $0x1  }
0x8a: {  	s1 =	srdreg.scid  }
0x8b: {  	s0 =	sand.u32 $0x1, s1  }
0x8c: {  	s17 =	sshll.u32 s0, $0xA;
	s2 =	sadd.s32 s3, s2  }
0x8d: {  	s2 =	sadd.s32 s2, s17  }
0x8e: {  	[smem:$0x3FC3] =	sst s2  }
0x8f: {  	_ = 	snop  }
0x90: {  	s2 =	sld [smem:$0x3FC9]  }
0x91: {  	s18 =	sld [smem:$0x3FC8]  }
0x92: {  	s4 =	sld [smem:$0x3FC6]  }
0x93: {  	s5 =	sld [smem:$0x3FC5];
	(tm) =	ssettm $0x1  }
0x94: {  	s6 =	sld [smem:$0x3FFB];
	_ =	sdelay $0x3  }
0x95: {  	_ =	strace s6  }
0x96: {  	s6 =	sld [smem:$0x3FFC];
	_ =	sdelay $0x3  }
0x97: {  	_ =	strace s6  }
0x98: {  	s6 =	sld [smem:$0x3FFD];
	_ =	sdelay $0x3  }
0x99: {  	_ =	strace s6  }
0x9a: {  	_ =	strace $0x8FFFFFFF  }
0x9b: {  	s19 =	sld [smem:$0x3FDB];
	_ =	sdelay $0x1  }
0x9c: {  	s7 =	simm.s32 $_scs_section_size  }
0x9d: {  	s8 =	simm.s32 $_size__tile_overlayer_lowered;
	s9 =	simm.s32 $_tile_overlayer_lowered  }
0x9e: {  	s22 =	simm.s32 $0x1BFF;
	s21 =	sshll.u32 s9, $0x1;
	s6 =	sadd.s32 s7, s19  }
0x9f: {  	s10 =	simm.s32 $0x0;
	s20 =	sshll.u32 s8, $0x1;
	s8 =	sadd.s32 s21, s6  }
0xa0: {  	[timem:s10], [sflag:s22] =	dma.local [hbm:s8], s20  }
0xa1: {  	_ =	swait.ge [sflag:s22], s20  }
0xa2: {  	s7 =	ssub.s32 $0x0, s20;
	[sflag:s22] =	ssyncset.done $0x0  }
0xa3: {  	[sflag:s22] =	ssyncadd.s32 s7;
	_ =	sdelay $0x1  }
0xa4: {  	s23 =	simm.s32 $0x1B8B  }
0xa5: {  	_ =	swait.ge [sflag:s23], $0x1  }
0xa6: {  	[sflag:s23] =	ssyncset.done $0x0  }
0xa7: {  	s25 =	simm.s32 $0x1B8E;
	s24 =	sld [smem:$0x3FFE];
	[sflag:s23] =	ssyncadd.s32 $0xFFFFFFFF  }
0xa8: {  	s26 =	simm.s32 $execute0_lowered;
	[smem:$0x3FD2] =	sst s25  }
0xa9: {  	s8 =	sshll.u32 s26, $0x1;
	_ =	strace $0x80000046;
	[dreg:$0x1] =	wrdreg $0xFFFFFFFF  }
0xaa: {  	s28 =	simm.s32 $_size_execute0_lowered;
	s6 =	sadd.s32 s6, s8;
	[dreg:$0x0] =	wrdreg $0x0  }
0xab: {  	s8 =	sshll.u32 s28, $0x1;
	[dreg:$0x2] =	wrdreg s6  }
0xac: {  	[dreg:$0x3] =	wrdreg s8  }
0xad: {  	[dreg:$0x4] =	wrdreg $0xC0  }
0xae: {  	_ =	task [dreg:s10], $0x5FFFF  }
0xaf: {  	[dreg:$0x1] =	wrdreg $0xFFFFFFFF  }
0xb0: {  	[dreg:$0x0] =	wrdreg $0x60  }
0xb1: {  	[dreg:$0x2] =	wrdreg s2  }
0xb2: {  	[dreg:$0x3] =	wrdreg s18  }
0xb3: {  	[dreg:$0x4] =	wrdreg s24  }
0xb4: {  	[dreg:$0x5] =	wrdreg s4  }
0xb5: {  	[dreg:$0x6] =	wrdreg s5  }
0xb6: {  	[dreg:$0x7] =	wrdreg $0x9  }
0xb7: {  	_ =	task.clear_ibuf [dreg:s10], $0x8FFFF;
	_ =	strace $0x90000046  }
0xb8: {  	s29 =	simm.s32 $0x9;
	_ =	strace $0x80000048  }
0xb9: {  	_ =	swait.ge [sflag:s29], $0x1  }
0xba: {  	[sflag:s29] =	ssyncadd.s32 $0xFFFFFFFF  }
0xbb: {  	_ =	strace $0x90000048  }
0xbc: {  	_ =	sfence  }
0xbd: {  	s30 =	sld [smem:$0x0];
	_ =	sdelay $0x2  }
0xbe: {  	s31 =	sshll.u32 s1, $0xD;
	s1 =	sshrl.u32 s1, $0x2  }
0xbf: {  	s3 =	sand.u32 $0x4000, s31;
	s1 =	sadd.s32 s1, s30  }
0xc0: {  	s0 =	sor.u32 s3, s0;
	s1 =	sshll.u32 s1, $0x11  }
0xc1: {  	s0 =	sor.u32 s1, s0  }
0xc2: {  	s0 =	sadd.s32 $0x8F2B, s0  }
0xc3: {  	[sflag:s0] =	ssyncadd.remote.s32 $0x1  }
0xc4: {  	_ =	sfence.sel $0xFFFF  }
0xc5: {  	[dreg:$0x0] =	wrdreg $0xFFFFFFFF;
	(pc) =	sbr.abs _section_cstart, $3  }
0xc6: {  	[dreg:$0x1] =	wrdreg $0xFFFFFFFF  }
0xc7: {  	_ =	task.clear_ibuf [dreg:s10], $0x2FFFF;
	_ =	strace $0x9FFFFFFF  }
0xc8: {  	(tm) =	ssettm $0x7FFFFFFF  }
0xc9: {  	_ =	shalt  }
tec
execute0_lowered:
.L_overlay_start_1:
0x0: {  	(tag) =	ssettag $0x1  }
0x1: {  	s0 =	rddreg [dreg:$0x0]  }
0x2: {  	s1 =	rddreg [dreg:$0x1]  }
0x3: {  	s4 =	rddreg [dreg:$0x2];
	s3 =	srdreg.scid  }
0x4: {  	s6 =	stileid.u32;
	s2 =	rddreg [dreg:$0x3];
	s9 =	simm.s32 $0x0  }
0x5: {  	s13 =	simm.s32 $0x10;
	s5 =	sand.u32 $0x1, s3;
	s6 =	sshll.u32 s6, $0x1  }
0x6: {  	s16 =	simm.s32 $0x140;
	s3 =	rddreg [dreg:$0x4];
	s6 =	sor.u32 s5, s6  }
0x7: {  	s21 =	simm.s32 $0x1;
	[smem:$0x7FF] =	sst s9;
	s7 =	smul.u32 $0x500, s6  }
0x8: {  	s5 =	ssub.s32 $0x2, s5;
	s8 =	smul.u32 $0x600, s6;
	s6 =	sshll.u32 s6, $0x6  }
0x9: {  	_ =	strace $0x80000047;
	s26 =	sshrl.u32 s5, $0x1;
	s0 =	sadd.s32 s0, s6  }
0xa: {  	s5 =	ssub.s32 s5, s26;
	s28 =	sadd.s32 s1, s6;
	[dreg:$0x6] =	wrdreg s0  }
0xb: {  	s7 =	sadd.s32 s7, s4;
	[dreg:$0x7] =	wrdreg s28;
	s31 =	smax.u32 s5, $0x1  }
0xc: {  	s4 =	sadd.s32 s8, s4;
	s29 =	sadd.s32 $0x600, s7;
	[dreg:$0xa] =	wrdreg s31  }
0xd: {  	s22 =	simm.s32 $0x2;
	s30 =	sadd.s32 $0xA600, s4;
	[dreg:$0x8] =	wrdreg s29  }
0xe: {  	v0 =	vlaneseq.u32;
	s1 =	simm.s32 $0x3;
	s4 =	simm.s32 $0x0;
	[dreg:$0x9] =	wrdreg s30  }
.LBB2_1:
0xf: {  	[dreg:$0xb] =	wrdreg s4  }
0x10: {  	s0 =	rddreg [dreg:$0x6]  }
0x11: {  	[tilespmem:s9], [sflag:$0x3] =	stream.linear.gather [hbm4b:s0+s9], $0x200, $0x38;
	[tilespmem:$0x1BC00] =	vst v63  }
0x12: {  	_ =	swait.ge [sflag:s1], $0x200  }
0x13: {  	[sflag:s1] =	ssyncset.done $0x0  }
0x14: {  	s26 =	simm.s32 $0x200;
	s25 =	rddreg [dreg:$0x7];
	[sflag:s1] =	ssyncadd.s32 $0xFFFFFE00  }
0x15: {  	[tilespmem:s26], [sflag:$0x3] =	stream.linear.gather [hbm4b:s25+s9], $0x200, $0x38;
	[tilespmem:$0x1BC00] =	vst v63  }
0x16: {  	_ =	swait.ge [sflag:s1], $0x200  }
0x17: {  	[sflag:s1] =	ssyncset.done $0x0  }
0x18: {  	s5 =	simm.s32 $0x400;
	s28 =	rddreg [dreg:$0x8];
	[sflag:s1] =	ssyncadd.s32 $0xFFFFFE00  }
0x19: {  	[tilespmem:s5], [sflag:$0x3] =	stream.linear.gather [hbm4b:s28+s9], $0x2800, $0x38;
	[tilespmem:$0x1BC00] =	vst v63  }
0x1a: {  	_ =	swait.ge [sflag:s1], $0x2800  }
0x1b: {  	[sflag:s1] =	ssyncset.done $0x0  }
0x1c: {  	s29 =	simm.s32 $0x2C00;
	[sflag:s1] =	ssyncadd.s32 $0xFFFFD800  }
0x1d: {  	[tilespmem:s29], [sflag:$0x1] =	stream.indirect.gather [hbm4b:s2+s13], $0x80, s9, s13, $0xb8;
	[tilespmem:$0x1BC00] =	vst v63  }
0x1e: {  	s30 =	simm.s32 $0x3400  }
0x1f: {  	[tilespmem:s30], [sflag:$0x1] =	stream.indirect.gather [hbm4b:s3+s13], $0x80, s26, s13, $0xb8;
	[tilespmem:$0x1BC00] =	vst v63  }
0x20: {  	s31 =	simm.s32 $0x3C00;
	s25 =	simm.s32 $0x0  }
0x21: {  	[tilespmem:s31], [sflag:$0x1] =	stream.indirect.gather [hbm4b:s3+s16], $0x80, s5, s16, $0xb8;
	[tilespmem:$0x1BC00] =	vst v63  }
.LBB2_2:
0x22: {  	s0 =	sshllo.u32 s25, $0x1  }
0x23: {  	s1 =	simm.s32 $0xDC00;
	s26 =	sshll.u32 s0, $0x4;
	s0 =	smul.u32 $0x500, s0  }
0x24: {  	[tilespmem:s1], [sflag:$0x2] =	stream.indirect.gather [hbm4b:s2+s13], $0x80, s26, s13, $0xb8;
	[tilespmem:$0x1BC00] =	vst v63  }
0x25: {  	s4 =	simm.s32 $0xE400;
	s23 =	sadd.s32 $0x200, s26;
	s0 =	sshra.s32 s0, $0x2  }
0x26: {  	[tilespmem:s4], [sflag:$0x2] =	stream.indirect.gather [hbm4b:s3+s13], $0x80, s23, s13, $0xb8;
	[tilespmem:$0x1BC00] =	vst v63  }
0x27: {  	s24 =	simm.s32 $0xEC00;
	s0 =	sadd.s32 $0x400, s0  }
0x28: {  	[tilespmem:s24], [sflag:$0x2] =	stream.indirect.gather [hbm4b:s3+s16], $0x80, s0, s16, $0xb8;
	[tilespmem:$0x1BC00] =	vst v63  }
0x29: {  	_ =	swait.ge [sflag:s21], $0x800  }
0x2a: {  	[sflag:s21] =	ssyncset.done $0x0  }
0x2b: {  	[sflag:s21] =	ssyncadd.s32 $0xFFFFF800  }
0x2c: {  	_ =	swait.ge [sflag:s21], $0x800  }
0x2d: {  	[sflag:s21] =	ssyncset.done $0x0  }
0x2e: {  	[sflag:s21] =	ssyncadd.s32 $0xFFFFF800  }
0x2f: {  	_ =	swait.ge [sflag:s21], $0xA000  }
0x30: {  	[sflag:s21] =	ssyncset.done $0x0  }
0x31: {  	s28 =	simm.s32 $0x3440;
	[sflag:s21] =	ssyncadd.s32 $0xFFFF6000  }
0x32: {  	v12 =	vld [tilespmem:s28+$0x30]  }
0x33: {  	v9 =	vld [tilespmem:s28+$0x20]  }
0x34: {  	v22 =	vld [tilespmem:s28+$0x10]  }
0x35: {  	v19 =	vld [tilespmem:s28+$0x0]  }
0x36: {  	v15 =	vld [tilespmem:s28+$0xFFFFFFF0]  }
0x37: {  	v16 =	vld [tilespmem:s28+$0xFFFFFFE0]  }
0x38: {  	v13 =	vld [tilespmem:s28+$0xFFFFFFC0]  }
0x39: {  	s29 =	simm.s32 $0x2C40;
	v14 =	vld [tilespmem:s28+$0xFFFFFFD0]  }
0x3a: {  	v10 =	vld [tilespmem:s29+$0xFFFFFFC0]  }
0x3b: {  	s30 =	simm.s32 $0x4100;
	v11 =	vld [tilespmem:s29+$0xFFFFFFD0]  }
0x3c: {  	v17 =	vld [tilespmem:s30+$0x480]  }
0x3d: {  	v18 =	vld [tilespmem:s30+$0x490]  }
0x3e: {  	v7 =	vld [tilespmem:s29+$0xFFFFFFE0]  }
0x3f: {  	v20 =	vld [tilespmem:s30+$0x4A0]  }
0x40: {  	v6 =	vld [tilespmem:s29+$0xFFFFFFF0]  }
0x41: {  	v23 =	vld [tilespmem:s30+$0x4B0]  }
0x42: {  	v3 =	vld [tilespmem:s29+$0x0]  }
0x43: {  	v24 =	vld [tilespmem:s30+$0x4C0]  }
0x44: {  	v5 =	vld [tilespmem:s29+$0x10]  }
0x45: {  	v25 =	vld [tilespmem:s30+$0x4D0]  }
0x46: {  	v4 =	vld [tilespmem:s29+$0x20]  }
0x47: {  	v28 =	vld [tilespmem:s30+$0x4E0]  }
0x48: {  	v8 =	vld [tilespmem:s29+$0x30]  }
0x49: {  	v1 =	vld [tilespmem:s30+$0x410]  }
0x4a: {  	v31 =	vld [tilespmem:s30+$0x4F0]  }
0x4b: {  	v32 =	vld [tilespmem:s30+$0xFFFFFB00]  }
0x4c: {  	v33 =	vld [tilespmem:s30+$0xFFFFFB10]  }
0x4d: {  	v34 =	vld [tilespmem:s30+$0xFFFFFB80]  }
0x4e: {  	[tilespmem:$0x1FF20] =	vst v1;
	v1 =	vld [tilespmem:s30+$0xFFFFFB20]  }
0x4f: {  	v35 =	vld [tilespmem:s30+$0xFFFFFB90]  }
0x50: {  	v36 =	vld [tilespmem:s30+$0xFFFFFC00]  }
0x51: {  	v37 =	vld [tilespmem:s30+$0xFFFFFC10]  }
0x52: {  	v38 =	vld [tilespmem:s30+$0xFFFFFC80]  }
0x53: {  	[tilespmem:$0x1FF30] =	vst v1;
	v1 =	vld [tilespmem:s30+$0xFFFFFBA0]  }
0x54: {  	v39 =	vld [tilespmem:s30+$0xFFFFFC90]  }
0x55: {  	v40 =	vld [tilespmem:s30+$0xFFFFFD00]  }
0x56: {  	v41 =	vld [tilespmem:s30+$0xFFFFFD10]  }
0x57: {  	v42 =	vld [tilespmem:s30+$0xFFFFFD80]  }
0x58: {  	[tilespmem:$0x1FF40] =	vst v1;
	v1 =	vld [tilespmem:s30+$0xFFFFFC20]  }
0x59: {  	v43 =	vld [tilespmem:s30+$0xFFFFFD90]  }
0x5a: {  	v44 =	vld [tilespmem:s30+$0xFFFFFE00]  }
0x5b: {  	v45 =	vld [tilespmem:s30+$0xFFFFFE10]  }
0x5c: {  	v46 =	vld [tilespmem:s30+$0xFFFFFE80]  }
0x5d: {  	[tilespmem:$0x1FF50] =	vst v1;
	v1 =	vld [tilespmem:s30+$0xFFFFFCA0]  }
0x5e: {  	v47 =	vld [tilespmem:s30+$0xFFFFFE90]  }
0x5f: {  	v48 =	vld [tilespmem:s30+$0xFFFFFF00]  }
0x60: {  	v49 =	vld [tilespmem:s30+$0xFFFFFF10]  }
0x61: {  	v50 =	vld [tilespmem:s30+$0xFFFFFF80]  }
0x62: {  	[tilespmem:$0x1FF60] =	vst v1;
	v1 =	vld [tilespmem:s30+$0xFFFFFD20]  }
0x63: {  	v51 =	vld [tilespmem:s30+$0xFFFFFF90]  }
0x64: {  	v52 =	vld [tilespmem:s30+$0x0]  }
0x65: {  	v53 =	vld [tilespmem:s30+$0x10]  }
0x66: {  	v54 =	vld [tilespmem:s30+$0x80]  }
0x67: {  	[tilespmem:$0x1FF70] =	vst v1;
	v1 =	vld [tilespmem:s30+$0xFFFFFDA0]  }
0x68: {  	v55 =	vld [tilespmem:s30+$0x90]  }
0x69: {  	v56 =	vld [tilespmem:s30+$0x100]  }
0x6a: {  	v57 =	vld [tilespmem:s30+$0x110]  }
0x6b: {  	v58 =	vld [tilespmem:s30+$0x180]  }
0x6c: {  	[tilespmem:$0x1FF80] =	vst v1;
	v1 =	vld [tilespmem:s30+$0xFFFFFE20]  }
0x6d: {  	v59 =	vld [tilespmem:s30+$0x190]  }
0x6e: {  	v60 =	vld [tilespmem:s30+$0x200]  }
0x6f: {  	v61 =	vld [tilespmem:s30+$0x210]  }
0x70: {  	v62 =	vld [tilespmem:s30+$0x280]  }
0x71: {  	v63 =	vld [tilespmem:s30+$0x290];
	v2 =	vmul.f32 v13, v10;
	[tilespmem:$0x1FF90] =	vst v1;
	v1 =	vmul.f32 v14, v11  }
0x72: {  	v21 =	vld [tilespmem:s30+$0x300]  }
0x73: {  	v1 =	vadd.f32 v1, v2;
	v2 =	vld [tilespmem:s30+$0xFFFFFFA0]  }
0x74: {  	v26 =	vld [tilespmem:s30+$0x310]  }
0x75: {  	v27 =	vld [tilespmem:s30+$0x380]  }
0x76: {  	v29 =	vld [tilespmem:s30+$0x390]  }
0x77: {  	v30 =	vld [tilespmem:s30+$0x400];
	v17 =	vmul.f32 v17, v10;
	v18 =	vmul.f32 v18, v11  }
0x78: {  	v16 =	vmul.f32 v16, v7;
	v20 =	vmul.f32 v20, v7;
	[tilespmem:$0x1FFB0] =	vst v2;
	v2 =	vld [tilespmem:s30+$0x20]  }
0x79: {  	v13 =	vld [tilespmem:s30+$0xFFFFFF20];
	v21 =	vmul.f32 v21, v10;
	v26 =	vmul.f32 v26, v11  }
0x7a: {  	v18 =	vadd.f32 v18, v17;
	v17 =	vld [tilespmem:s30+$0x2A0];
	v1 =	vadd.f32 v16, v1;
	v16 =	vmul.f32 v15, v6  }
0x7b: {  	v23 =	vmul.f32 v23, v6;
	v21 =	vadd.f32 v26, v21;
	v26 =	vld [tilespmem:s30+$0xFFFFFBC0]  }
0x7c: {  	v20 =	vadd.f32 v20, v18;
	v18 =	vld [tilespmem:s30+$0x120];
	v1 =	vadd.f32 v16, v1;
	v16 =	vmul.f32 v19, v3  }
0x7d: {  	[tilespmem:$0x1FFC0] =	vst v2;
	v2 =	vld [tilespmem:s30+$0xA0]  }
0x7e: {  	v22 =	vmul.f32 v22, v5;
	v23 =	vadd.f32 v23, v20;
	v20 =	vld [tilespmem:s30+$0x220];
	v1 =	vadd.f32 v16, v1  }
0x7f: {  	v24 =	vmul.f32 v24, v3;
	v14 =	vld [tilespmem:s30+$0xFFFFFEA0]  }
0x80: {  	v25 =	vmul.f32 v25, v5;
	v9 =	vmul.f32 v9, v4;
	v15 =	vld [tilespmem:s30+$0xFFFFFE40];
	v1 =	vadd.f32 v22, v1  }
0x81: {  	v12 =	vmul.f32 v12, v8;
	v33 =	vmul.f32 v33, v11;
	v19 =	vld [tilespmem:s30+$0x1A0]  }
0x82: {  	v16 =	vld [tilespmem:s30+$0xFFFFFCC0];
	v22 =	vmul.f32 v28, v4;
	v1 =	vadd.f32 v9, v1;
	[tilespmem:$0x1FFD0] =	vst v2;
	v2 =	vadd.f32 v24, v23  }
0x83: {  	v28 =	vmul.f32 v31, v8;
	v31 =	vld [tilespmem:s30+$0xFFFFFBB0];
	v9 =	vmul.f32 v32, v10  }
0x84: {  	v27 =	vmul.f32 v27, v10;
	v1 =	vadd.f32 v12, v1;
	v24 =	vld [tilespmem:s30+$0x320];
	v2 =	vadd.f32 v25, v2  }
0x85: {  	v12 =	vmul.f32 v36, v10;
	v9 =	vadd.f32 v33, v9;
	v33 =	vmul.f32 v40, v10;
	v23 =	vld [tilespmem:s30+$0x3A0]  }
0x86: {  	v32 =	vld [tilespmem:s30+$0xFFFFFB30];
	v2 =	vadd.f32 v22, v2;
	v22 =	vmul.f32 v34, v10;
	v34 =	vmul.f32 v35, v11  }
0x87: {  	s31 =	simm.s32 $0x0;
	v36 =	vld [tilespmem:s30+$0xFFFFFC30];
	v35 =	vmul.f32 v37, v11;
	v37 =	vmul.f32 v39, v11  }
0x88: {  	v40 =	vld [tilespmem:s30+$0xFFFFFD30];
	v39 =	vmul.f32 v41, v11;
	v41 =	vmul.f32 v43, v11;
	v43 =	vmov s31  }
0x89: {  	v29 =	vmul.f32 v29, v11;
	v25 =	vld [tilespmem:s30+$0x420];
	vm0 =	veq.s32 v43, v0;
	v43 =	vmul.f32 v46, v10  }
0x8a: {  	[tilespmem:$0x1FFF0] =	vst v1;
	v46 =	vld [tilespmem:s30+$0xFFFFFFB0];
	v24 =	vmul.f32 v24, v7;
	v23 =	vmul.f32 v23, v7;
	v1 =	vadd.f32 v28, v2  }
0x8b: {  	v28 =	vmul.f32 v38, v10;
	v38 =	vld [tilespmem:s30+$0xFFFFFCB0];
	v22 =	vadd.f32 v34, v22;
	v34 =	vmul.f32 v42, v10  }
0x8c: {  	v42 =	vld [tilespmem:s30+$0xFFFFFDB0];
	v33 =	vadd.f32 v39, v33;
	v39 =	vmul.f32 v44, v10;
	v21 =	vadd.f32 v24, v21  }
0x8d: {  	v24 =	vmul.f32 v32, v6;
	[tilespmem:$0x1FFE0] =	vst v1;
	v34 =	vadd.f32 v41, v34;
	v41 =	vmul.f32 v45, v11;
	v1 =	vld [tilespmem:$0x1FF20]  }
0x8e: {  	v12 =	vadd.f32 v35, v12;
	v35 =	vld [tilespmem:s30+$0xFFFFFE30];
	v45 =	vmul.f32 v47, v11;
	v47 =	vmul.f32 v49, v11  }
0x8f: {  	v44 =	vld [tilespmem:s30+$0xFFFFFF30];
	v49 =	vmul.f32 v51, v11;
	v51 =	vmul.f32 v53, v11  }
0x90: {  	v2 =	vld [tilespmem:$0x1FF70];
	v53 =	vmul.f32 v55, v11;
	v55 =	vmul.f32 v57, v11  }
0x91: {  	v27 =	vadd.f32 v29, v27;
	v32 =	vld [tilespmem:s30+$0x2C0];
	v57 =	vmul.f32 v59, v11;
	v59 =	vmul.f32 v61, v11  }
0x92: {  	v61 =	vmul.f32 v63, v11;
	v11 =	vmul.f32 v1, v11;
	v1 =	vld [tilespmem:$0x1FF30]  }
0x93: {  	v23 =	vadd.f32 v23, v27;
	v27 =	vmul.f32 v31, v6;
	v31 =	vmul.f32 v36, v6;
	v36 =	vld [tilespmem:s30+$0x440]  }
0x94: {  	v28 =	vadd.f32 v37, v28;
	v37 =	vld [tilespmem:s30+$0xFFFFFEB0];
	v39 =	vadd.f32 v41, v39;
	v41 =	vmul.f32 v48, v10  }
0x95: {  	v63 =	vld [tilespmem:s30+$0xFFFFFC40];
	v43 =	vadd.f32 v45, v43;
	v45 =	vmul.f32 v50, v10  }
0x96: {  	v48 =	vld [tilespmem:s30+$0x30];
	v41 =	vadd.f32 v47, v41;
	v47 =	vmul.f32 v52, v10  }
0x97: {  	v45 =	vadd.f32 v49, v45;
	v49 =	vmul.f32 v54, v10;
	v29 =	vmul.f32 v1, v7;
	v1 =	vld [tilespmem:$0x1FF40]  }
0x98: {  	v50 =	vld [tilespmem:s30+$0xB0];
	v47 =	vadd.f32 v51, v47;
	v51 =	vmul.f32 v56, v10  }
0x99: {  	v52 =	vld [tilespmem:s30+$0x130];
	v49 =	vadd.f32 v53, v49;
	v53 =	vmul.f32 v58, v10  }
0x9a: {  	v54 =	vld [tilespmem:s30+$0x1B0];
	v51 =	vadd.f32 v55, v51  }
0x9b: {  	v56 =	vld [tilespmem:s30+$0x230];
	v55 =	vmul.f32 v60, v10;
	v53 =	vadd.f32 v57, v53;
	v57 =	vmul.f32 v62, v10  }
0x9c: {  	v10 =	vmul.f32 v30, v10;
	v30 =	vmul.f32 v1, v7;
	v1 =	vld [tilespmem:$0x1FF50]  }
0x9d: {  	v58 =	vld [tilespmem:s30+$0x2B0]  }
0x9e: {  	v60 =	vld [tilespmem:s30+$0x330]  }
0x9f: {  	v62 =	vld [tilespmem:s30+$0x3B0]  }
0xa0: {  	v55 =	vadd.f32 v59, v55;
	v59 =	vld [tilespmem:s30+$0x430]  }
0xa1: {  	[tilespmem:$0x1FFA0] =	vst v13;
	v18 =	vmul.f32 v18, v7;
	v13 =	vadd.f32 v11, v10;
	v11 =	vmul.f32 v1, v7;
	v1 =	vld [tilespmem:$0x1FF60]  }
0xa2: {  	v19 =	vmul.f32 v19, v7;
	v57 =	vadd.f32 v61, v57;
	v61 =	vld [tilespmem:s30+$0xFFFFFB40]  }
0xa3: {  	v17 =	vmul.f32 v17, v7;
	v18 =	vadd.f32 v18, v51;
	v51 =	vld [tilespmem:s30+$0x140]  }
0xa4: {  	v20 =	vmul.f32 v20, v7;
	v19 =	vadd.f32 v19, v53;
	v53 =	vld [tilespmem:s30+$0x1C0];
	v9 =	vadd.f32 v29, v9  }
0xa5: {  	v29 =	vmul.f32 v2, v7;
	v2 =	vld [tilespmem:$0x1FFA0];
	v17 =	vadd.f32 v17, v57;
	v57 =	vmul.f32 v52, v6  }
0xa6: {  	v20 =	vadd.f32 v20, v55;
	v52 =	vmul.f32 v58, v6;
	v58 =	vld [tilespmem:s30+$0xFFFFFF50];
	v1 =	vmul.f32 v1, v7  }
0xa7: {  	v55 =	vmul.f32 v50, v6;
	v50 =	vmul.f32 v56, v6;
	v9 =	vadd.f32 v24, v9;
	v24 =	vld [tilespmem:s30+$0x340]  }
0xa8: {  	v10 =	vadd.f32 v1, v28;
	v1 =	vld [tilespmem:$0x1FF80]  }
0xa9: {  	v20 =	vadd.f32 v50, v20;
	v50 =	vld [tilespmem:s30+$0xFFFFFB70]  }
0xaa: {  	v18 =	vadd.f32 v57, v18;
	v57 =	vmul.f32 v61, v3;
	v61 =	vld [tilespmem:$0x1FFE0]  }
0xab: {  	v56 =	vmul.f32 v62, v6;
	v62 =	vmul.f32 v53, v3;
	v53 =	vld [tilespmem:s30+$0xFFFFFD60]  }
0xac: {  	v22 =	vadd.f32 v30, v22;
	v30 =	vld [tilespmem:s30+$0xFFFFFD40]  }
0xad: {  	v29 =	vadd.f32 v29, v33;
	v11 =	vadd.f32 v11, v12;
	v12 =	vmul.f32 v1, v7;
	v1 =	vld [tilespmem:$0x1FF90]  }
0xae: {  	v9 =	vadd.f32 v57, v9;
	v57 =	vmul.f32 v58, v5;
	v58 =	vld [tilespmem:s30+$0xFFFFFEE0];
	v22 =	vadd.f32 v27, v22  }
0xaf: {  	v27 =	vmul.f32 v40, v6;
	v12 =	vadd.f32 v12, v34;
	v34 =	vmul.f32 v2, v7;
	v2 =	vld [tilespmem:$0x1FFB0]  }
0xb0: {  	v26 =	vmul.f32 v26, v3;
	(xrf2) =	vadd.scan.msk.f32 $0xffff, v61;
	v61 =	vld [tilespmem:s30+$0x60]  }
0xb1: {  	v27 =	vadd.f32 v27, v29;
	v29 =	vmul.f32 v37, v6;
	v37 =	vld [tilespmem:s30+$0xFFFFFC50]  }
0xb2: {  	v22 =	vadd.f32 v26, v22;
	v26 =	vld [tilespmem:s30+$0x50];
	v33 =	vmul.f32 v1, v7;
	v1 =	vmul.f32 v14, v7  }
0xb3: {  	v14 =	vld [tilespmem:s30+$0xFFFFFEC0]  }
0xb4: {  	v2 =	vmul.f32 v2, v7;
	v1 =	vadd.f32 v1, v43;
	v43 =	vld [tilespmem:$0x1FFC0]  }
0xb5: {  	v11 =	vadd.f32 v31, v11;
	v31 =	vld [tilespmem:s30+$0x3C0]  }
0xb6: {  	v46 =	vmul.f32 v46, v6;
	v2 =	vadd.f32 v2, v45;
	v45 =	vld [tilespmem:$0x1FFD0]  }
0xb7: {  	v28 =	vld [tilespmem:s30+$0xFFFFFDC0]  }
0xb8: {  	v1 =	vadd.f32 v29, v1;
	v14 =	vmul.f32 v14, v3;
	v2 =	vadd.f32 v46, v2;
	v46 =	vld [tilespmem:s30+$0xFFFFFD50]  }
0xb9: {  	v33 =	vadd.f32 v33, v39;
	v39 =	vmul.f32 v43, v7;
	v43 =	vld [tilespmem:s30+$0xFFFFFF40]  }
0xba: {  	v15 =	vmul.f32 v15, v3;
	v16 =	vmul.f32 v16, v3;
	v1 =	vadd.f32 v14, v1;
	v14 =	vld [tilespmem:s30+$0x250]  }
0xbb: {  	v35 =	vmul.f32 v35, v6;
	v34 =	vadd.f32 v34, v41;
	v41 =	vmul.f32 v45, v7;
	v45 =	vld [tilespmem:s30+$0xFFFFFFC0]  }
0xbc: {  	v44 =	vmul.f32 v44, v6;
	v48 =	vmul.f32 v48, v6;
	v39 =	vadd.f32 v39, v47;
	v47 =	vld [tilespmem:s30+$0x40]  }
0xbd: {  	v17 =	vadd.f32 v52, v17;
	v23 =	vadd.f32 v56, v23;
	v7 =	vmul.f32 v25, v7;
	v25 =	vld [tilespmem:s30+$0x240]  }
0xbe: {  	v24 =	vmul.f32 v24, v3;
	v26 =	vmul.f32 v26, v5;
	v41 =	vadd.f32 v41, v49;
	v49 =	vld [tilespmem:s30+$0xC0]  }
0xbf: {  	v29 =	vadd.f32 v44, v34;
	v7 =	vadd.f32 v7, v13;
	v13 =	vmul.f32 v38, v6;
	v38 =	vld [tilespmem:s30+$0xFFFFFB50]  }
0xc0: {  	v34 =	vadd.f32 v48, v39;
	v48 =	vmul.f32 v54, v6;
	v52 =	vmul.f32 v46, v5;
	v46 =	vld [tilespmem:s30+$0x260]  }
0xc1: {  	v54 =	vmul.f32 v60, v6;
	v10 =	vadd.f32 v13, v10;
	v13 =	vmul.f32 v42, v6;
	v42 =	vld [tilespmem:s30+$0xFFFFFCD0]  }
0xc2: {  	v28 =	vmul.f32 v28, v3;
	v14 =	vmul.f32 v14, v5;
	v19 =	vadd.f32 v48, v19;
	v48 =	vld [tilespmem:s30+$0xFFFFFED0]  }
0xc3: {  	v6 =	vmul.f32 v59, v6;
	v21 =	vadd.f32 v54, v21;
	v59 =	vld [tilespmem:s30+$0xFFFFFFD0];
	v12 =	vadd.f32 v13, v12  }
0xc4: {  	v54 =	vld [tilespmem:s30+$0xFFFFFDE0];
	v25 =	vmul.f32 v25, v3;
	v13 =	vadd.f32 v35, v33;
	v33 =	vadd.f32 v55, v41  }
0xc5: {  	v35 =	vld [tilespmem:s30+$0xFFFFFBD0];
	v6 =	vadd.f32 v6, v7;
	v7 =	vmul.f32 v63, v3;
	v10 =	vadd.f32 v16, v10  }
0xc6: {  	v41 =	vld [tilespmem:s30+$0xFFFFFDD0];
	v19 =	vadd.f32 v62, v19;
	v21 =	vadd.f32 v24, v21;
	v60 =	vmul.f32 v49, v3  }
0xc7: {  	v16 =	vld [tilespmem:s30+$0x150];
	v20 =	vadd.f32 v25, v20;
	v25 =	vmul.f32 v31, v3;
	v7 =	vadd.f32 v7, v11  }
0xc8: {  	v55 =	vld [tilespmem:s30+$0xFFFFFE50];
	v11 =	vmul.f32 v30, v3;
	v12 =	vadd.f32 v28, v12;
	v15 =	vadd.f32 v15, v13  }
0xc9: {  	v30 =	vld [tilespmem:s30+$0xD0];
	v13 =	vmul.f32 v45, v3;
	v33 =	vadd.f32 v60, v33;
	v23 =	vadd.f32 v25, v23  }
0xca: {  	v28 =	vld [tilespmem:s30+$0x1D0];
	v14 =	vadd.f32 v14, v20;
	v11 =	vadd.f32 v11, v27;
	v27 =	vmul.f32 v43, v3  }
0xcb: {  	v63 =	vld [tilespmem:$0x1FFF0];
	v2 =	vadd.f32 v13, v2;
	v13 =	vmul.f32 v51, v3;
	v24 =	vmul.f32 v35, v5  }
0xcc: {  	v25 =	vld [tilespmem:s30+$0xFFFFFC60];
	v16 =	vmul.f32 v16, v5;
	v27 =	vadd.f32 v27, v29;
	v29 =	vmul.f32 v47, v3  }
0xcd: {  	v60 =	vld [tilespmem:s30+$0xFFFFFFE0];
	v18 =	vadd.f32 v13, v18;
	v13 =	vmul.f32 v32, v3;
	v3 =	vmul.f32 v36, v3  }
0xce: {  	v43 =	vld [tilespmem:s30+$0x2D0];
	v11 =	vadd.f32 v52, v11;
	v22 =	vadd.f32 v24, v22;
	v24 =	vmul.f32 v42, v5  }
0xcf: {  	v62 =	vld [tilespmem:s30+$0x160];
	v30 =	vmul.f32 v30, v5;
	v28 =	vmul.f32 v28, v5;
	v29 =	vadd.f32 v29, v34  }
0xd0: {  	v31 =	vld [tilespmem:s30+$0xFFFFFB60];
	v17 =	vadd.f32 v13, v17;
	v13 =	vmul.f32 v38, v5;
	v3 =	vadd.f32 v3, v6  }
0xd1: {  	v47 =	vld [tilespmem:s30+$0x350];
	v27 =	vadd.f32 v57, v27;
	v16 =	vadd.f32 v16, v18;
	v25 =	vmul.f32 v25, v4  }
0xd2: {  	v51 =	vld [tilespmem:s30+$0xFFFFFCE0];
	v52 =	vmul.f32 v60, v4;
	v10 =	vadd.f32 v24, v10;
	v24 =	vmul.f32 v55, v5  }
0xd3: {  	v34 =	vld [tilespmem:s30+$0x3D0];
	v30 =	vadd.f32 v30, v33;
	v19 =	vadd.f32 v28, v19;
	v28 =	vmul.f32 v43, v5  }
0xd4: {  	v18 =	vld [tilespmem:s30+$0x1E0];
	v6 =	vadd.f32 v13, v9;
	v9 =	vmul.f32 v37, v5;
	v13 =	vimm.f32 $0.0e+00  }
0xd5: {  	v32 =	vld [tilespmem:s30+$0x450];
	v26 =	vadd.f32 v26, v29;
	v15 =	vadd.f32 v24, v15;
	v24 =	vmul.f32 v59, v5  }
0xd6: {  	v56, _, _ =	vpop (xrf2);
	(xrf2) =	vadd.scan.msk.f32 $0xffff, v63;
	v55 =	vld [tilespmem:s30+$0xFFFFFE60];
	v63 =	vmul.f32 v47, v5;
	v17 =	vadd.f32 v28, v17;
	v28 =	vmul.f32 v31, v4  }
0xd7: {  	v49 =	vld [tilespmem:s30+$0xFFFFFBE0];
	v7 =	vadd.f32 v9, v7;
	v9 =	vmul.f32 v41, v5;
	v41 =	vbroadcast v56, $0xF  }
0xd8: {  	v29 =	vld [tilespmem:s30+$0xE0];
	v24 =	vadd.f32 v24, v2;
	v20 =	vmul.f32 v34, v5;
	v21 =	vadd.f32 v63, v21  }
0xd9: {  	v59 =	vld [tilespmem:s30+$0xFFFFFF60];
	v6 =	vadd.f32 v28, v6;
	v28 =	vmul.f32 v51, v4;
	v18 =	vmul.f32 v18, v4  }
0xda: {  	v47 =	vld [tilespmem:s30+$0x2E0];
	v9 =	vadd.f32 v9, v12;
	v12 =	vmul.f32 v48, v5;
	v2 =	vsel vm0, v41, v13  }
0xdb: {  	v57 =	vld [tilespmem:s30+$0xFFFFFF70];
	v5 =	vmul.f32 v32, v5;
	v7 =	vadd.f32 v25, v7;
	v25 =	vmul.f32 v55, v4  }
0xdc: {  	v31 =	vld [tilespmem:s30+$0x360];
	v20 =	vadd.f32 v20, v23;
	v23 =	vmul.f32 v49, v4;
	v10 =	vadd.f32 v28, v10  }
0xdd: {  	v51 =	vld [tilespmem:s30+$0xFFFFFC70];
	v49 =	vmul.f32 v54, v4;
	v24 =	vadd.f32 v52, v24;
	v18 =	vadd.f32 v18, v19  }
0xde: {  	v28 =	vld [tilespmem:s30+$0xFFFFFBF0];
	v29 =	vmul.f32 v29, v4;
	v1 =	vadd.f32 v12, v1;
	v3 =	vadd.f32 v5, v3  }
0xdf: {  	v48 =	vld [tilespmem:s30+$0x460];
	v15 =	vadd.f32 v25, v15;
	v25 =	vmul.f32 v59, v4;
	v19 =	vmul.f32 v47, v4  }
0xe0: {  	v5 =	vld [tilespmem:s30+$0x3E0];
	v22 =	vadd.f32 v23, v22;
	v23 =	vmul.f32 v53, v4;
	v9 =	vadd.f32 v49, v9  }
0xe1: {  	v53 =	vld [tilespmem:s30+$0xFFFFFCF0];
	v29 =	vadd.f32 v29, v30;
	v12, _, _ =	vpop (xrf2);
	v25 =	vadd.f32 v25, v27;
	v27 =	vmul.f32 v50, v8  }
0xe2: {  	v55 =	vld [tilespmem:s30+$0xFFFFFDF0];
	v56 =	vmul.f32 v51, v8;
	v17 =	vadd.f32 v19, v17;
	v12 =	vbroadcast v12, $0xF  }
0xe3: {  	v19 =	vld [tilespmem:s30+$0xF0];
	v11 =	vadd.f32 v23, v11;
	v23 =	vmul.f32 v58, v4;
	v28 =	vmul.f32 v28, v8  }
0xe4: {  	v54 =	vld [tilespmem:s30+$0xFFFFFD70];
	v6 =	vadd.f32 v27, v6;
	v7 =	vadd.f32 v56, v7;
	v12 =	vsel vm0, v12, v13  }
0xe5: {  	v30 =	vld [tilespmem:s30+$0xFFFFFE70];
	v1 =	vadd.f32 v23, v1;
	v23 =	vmul.f32 v61, v4;
	v5 =	vmul.f32 v5, v4  }
0xe6: {  	v27 =	vld [tilespmem:s30+$0xFFFFFEF0];
	v22 =	vadd.f32 v28, v22;
	(xrf2) =	vadd.scan.msk.f32 $0xffff, v6;
	v6 =	vmul.f32 v31, v4;
	v31 =	vmul.f32 v53, v8  }
0xe7: {  	v58 =	vld [tilespmem:s30+$0x70];
	v23 =	vadd.f32 v23, v26;
	v26 =	vmul.f32 v62, v4;
	v5 =	vadd.f32 v5, v20  }
0xe8: {  	v28 =	vld [tilespmem:s30+$0xFFFFFFF0];
	v20 =	vmul.f32 v55, v8;
	v19 =	vmul.f32 v19, v8;
	(xrf2) =	vadd.scan.msk.f32 $0xffff, v22;
	v6 =	vadd.f32 v6, v21  }
0xe9: {  	v10 =	vadd.f32 v31, v10;
	v21 =	vld [tilespmem:s30+$0x170];
	v16 =	vadd.f32 v26, v16;
	v26 =	vmul.f32 v46, v4  }
0xea: {  	vm0 =	vmmov vm0;
	v22 =	vld [tilespmem:s30+$0x1F0];
	v4 =	vmul.f32 v48, v4;
	(xrf2) =	vadd.scan.msk.f32 $0xffff, v7;
	v7 =	vmul.f32 v54, v8  }
0xeb: {  	v59 =	vadd.f32 v20, v9;
	(xrf2) =	vadd.scan.msk.f32 $0xffff, v10;
	v14 =	vadd.f32 v26, v14;
	v26 =	vmul.f32 v27, v8;
	v27 =	vld [tilespmem:s30+$0x270]  }
0xec: {  	v9 =	vmul.f32 v57, v8;
	v10 =	vld [tilespmem:s30+$0x2F0];
	v3 =	vadd.f32 v4, v3;
	v4 =	vmul.f32 v30, v8  }
0xed: {  	v20 =	vld [tilespmem:s30+$0x3F0];
	v42 =	vadd.f32 v19, v29;
	v7 =	vadd.f32 v7, v11;
	v11 =	vmul.f32 v28, v8  }
0xee: {  	s4 =	simm.s32 $0x34C0;
	v33 =	vadd.f32 v9, v25;
	v9 =	vmul.f32 v58, v8;
	v4 =	vadd.f32 v4, v15;
	v15 =	vld [tilespmem:s30+$0x370]  }
0xef: {  	v44 =	vld [tilespmem:s4+$0x10];
	v30 =	vadd.f32 v11, v24;
	v11 =	vmul.f32 v21, v8;
	v21 =	vmul.f32 v22, v8  }
0xf0: {  	v1 =	vadd.f32 v26, v1;
	v22 =	vld [tilespmem:s30+$0x470];
	v43 =	vadd.f32 v9, v23;
	v9 =	vmul.f32 v27, v8  }
0xf1: {  	v45 =	vld [tilespmem:s4+$0x0];
	v39 =	vadd.f32 v11, v16;
	v37 =	vadd.f32 v21, v18;
	v10 =	vmul.f32 v10, v8;
	v19, _, _ =	vpop (xrf2)  }
0xf2: {  	v38 =	vld [tilespmem:s4+$0x30];
	v21 =	vimm.f32 $0.0e+00;
	v11 =	vbroadcast v19, $0xF;
	v28 =	vadd.f32 v9, v14;
	v14, _, _ =	vpop (xrf2);
	(xrf2) =	vadd.scan.msk.f32 $0xffff, v7  }
0xf3: {  	v60 =	vld [tilespmem:s4+$0xFFFFFFD0];
	v18 =	vimm.f32 $0.0e+00;
	v9 =	vmul.f32 v15, v8;
	v15 =	vmul.f32 v20, v8  }
0xf4: {  	v63 =	vld [tilespmem:s4+$0xFFFFFFC0];
	v26 =	vadd.f32 v10, v17;
	v19 =	vimm.f32 $0.0e+00;
	v17 =	vimm.f32 $0.0e+00;
	v16, _, _ =	vpop (xrf2)  }
0xf5: {  	s5 =	simm.s32 $0x2CC0;
	v41 =	vld [tilespmem:s4+$0x20];
	v8 =	vmul.f32 v22, v8;
	v22 =	vimm.f32 $0.0e+00;
	v24 =	vadd.f32 v15, v5;
	v5, _, _ =	vpop (xrf2);
	(xrf2) =	vadd.scan.msk.f32 $0xffff, v59  }
0xf6: {  	s0 =	simm.s32 $0x4B00;
	v32 =	vld [tilespmem:s5+$0xFFFFFFD0];
	v20 =	vimm.f32 $0.0e+00;
	v7 =	vimm.f32 $0.0e+00;
	v11 =	vsel vm0, v11, v13  }
0xf7: {  	v61 =	vld [tilespmem:s0+$0x480];
	v14 =	vbroadcast v14, $0xF;
	v16 =	vbroadcast v16, $0xF;
	v25 =	vadd.f32 v9, v6  }
0xf8: {  	v31 =	vld [tilespmem:s5+$0xFFFFFFC0];
	v23 =	vadd.f32 v8, v3;
	v15 =	vimm.f32 $0.0e+00;
	v8 =	vimm.f32 $0.0e+00;
	(xrf2) =	vadd.scan.msk.f32 $0xffff, v4  }
0xf9: {  	v55 =	vld [tilespmem:s4+$0xFFFFFFE0];
	v6 =	vimm.f32 $0.0e+00;
	v3 =	vimm.f32 $0.0e+00;
	v10 =	vsel vm0, v14, v13  }
0xfa: {  	v46 =	vld [tilespmem:s4+$0xFFFFFFF0];
	v62 =	vbroadcast v5, $0xF;
	v14 =	vimm.f32 $0.0e+00;
	v5 =	vimm.f32 $0.0e+00  }
0xfb: {  	s10 =	sshll.u32 s25, $0x1;
	s6 =	simm.s32 $0x2;
	s1 =	simm.s32 $0x1;
	v58 =	vld [tilespmem:s0+$0x490];
	v4 =	vimm.f32 $0.0e+00;
	v9 =	vsel vm0, v16, v13;
	v16 =	vimm.f32 $0.0e+00;
	(xrf2) =	vadd.scan.msk.f32 $0xffff, v1  }
.LBB2_3:
0xfc: {  	p0 =	sne.s32 s6, $0xF;
	v35 =	vld [tilespmem:s5+$0xFFFFFFE0];
	v13 =	vsel vm0, v62, v13;
	v1, _, _ =	vpop (xrf2)  }
0xfd: {  	v27 =	vmul.f32 v63, v31;
	v29 =	vld [tilespmem:s0+$0x4A0];
	v47 =	vbroadcast v1, $0xF  }
0xfe: {  	v34 =	vld [tilespmem:s5+$0xFFFFFFF0];
	v36 =	vmul.f32 v60, v32;
	(xrf2) =	vadd.scan.msk.f32 $0xffff, v33  }
0xff: {  	v40 =	vld [tilespmem:s0+$0x4B0];
	v22 =	vsel vm0, v47, v22;
	v1, _, _ =	vpop (xrf2)  }
0x100: {  	v33 =	vld [tilespmem:s5+$0x0];
	v27 =	vadd.f32 v36, v27;
	v36 =	vmul.f32 v61, v31;
	v47 =	vmul.f32 v58, v32  }
0x101: {  	v1 =	vbroadcast v1, $0xF;
	v48 =	vmul.f32 v55, v35;
	v49 =	vld [tilespmem:s0+$0x4C0];
	(xrf2) =	vadd.scan.msk.f32 $0xffff, v30  }
0x102: {  	v30 =	vld [tilespmem:s5+$0x10];
	v36 =	vadd.f32 v47, v36;
	v47 =	vmul.f32 v29, v35;
	v29, _, _ =	vpop (xrf2)  }
0x103: {  	v27 =	vadd.f32 v48, v27;
	v51 =	vmul.f32 v46, v34;
	v48 =	vld [tilespmem:s0+$0x4D0];
	v50 =	vbroadcast v29, $0xF  }
0x104: {  	v21 =	vsel vm0, v1, v21;
	v29 =	vld [tilespmem:s5+$0x20];
	v36 =	vadd.f32 v47, v36;
	v40 =	vmul.f32 v40, v34;
	(xrf2) =	vadd.scan.msk.f32 $0xffff, v43  }
0x105: {  	v1 =	vadd.f32 v51, v27;
	v43 =	vmul.f32 v45, v33;
	v45 =	vld [tilespmem:s0+$0x4E0];
	v20 =	vsel vm0, v50, v20;
	v46, _, _ =	vpop (xrf2)  }
0x106: {  	v27 =	vld [tilespmem:s5+$0x30];
	v36 =	vadd.f32 v40, v36;
	v40 =	vmul.f32 v49, v33;
	v47 =	vbroadcast v46, $0xF  }
0x107: {  	v1 =	vadd.f32 v43, v1;
	v43 =	vmul.f32 v44, v30;
	v44 =	vld [tilespmem:s0+$0x4F0];
	(xrf2) =	vadd.scan.msk.f32 $0xffff, v42  }
0x108: {  	v42 =	vld [tilespmem:s0+$0xFFFFFB00];
	v36 =	vadd.f32 v40, v36;
	v40 =	vmul.f32 v48, v30;
	v19 =	vsel vm0, v47, v19;
	v46, _, _ =	vpop (xrf2)  }
0x109: {  	v1 =	vadd.f32 v43, v1;
	v48 =	vmul.f32 v41, v29;
	v43 =	vld [tilespmem:s0+$0xFFFFFB10];
	v46 =	vbroadcast v46, $0xF  }
0x10a: {  	v47 =	vld [tilespmem:s0+$0xFFFFFB80];
	v36 =	vadd.f32 v40, v36;
	v40 =	vmul.f32 v45, v29;
	(xrf2) =	vadd.scan.msk.f32 $0xffff, v39  }
0x10b: {  	v1 =	vadd.f32 v48, v1;
	v38 =	vmul.f32 v38, v27;
	v39 =	vld [tilespmem:s0+$0xFFFFFB90];
	v18 =	vsel vm0, v46, v18;
	v41, _, _ =	vpop (xrf2)  }
0x10c: {  	v45 =	vld [tilespmem:s0+$0xFFFFFC00];
	v46 =	vadd.f32 v40, v36;
	v40 =	vmul.f32 v44, v27;
	v41 =	vbroadcast v41, $0xF  }
0x10d: {  	v1 =	vadd.f32 v38, v1;
	v38 =	vmul.f32 v42, v31;
	v42 =	vld [tilespmem:s0+$0xFFFFFC10];
	(xrf2) =	vadd.scan.msk.f32 $0xffff, v37  }
0x10e: {  	v37 =	vmul.f32 v43, v32;
	v43 =	vld [tilespmem:s0+$0xFFFFFC80];
	v40 =	vadd.f32 v40, v46;
	v17 =	vsel vm0, v41, v17;
	v36, _, _ =	vpop (xrf2)  }
0x10f: {  	v41 =	vmul.f32 v47, v31;
	v44 =	vld [tilespmem:s0+$0xFFFFFC90];
	v46 =	vbroadcast v36, $0xF  }
0x110: {  	v36 =	vadd.f32 v37, v38;
	v37 =	vmul.f32 v39, v32;
	v39 =	vld [tilespmem:s0+$0xFFFFFD00];
	(xrf2) =	vadd.scan.msk.f32 $0xffff, v40  }
0x111: {  	v38 =	vmul.f32 v45, v31;
	v40 =	vld [tilespmem:s0+$0xFFFFFD10];
	v16 =	vsel vm0, v46, v16;
	v45, _, _ =	vpop (xrf2)  }
0x112: {  	v37 =	vadd.f32 v37, v41;
	v41 =	vmul.f32 v42, v32;
	v42 =	vld [tilespmem:s0+$0xFFFFFD80];
	v45 =	vbroadcast v45, $0xF  }
0x113: {  	v43 =	vmul.f32 v43, v31;
	v46 =	vld [tilespmem:s0+$0xFFFFFD90];
	(xrf2) =	vadd.scan.msk.f32 $0xffff, v1  }
0x114: {  	v38 =	vadd.f32 v41, v38;
	v1 =	vmul.f32 v44, v32;
	v41 =	vld [tilespmem:s0+$0xFFFFFE00];
	v15 =	vsel vm0, v45, v15;
	v44, _, _ =	vpop (xrf2)  }
0x115: {  	v39 =	vmul.f32 v39, v31;
	v45 =	vld [tilespmem:s0+$0xFFFFFE10];
	v48 =	vbroadcast v44, $0xF  }
0x116: {  	v1 =	vadd.f32 v1, v43;
	v40 =	vmul.f32 v40, v32;
	v43 =	vld [tilespmem:s0+$0xFFFFFE80];
	(xrf2) =	vadd.scan.msk.f32 $0xffff, v28  }
0x117: {  	v42 =	vmul.f32 v42, v31;
	v47 =	vld [tilespmem:s0+$0xFFFFFE90];
	v14 =	vsel vm0, v48, v14;
	v44, _, _ =	vpop (xrf2)  }
0x118: {  	v28 =	vadd.f32 v40, v39;
	v39 =	vmul.f32 v46, v32;
	v40 =	vld [tilespmem:s0+$0xFFFFFF00];
	v44 =	vbroadcast v44, $0xF  }
0x119: {  	v41 =	vmul.f32 v41, v31;
	v46 =	vld [tilespmem:s0+$0xFFFFFF10];
	(xrf2) =	vadd.scan.msk.f32 $0xffff, v26  }
0x11a: {  	v26 =	vadd.f32 v39, v42;
	v39 =	vmul.f32 v45, v32;
	v42 =	vld [tilespmem:s0+$0xFFFFFF80];
	v45, _, _ =	vpop (xrf2);
	v8 =	vsel vm0, v44, v8  }
0x11b: {  	v44 =	vmov s1;
	s1 =	smov.u32 s6;
	v43 =	vmul.f32 v43, v31;
	v48 =	vld [tilespmem:s0+$0xFFFFFF90];
	v49 =	vbroadcast v45, $0xF  }
0x11c: {  	vm1 =	veq.s32 v44, v0;
	v39 =	vadd.f32 v39, v41;
	v41 =	vmul.f32 v47, v32;
	v44 =	vld [tilespmem:s0+$0x0];
	(xrf2) =	vadd.scan.msk.f32 $0xffff, v25  }
0x11d: {  	v25 =	vmul.f32 v40, v31;
	v40 =	vld [tilespmem:s0+$0x10];
	v2 =	vsel vm1, v49, v2;
	v45, _, _ =	vpop (xrf2)  }
0x11e: {  	v49 =	vbroadcast v45, $0xF;
	v41 =	vadd.f32 v41, v43;
	v43 =	vmul.f32 v46, v32;
	v46 =	vld [tilespmem:s0+$0x80]  }
0x11f: {  	v42 =	vmul.f32 v42, v31;
	v47 =	vld [tilespmem:s0+$0x90];
	(xrf2) =	vadd.scan.msk.f32 $0xffff, v24  }
0x120: {  	v12 =	vsel vm1, v49, v12;
	v24 =	vadd.f32 v43, v25;
	v25 =	vmul.f32 v48, v32;
	v43 =	vld [tilespmem:s0+$0x100];
	v45, _, _ =	vpop (xrf2)  }
0x121: {  	v44 =	vmul.f32 v44, v31;
	v48 =	vld [tilespmem:s0+$0x110];
	v49 =	vbroadcast v45, $0xF  }
0x122: {  	v25 =	vadd.f32 v25, v42;
	v40 =	vmul.f32 v40, v32;
	v42 =	vld [tilespmem:s0+$0x180];
	(xrf2) =	vadd.scan.msk.f32 $0xffff, v23  }
0x123: {  	v23 =	vmul.f32 v46, v31;
	v46 =	vld [tilespmem:s0+$0x190];
	v7 =	vsel vm0, v49, v7;
	v45, _, _ =	vpop (xrf2)  }
0x124: {  	v40 =	vadd.f32 v40, v44;
	v44 =	vmul.f32 v47, v32;
	v47 =	vld [tilespmem:s0+$0x200];
	v50 =	vbroadcast v45, $0xF  }
0x125: {  	v43 =	vmul.f32 v43, v31;
	v49 =	vld [tilespmem:s0+$0x210]  }
0x126: {  	v23 =	vadd.f32 v44, v23;
	v44 =	vmul.f32 v48, v32;
	v48 =	vld [tilespmem:s0+$0x280];
	v6 =	vsel vm0, v50, v6;
	v45, _, _ =	vpop (xrf2)  }
0x127: {  	v42 =	vmul.f32 v42, v31;
	v50 =	vld [tilespmem:s0+$0x290];
	v52 =	vbroadcast v45, $0xF  }
0x128: {  	v43 =	vadd.f32 v44, v43;
	v44 =	vmul.f32 v46, v32;
	v46 =	vld [tilespmem:s0+$0x300]  }
0x129: {  	v47 =	vmul.f32 v47, v31;
	v51 =	vld [tilespmem:s0+$0x310];
	v5 =	vsel vm0, v52, v5;
	v45, _, _ =	vpop (xrf2)  }
0x12a: {  	v42 =	vadd.f32 v44, v42;
	v44 =	vmul.f32 v49, v32;
	v49 =	vld [tilespmem:s0+$0x380];
	v53 =	vbroadcast v45, $0xF  }
0x12b: {  	v48 =	vmul.f32 v48, v31;
	v52 =	vld [tilespmem:s0+$0x390]  }
0x12c: {  	v44 =	vadd.f32 v44, v47;
	v47 =	vmul.f32 v50, v32;
	v50 =	vld [tilespmem:s0+$0x400];
	v4 =	vsel vm0, v53, v4;
	v45, _, _ =	vpop (xrf2)  }
0x12d: {  	v46 =	vmul.f32 v46, v31;
	v53 =	vld [tilespmem:s0+$0x410];
	v45 =	vbroadcast v45, $0xF  }
0x12e: {  	v54 =	vld [tilespmem:s0+$0xFFFFFB20];
	v47 =	vadd.f32 v47, v48;
	v48 =	vmul.f32 v51, v32  }
0x12f: {  	v51 =	vld [tilespmem:s0+$0xFFFFFBA0];
	v49 =	vmul.f32 v49, v31;
	v3 =	vsel vm0, v45, v3;
	vm0 =	vmmov vm1  }
0x130: {  	v45 =	vld [tilespmem:s0+$0xFFFFFC20];
	v46 =	vadd.f32 v48, v46;
	v48 =	vmul.f32 v52, v32  }
0x131: {  	v52 =	vld [tilespmem:s0+$0xFFFFFCA0];
	v31 =	vmul.f32 v50, v31  }
0x132: {  	v50 =	vld [tilespmem:s0+$0xFFFFFD20];
	v48 =	vadd.f32 v48, v49;
	v32 =	vmul.f32 v53, v32  }
0x133: {  	v49 =	vmul.f32 v54, v35;
	v53 =	vld [tilespmem:s0+$0xFFFFFDA0]  }
0x134: {  	v51 =	vmul.f32 v51, v35;
	v54 =	vld [tilespmem:s0+$0xFFFFFE20];
	v31 =	vadd.f32 v32, v31  }
0x135: {  	v32 =	vadd.f32 v49, v36;
	v36 =	vmul.f32 v45, v35;
	v45 =	vld [tilespmem:s0+$0xFFFFFEA0]  }
0x136: {  	v37 =	vadd.f32 v51, v37;
	v49 =	vmul.f32 v52, v35;
	v51 =	vld [tilespmem:s0+$0xFFFFFF20]  }
0x137: {  	v36 =	vadd.f32 v36, v38;
	v38 =	vmul.f32 v50, v35;
	v50 =	vld [tilespmem:s0+$0xFFFFFFA0]  }
0x138: {  	v1 =	vadd.f32 v49, v1;
	v49 =	vmul.f32 v53, v35;
	v52 =	vld [tilespmem:s0+$0x20]  }
0x139: {  	v28 =	vadd.f32 v38, v28;
	v38 =	vmul.f32 v54, v35;
	v53 =	vld [tilespmem:s0+$0xA0]  }
0x13a: {  	v26 =	vadd.f32 v49, v26;
	v45 =	vmul.f32 v45, v35;
	v49 =	vld [tilespmem:s0+$0x120]  }
0x13b: {  	v38 =	vadd.f32 v38, v39;
	v39 =	vmul.f32 v51, v35;
	v51 =	vld [tilespmem:s0+$0x1A0]  }
0x13c: {  	v41 =	vadd.f32 v45, v41;
	v45 =	vmul.f32 v50, v35;
	v50 =	vld [tilespmem:s0+$0x220]  }
0x13d: {  	v24 =	vadd.f32 v39, v24;
	v39 =	vmul.f32 v52, v35;
	v52 =	vld [tilespmem:s0+$0x2A0]  }
0x13e: {  	v25 =	vadd.f32 v45, v25;
	v45 =	vmul.f32 v53, v35;
	v53 =	vld [tilespmem:s0+$0x320]  }
0x13f: {  	v39 =	vadd.f32 v39, v40;
	v40 =	vmul.f32 v49, v35;
	v49 =	vld [tilespmem:s0+$0x3A0]  }
0x140: {  	v23 =	vadd.f32 v45, v23;
	v45 =	vmul.f32 v51, v35;
	v51 =	vld [tilespmem:s0+$0x420]  }
0x141: {  	v54 =	vld [tilespmem:s0+$0xFFFFFB30];
	v40 =	vadd.f32 v40, v43;
	v43 =	vmul.f32 v50, v35  }
0x142: {  	v50 =	vld [tilespmem:s0+$0xFFFFFBB0];
	v42 =	vadd.f32 v45, v42;
	v45 =	vmul.f32 v52, v35  }
0x143: {  	v52 =	vld [tilespmem:s0+$0xFFFFFC30];
	v43 =	vadd.f32 v43, v44;
	v44 =	vmul.f32 v53, v35  }
0x144: {  	v53 =	vld [tilespmem:s0+$0xFFFFFCB0];
	v45 =	vadd.f32 v45, v47;
	v47 =	vmul.f32 v49, v35  }
0x145: {  	v49 =	vld [tilespmem:s0+$0xFFFFFD30];
	v44 =	vadd.f32 v44, v46;
	v35 =	vmul.f32 v51, v35  }
0x146: {  	v46 =	vmul.f32 v54, v34;
	v51 =	vld [tilespmem:s0+$0xFFFFFDB0];
	v47 =	vadd.f32 v47, v48  }
0x147: {  	v48 =	vmul.f32 v50, v34;
	v50 =	vld [tilespmem:s0+$0xFFFFFE30];
	v31 =	vadd.f32 v35, v31  }
0x148: {  	v32 =	vadd.f32 v46, v32;
	v35 =	vmul.f32 v52, v34;
	v46 =	vld [tilespmem:s0+$0xFFFFFEB0]  }
0x149: {  	v37 =	vadd.f32 v48, v37;
	v48 =	vmul.f32 v53, v34;
	v52 =	vld [tilespmem:s0+$0xFFFFFF30]  }
0x14a: {  	v35 =	vadd.f32 v35, v36;
	v36 =	vmul.f32 v49, v34;
	v49 =	vld [tilespmem:s0+$0xFFFFFFB0]  }
0x14b: {  	v1 =	vadd.f32 v48, v1;
	v48 =	vmul.f32 v51, v34;
	v51 =	vld [tilespmem:s0+$0x30]  }
0x14c: {  	v28 =	vadd.f32 v36, v28;
	v36 =	vmul.f32 v50, v34;
	v50 =	vld [tilespmem:s0+$0xB0]  }
0x14d: {  	v26 =	vadd.f32 v48, v26;
	v46 =	vmul.f32 v46, v34;
	v48 =	vld [tilespmem:s0+$0x130]  }
0x14e: {  	v36 =	vadd.f32 v36, v38;
	v38 =	vmul.f32 v52, v34;
	v52 =	vld [tilespmem:s0+$0x1B0]  }
0x14f: {  	v41 =	vadd.f32 v46, v41;
	v46 =	vmul.f32 v49, v34;
	v49 =	vld [tilespmem:s0+$0x230]  }
0x150: {  	v24 =	vadd.f32 v38, v24;
	v38 =	vmul.f32 v51, v34;
	v51 =	vld [tilespmem:s0+$0x2B0]  }
0x151: {  	v25 =	vadd.f32 v46, v25;
	v46 =	vmul.f32 v50, v34;
	v50 =	vld [tilespmem:s0+$0x330]  }
0x152: {  	v38 =	vadd.f32 v38, v39;
	v39 =	vmul.f32 v48, v34;
	v48 =	vld [tilespmem:s0+$0x3B0]  }
0x153: {  	v23 =	vadd.f32 v46, v23;
	v46 =	vmul.f32 v52, v34;
	v52 =	vld [tilespmem:s0+$0x430]  }
0x154: {  	v53 =	vld [tilespmem:s0+$0xFFFFFB40];
	v39 =	vadd.f32 v39, v40;
	v40 =	vmul.f32 v49, v34  }
0x155: {  	v49 =	vld [tilespmem:s0+$0xFFFFFBC0];
	v42 =	vadd.f32 v46, v42;
	v46 =	vmul.f32 v51, v34  }
0x156: {  	v51 =	vld [tilespmem:s0+$0xFFFFFC40];
	v40 =	vadd.f32 v40, v43;
	v43 =	vmul.f32 v50, v34  }
0x157: {  	v50 =	vld [tilespmem:s0+$0xFFFFFCC0];
	v45 =	vadd.f32 v46, v45;
	v46 =	vmul.f32 v48, v34  }
0x158: {  	v48 =	vld [tilespmem:s0+$0xFFFFFD40];
	v43 =	vadd.f32 v43, v44;
	v34 =	vmul.f32 v52, v34  }
0x159: {  	v44 =	vmul.f32 v53, v33;
	v52 =	vld [tilespmem:s0+$0xFFFFFDC0];
	v46 =	vadd.f32 v46, v47  }
0x15a: {  	v47 =	vmul.f32 v49, v33;
	v49 =	vld [tilespmem:s0+$0xFFFFFE40];
	v31 =	vadd.f32 v34, v31  }
0x15b: {  	v32 =	vadd.f32 v44, v32;
	v34 =	vmul.f32 v51, v33;
	v44 =	vld [tilespmem:s0+$0xFFFFFEC0]  }
0x15c: {  	v37 =	vadd.f32 v47, v37;
	v47 =	vmul.f32 v50, v33;
	v50 =	vld [tilespmem:s0+$0xFFFFFF40]  }
0x15d: {  	v34 =	vadd.f32 v34, v35;
	v35 =	vmul.f32 v48, v33;
	v48 =	vld [tilespmem:s0+$0xFFFFFFC0]  }
0x15e: {  	v1 =	vadd.f32 v47, v1;
	v47 =	vmul.f32 v52, v33;
	v51 =	vld [tilespmem:s0+$0x40]  }
0x15f: {  	v28 =	vadd.f32 v35, v28;
	v35 =	vmul.f32 v49, v33;
	v49 =	vld [tilespmem:s0+$0xC0]  }
0x160: {  	v26 =	vadd.f32 v47, v26;
	v44 =	vmul.f32 v44, v33;
	v47 =	vld [tilespmem:s0+$0x140]  }
0x161: {  	v35 =	vadd.f32 v35, v36;
	v36 =	vmul.f32 v50, v33;
	v50 =	vld [tilespmem:s0+$0x1C0]  }
0x162: {  	v41 =	vadd.f32 v44, v41;
	v44 =	vmul.f32 v48, v33;
	v48 =	vld [tilespmem:s0+$0x240]  }
0x163: {  	v24 =	vadd.f32 v36, v24;
	v36 =	vmul.f32 v51, v33;
	v51 =	vld [tilespmem:s0+$0x2C0]  }
0x164: {  	v25 =	vadd.f32 v44, v25;
	v44 =	vmul.f32 v49, v33;
	v49 =	vld [tilespmem:s0+$0x340]  }
0x165: {  	v36 =	vadd.f32 v36, v38;
	v38 =	vmul.f32 v47, v33;
	v47 =	vld [tilespmem:s0+$0x3C0]  }
0x166: {  	v23 =	vadd.f32 v44, v23;
	v44 =	vmul.f32 v50, v33;
	v50 =	vld [tilespmem:s0+$0x440]  }
0x167: {  	v52 =	vld [tilespmem:s0+$0xFFFFFB50];
	v38 =	vadd.f32 v38, v39;
	v39 =	vmul.f32 v48, v33  }
0x168: {  	v48 =	vld [tilespmem:s0+$0xFFFFFBD0];
	v42 =	vadd.f32 v44, v42;
	v44 =	vmul.f32 v51, v33  }
0x169: {  	v51 =	vld [tilespmem:s0+$0xFFFFFC50];
	v39 =	vadd.f32 v39, v40;
	v40 =	vmul.f32 v49, v33  }
0x16a: {  	v49 =	vld [tilespmem:s0+$0xFFFFFCD0];
	v44 =	vadd.f32 v44, v45;
	v45 =	vmul.f32 v47, v33  }
0x16b: {  	v47 =	vld [tilespmem:s0+$0xFFFFFD50];
	v40 =	vadd.f32 v40, v43;
	v33 =	vmul.f32 v50, v33  }
0x16c: {  	v43 =	vmul.f32 v52, v30;
	v50 =	vld [tilespmem:s0+$0xFFFFFDD0];
	v45 =	vadd.f32 v45, v46  }
0x16d: {  	v46 =	vmul.f32 v48, v30;
	v48 =	vld [tilespmem:s0+$0xFFFFFE50];
	v31 =	vadd.f32 v33, v31  }
0x16e: {  	v32 =	vadd.f32 v43, v32;
	v33 =	vmul.f32 v51, v30;
	v43 =	vld [tilespmem:s0+$0xFFFFFED0]  }
0x16f: {  	v37 =	vadd.f32 v46, v37;
	v46 =	vmul.f32 v49, v30;
	v49 =	vld [tilespmem:s0+$0xFFFFFF50]  }
0x170: {  	v33 =	vadd.f32 v33, v34;
	v34 =	vmul.f32 v47, v30;
	v47 =	vld [tilespmem:s0+$0xFFFFFFD0]  }
0x171: {  	v1 =	vadd.f32 v46, v1;
	v46 =	vmul.f32 v50, v30;
	v50 =	vld [tilespmem:s0+$0x50]  }
0x172: {  	v28 =	vadd.f32 v34, v28;
	v34 =	vmul.f32 v48, v30;
	v48 =	vld [tilespmem:s0+$0xD0]  }
0x173: {  	v26 =	vadd.f32 v46, v26;
	v43 =	vmul.f32 v43, v30;
	v46 =	vld [tilespmem:s0+$0x150]  }
0x174: {  	v34 =	vadd.f32 v34, v35;
	v35 =	vmul.f32 v49, v30;
	v49 =	vld [tilespmem:s0+$0x1D0]  }
0x175: {  	v41 =	vadd.f32 v43, v41;
	v43 =	vmul.f32 v47, v30;
	v47 =	vld [tilespmem:s0+$0x250]  }
0x176: {  	v24 =	vadd.f32 v35, v24;
	v35 =	vmul.f32 v50, v30;
	v50 =	vld [tilespmem:s0+$0x2D0]  }
0x177: {  	v25 =	vadd.f32 v43, v25;
	v43 =	vmul.f32 v48, v30;
	v48 =	vld [tilespmem:s0+$0x350]  }
0x178: {  	v35 =	vadd.f32 v35, v36;
	v36 =	vmul.f32 v46, v30;
	v46 =	vld [tilespmem:s0+$0x3D0]  }
0x179: {  	v23 =	vadd.f32 v43, v23;
	v43 =	vmul.f32 v49, v30;
	v49 =	vld [tilespmem:s0+$0x450]  }
0x17a: {  	v51 =	vld [tilespmem:s0+$0xFFFFFB60];
	v36 =	vadd.f32 v36, v38;
	v38 =	vmul.f32 v47, v30  }
0x17b: {  	v47 =	vld [tilespmem:s0+$0xFFFFFBE0];
	v42 =	vadd.f32 v43, v42;
	v43 =	vmul.f32 v50, v30  }
0x17c: {  	v50 =	vld [tilespmem:s0+$0xFFFFFC60];
	v38 =	vadd.f32 v38, v39;
	v39 =	vmul.f32 v48, v30  }
0x17d: {  	v48 =	vld [tilespmem:s0+$0xFFFFFCE0];
	v43 =	vadd.f32 v43, v44;
	v44 =	vmul.f32 v46, v30  }
0x17e: {  	v46 =	vld [tilespmem:s0+$0xFFFFFD60];
	v39 =	vadd.f32 v39, v40;
	v30 =	vmul.f32 v49, v30  }
0x17f: {  	v40 =	vmul.f32 v51, v29;
	v49 =	vld [tilespmem:s0+$0xFFFFFDE0];
	v44 =	vadd.f32 v44, v45  }
0x180: {  	v45 =	vmul.f32 v47, v29;
	v47 =	vld [tilespmem:s0+$0xFFFFFE60];
	v30 =	vadd.f32 v30, v31  }
0x181: {  	v31 =	vadd.f32 v40, v32;
	v32 =	vmul.f32 v50, v29;
	v40 =	vld [tilespmem:s0+$0xFFFFFEE0]  }
0x182: {  	v37 =	vadd.f32 v45, v37;
	v45 =	vmul.f32 v48, v29;
	v48 =	vld [tilespmem:s0+$0xFFFFFF60]  }
0x183: {  	v32 =	vadd.f32 v32, v33;
	v33 =	vmul.f32 v46, v29;
	v46 =	vld [tilespmem:s0+$0xFFFFFFE0]  }
0x184: {  	v1 =	vadd.f32 v45, v1;
	v45 =	vmul.f32 v49, v29;
	v49 =	vld [tilespmem:s0+$0x60]  }
0x185: {  	v28 =	vadd.f32 v33, v28;
	v33 =	vmul.f32 v47, v29;
	v47 =	vld [tilespmem:s0+$0xE0]  }
0x186: {  	v26 =	vadd.f32 v45, v26;
	v40 =	vmul.f32 v40, v29;
	v45 =	vld [tilespmem:s0+$0x160]  }
0x187: {  	v33 =	vadd.f32 v33, v34;
	v34 =	vmul.f32 v48, v29;
	v48 =	vld [tilespmem:s0+$0x1E0]  }
0x188: {  	v40 =	vadd.f32 v40, v41;
	v41 =	vmul.f32 v46, v29;
	v46 =	vld [tilespmem:s0+$0x260]  }
0x189: {  	v24 =	vadd.f32 v34, v24;
	v34 =	vmul.f32 v49, v29;
	v49 =	vld [tilespmem:s0+$0x2E0]  }
0x18a: {  	v25 =	vadd.f32 v41, v25;
	v41 =	vmul.f32 v47, v29;
	v47 =	vld [tilespmem:s0+$0x360]  }
0x18b: {  	v34 =	vadd.f32 v34, v35;
	v35 =	vmul.f32 v45, v29;
	v45 =	vld [tilespmem:s0+$0x3E0]  }
0x18c: {  	v23 =	vadd.f32 v41, v23;
	v41 =	vmul.f32 v48, v29;
	v48 =	vld [tilespmem:s0+$0x460]  }
0x18d: {  	v50 =	vld [tilespmem:s0+$0xFFFFFB70];
	v35 =	vadd.f32 v35, v36;
	v36 =	vmul.f32 v46, v29  }
0x18e: {  	v46 =	vld [tilespmem:s0+$0xFFFFFBF0];
	v51 =	vadd.f32 v41, v42;
	v41 =	vmul.f32 v49, v29  }
0x18f: {  	v42 =	vld [tilespmem:s0+$0xFFFFFC70];
	v36 =	vadd.f32 v36, v38;
	v38 =	vmul.f32 v47, v29  }
0x190: {  	v47 =	vld [tilespmem:s0+$0xFFFFFCF0];
	v49 =	vadd.f32 v41, v43;
	v41 =	vmul.f32 v45, v29  }
0x191: {  	v43 =	vld [tilespmem:s0+$0xFFFFFD70];
	v52 =	vadd.f32 v38, v39;
	v29 =	vmul.f32 v48, v29  }
0x192: {  	v38 =	vmul.f32 v50, v27;
	v39 =	vld [tilespmem:s0+$0xFFFFFDF0];
	v48 =	vadd.f32 v41, v44  }
0x193: {  	v41 =	vmul.f32 v46, v27;
	v44 =	vld [tilespmem:s0+$0xFFFFFE70];
	v29 =	vadd.f32 v29, v30  }
0x194: {  	v30 =	vadd.f32 v38, v31;
	v31 =	vmul.f32 v42, v27;
	v38 =	vld [tilespmem:s0+$0xFFFFFEF0]  }
0x195: {  	v37 =	vadd.f32 v41, v37;
	v41 =	vmul.f32 v47, v27;
	v42 =	vld [tilespmem:s0+$0xFFFFFF70]  }
0x196: {  	v31 =	vadd.f32 v31, v32;
	v32 =	vmul.f32 v43, v27;
	v43 =	vld [tilespmem:s0+$0xFFFFFFF0];
	(xrf2) =	vadd.scan.msk.f32 $0xffff, v30  }
0x197: {  	v1 =	vadd.f32 v41, v1;
	v30 =	vmul.f32 v39, v27;
	v39 =	vld [tilespmem:s0+$0x70]  }
0x198: {  	v32 =	vadd.f32 v32, v28;
	v28 =	vmul.f32 v44, v27;
	v41 =	vld [tilespmem:s0+$0xF0]  }
0x199: {  	v47 =	vadd.f32 v30, v26;
	v26 =	vmul.f32 v38, v27;
	v38 =	vld [tilespmem:s0+$0x170];
	(xrf2) =	vadd.scan.msk.f32 $0xffff, v37  }
0x19a: {  	v50 =	vadd.f32 v28, v33;
	v28 =	vmul.f32 v42, v27;
	v37 =	vld [tilespmem:s0+$0x1F0]  }
0x19b: {  	v40 =	vadd.f32 v26, v40;
	v26 =	vmul.f32 v43, v27;
	v44 =	vld [tilespmem:s0+$0x270]  }
0x19c: {  	v33 =	vadd.f32 v28, v24;
	v24 =	vmul.f32 v39, v27;
	v28 =	vld [tilespmem:s0+$0x2F0];
	(xrf2) =	vadd.scan.msk.f32 $0xffff, v31  }
0x19d: {  	v30 =	vadd.f32 v26, v25;
	v25 =	vmul.f32 v41, v27;
	v26 =	vld [tilespmem:s0+$0x370]  }
0x19e: {  	v43 =	vadd.f32 v24, v34;
	v41 =	vmul.f32 v38, v27;
	v31 =	vld [tilespmem:s0+$0x3F0]  }
0x19f: {  	s4 =	sadd.s32 $0x80, s4;
	v42 =	vadd.f32 v25, v23;
	v23 =	vmul.f32 v37, v27;
	v34 =	vld [tilespmem:s0+$0x470];
	(xrf2) =	vadd.scan.msk.f32 $0xffff, v1  }
0x1a0: {  	v38 =	vld [tilespmem:s4+$0x30];
	v39 =	vadd.f32 v41, v35;
	v1 =	vmul.f32 v44, v27;
	v24, _, _ =	vpop (xrf2)  }
0x1a1: {  	v41 =	vld [tilespmem:s4+$0x20];
	v25 =	vbroadcast v24, $0xF;
	v37 =	vadd.f32 v23, v51;
	v23 =	vmul.f32 v28, v27  }
0x1a2: {  	v44 =	vld [tilespmem:s4+$0x10];
	v28 =	vadd.f32 v1, v36;
	v1 =	vmul.f32 v26, v27;
	(xrf2) =	vadd.scan.msk.f32 $0xffff, v32  }
0x1a3: {  	v45 =	vld [tilespmem:s4+$0x0];
	v11 =	vsel vm0, v25, v11;
	v26 =	vadd.f32 v23, v49;
	v23 =	vmul.f32 v31, v27;
	v24, _, _ =	vpop (xrf2)  }
0x1a4: {  	v46 =	vld [tilespmem:s4+$0xFFFFFFF0];
	v31 =	vbroadcast v24, $0xF;
	v25 =	vadd.f32 v1, v52;
	v27 =	vmul.f32 v34, v27  }
0x1a5: {  	v55 =	vld [tilespmem:s4+$0xFFFFFFE0];
	v24 =	vadd.f32 v23, v48;
	(xrf2) =	vadd.scan.msk.f32 $0xffff, v47  }
0x1a6: {  	v63 =	vld [tilespmem:s4+$0xFFFFFFC0];
	v10 =	vsel vm0, v31, v10;
	v23 =	vadd.f32 v27, v29;
	v1, _, _ =	vpop (xrf2)  }
.Ltmp0:
0x1a7: {  	s5 =	sadd.s32 $0x80, s5;
	v60 =	vld [tilespmem:s4+$0xFFFFFFD0];
	v27 =	vbroadcast v1, $0xF;
	(pc) =	sbr.rel @p0 .LBB2_3-.Ltmp0, $4  }
0x1a8: {  	v31 =	vld [tilespmem:s5+$0xFFFFFFC0];
	(xrf2) =	vadd.scan.msk.f32 $0xffff, v50  }
0x1a9: {  	s0 =	sadd.s32 $0xA00, s0;
	v32 =	vld [tilespmem:s5+$0xFFFFFFD0];
	v9 =	vsel vm0, v27, v9;
	v1, _, _ =	vpop (xrf2)  }
0x1aa: {  	v61 =	vld [tilespmem:s0+$0x480];
	v62 =	vbroadcast v1, $0xF  }
0x1ab: {  	s6 =	sadd.s32 $0x1, s6;
	v58 =	vld [tilespmem:s0+$0x490];
	(xrf2) =	vadd.scan.msk.f32 $0xffff, v40  }
0x1ac: {  	v57 =	vld [tilespmem:s0+$0xFFFFFC00];
	_ =	sdelay $0x4  }
0x1ad: {  	[tilespmem:$0x1F8C0] =	vst v57;
	v57 =	vld [tilespmem:s0+$0xFFFFFC80];
	_ =	sdelay $0x4  }
0x1ae: {  	[tilespmem:$0x1F8D0] =	vst v57;
	v57 =	vld [tilespmem:s0+$0xFFFFFC90];
	_ =	sdelay $0x4  }
0x1af: {  	[tilespmem:$0x1F8E0] =	vst v57;
	v57 =	vld [tilespmem:s0+$0xFFFFFD00];
	_ =	sdelay $0x4  }
0x1b0: {  	[tilespmem:$0x1F8F0] =	vst v57;
	v57 =	vld [tilespmem:s0+$0xFFFFFD10];
	_ =	sdelay $0x4  }
0x1b1: {  	[tilespmem:$0x1F900] =	vst v57;
	v57 =	vld [tilespmem:s0+$0xFFFFFD80];
	_ =	sdelay $0x4  }
0x1b2: {  	[tilespmem:$0x1F910] =	vst v57;
	v57 =	vld [tilespmem:s0+$0xFFFFFD90];
	_ =	sdelay $0x4  }
0x1b3: {  	[tilespmem:$0x1F920] =	vst v57;
	v57 =	vld [tilespmem:s0+$0xFFFFFE00];
	_ =	sdelay $0x4  }
0x1b4: {  	[tilespmem:$0x1F930] =	vst v57;
	v57 =	vld [tilespmem:s0+$0xFFFFFE10];
	_ =	sdelay $0x4  }
0x1b5: {  	[tilespmem:$0x1F940] =	vst v57;
	v57 =	vld [tilespmem:s0+$0xFFFFFE80];
	_ =	sdelay $0x4  }
0x1b6: {  	[tilespmem:$0x1F950] =	vst v57;
	v57 =	vld [tilespmem:s0+$0xFFFFFE90];
	_ =	sdelay $0x4  }
0x1b7: {  	[tilespmem:$0x1F960] =	vst v57;
	v57 =	vld [tilespmem:s0+$0xFFFFFF00];
	_ =	sdelay $0x4  }
0x1b8: {  	[tilespmem:$0x1F970] =	vst v57;
	v57 =	vld [tilespmem:s0+$0xFFFFFF10];
	_ =	sdelay $0x4  }
0x1b9: {  	[tilespmem:$0x1F980] =	vst v57;
	v57 =	vld [tilespmem:s0+$0xFFFFFF80];
	_ =	sdelay $0x4  }
0x1ba: {  	[tilespmem:$0x1F990] =	vst v57;
	v57 =	vld [tilespmem:s0+$0xFFFFFF90];
	_ =	sdelay $0x4  }
0x1bb: {  	[tilespmem:$0x1F9A0] =	vst v57;
	v57 =	vld [tilespmem:s0+$0x0];
	_ =	sdelay $0x4  }
0x1bc: {  	[tilespmem:$0x1F9B0] =	vst v57;
	v57 =	vld [tilespmem:s0+$0x10];
	_ =	sdelay $0x4  }
0x1bd: {  	[tilespmem:$0x1F9C0] =	vst v57;
	v57 =	vld [tilespmem:s0+$0x80];
	_ =	sdelay $0x4  }
0x1be: {  	[tilespmem:$0x1F9D0] =	vst v57;
	v57 =	vld [tilespmem:s0+$0x90];
	_ =	sdelay $0x4  }
0x1bf: {  	[tilespmem:$0x1F9E0] =	vst v57;
	v57 =	vld [tilespmem:s0+$0x100];
	_ =	sdelay $0x4  }
0x1c0: {  	[tilespmem:$0x1F9F0] =	vst v57;
	v57 =	vld [tilespmem:s0+$0x110];
	_ =	sdelay $0x4  }
0x1c1: {  	[tilespmem:$0x1FA00] =	vst v57;
	v57 =	vld [tilespmem:s0+$0x180];
	_ =	sdelay $0x4  }
0x1c2: {  	[tilespmem:$0x1FA10] =	vst v57;
	v57 =	vld [tilespmem:s0+$0x190];
	_ =	sdelay $0x4  }
0x1c3: {  	[tilespmem:$0x1FA20] =	vst v57;
	v57 =	vld [tilespmem:s0+$0x200];
	_ =	sdelay $0x4  }
0x1c4: {  	[tilespmem:$0x1FA30] =	vst v57;
	v57 =	vld [tilespmem:s0+$0x210];
	_ =	sdelay $0x4  }
0x1c5: {  	[tilespmem:$0x1FA40] =	vst v57;
	v57 =	vld [tilespmem:s0+$0x280];
	_ =	sdelay $0x4  }
0x1c6: {  	[tilespmem:$0x1FA50] =	vst v57;
	v57 =	vld [tilespmem:s0+$0x290];
	_ =	sdelay $0x4  }
0x1c7: {  	[tilespmem:$0x1FA60] =	vst v57;
	v57 =	vld [tilespmem:s0+$0x300];
	_ =	sdelay $0x4  }
0x1c8: {  	[tilespmem:$0x1FA70] =	vst v57;
	v57 =	vld [tilespmem:s0+$0x310];
	_ =	sdelay $0x4  }
0x1c9: {  	[tilespmem:$0x1FA80] =	vst v57;
	v57 =	vld [tilespmem:s0+$0x380];
	_ =	sdelay $0x4  }
0x1ca: {  	[tilespmem:$0x1FA90] =	vst v57;
	v57 =	vld [tilespmem:s0+$0x390];
	_ =	sdelay $0x4  }
0x1cb: {  	[tilespmem:$0x1FAA0] =	vst v57;
	v57 =	vld [tilespmem:s0+$0x400];
	_ =	sdelay $0x4  }
0x1cc: {  	[tilespmem:$0x1FAB0] =	vst v57;
	v57 =	vld [tilespmem:s0+$0x410];
	_ =	sdelay $0x4  }
0x1cd: {  	[tilespmem:$0x1FAC0] =	vst v57;
	v57 =	vld [tilespmem:s0+$0xFFFFFB20];
	_ =	sdelay $0x4  }
0x1ce: {  	[tilespmem:$0x1FAD0] =	vst v57;
	v57 =	vld [tilespmem:s0+$0xFFFFFBA0];
	_ =	sdelay $0x2  }
0x1cf: {  	v40 =	vld [tilespmem:s5+$0xFFFFFFE0]  }
0x1d0: {  	v1 =	vld [tilespmem:s0+$0x4A0]  }
0x1d1: {  	[tilespmem:$0x1FAE0] =	vst v57;
	v57 =	vld [tilespmem:s0+$0xFFFFFC20]  }
0x1d2: {  	v36 =	vld [tilespmem:s5+$0xFFFFFFF0]  }
0x1d3: {  	v47 =	vld [tilespmem:s0+$0x4B0]  }
0x1d4: {  	v35 =	vld [tilespmem:s5+$0x0]  }
0x1d5: {  	v48 =	vld [tilespmem:s0+$0x4C0]  }
0x1d6: {  	[tilespmem:$0x1FAF0] =	vst v57;
	v57 =	vld [tilespmem:s0+$0xFFFFFCA0]  }
0x1d7: {  	v34 =	vld [tilespmem:s5+$0x10];
	v61 =	vmul.f32 v61, v31;
	v58 =	vmul.f32 v58, v32  }
0x1d8: {  	v49 =	vld [tilespmem:s0+$0x4D0]  }
0x1d9: {  	v63 =	vmul.f32 v63, v31;
	v60 =	vmul.f32 v60, v32;
	v58 =	vadd.f32 v58, v61;
	v61 =	vld [tilespmem:s0+$0xFFFFFDA0]  }
0x1da: {  	v29 =	vld [tilespmem:s5+$0x20];
	v1 =	vmul.f32 v1, v40  }
0x1db: {  	v60 =	vadd.f32 v60, v63;
	v55 =	vmul.f32 v55, v40;
	[tilespmem:$0x1FB00] =	vst v57;
	v57 =	vld [tilespmem:s0+$0xFFFFFD20]  }
0x1dc: {  	(xrf2) =	vadd.scan.msk.f32 $0xffff, v33;
	v47 =	vmul.f32 v47, v36;
	v1 =	vadd.f32 v1, v58;
	v58 =	vld [tilespmem:s0+$0xFFFFFEA0]  }
0x1dd: {  	v50 =	vld [tilespmem:s0+$0x4E0];
	(xrf2) =	vadd.scan.msk.f32 $0xffff, v30;
	v30 =	vadd.f32 v55, v60;
	v60 =	vmul.f32 v46, v36  }
0x1de: {  	v1 =	vadd.f32 v47, v1;
	[tilespmem:$0x1FB20] =	vst v61;
	v61 =	vmul.f32 v48, v35  }
0x1df: {  	v33 =	vmul.f32 v45, v35;
	v30 =	vadd.f32 v60, v30  }
0x1e0: {  	v27 =	vld [tilespmem:s5+$0x30];
	v1 =	vadd.f32 v61, v1;
	[tilespmem:$0x1FB10] =	vst v57;
	v57 =	vmul.f32 v49, v34  }
0x1e1: {  	v51 =	vld [tilespmem:s0+$0x4F0];
	v13 =	vsel vm0, v62, v13;
	v30 =	vadd.f32 v33, v30;
	v60, _, _ =	vpop (xrf2);
	[tilespmem:$0x1FB30] =	vst v58;
	v58 =	vmul.f32 v44, v34  }
0x1e2: {  	[tilespmem:$0x1FD80] =	vst v13;
	v13 =	vmul.f32 v50, v29;
	v47 =	vbroadcast v60, $0xF;
	v1 =	vadd.f32 v57, v1  }
0x1e3: {  	v62, _, _ =	vpop (xrf2);
	v61 =	vmul.f32 v41, v29;
	v30 =	vadd.f32 v58, v30  }
0x1e4: {  	v53 =	vld [tilespmem:s0+$0xFFFFFB10];
	v22 =	vsel vm0, v47, v22;
	v1 =	vadd.f32 v13, v1;
	v13 =	vbroadcast v62, $0xF  }
0x1e5: {  	v52 =	vld [tilespmem:s0+$0xFFFFFB00];
	[tilespmem:$0x1FD90] =	vst v22;
	v22 =	vadd.f32 v61, v30  }
0x1e6: {  	(xrf2) =	vadd.scan.msk.f32 $0xffff, v43;
	v33, _, _ =	vpop (xrf2);
	v49 =	vmul.f32 v51, v27;
	v57 =	vmul.f32 v38, v27;
	v13 =	vsel vm0, v13, v21  }
0x1e7: {  	(xrf2) =	vadd.scan.msk.f32 $0xffff, v42;
	v58, _, _ =	vpop (xrf2);
	[tilespmem:$0x1FDA0] =	vst v13;
	v13 =	vbroadcast v33, $0xF  }
0x1e8: {  	(xrf2) =	vadd.scan.msk.f32 $0xffff, v39;
	v47 =	vadd.f32 v57, v22;
	v1 =	vadd.f32 v49, v1;
	v21, _, _ =	vpop (xrf2)  }
0x1e9: {  	(xrf2) =	vadd.scan.msk.f32 $0xffff, v37;
	v57 =	vmul.f32 v53, v32;
	v33 =	vbroadcast v21, $0xF;
	v21, _, _ =	vpop (xrf2);
	v13 =	vsel vm0, v13, v20  }
0x1ea: {  	(xrf2) =	vadd.scan.msk.f32 $0xffff, v1;
	v1 =	vbroadcast v21, $0xF;
	[tilespmem:$0x1FDC0] =	vst v13;
	v13 =	vmul.f32 v52, v31  }
0x1eb: {  	v59 =	vld [tilespmem:s0+$0xFFFFFC10]  }
0x1ec: {  	v1 =	vsel vm0, v1, v17;
	v51 =	vadd.f32 v57, v13;
	v13 =	vld [tilespmem:$0x1F8D0]  }
0x1ed: {  	[tilespmem:$0x1FDF0] =	vst v1;
	v1 =	vld [tilespmem:$0x1F8C0]  }
0x1ee: {  	v62 =	vbroadcast v58, $0xF;
	_ =	sdelay $0x1  }
0x1ef: {  	v19 =	vsel vm0, v62, v19  }
0x1f0: {  	v53 =	vmul.f32 v13, v31;
	v13 =	vld [tilespmem:s0+$0xFFFFFD30]  }
0x1f1: {  	v18 =	vsel vm0, v33, v18;
	v33 =	vmul.f32 v59, v32;
	v1 =	vmul.f32 v1, v31  }
0x1f2: {  	[tilespmem:$0x1FDD0] =	vst v19;
	v19, _, _ =	vpop (xrf2)  }
0x1f3: {  	v61 =	vbroadcast v19, $0xF;
	v50 =	vadd.f32 v33, v1;
	v1 =	vld [tilespmem:$0x1F910];
	_ =	sdelay $0x1  }
0x1f4: {  	[tilespmem:$0x1FBA0] =	vst v13;
	v13 =	vsel vm0, v61, v16  }
0x1f5: {  	[tilespmem:$0x1FE00] =	vst v13;
	v13 =	vld [tilespmem:$0x1F8E0];
	_ =	sdelay $0x1  }
0x1f6: {  	v33 =	vmul.f32 v1, v31;
	v1 =	vld [tilespmem:$0x1F920];
	_ =	sdelay $0x1  }
0x1f7: {  	[tilespmem:$0x1FDE0] =	vst v18;
	v18 =	vld [tilespmem:s0+$0xFFFFFC30]  }
0x1f8: {  	v16 =	vmul.f32 v13, v32;
	v13 =	vld [tilespmem:$0x1F8F0];
	_ =	sdelay $0x1  }
0x1f9: {  	v37 =	vmul.f32 v1, v32;
	v1 =	vld [tilespmem:s0+$0xFFFFFEB0];
	_ =	sdelay $0x1  }
0x1fa: {  	[tilespmem:$0x1FB80] =	vst v18;
	v18, _, _ =	vpop (xrf2)  }
0x1fb: {  	v52 =	vbroadcast v18, $0xF;
	v38 =	vmul.f32 v13, v31;
	v13, _, _ =	vpop (xrf2)  }
0x1fc: {  	v61 =	vbroadcast v13, $0xF  }
0x1fd: {  	[tilespmem:$0x1FBD0] =	vst v1;
	v1 =	vsel vm0, v52, v15  }
0x1fe: {  	v56 =	vld [tilespmem:s0+$0xFFFFFB90];
	[tilespmem:$0x1FE10] =	vst v1;
	v1 =	vsel vm0, v61, v14  }
0x1ff: {  	[tilespmem:$0x1FE20] =	vst v1;
	v1 =	vld [tilespmem:$0x1F930];
	_ =	sdelay $0x1  }
0x200: {  	v54 =	vld [tilespmem:s0+$0xFFFFFB80]  }
0x201: {  	v43 =	vld [tilespmem:s0+$0xA0]  }
0x202: {  	v13 =	vld [tilespmem:$0x1F900]  }
0x203: {  	v42 =	vld [tilespmem:s0+$0x120];
	v62 =	vmul.f32 v56, v32;
	v56 =	vmul.f32 v1, v31;
	v1, _, _ =	vpop (xrf2)  }
0x204: {  	[tilespmem:$0x1FDB0] =	vst v1;
	v1 =	vld [tilespmem:$0x1F940]  }
0x205: {  	v63 =	vld [tilespmem:s0+$0xFFFFFE20];
	v58 =	vmul.f32 v54, v31  }
0x206: {  	v39 =	vld [tilespmem:s0+$0x220]  }
0x207: {  	v45 =	vld [tilespmem:s0+$0x20];
	v49 =	vadd.f32 v62, v58;
	v62 =	vmul.f32 v13, v32  }
0x208: {  	v46 =	vld [tilespmem:s0+$0xFFFFFF20]  }
0x209: {  	v52 =	vadd.f32 v16, v53;
	v53 =	vadd.f32 v62, v38;
	v38 =	vmul.f32 v1, v32;
	v1 =	vld [tilespmem:$0x1F950]  }
0x20a: {  	v55 =	vld [tilespmem:s0+$0xFFFFFFA0]  }
0x20b: {  	v48 =	vld [tilespmem:s0+$0xFFFFFFB0]  }
0x20c: {  	v20 =	vld [tilespmem:s0+$0xFFFFFB30]  }
0x20d: {  	v17 =	vld [tilespmem:s0+$0xFFFFFCB0]  }
0x20e: {  	v30 =	vld [tilespmem:s0+$0x3A0];
	v58 =	vmul.f32 v1, v31;
	v1, _, _ =	vpop (xrf2)  }
0x20f: {  	[tilespmem:$0x1FE30] =	vst v1;
	v1 =	vld [tilespmem:s0+$0x30]  }
0x210: {  	v22 =	vld [tilespmem:s0+$0x420]  }
0x211: {  	[tilespmem:$0x1FB60] =	vst v20;
	v20 =	vld [tilespmem:s0+$0xFFFFFBB0]  }
0x212: {  	[tilespmem:$0x1FB90] =	vst v17;
	v17 =	vld [tilespmem:s0+$0xFFFFFDB0]  }
0x213: {  	[tilespmem:$0x1FB40] =	vst v30;
	v13 =	vld [tilespmem:s0+$0xFFFFFE30]  }
0x214: {  	[tilespmem:$0x1FBE0] =	vst v1;
	v1 =	vld [tilespmem:$0x1F960]  }
0x215: {  	v60 =	vld [tilespmem:s0+$0x320];
	[tilespmem:$0x1FB50] =	vst v22  }
0x216: {  	v44 =	vld [tilespmem:s0+$0x1A0];
	[tilespmem:$0x1FB70] =	vst v20  }
0x217: {  	v41 =	vld [tilespmem:s0+$0x2A0];
	[tilespmem:$0x1FBB0] =	vst v17  }
0x218: {  	(xrf2) =	vadd.scan.msk.f32 $0xffff, v47;
	v47 =	vld [tilespmem:s0+$0xFFFFFF30];
	[tilespmem:$0x1FBC0] =	vst v13  }
0x219: {  	v59 =	vmul.f32 v1, v32;
	v1 =	vld [tilespmem:$0x1F970];
	_ =	sdelay $0x4  }
0x21a: {  	v61 =	vmul.f32 v1, v31;
	v1 =	vld [tilespmem:s0+$0xB0];
	_ =	sdelay $0x4  }
0x21b: {  	[tilespmem:$0x1FBF0] =	vst v1;
	v1 =	vld [tilespmem:$0x1F980];
	_ =	sdelay $0x3  }
0x21c: {  	v54 =	vadd.f32 v37, v33;
	v33 =	vmov s1  }
0x21d: {  	vm1 =	veq.s32 v33, v0;
	v33 =	vmul.f32 v1, v32;
	v1 =	vld [tilespmem:s0+$0x130];
	_ =	sdelay $0x4  }
0x21e: {  	[tilespmem:$0x1FC00] =	vst v1;
	v1 =	vld [tilespmem:$0x1F990];
	_ =	sdelay $0x3  }
0x21f: {  	v37, _, _ =	vpop (xrf2)  }
0x220: {  	v56 =	vadd.f32 v38, v56;
	v38 =	vbroadcast v37, $0xF;
	v37 =	vmul.f32 v1, v31;
	v1 =	vld [tilespmem:$0x1F9A0];
	_ =	sdelay $0x4  }
0x221: {  	v1 =	vmul.f32 v1, v32;
	_ =	sdelay $0x1  }
0x222: {  	v30 =	vadd.f32 v1, v37;
	v1 =	vld [tilespmem:$0x1F9F0]  }
0x223: {  	v14 =	vld [tilespmem:s0+$0x2B0];
	_ =	sdelay $0x3  }
0x224: {  	v37 =	vmul.f32 v1, v31;
	v1 =	vld [tilespmem:$0x1FA00]  }
0x225: {  	[tilespmem:$0x1FC30] =	vst v14;
	v14 =	vld [tilespmem:s0+$0x330];
	_ =	sdelay $0x3  }
0x226: {  	v1 =	vmul.f32 v1, v32  }
0x227: {  	[tilespmem:$0x1FC40] =	vst v14;
	v14 =	vld [tilespmem:s0+$0x3B0]  }
0x228: {  	v12 =	vsel vm1, v38, v12;
	v21 =	vadd.f32 v1, v37;
	v1 =	vld [tilespmem:$0x1FA50]  }
0x229: {  	[tilespmem:$0x1FD70] =	vst v12;
	v12 =	vld [tilespmem:$0x1F9B0];
	_ =	sdelay $0x1  }
0x22a: {  	v13 =	vld [tilespmem:s0+$0x1B0]  }
0x22b: {  	[tilespmem:$0x1FC50] =	vst v14;
	v14 =	vld [tilespmem:s0+$0x430]  }
0x22c: {  	v58 =	vadd.f32 v59, v58;
	v59 =	vmul.f32 v1, v31;
	v1 =	vld [tilespmem:$0x1FA60]  }
0x22d: {  	v38 =	vmul.f32 v12, v31;
	v12 =	vld [tilespmem:$0x1F9C0];
	_ =	sdelay $0x3  }
0x22e: {  	[tilespmem:$0x1FC60] =	vst v14;
	v14 =	vmul.f32 v1, v32;
	v1 =	vld [tilespmem:s0+$0xFFFFFB40]  }
0x22f: {  	[tilespmem:$0x1FC10] =	vst v13;
	v13 =	vld [tilespmem:s0+$0x230];
	v12 =	vmul.f32 v12, v32;
	_ =	sdelay $0x1  }
0x230: {  	v22 =	vadd.f32 v12, v38;
	v12 =	vld [tilespmem:$0x1FA10];
	_ =	sdelay $0x1  }
0x231: {  	[tilespmem:$0x1FC70] =	vst v1;
	v1 =	vld [tilespmem:$0x1FA70]  }
0x232: {  	[tilespmem:$0x1FC20] =	vst v13;
	v13 =	vld [tilespmem:$0x1F9D0];
	_ =	sdelay $0x1  }
0x233: {  	v38 =	vmul.f32 v12, v31;
	v12 =	vld [tilespmem:$0x1FA20];
	_ =	sdelay $0x1  }
0x234: {  	v57 =	vmul.f32 v1, v31;
	v1 =	vld [tilespmem:$0x1FA80]  }
0x235: {  	v61 =	vadd.f32 v33, v61;
	v33 =	vmul.f32 v13, v31;
	v13 =	vld [tilespmem:$0x1F9E0];
	_ =	sdelay $0x1  }
0x236: {  	v12 =	vmul.f32 v12, v32;
	_ =	sdelay $0x1  }
0x237: {  	v37 =	vadd.f32 v12, v38;
	v12 =	vmul.f32 v1, v32;
	v1 =	vld [tilespmem:s0+$0xFFFFFBC0]  }
0x238: {  	v13 =	vmul.f32 v13, v32;
	_ =	sdelay $0x1  }
0x239: {  	v20 =	vadd.f32 v13, v33;
	v13 =	vld [tilespmem:$0x1FA30];
	_ =	sdelay $0x1  }
0x23a: {  	[tilespmem:$0x1FC80] =	vst v1;
	v1 =	vld [tilespmem:$0x1FA90];
	_ =	sdelay $0x2  }
0x23b: {  	v33 =	vmul.f32 v13, v31;
	v13 =	vld [tilespmem:$0x1FA40];
	_ =	sdelay $0x1  }
0x23c: {  	v62 =	vmul.f32 v1, v31;
	v1 =	vld [tilespmem:$0x1FAA0];
	_ =	sdelay $0x2  }
0x23d: {  	v13 =	vmul.f32 v13, v32;
	_ =	sdelay $0x1  }
0x23e: {  	v33 =	vadd.f32 v13, v33;
	v13 =	vld [tilespmem:s0+$0xFFFFFC40];
	v1 =	vmul.f32 v1, v32;
	_ =	sdelay $0x1  }
0x23f: {  	v19 =	vadd.f32 v14, v59;
	v14 =	vadd.f32 v1, v62;
	v1 =	vld [tilespmem:$0x1FAD0];
	_ =	sdelay $0x2  }
0x240: {  	[tilespmem:$0x1FC90] =	vst v13;
	v13 =	vld [tilespmem:$0x1FAB0];
	_ =	sdelay $0x1  }
0x241: {  	v62 =	vmul.f32 v1, v40;
	v1 =	vld [tilespmem:s0+$0xFFFFFD40];
	_ =	sdelay $0x2  }
0x242: {  	v31 =	vmul.f32 v13, v31;
	v13 =	vld [tilespmem:$0x1FAC0];
	_ =	sdelay $0x1  }
0x243: {  	[tilespmem:$0x1FCB0] =	vst v1;
	v1 =	vld [tilespmem:$0x1FAE0];
	_ =	sdelay $0x2  }
0x244: {  	v38 =	vmul.f32 v13, v32;
	_ =	sdelay $0x1  }
0x245: {  	v31 =	vadd.f32 v38, v31;
	v38 =	vmul.f32 v1, v40;
	v1 =	vld [tilespmem:$0x1FAF0];
	_ =	sdelay $0x1  }
0x246: {  	v15 =	vld [tilespmem:s0+$0xFFFFFE40];
	_ =	sdelay $0x2  }
0x247: {  	v1 =	vmul.f32 v1, v40;
	_ =	sdelay $0x1  }
0x248: {  	[tilespmem:$0x1FCD0] =	vst v15;
	v15 =	vadd.f32 v1, v50;
	v1 =	vld [tilespmem:$0x1FB20];
	_ =	sdelay $0x2  }
0x249: {  	v13 =	vld [tilespmem:s0+$0xFFFFFCC0];
	_ =	sdelay $0x1  }
0x24a: {  	v32 =	vadd.f32 v38, v49;
	v38 =	vmul.f32 v1, v40;
	v1 =	vld [tilespmem:s0+$0xFFFFFEC0];
	_ =	sdelay $0x2  }
0x24b: {  	[tilespmem:$0x1FCA0] =	vst v13;
	v13 =	vadd.f32 v12, v57;
	v12 =	vld [tilespmem:s0+$0xFFFFFDC0];
	_ =	sdelay $0x1  }
0x24c: {  	[tilespmem:$0x1FCE0] =	vst v1;
	v1 =	vld [tilespmem:s0+$0xFFFFFF40];
	_ =	sdelay $0x2  }
0x24d: {  	[tilespmem:$0x1FCC0] =	vst v12;
	v12 =	vld [tilespmem:$0x1FB00];
	_ =	sdelay $0x1  }
0x24e: {  	[tilespmem:$0x1FCF0] =	vst v1;
	v1 =	vld [tilespmem:$0x1FB30];
	_ =	sdelay $0x2  }
0x24f: {  	v51 =	vadd.f32 v62, v51;
	v62 =	vmul.f32 v12, v40;
	_ =	sdelay $0x1  }
0x250: {  	v52 =	vadd.f32 v62, v52;
	v62 =	vmul.f32 v1, v40;
	v1 =	vmul.f32 v46, v40;
	_ =	sdelay $0x1  }
0x251: {  	v17 =	vadd.f32 v1, v61;
	v1 =	vld [tilespmem:s0+$0xC0];
	_ =	sdelay $0x4  }
0x252: {  	v49 =	vadd.f32 v38, v54;
	v38 =	vmul.f32 v43, v40;
	[tilespmem:$0x1FD00] =	vst v1;
	v1 =	vld [tilespmem:s0+$0x140];
	_ =	sdelay $0x1  }
0x253: {  	v38 =	vadd.f32 v38, v20;
	v20 =	vld [tilespmem:s0+$0x240];
	_ =	sdelay $0x2  }
0x254: {  	[tilespmem:$0x1FD10] =	vst v1;
	v1 =	vmul.f32 v39, v40  }
0x255: {  	v12 =	vld [tilespmem:$0x1FB10]  }
0x256: {  	[tilespmem:$0x1FD30] =	vst v20;
	v20 =	vadd.f32 v1, v33;
	v1 =	vld [tilespmem:$0x1FB40];
	_ =	sdelay $0x3  }
0x257: {  	v12 =	vmul.f32 v12, v40  }
0x258: {  	v43 =	vmul.f32 v1, v40;
	v1 =	vld [tilespmem:s0+$0x2C0]  }
0x259: {  	v16 =	vadd.f32 v12, v53;
	v12 =	vmul.f32 v45, v40;
	_ =	sdelay $0x1  }
0x25a: {  	v18 =	vadd.f32 v12, v22;
	v12 =	vld [tilespmem:s0+$0x1C0];
	_ =	sdelay $0x1  }
0x25b: {  	[tilespmem:$0x1FD40] =	vst v1;
	v1 =	vld [tilespmem:$0x1FB50];
	_ =	sdelay $0x2  }
0x25c: {  	v22 =	vmul.f32 v42, v40;
	[tilespmem:$0x1FD20] =	vst v12;
	v12 =	vmul.f32 v60, v40;
	_ =	sdelay $0x1  }
0x25d: {  	v39 =	vadd.f32 v22, v21;
	v21 =	vadd.f32 v12, v13;
	v13 =	vmul.f32 v1, v40;
	v1 =	vld [tilespmem:s0+$0x340];
	_ =	sdelay $0x4  }
0x25e: {  	[tilespmem:$0x1FD50] =	vst v1;
	v1 =	vld [tilespmem:$0x1FB60];
	_ =	sdelay $0x4  }
0x25f: {  	v42 =	vmul.f32 v44, v40;
	v44 =	vmul.f32 v1, v36;
	v1 =	vld [tilespmem:$0x1FB70];
	_ =	sdelay $0x4  }
0x260: {  	v50 =	vmul.f32 v1, v36;
	v1 =	vld [tilespmem:s0+$0x3C0];
	_ =	sdelay $0x4  }
0x261: {  	[tilespmem:$0x1FD60] =	vst v1;
	v1 =	vld [tilespmem:$0x1FB80];
	_ =	sdelay $0x2  }
0x262: {  	v22 =	vmul.f32 v41, v40;
	_ =	sdelay $0x1  }
0x263: {  	v19 =	vadd.f32 v22, v19;
	v22 =	vadd.f32 v13, v31;
	v31 =	vmul.f32 v1, v36;
	v1 =	vld [tilespmem:$0x1FB90];
	_ =	sdelay $0x4  }
0x264: {  	v1 =	vmul.f32 v1, v36;
	_ =	sdelay $0x1  }
0x265: {  	v13 =	vadd.f32 v1, v52;
	v1 =	vld [tilespmem:$0x1FBB0];
	_ =	sdelay $0x4  }
0x266: {  	v15 =	vadd.f32 v31, v15;
	v31 =	vmul.f32 v1, v36;
	v1 =	vld [tilespmem:$0x1FBC0];
	_ =	sdelay $0x3  }
0x267: {  	v59 =	vmul.f32 v63, v40  }
0x268: {  	v63 =	vmul.f32 v55, v40;
	v55 =	vmul.f32 v1, v36;
	v1 =	vld [tilespmem:$0x1FBD0];
	_ =	sdelay $0x4  }
0x269: {  	v54 =	vadd.f32 v62, v58;
	v1 =	vmul.f32 v1, v36;
	_ =	sdelay $0x1  }
0x26a: {  	v41 =	vadd.f32 v43, v14;
	v14 =	vadd.f32 v1, v54;
	v1 =	vld [tilespmem:$0x1FBE0];
	_ =	sdelay $0x2  }
0x26b: {  	v12 =	vld [tilespmem:$0x1FBA0];
	_ =	sdelay $0x1  }
0x26c: {  	v33 =	vadd.f32 v44, v51;
	v44 =	vmul.f32 v47, v36;
	v47 =	vmul.f32 v1, v36;
	v1 =	vld [tilespmem:$0x1FBF0];
	_ =	sdelay $0x2  }
0x26d: {  	v30 =	vadd.f32 v63, v30;
	v51 =	vmul.f32 v12, v36;
	v12 =	vmul.f32 v48, v36  }
0x26e: {  	v37 =	vadd.f32 v42, v37  }
0x26f: {  	v42 =	vadd.f32 v51, v16;
	v16 =	vadd.f32 v12, v30;
	v30 =	vmul.f32 v1, v36;
	v1 =	vld [tilespmem:$0x1FC00];
	_ =	sdelay $0x4  }
0x270: {  	v48 =	vmul.f32 v1, v36;
	v1 =	vld [tilespmem:$0x1FC10];
	_ =	sdelay $0x4  }
0x271: {  	v12 =	vld [tilespmem:$0x1FC20];
	v1 =	vmul.f32 v1, v36;
	_ =	sdelay $0x1  }
0x272: {  	v43 =	vadd.f32 v47, v18;
	v18 =	vadd.f32 v1, v37;
	v1 =	vld [tilespmem:$0x1FC40];
	_ =	sdelay $0x2  }
0x273: {  	v31 =	vadd.f32 v31, v49;
	v49 =	vmul.f32 v12, v36;
	v12 =	vld [tilespmem:$0x1FC30];
	_ =	sdelay $0x1  }
0x274: {  	v32 =	vadd.f32 v50, v32;
	v50 =	vmul.f32 v1, v36;
	v1 =	vld [tilespmem:$0x1FC50];
	_ =	sdelay $0x2  }
0x275: {  	v12 =	vmul.f32 v12, v36  }
0x276: {  	v17 =	vadd.f32 v44, v17  }
0x277: {  	v44 =	vadd.f32 v30, v38;
	v30 =	vadd.f32 v12, v19;
	v19 =	vmul.f32 v1, v36;
	v1 =	vld [tilespmem:$0x1FC60];
	_ =	sdelay $0x4  }
0x278: {  	v36 =	vmul.f32 v1, v36;
	v1 =	vld [tilespmem:$0x1FC70];
	_ =	sdelay $0x4  }
0x279: {  	v37 =	vmul.f32 v1, v35;
	v1 =	vld [tilespmem:$0x1FC80];
	_ =	sdelay $0x3  }
0x27a: {  	v63 =	vld [tilespmem:s0+$0x440]  }
0x27b: {  	v47 =	vmul.f32 v1, v35;
	v1 =	vld [tilespmem:$0x1FC90]  }
0x27c: {  	v57 =	vld [tilespmem:s0+$0xFFFFFDD0]  }
0x27d: {  	v45 =	vld [tilespmem:s0+$0x40]  }
0x27e: {  	v53 =	vadd.f32 v59, v56;
	v59 =	vld [tilespmem:s0+$0xFFFFFCD0]  }
0x27f: {  	v56 =	vld [tilespmem:s0+$0xFFFFFE50]  }
0x280: {  	v60 =	vld [tilespmem:s0+$0xFFFFFBD0];
	v1 =	vmul.f32 v1, v35  }
0x281: {  	v12 =	vld [tilespmem:$0x1FCA0]  }
0x282: {  	v38 =	vadd.f32 v19, v41;
	v19 =	vadd.f32 v1, v15;
	v1 =	vld [tilespmem:$0x1FCB0]  }
0x283: {  	v46 =	vld [tilespmem:s0+$0xFFFFFFC0]  }
0x284: {  	v62 =	vld [tilespmem:s0+$0xFFFFFB50]  }
0x285: {  	v61 =	vld [tilespmem:s0+$0xFFFFFC50]  }
0x286: {  	v22 =	vadd.f32 v36, v22;
	v36 =	vmul.f32 v12, v35;
	v12 =	vld [tilespmem:$0x1FCE0]  }
0x287: {  	v15 =	vmul.f32 v1, v35;
	v1 =	vld [tilespmem:$0x1FCC0]  }
0x288: {  	v58 =	vld [tilespmem:s0+$0xFFFFFD50]  }
0x289: {  	v51 =	vld [tilespmem:s0+$0xD0]  }
0x28a: {  	v52 =	vld [tilespmem:s0+$0x50]  }
0x28b: {  	v41 =	vadd.f32 v15, v42;
	v42 =	vmul.f32 v12, v35;
	v12 =	vld [tilespmem:$0x1FCF0]  }
0x28c: {  	v33 =	vadd.f32 v37, v33;
	v37 =	vadd.f32 v36, v13;
	v36 =	vmul.f32 v1, v35;
	v1 =	vld [tilespmem:$0x1FCD0]  }
0x28d: {  	v20 =	vadd.f32 v49, v20;
	v49 =	vld [tilespmem:s0+$0x250]  }
0x28e: {  	v40 =	vadd.f32 v55, v53;
	v53 =	vld [tilespmem:s0+$0xFFFFFF50]  }
0x28f: {  	v55 =	vld [tilespmem:s0+$0xFFFFFFD0]  }
0x290: {  	v54 =	vld [tilespmem:s0+$0xFFFFFED0];
	v12 =	vmul.f32 v12, v35  }
0x291: {  	v39 =	vadd.f32 v48, v39;
	v48 =	vld [tilespmem:s0+$0x2D0];
	v1 =	vmul.f32 v1, v35  }
0x292: {  	v15 =	vadd.f32 v12, v17;
	v12 =	vld [tilespmem:$0x1FD20]  }
0x293: {  	v13 =	vadd.f32 v1, v40;
	v1 =	vld [tilespmem:$0x1FD00]  }
0x294: {  	v60 =	vmul.f32 v60, v34;
	v21 =	vadd.f32 v50, v21;
	v50 =	vld [tilespmem:s0+$0x150];
	v32 =	vadd.f32 v47, v32  }
0x295: {  	v47 =	vld [tilespmem:s0+$0x1D0];
	v17 =	vmul.f32 v45, v35  }
0x296: {  	v32 =	vadd.f32 v60, v32;
	v60 =	vmul.f32 v58, v34;
	v58 =	vld [tilespmem:s0+$0xFFFFFEE0]  }
0x297: {  	v17 =	vadd.f32 v17, v43;
	v43 =	vmul.f32 v12, v35;
	v12 =	vld [tilespmem:$0x1FD30]  }
0x298: {  	v31 =	vadd.f32 v36, v31;
	v36 =	vmul.f32 v1, v35;
	v1 =	vld [tilespmem:$0x1FD10]  }
0x299: {  	v54 =	vmul.f32 v54, v34;
	v14 =	vadd.f32 v42, v14;
	v42 =	vld [tilespmem:s0+$0x450]  }
0x29a: {  	v57 =	vmul.f32 v57, v34;
	v36 =	vadd.f32 v36, v44;
	v44 =	vld [tilespmem:$0x1FD40]  }
0x29b: {  	v14 =	vadd.f32 v54, v14;
	v54 =	vld [tilespmem:s0+$0x60]  }
0x29c: {  	v45 =	vld [tilespmem:s0+$0x3D0];
	v31 =	vadd.f32 v57, v31;
	v57 =	vmul.f32 v52, v34  }
0x29d: {  	v52 =	vld [tilespmem:s0+$0xE0];
	v12 =	vmul.f32 v12, v35;
	v1 =	vmul.f32 v1, v35  }
0x29e: {  	v40 =	vmul.f32 v46, v35;
	v46 =	vld [tilespmem:s0+$0x350]  }
0x29f: {  	v12 =	vadd.f32 v12, v20;
	v20 =	vld [tilespmem:$0x1FD50];
	v1 =	vadd.f32 v1, v39;
	v39 =	vmul.f32 v44, v35  }
0x2a0: {  	v44 =	vld [tilespmem:s0+$0xFFFFFBE0]  }
0x2a1: {  	v30 =	vadd.f32 v39, v30;
	v39 =	vld [tilespmem:$0x1FD60]  }
0x2a2: {  	v47 =	vmul.f32 v47, v34;
	v16 =	vadd.f32 v40, v16;
	v40 =	vld [tilespmem:s0+$0xFFFFFB60];
	v18 =	vadd.f32 v43, v18  }
0x2a3: {  	(xrf2) =	vadd.scan.msk.f32 $0xffff, v28;
	v51 =	vmul.f32 v51, v34;
	v28 =	vmul.f32 v52, v29;
	v52 =	vld [tilespmem:s0+$0xFFFFFEF0]  }
0x2a4: {  	v48 =	vmul.f32 v48, v34;
	v45 =	vmul.f32 v45, v34;
	v43 =	vld [tilespmem:s0+$0xFFFFFC60];
	v18 =	vadd.f32 v47, v18  }
0x2a5: {  	v47 =	vld [tilespmem:s0+$0x260];
	v36 =	vadd.f32 v51, v36;
	v51 =	vmul.f32 v46, v34;
	v20 =	vmul.f32 v20, v35  }
0x2a6: {  	v17 =	vadd.f32 v57, v17;
	v57 =	vmul.f32 v44, v29;
	v44 =	vld [tilespmem:s0+$0xFFFFFB70];
	v39 =	vmul.f32 v39, v35  }
0x2a7: {  	v46 =	vld [tilespmem:s0+$0x2E0];
	v28 =	vadd.f32 v28, v36;
	v20 =	vadd.f32 v20, v21;
	v35 =	vmul.f32 v63, v35  }
0x2a8: {  	(xrf2) =	vadd.scan.msk.f32 $0xffff, v26;
	v21 =	vmul.f32 v62, v34;
	v62 =	vld [tilespmem:s0+$0xFFFFFD60];
	v30 =	vadd.f32 v48, v30;
	v38 =	vadd.f32 v39, v38  }
0x2a9: {  	(xrf2) =	vadd.scan.msk.f32 $0xffff, v25;
	v22 =	vadd.f32 v35, v22;
	v35 =	vmul.f32 v61, v34;
	v39 =	vld [tilespmem:s0+$0xFFFFFDE0];
	v61 =	vmul.f32 v59, v34  }
0x2aa: {  	(xrf2) =	vadd.scan.msk.f32 $0xffff, v24;
	v24 =	vmul.f32 v47, v29;
	v21 =	vadd.f32 v21, v33;
	v32 =	vadd.f32 v57, v32;
	v59 =	vld [tilespmem:s0+$0xFFFFFE60]  }
0x2ab: {  	v63 =	vld [tilespmem:s0+$0xFFFFFCE0];
	v26 =	vmul.f32 v44, v27;
	v33 =	vadd.f32 v61, v37;
	v61 =	vmul.f32 v56, v34  }
0x2ac: {  	v57 =	vld [tilespmem:s0+$0xFFFFFC70];
	v19 =	vadd.f32 v35, v19;
	v35 =	vadd.f32 v60, v41;
	v60 =	vmul.f32 v53, v34  }
0x2ad: {  	v56 =	vld [tilespmem:s0+$0xFFFFFF60];
	v38 =	vadd.f32 v45, v38;
	v13 =	vadd.f32 v61, v13;
	v61 =	vmul.f32 v55, v34  }
0x2ae: {  	v45 =	vld [tilespmem:s0+$0xFFFFFBF0];
	v15 =	vadd.f32 v60, v15;
	v60 =	vmul.f32 v50, v34;
	v55 =	vmul.f32 v40, v29  }
0x2af: {  	v20 =	vadd.f32 v51, v20;
	v53 =	vld [tilespmem:s0+$0xFFFFFFE0];
	v48 =	vmul.f32 v39, v29;
	v51 =	vmul.f32 v59, v29  }
0x2b0: {  	v50 =	vld [tilespmem:s0+$0x160];
	v16 =	vadd.f32 v61, v16;
	v61 =	vmul.f32 v49, v34;
	v1 =	vadd.f32 v60, v1  }
0x2b1: {  	v40 =	vld [tilespmem:s0+$0x360];
	v34 =	vmul.f32 v42, v34;
	v21 =	vadd.f32 v55, v21;
	v60 =	vmul.f32 v43, v29  }
0x2b2: {  	v59 =	vld [tilespmem:s0+$0xFFFFFCF0];
	v55 =	vmul.f32 v58, v29;
	v31 =	vadd.f32 v48, v31;
	v13 =	vadd.f32 v51, v13  }
0x2b3: {  	v49 =	vld [tilespmem:s0+$0x1E0];
	v58 =	vmul.f32 v56, v29;
	v45 =	vmul.f32 v45, v27;
	v12 =	vadd.f32 v61, v12  }
0x2b4: {  	v48 =	vld [tilespmem:s0+$0xFFFFFE70];
	v61 =	vmul.f32 v63, v29;
	v63 =	vmul.f32 v62, v29;
	v19 =	vadd.f32 v60, v19  }
0x2b5: {  	v14 =	vadd.f32 v55, v14;
	v62 =	vld [tilespmem:s0+$0xFFFFFD70];
	v21 =	vadd.f32 v26, v21;
	v25 =	vmul.f32 v50, v29  }
0x2b6: {  	v60 =	vmul.f32 v53, v29;
	v15 =	vadd.f32 v58, v15;
	v35 =	vadd.f32 v63, v35;
	v63 =	vld [tilespmem:s0+$0xFFFFFDF0]  }
0x2b7: {  	(xrf2) =	vadd.scan.msk.f32 $0xffff, v23;
	v56 =	vld [tilespmem:s0+$0x170];
	v32 =	vadd.f32 v45, v32;
	v23 =	vadd.f32 v25, v1;
	v1 =	vmul.f32 v46, v29  }
0x2b8: {  	v26 =	vld [tilespmem:s0+$0xFFFFFF70];
	v53 =	vmul.f32 v40, v29;
	v12 =	vadd.f32 v24, v12;
	v24 =	vmul.f32 v57, v27  }
0x2b9: {  	v33 =	vadd.f32 v61, v33;
	(xrf2) =	vadd.scan.msk.f32 $0xffff, v21;
	v21 =	vld [tilespmem:s0+$0x70];
	v30 =	vadd.f32 v1, v30;
	v1 =	vmul.f32 v59, v27  }
0x2ba: {  	v61 =	vmul.f32 v54, v29;
	v25 =	vld [tilespmem:s0+$0xFFFFFFF0];
	(xrf2) =	vadd.scan.msk.f32 $0xffff, v32;
	v19 =	vadd.f32 v24, v19;
	v24 =	vmul.f32 v62, v27  }
0x2bb: {  	v58 =	vld [tilespmem:s0+$0x1F0];
	v16 =	vadd.f32 v60, v16;
	v1 =	vadd.f32 v1, v33;
	v57 =	vmul.f32 v63, v27  }
0x2bc: {  	v54 =	vld [tilespmem:s0+$0xF0];
	v50 =	vmul.f32 v49, v29;
	v59 =	vmul.f32 v48, v27;
	(xrf2) =	vadd.scan.msk.f32 $0xffff, v19;
	v24 =	vadd.f32 v24, v35  }
0x2bd: {  	v17 =	vadd.f32 v61, v17;
	v62 =	vmul.f32 v52, v27;
	v63 =	vld [tilespmem:s0+$0x2F0];
	v31 =	vadd.f32 v57, v31;
	(xrf2) =	vadd.scan.msk.f32 $0xffff, v1  }
0x2be: {  	v26 =	vmul.f32 v26, v27;
	v21 =	vmul.f32 v21, v27;
	v19, _, _ =	vpop (xrf2);
	v1 =	vadd.f32 v59, v13;
	(xrf2) =	vadd.scan.msk.f32 $0xffff, v24  }
0x2bf: {  	v18 =	vadd.f32 v50, v18;
	v14 =	vadd.f32 v62, v14;
	v25 =	vmul.f32 v25, v27;
	v40, _, _ =	vpop (xrf2);
	(xrf2) =	vadd.scan.msk.f32 $0xffff, v31  }
0x2c0: {  	v42 =	vld [tilespmem:s0+$0x3E0];
	v15 =	vadd.f32 v26, v15;
	v17 =	vadd.f32 v21, v17;
	v21 =	vmul.f32 v58, v27;
	v24, _, _ =	vpop (xrf2);
	(xrf2) =	vadd.scan.msk.f32 $0xffff, v1  }
0x2c1: {  	v37 =	vld [tilespmem:s0+$0x460];
	v26 =	vmul.f32 v54, v27;
	v16 =	vadd.f32 v25, v16;
	v13, _, _ =	vpop (xrf2);
	(xrf2) =	vadd.scan.msk.f32 $0xffff, v14  }
0x2c2: {  	v60 =	vld [tilespmem:s0+$0x270];
	v31 =	vmul.f32 v56, v27;
	v18 =	vadd.f32 v21, v18;
	v21 =	vmul.f32 v63, v27;
	v1, _, _ =	vpop (xrf2);
	(xrf2) =	vadd.scan.msk.f32 $0xffff, v15  }
0x2c3: {  	v14 =	vadd.f32 v26, v28;
	v28, _, _ =	vpop (xrf2);
	(xrf2) =	vadd.scan.msk.f32 $0xffff, v16  }
0x2c4: {  	vm2 =	vmmov vm1;
	v23 =	vadd.f32 v31, v23;
	v15 =	vbroadcast v28, $0xF;
	v28, _, _ =	vpop (xrf2);
	(xrf2) =	vadd.scan.msk.f32 $0xffff, v17  }
0x2c5: {  	v22 =	vadd.f32 v34, v22;
	v55 =	vmul.f32 v42, v29;
	v17 =	vbroadcast v28, $0xF;
	(xrf2) =	vadd.scan.msk.f32 $0xffff, v14  }
0x2c6: {  	s28 =	sshll.u32 s25, $0x8;
	v41 =	vld [tilespmem:s0+$0x3F0];
	v29 =	vmul.f32 v37, v29;
	v11 =	vsel vm2, v15, v11;
	v15 =	vadd.f32 v21, v30;
	v21, _, _ =	vpop (xrf2);
	(xrf2) =	vadd.scan.msk.f32 $0xffff, v23  }
0x2c7: {  	s19 =	sshll.u32 s25, $0x5;
	s4 =	sand.u32 $0xC00, s28;
	v26 =	vmul.f32 v60, v27;
	v10 =	vsel vm2, v17, v10;
	v17 =	vbroadcast v21, $0xF;
	(xrf2) =	vadd.scan.msk.f32 $0xffff, v18;
	v18 =	vld [tilespmem:$0x1FD70]  }
0x2c8: {  	s18 =	sand.u32 $0x60, s19;
	s29 =	sadd.s32 $0x18C00, s4;
	v22 =	vadd.f32 v29, v22;
	v29 =	vld [tilespmem:s0+$0x370]  }
0x2c9: {  	s20 =	sor.u32 s18, s29;
	v25 =	vld [tilespmem:s0+$0x470];
	v12 =	vadd.f32 v26, v12;
	v9 =	vsel vm2, v17, v9  }
0x2ca: {  	[tilespmem:s20+$0x180] =	vst v9;
	v9 =	vld [tilespmem:$0x1FD90]  }
0x2cb: {  	[tilespmem:s20+$0x80] =	vst v11;
	v21, _, _ =	vpop (xrf2)  }
0x2cc: {  	[tilespmem:s20+$0x0] =	vst v18;
	v18 =	vbroadcast v21, $0xF;
	v21, _, _ =	vpop (xrf2)  }
0x2cd: {  	[tilespmem:s20+$0x100] =	vst v10;
	v10 =	vld [tilespmem:$0x1FD80];
	(xrf2) =	vadd.scan.msk.f32 $0xffff, v12;
	v11 =	vbroadcast v21, $0xF;
	v12, _, _ =	vpop (xrf2)  }
0x2ce: {  	v20 =	vadd.f32 v53, v20;
	(xrf2) =	vadd.scan.msk.f32 $0xffff, v15;
	v15, _, _ =	vpop (xrf2)  }
0x2cf: {  	v16 =	vmul.f32 v29, v27;
	v9 =	vsel vm2, v11, v9;
	v11 =	vbroadcast v15, $0xF;
	v15 =	vld [tilespmem:$0x1FDB0]  }
0x2d0: {  	v61 =	vadd.f32 v55, v38;
	v26 =	vmul.f32 v41, v27  }
0x2d1: {  	v14 =	vadd.f32 v16, v20;
	v16 =	vmul.f32 v25, v27  }
0x2d2: {  	v20 =	vadd.f32 v26, v61;
	v10 =	vsel vm2, v18, v10  }
0x2d3: {  	v16 =	vadd.f32 v16, v22;
	(xrf2) =	vadd.scan.msk.f32 $0xffff, v14;
	[tilespmem:s20+$0x200] =	vst v10;
	v10 =	vld [tilespmem:$0x1FDA0]  }
0x2d4: {  	(xrf2) =	vadd.scan.msk.f32 $0xffff, v20;
	v15 =	vbroadcast v15, $0xF  }
0x2d5: {  	(xrf2) =	vadd.scan.msk.f32 $0xffff, v16;
	v16 =	vld [tilespmem:$0x1FDC0]  }
0x2d6: {  	v12 =	vbroadcast v12, $0xF;
	v8 =	vsel vm0, v15, v8;
	v15 =	vld [tilespmem:$0x1FDE0]  }
0x2d7: {  	v14, _, _ =	vpop (xrf2)  }
0x2d8: {  	v10 =	vsel vm2, v12, v10;
	v12 =	vbroadcast v14, $0xF;
	v14, _, _ =	vpop (xrf2)  }
0x2d9: {  	v17 =	vld [tilespmem:$0x1FDD0];
	v14 =	vbroadcast v14, $0xF  }
0x2da: {  	v11 =	vsel vm2, v11, v16;
	v16 =	vbroadcast v19, $0xF  }
0x2db: {  	s23 =	sor.u32 s18, s28;
	v14 =	vsel vm2, v14, v15;
	v15 =	vld [tilespmem:$0x1FDF0]  }
0x2dc: {  	s24 =	sor.u32 $0x300, s23;
	s0 =	sor.u32 s28, s19;
	[tilespmem:s20+$0x280] =	vst v9;
	v7 =	vsel vm0, v16, v7;
	v16 =	vld [tilespmem:$0x1FE00]  }
0x2dd: {  	s30 =	sadd.s32 $0x19C00, s4;
	s0 =	sor.u32 $0x380, s0;
	v9, _, _ =	vpop (xrf2);
	[tilespmem:s24+$0x18C00] =	vst v10  }
0x2de: {  	s31 =	sadd.s32 $0x19C80, s4;
	s5 =	sor.u32 s18, s30;
	v12 =	vsel vm2, v12, v17;
	v9 =	vbroadcast v9, $0xF;
	[tilespmem:s0+$0x18C00] =	vst v11;
	v10, _, _ =	vpop (xrf2)  }
0x2df: {  	s6 =	sor.u32 s18, s31;
	s1 =	sadd.s32 $0x19D00, s4;
	[tilespmem:s5+$0x0] =	vst v12;
	v10 =	vbroadcast v10, $0xF  }
0x2e0: {  	s7 =	sor.u32 s18, s1;
	s0 =	sadd.s32 $0x19D80, s4;
	[tilespmem:s6+$0x0] =	vst v14;
	v9 =	vsel vm2, v9, v15  }
0x2e1: {  	v17 =	vld [tilespmem:$0x1FE10];
	s8 =	sor.u32 s18, s0;
	v11, _, _ =	vpop (xrf2);
	v10 =	vsel vm2, v10, v16;
	[tilespmem:s7+$0x0] =	vst v9  }
0x2e2: {  	v12, _, _ =	vpop (xrf2);
	[tilespmem:s8+$0x0] =	vst v10;
	v10 =	vld [tilespmem:$0x1FE20]  }
0x2e3: {  	v12 =	vbroadcast v12, $0xF;
	_ =	sdelay $0x1  }
0x2e4: {  	v11 =	vbroadcast v11, $0xF;
	v14, _, _ =	vpop (xrf2)  }
0x2e5: {  	s14 =	sadd.s32 $0x19E00, s4;
	v1 =	vbroadcast v1, $0xF;
	v9, _, _ =	vpop (xrf2)  }
0x2e6: {  	s9 =	sor.u32 s18, s14;
	v11 =	vsel vm2, v11, v17;
	v14 =	vbroadcast v14, $0xF;
	v10 =	vsel vm2, v12, v10;
	v12, _, _ =	vpop (xrf2)  }
0x2e7: {  	s15 =	sadd.s32 $0x19E80, s4;
	v15 =	vbroadcast v40, $0xF;
	[tilespmem:s9+$0x0] =	vst v11;
	v11 =	vbroadcast v12, $0xF  }
0x2e8: {  	s17 =	sadd.s32 $0x19F00, s4;
	s11 =	sor.u32 s18, s15;
	v1 =	vsel vm0, v1, v3;
	v3 =	vld [tilespmem:$0x1FE30];
	v9 =	vbroadcast v9, $0xF  }
0x2e9: {  	s12 =	sor.u32 s18, s17;
	s23 =	sadd.s32 $0x19F80, s4;
	v16 =	vbroadcast v24, $0xF;
	v8 =	vsel vm2, v14, v8;
	v6 =	vsel vm0, v15, v6;
	v12, _, _ =	vpop (xrf2);
	[tilespmem:s11+$0x0] =	vst v10  }
0x2ea: {  	s19 =	sor.u32 s18, s23;
	v7 =	vsel vm2, v9, v7;
	v10 =	vbroadcast v13, $0xF;
	s11 =	sadd.s32 $0x1AC00, s4;
	v9 =	vbroadcast v12, $0xF;
	v12, _, _ =	vpop (xrf2);
	[tilespmem:s12+$0x0] =	vst v8  }
0x2eb: {  	v5 =	vsel vm0, v16, v5;
	s20 =	sor.u32 s18, s11;
	s12 =	sadd.s32 $0x1AC80, s4;
	v6 =	vsel vm2, v11, v6;
	v8 =	vbroadcast v12, $0xF;
	[tilespmem:s19+$0x0] =	vst v7;
	v11, _, _ =	vpop (xrf2)  }
0x2ec: {  	s5 =	sadd.s32 $0x1AD00, s4;
	v4 =	vsel vm0, v10, v4;
	s6 =	sor.u32 s18, s12;
	v5 =	vsel vm2, v9, v5;
	[tilespmem:s20+$0x0] =	vst v6;
	v7 =	vbroadcast v11, $0xF  }
0x2ed: {  	v3 =	vbroadcast v3, $0xF;
	s7 =	sor.u32 s18, s5;
	v4 =	vsel vm2, v8, v4;
	[tilespmem:s6+$0x0] =	vst v5;
	s6 =	sadd.s32 $0x1AD80, s4  }
0x2ee: {  	[tilespmem:s7+$0x0] =	vst v4;
	s8 =	sor.u32 s18, s6;
	s7 =	sadd.s32 $0x1AE00, s4;
	v1 =	vsel vm2, v7, v1  }
0x2ef: {  	v2 =	vsel vm1, v3, v2;
	s9 =	sor.u32 s18, s7;
	[tilespmem:s8+$0x0] =	vst v1;
	s8 =	sadd.s32 $0x1AE80, s4  }
0x2f0: {  	v1 =	vimm.f32 $0.0e+00;
	[tilespmem:s9+$0x0] =	vst v2;
	s19 =	sor.u32 s18, s8;
	s9 =	sadd.s32 $0x1AF00, s4  }
0x2f1: {  	p0 =	seq.s32 s25, $0xF;
	s4 =	sadd.s32 $0x1AF80, s4;
	[tilespmem:s19+$0x0] =	vst v1;
	s24 =	sor.u32 s18, s9  }
0x2f2: {  	s10 =	sadd.s32 @!p0 $0x2, s10;
	s20 =	simm.s32 @!p0 $0x2C00;
	s18 =	sor.u32 s18, s4;
	[tilespmem:s24+$0x0] =	vst v1  }
0x2f3: {  	s19 =	simm.s32 @!p0 $0x10;
	[tilespmem:s18+$0x0] =	vst v1;
	s18 =	sshll.u32 @!p0 s10, $0x4;
	s10 =	smul.u32 @!p0 $0x500, s10  }
0x2f4: {  	[tilespmem:s20], [sflag:$0x1] =	stream.indirect.gather @!p0 [hbm4b:s2+s19], $0x80, s18, s19, $0xb8;
	[tilespmem:$0x1BC00] =	vst v63  }
0x2f5: {  	s18 =	sadd.s32 @!p0 $0x200, s18;
	s20 =	simm.s32 @!p0 $0x3400;
	s10 =	sshra.s32 @!p0 s10, $0x2  }
0x2f6: {  	[tilespmem:s20], [sflag:$0x1] =	stream.indirect.gather @!p0 [hbm4b:s3+s19], $0x80, s18, s19, $0xb8;
	[tilespmem:$0x1BC00] =	vst v63  }
0x2f7: {  	s10 =	sadd.s32 @!p0 $0x400, s10;
	s18 =	simm.s32 @!p0 $0x140;
	s19 =	simm.s32 @!p0 $0x3C00  }
0x2f8: {  	[tilespmem:s19], [sflag:$0x1] =	stream.indirect.gather @!p0 [hbm4b:s3+s18], $0x80, s10, s18, $0xb8;
	[tilespmem:$0x1BC00] =	vst v63  }
0x2f9: {  	_ =	swait.ge [sflag:s22], $0x800  }
0x2fa: {  	[sflag:s22] =	ssyncset.done $0x0  }
0x2fb: {  	[sflag:s22] =	ssyncadd.s32 $0xFFFFF800  }
0x2fc: {  	_ =	swait.ge [sflag:s22], $0x800  }
0x2fd: {  	[sflag:s22] =	ssyncset.done $0x0  }
0x2fe: {  	[sflag:s22] =	ssyncadd.s32 $0xFFFFF800  }
0x2ff: {  	_ =	swait.ge [sflag:s22], $0xA000  }
0x300: {  	[sflag:s22] =	ssyncset.done $0x0  }
0x301: {  	s18 =	simm.s32 $0xE440;
	[sflag:s22] =	ssyncadd.s32 $0xFFFF6000  }
0x302: {  	v12 =	vld [tilespmem:s18+$0x30]  }
0x303: {  	v10 =	vld [tilespmem:s18+$0x20]  }
0x304: {  	v22 =	vld [tilespmem:s18+$0x10]  }
0x305: {  	v19 =	vld [tilespmem:s18+$0x0]  }
0x306: {  	v15 =	vld [tilespmem:s18+$0xFFFFFFF0]  }
0x307: {  	v16 =	vld [tilespmem:s18+$0xFFFFFFE0]  }
0x308: {  	v13 =	vld [tilespmem:s18+$0xFFFFFFC0]  }
0x309: {  	s19 =	simm.s32 $0xDC40;
	v14 =	vld [tilespmem:s18+$0xFFFFFFD0]  }
0x30a: {  	v8 =	vld [tilespmem:s19+$0xFFFFFFC0]  }
0x30b: {  	s20 =	simm.s32 $0xF100;
	v9 =	vld [tilespmem:s19+$0xFFFFFFD0]  }
0x30c: {  	v17 =	vld [tilespmem:s20+$0x480]  }
0x30d: {  	v18 =	vld [tilespmem:s20+$0x490]  }
0x30e: {  	v7 =	vld [tilespmem:s19+$0xFFFFFFE0]  }
0x30f: {  	v20 =	vld [tilespmem:s20+$0x4A0]  }
0x310: {  	v2 =	vld [tilespmem:s19+$0xFFFFFFF0]  }
0x311: {  	v23 =	vld [tilespmem:s20+$0x4B0]  }
0x312: {  	v6 =	vld [tilespmem:s19+$0x0]  }
0x313: {  	v24 =	vld [tilespmem:s20+$0x4C0]  }
0x314: {  	v5 =	vld [tilespmem:s19+$0x10]  }
0x315: {  	v25 =	vld [tilespmem:s20+$0x4D0]  }
0x316: {  	v4 =	vld [tilespmem:s19+$0x20]  }
0x317: {  	v1 =	vld [tilespmem:s20+$0x410]  }
0x318: {  	v28 =	vld [tilespmem:s20+$0x4E0]  }
0x319: {  	v11 =	vld [tilespmem:s19+$0x30]  }
0x31a: {  	v31 =	vld [tilespmem:s20+$0x4F0]  }
0x31b: {  	v32 =	vld [tilespmem:s20+$0xFFFFFB00]  }
0x31c: {  	[tilespmem:$0x1FE40] =	vst v1;
	v1 =	vld [tilespmem:s20+$0xFFFFFB20]  }
0x31d: {  	v33 =	vld [tilespmem:s20+$0xFFFFFB10]  }
0x31e: {  	v34 =	vld [tilespmem:s20+$0xFFFFFB80]  }
0x31f: {  	v35 =	vld [tilespmem:s20+$0xFFFFFB90]  }
0x320: {  	v36 =	vld [tilespmem:s20+$0xFFFFFC00]  }
0x321: {  	[tilespmem:$0x1FE50] =	vst v1;
	v1 =	vld [tilespmem:s20+$0xFFFFFBA0]  }
0x322: {  	v37 =	vld [tilespmem:s20+$0xFFFFFC10]  }
0x323: {  	v38 =	vld [tilespmem:s20+$0xFFFFFC80]  }
0x324: {  	v39 =	vld [tilespmem:s20+$0xFFFFFC90]  }
0x325: {  	v40 =	vld [tilespmem:s20+$0xFFFFFD00]  }
0x326: {  	[tilespmem:$0x1FE60] =	vst v1;
	v1 =	vld [tilespmem:s20+$0xFFFFFC20]  }
0x327: {  	v41 =	vld [tilespmem:s20+$0xFFFFFD10]  }
0x328: {  	v42 =	vld [tilespmem:s20+$0xFFFFFD80]  }
0x329: {  	v43 =	vld [tilespmem:s20+$0xFFFFFD90]  }
0x32a: {  	v44 =	vld [tilespmem:s20+$0xFFFFFE00]  }
0x32b: {  	[tilespmem:$0x1FE70] =	vst v1;
	v1 =	vld [tilespmem:s20+$0xFFFFFCA0]  }
0x32c: {  	v45 =	vld [tilespmem:s20+$0xFFFFFE10]  }
0x32d: {  	v46 =	vld [tilespmem:s20+$0xFFFFFE80]  }
0x32e: {  	v47 =	vld [tilespmem:s20+$0xFFFFFE90]  }
0x32f: {  	v48 =	vld [tilespmem:s20+$0xFFFFFF00]  }
0x330: {  	[tilespmem:$0x1FE80] =	vst v1;
	v1 =	vld [tilespmem:s20+$0xFFFFFD20]  }
0x331: {  	v49 =	vld [tilespmem:s20+$0xFFFFFF10]  }
0x332: {  	v50 =	vld [tilespmem:s20+$0xFFFFFF80]  }
0x333: {  	v51 =	vld [tilespmem:s20+$0xFFFFFF90]  }
0x334: {  	v52 =	vld [tilespmem:s20+$0x0]  }
0x335: {  	[tilespmem:$0x1FE90] =	vst v1;
	v1 =	vld [tilespmem:s20+$0xFFFFFDA0]  }
0x336: {  	v53 =	vld [tilespmem:s20+$0x10]  }
0x337: {  	v54 =	vld [tilespmem:s20+$0x80]  }
0x338: {  	v55 =	vld [tilespmem:s20+$0x90]  }
0x339: {  	v56 =	vld [tilespmem:s20+$0x100]  }
0x33a: {  	[tilespmem:$0x1FEA0] =	vst v1;
	v1 =	vld [tilespmem:s20+$0xFFFFFE20]  }
0x33b: {  	v57 =	vld [tilespmem:s20+$0x110]  }
0x33c: {  	v58 =	vld [tilespmem:s20+$0x180]  }
0x33d: {  	v59 =	vld [tilespmem:s20+$0x190]  }
0x33e: {  	v60 =	vld [tilespmem:s20+$0x200]  }
0x33f: {  	v61 =	vld [tilespmem:s20+$0x210];
	v3 =	vmul.f32 v13, v8;
	[tilespmem:$0x1FEB0] =	vst v1;
	v1 =	vmul.f32 v14, v9  }
0x340: {  	v62 =	vld [tilespmem:s20+$0x280]  }
0x341: {  	v1 =	vadd.f32 v1, v3;
	v3 =	vld [tilespmem:s20+$0x20]  }
0x342: {  	v63 =	vld [tilespmem:s20+$0x290];
	v16 =	vmul.f32 v16, v7  }
0x343: {  	v21 =	vld [tilespmem:s20+$0x300];
	v17 =	vmul.f32 v17, v8;
	v18 =	vmul.f32 v18, v9  }
0x344: {  	v26 =	vld [tilespmem:s20+$0x310];
	v1 =	vadd.f32 v16, v1;
	v16 =	vmul.f32 v15, v2  }
0x345: {  	v13 =	vld [tilespmem:s20+$0xFFFFFEA0];
	v20 =	vmul.f32 v20, v7;
	v18 =	vadd.f32 v18, v17  }
0x346: {  	v1 =	vadd.f32 v16, v1;
	v16 =	vmul.f32 v19, v6;
	[tilespmem:$0x1FEE0] =	vst v3;
	v3 =	vld [tilespmem:s20+$0xA0]  }
0x347: {  	v27 =	vld [tilespmem:s20+$0x380];
	v23 =	vmul.f32 v23, v2;
	v20 =	vadd.f32 v20, v18  }
0x348: {  	v29 =	vld [tilespmem:s20+$0x390];
	v22 =	vmul.f32 v22, v5;
	v1 =	vadd.f32 v16, v1  }
0x349: {  	v30 =	vld [tilespmem:s20+$0x400];
	v24 =	vmul.f32 v24, v6;
	v10 =	vmul.f32 v10, v4;
	v23 =	vadd.f32 v23, v20  }
0x34a: {  	v21 =	vmul.f32 v21, v8;
	v26 =	vmul.f32 v26, v9;
	[tilespmem:$0x1FEC0] =	vst v13;
	v13 =	vld [tilespmem:s20+$0xFFFFFF20];
	v1 =	vadd.f32 v22, v1  }
0x34b: {  	v25 =	vmul.f32 v25, v5;
	v33 =	vmul.f32 v33, v9;
	v17 =	vld [tilespmem:s20+$0x2A0];
	[tilespmem:$0x1FEF0] =	vst v3;
	v3 =	vadd.f32 v24, v23  }
0x34c: {  	v21 =	vadd.f32 v26, v21;
	v26 =	vld [tilespmem:s20+$0xFFFFFBC0];
	v1 =	vadd.f32 v10, v1;
	v10 =	vmul.f32 v32, v8  }
0x34d: {  	v12 =	vmul.f32 v12, v11;
	v18 =	vld [tilespmem:s20+$0x120];
	v22 =	vmul.f32 v28, v4;
	v3 =	vadd.f32 v25, v3  }
0x34e: {  	v20 =	vld [tilespmem:s20+$0x220];
	v28 =	vmul.f32 v31, v11;
	v10 =	vadd.f32 v33, v10;
	v33 =	vmul.f32 v40, v8  }
0x34f: {  	[tilespmem:$0x1FED0] =	vst v13;
	v13 =	vld [tilespmem:s20+$0xFFFFFFA0];
	v3 =	vadd.f32 v22, v3;
	v22 =	vmul.f32 v34, v8;
	v34 =	vmul.f32 v35, v9  }
0x350: {  	v14 =	vld [tilespmem:s20+$0xFFFFFCC0];
	v1 =	vadd.f32 v12, v1;
	v35 =	vmul.f32 v37, v9;
	v37 =	vmul.f32 v39, v9  }
0x351: {  	v15 =	vld [tilespmem:s20+$0xFFFFFE40];
	v39 =	vmul.f32 v41, v9;
	v41 =	vmul.f32 v43, v9  }
0x352: {  	v19 =	vld [tilespmem:s20+$0x1A0];
	[tilespmem:$0x1FF10] =	vst v1;
	v1 =	vadd.f32 v28, v3;
	v22 =	vadd.f32 v34, v22;
	v34 =	vmul.f32 v42, v8  }
0x353: {  	v29 =	vmul.f32 v29, v9;
	v16 =	vld [tilespmem:$0x1FED0];
	v33 =	vadd.f32 v39, v33  }
0x354: {  	v39 =	vmul.f32 v44, v8;
	[tilespmem:$0x1FF00] =	vst v1;
	v34 =	vadd.f32 v41, v34;
	v41 =	vmul.f32 v45, v9;
	v1 =	vld [tilespmem:$0x1FE40]  }
0x355: {  	v31 =	vld [tilespmem:s20+$0xFFFFFBB0];
	v45 =	vmul.f32 v47, v9;
	v47 =	vmul.f32 v49, v9  }
0x356: {  	v24 =	vld [tilespmem:s20+$0x320];
	v49 =	vmul.f32 v51, v9;
	v51 =	vmul.f32 v53, v9  }
0x357: {  	v23 =	vld [tilespmem:s20+$0x3A0];
	v53 =	vmul.f32 v55, v9;
	v55 =	vmul.f32 v57, v9  }
0x358: {  	s24 =	simm.s32 $0x0;
	v32 =	vld [tilespmem:s20+$0xFFFFFB30];
	v57 =	vmul.f32 v59, v9;
	v59 =	vmul.f32 v61, v9  }
0x359: {  	v43 =	vmov s24;
	v61 =	vmul.f32 v63, v9;
	v9 =	vmul.f32 v1, v9;
	v1 =	vld [tilespmem:$0x1FE50]  }
0x35a: {  	v27 =	vmul.f32 v27, v8;
	v25 =	vld [tilespmem:s20+$0x420];
	vm0 =	veq.s32 v43, v0;
	v43 =	vmul.f32 v46, v8  }
0x35b: {  	v12 =	vmul.f32 v36, v8;
	v36 =	vld [tilespmem:s20+$0xFFFFFC30];
	v39 =	vadd.f32 v41, v39;
	v41 =	vmul.f32 v48, v8  }
0x35c: {  	v40 =	vld [tilespmem:s20+$0xFFFFFD30];
	v43 =	vadd.f32 v45, v43;
	v45 =	vmul.f32 v50, v8  }
0x35d: {  	v27 =	vadd.f32 v29, v27;
	v46 =	vld [tilespmem:s20+$0xFFFFFFB0];
	v41 =	vadd.f32 v47, v41;
	v47 =	vmul.f32 v52, v8  }
0x35e: {  	v45 =	vadd.f32 v49, v45;
	v49 =	vmul.f32 v54, v8;
	v29 =	vmul.f32 v1, v7;
	v1 =	vld [tilespmem:$0x1FE60]  }
0x35f: {  	v28 =	vmul.f32 v38, v8;
	v38 =	vld [tilespmem:s20+$0xFFFFFCB0];
	v47 =	vadd.f32 v51, v47;
	v51 =	vmul.f32 v56, v8  }
0x360: {  	v42 =	vld [tilespmem:s20+$0xFFFFFDB0];
	v49 =	vadd.f32 v53, v49;
	v53 =	vmul.f32 v58, v8  }
0x361: {  	v24 =	vmul.f32 v24, v7;
	v12 =	vadd.f32 v35, v12;
	v35 =	vld [tilespmem:s20+$0xFFFFFE30];
	v51 =	vadd.f32 v55, v51  }
0x362: {  	v44 =	vld [tilespmem:s20+$0xFFFFFF30];
	v55 =	vmul.f32 v60, v8;
	v53 =	vadd.f32 v57, v53;
	v57 =	vmul.f32 v62, v8  }
0x363: {  	v8 =	vmul.f32 v30, v8;
	v30 =	vmul.f32 v1, v7;
	v1 =	vld [tilespmem:$0x1FE70]  }
0x364: {  	v23 =	vmul.f32 v23, v7;
	v3 =	vld [tilespmem:$0x1FE90]  }
0x365: {  	v21 =	vadd.f32 v24, v21;
	v24 =	vmul.f32 v32, v2;
	v32 =	vld [tilespmem:s20+$0x2C0]  }
0x366: {  	v23 =	vadd.f32 v23, v27;
	v27 =	vmul.f32 v31, v2;
	v31 =	vmul.f32 v36, v2;
	v36 =	vld [tilespmem:s20+$0x440]  }
0x367: {  	v28 =	vadd.f32 v37, v28;
	v37 =	vld [tilespmem:s20+$0xFFFFFEB0]  }
0x368: {  	v8 =	vadd.f32 v9, v8;
	v9 =	vmul.f32 v1, v7;
	v1 =	vld [tilespmem:$0x1FE80]  }
0x369: {  	v63 =	vld [tilespmem:s20+$0xFFFFFC40]  }
0x36a: {  	v48 =	vld [tilespmem:s20+$0x30]  }
0x36b: {  	v50 =	vld [tilespmem:s20+$0xB0]  }
0x36c: {  	v52 =	vld [tilespmem:s20+$0x130]  }
0x36d: {  	v54 =	vld [tilespmem:s20+$0x1B0];
	v1 =	vmul.f32 v1, v7  }
0x36e: {  	v13 =	vmul.f32 v13, v7;
	v56 =	vld [tilespmem:s20+$0x230]  }
0x36f: {  	v10 =	vadd.f32 v29, v10;
	v29 =	vmul.f32 v3, v7;
	v3 =	vadd.f32 v1, v28;
	v1 =	vld [tilespmem:$0x1FEA0]  }
0x370: {  	v58 =	vld [tilespmem:s20+$0x2B0]  }
0x371: {  	v13 =	vadd.f32 v13, v45;
	v45 =	vld [tilespmem:$0x1FEF0]  }
0x372: {  	v60 =	vld [tilespmem:s20+$0x330]  }
0x373: {  	v62 =	vld [tilespmem:s20+$0x3B0]  }
0x374: {  	v9 =	vadd.f32 v9, v12;
	v12 =	vmul.f32 v1, v7;
	v1 =	vld [tilespmem:$0x1FEB0]  }
0x375: {  	v18 =	vmul.f32 v18, v7;
	v19 =	vmul.f32 v19, v7;
	v55 =	vadd.f32 v59, v55;
	v59 =	vld [tilespmem:s20+$0x430]  }
0x376: {  	v20 =	vmul.f32 v20, v7;
	v57 =	vadd.f32 v61, v57;
	v61 =	vld [tilespmem:s20+$0xFFFFFB40]  }
0x377: {  	v18 =	vadd.f32 v18, v51;
	v19 =	vadd.f32 v19, v53;
	v51 =	vld [tilespmem:s20+$0x140]  }
0x378: {  	v53 =	vld [tilespmem:s20+$0x1C0];
	v20 =	vadd.f32 v20, v55;
	v55 =	vmul.f32 v60, v2;
	v22 =	vadd.f32 v30, v22  }
0x379: {  	v17 =	vmul.f32 v17, v7;
	v29 =	vadd.f32 v29, v33;
	v33 =	vmul.f32 v1, v7;
	v1 =	vld [tilespmem:$0x1FEC0]  }
0x37a: {  	v21 =	vadd.f32 v55, v21;
	v55 =	vld [tilespmem:s20+$0x1D0];
	v22 =	vadd.f32 v27, v22;
	v27 =	vmul.f32 v40, v2  }
0x37b: {  	v17 =	vadd.f32 v17, v57;
	v57 =	vmul.f32 v63, v6;
	v30 =	vld [tilespmem:s20+$0xFFFFFD40]  }
0x37c: {  	v27 =	vadd.f32 v27, v29;
	v29 =	vmul.f32 v37, v2;
	v37 =	vld [tilespmem:s20+$0xFFFFFC50];
	v9 =	vadd.f32 v31, v9  }
0x37d: {  	v31 =	vld [tilespmem:s20+$0x3C0]  }
0x37e: {  	v9 =	vadd.f32 v57, v9;
	v57 =	vld [tilespmem:s20+$0xFFFFFCE0];
	v1 =	vmul.f32 v1, v7  }
0x37f: {  	v28 =	vld [tilespmem:s20+$0xFFFFFDC0];
	v12 =	vadd.f32 v12, v34;
	v34 =	vmul.f32 v16, v7  }
0x380: {  	v1 =	vadd.f32 v1, v43;
	v43 =	vld [tilespmem:$0x1FEE0]  }
0x381: {  	v16 =	vld [tilespmem:s20+$0xFFFFFEC0];
	v34 =	vadd.f32 v34, v41;
	v41 =	vmul.f32 v45, v7  }
0x382: {  	v35 =	vmul.f32 v35, v2;
	v45 =	vld [tilespmem:s20+$0xFFFFFFC0];
	v33 =	vadd.f32 v33, v39  }
0x383: {  	v44 =	vmul.f32 v44, v2;
	v41 =	vadd.f32 v41, v49;
	v49 =	vld [tilespmem:s20+$0xC0]  }
0x384: {  	v33 =	vadd.f32 v35, v33;
	v35 =	vld [tilespmem:s20+$0xFFFFFBD0]  }
0x385: {  	v1 =	vadd.f32 v29, v1;
	v29 =	vadd.f32 v44, v34;
	v44 =	vld [tilespmem:s20+$0xFFFFFE50];
	v39 =	vmul.f32 v43, v7  }
0x386: {  	v43 =	vld [tilespmem:s20+$0xFFFFFF40];
	v7 =	vmul.f32 v25, v7  }
0x387: {  	v25 =	vld [tilespmem:s20+$0x240];
	v39 =	vadd.f32 v39, v47  }
0x388: {  	v47 =	vld [tilespmem:s20+$0x40];
	v7 =	vadd.f32 v7, v8;
	v8 =	vadd.f32 v24, v10;
	v10 =	vmul.f32 v38, v2  }
0x389: {  	v14 =	vmul.f32 v14, v6;
	v48 =	vmul.f32 v48, v2;
	v24 =	vld [tilespmem:s20+$0x340]  }
0x38a: {  	v15 =	vmul.f32 v15, v6;
	v38 =	vld [tilespmem:s20+$0xFFFFFB50];
	v3 =	vadd.f32 v10, v3;
	v10 =	vmul.f32 v42, v2  }
0x38b: {  	v32 =	vmul.f32 v32, v6;
	v63 =	vmul.f32 v53, v6;
	v42 =	vld [tilespmem:$0x1FF00];
	v34 =	vadd.f32 v48, v39  }
0x38c: {  	v48 =	vld [tilespmem:s20+$0xFFFFFDD0];
	v25 =	vmul.f32 v25, v6;
	v10 =	vadd.f32 v10, v12;
	v12 =	vmul.f32 v46, v2  }
0x38d: {  	v46 =	vld [tilespmem:$0x1FF10];
	v3 =	vadd.f32 v14, v3;
	v14 =	vmul.f32 v28, v6;
	v60 =	vmul.f32 v47, v6  }
0x38e: {  	v28 =	vld [tilespmem:s20+$0x150];
	v24 =	vmul.f32 v24, v6;
	v40 =	vadd.f32 v12, v13;
	v12 =	vmul.f32 v50, v2  }
0x38f: {  	v15 =	vadd.f32 v15, v33;
	v47 =	vld [tilespmem:s20+$0x3D0];
	v13 =	vmul.f32 v52, v2;
	v52 =	vmul.f32 v54, v2  }
0x390: {  	v54 =	vmul.f32 v56, v2;
	v50 =	vld [tilespmem:s20+$0xFFFFFED0];
	v56 =	vmul.f32 v61, v6;
	v10 =	vadd.f32 v14, v10  }
0x391: {  	v14 =	vmul.f32 v16, v6;
	v16 =	vld [tilespmem:s20+$0x250];
	v61 =	vmul.f32 v49, v6;
	v33 =	vadd.f32 v60, v34  }
0x392: {  	v49 =	vld [tilespmem:s20+$0x60];
	v21 =	vadd.f32 v24, v21;
	v24 =	vmul.f32 v35, v5;
	v41 =	vadd.f32 v12, v41  }
0x393: {  	(xrf2) =	vadd.scan.msk.f32 $0xffff, v42;
	v42 =	vld [tilespmem:s20+$0xFFFFFCD0];
	v18 =	vadd.f32 v13, v18;
	v12 =	vmul.f32 v58, v2;
	v19 =	vadd.f32 v52, v19  }
0x394: {  	v60 =	vld [tilespmem:s20+$0xFFFFFE60];
	v20 =	vadd.f32 v54, v20;
	v13 =	vimm.f32 $0.0e+00;
	v8 =	vadd.f32 v56, v8  }
0x395: {  	v52 =	vld [tilespmem:s20+$0xFFFFFF50];
	v1 =	vadd.f32 v14, v1;
	v14 =	vmul.f32 v45, v6;
	v56 =	vmul.f32 v38, v5;
	(xrf2) =	vadd.scan.msk.f32 $0xffff, v46  }
0x396: {  	s18 =	simm.s32 $0xE4C0;
	v54 =	vld [tilespmem:s20+$0x50];
	v28 =	vmul.f32 v28, v5;
	v17 =	vadd.f32 v12, v17;
	v12 =	vmul.f32 v62, v2  }
0x397: {  	v38 =	vld [tilespmem:s18+$0x30];
	v2 =	vmul.f32 v59, v2;
	v59 =	vmul.f32 v43, v6;
	v14 =	vadd.f32 v14, v40  }
0x398: {  	v46 =	vld [tilespmem:s20+$0xFFFFFD50];
	v62 =	vmul.f32 v51, v6;
	v53 =	vadd.f32 v61, v41;
	v19 =	vadd.f32 v63, v19  }
0x399: {  	v43 =	vld [tilespmem:s20+$0x350];
	v20 =	vadd.f32 v25, v20;
	v25 =	vmul.f32 v31, v6;
	v61 =	vmul.f32 v44, v5  }
0x39a: {  	v51 =	vld [tilespmem:s20+$0x450];
	v16 =	vmul.f32 v16, v5;
	v23 =	vadd.f32 v12, v23;
	v7 =	vadd.f32 v2, v7  }
0x39b: {  	v41 =	vld [tilespmem:s20+$0xFFFFFB60];
	v12 =	vmul.f32 v26, v6;
	v29 =	vadd.f32 v59, v29;
	v18 =	vadd.f32 v62, v18  }
0x39c: {  	v40 =	vld [tilespmem:s20+$0xFFFFFBE0];
	v17 =	vadd.f32 v32, v17;
	v16 =	vadd.f32 v16, v20;
	v20 =	vmul.f32 v47, v5  }
0x39d: {  	v31 =	vld [tilespmem:s20+$0xFFFFFC60];
	v22 =	vadd.f32 v12, v22;
	v12 =	vmul.f32 v30, v6;
	v6 =	vmul.f32 v36, v6  }
0x39e: {  	v26 =	vld [tilespmem:s20+$0xFFFFFFD0];
	v23 =	vadd.f32 v25, v23;
	v59 =	vmul.f32 v46, v5;
	v18 =	vadd.f32 v28, v18;
	v2, _, _ =	vpop (xrf2)  }
0x39f: {  	v63 =	vld [tilespmem:s20+$0xFFFFFF60];
	v27 =	vadd.f32 v12, v27;
	v22 =	vadd.f32 v24, v22;
	v24 =	vmul.f32 v42, v5;
	v58, _, _ =	vpop (xrf2)  }
0x3a0: {  	v62 =	vld [tilespmem:s20+$0xFFFFFEE0];
	v6 =	vadd.f32 v6, v7;
	v7 =	vadd.f32 v56, v8;
	v39 =	vbroadcast v58, $0xF  }
0x3a1: {  	v30 =	vld [tilespmem:s20+$0xD0];
	v3 =	vadd.f32 v24, v3;
	v24 =	vadd.f32 v59, v27;
	v27 =	vmul.f32 v50, v5  }
0x3a2: {  	v8 =	vmul.f32 v37, v5;
	v20 =	vadd.f32 v20, v23;
	v12 =	vsel vm0, v39, v13;
	v39 =	vld [tilespmem:s20+$0x2D0]  }
0x3a3: {  	v25 =	vld [tilespmem:s20+$0xFFFFFD60];
	v26 =	vmul.f32 v26, v5;
	v1 =	vadd.f32 v27, v1;
	v27 =	vmul.f32 v54, v5  }
0x3a4: {  	v28 =	vld [tilespmem:s20+$0x1E0];
	v23 =	vmul.f32 v40, v4;
	v8 =	vadd.f32 v8, v9;
	v9 =	vmul.f32 v48, v5  }
0x3a5: {  	v56 =	vld [tilespmem:s20+$0x460];
	v14 =	vadd.f32 v26, v14;
	v26 =	vadd.f32 v27, v33;
	v27 =	vmul.f32 v55, v5  }
0x3a6: {  	v48 =	vld [tilespmem:s20+$0xFFFFFFE0];
	v9 =	vadd.f32 v9, v10;
	v10 =	vadd.f32 v61, v15;
	v15 =	vmul.f32 v52, v5  }
0x3a7: {  	v22 =	vadd.f32 v23, v22;
	v58 =	vld [tilespmem:s20+$0xFFFFFDE0];
	v19 =	vadd.f32 v27, v19;
	v27 =	vmul.f32 v39, v5  }
0x3a8: {  	v50 =	vld [tilespmem:s20+$0x160];
	v23 =	vmul.f32 v25, v4;
	v15 =	vadd.f32 v15, v29;
	v29 =	vmul.f32 v30, v5  }
0x3a9: {  	v59 =	vld [tilespmem:s20+$0xFFFFFCF0];
	v52 =	vmul.f32 v43, v5;
	v17 =	vadd.f32 v27, v17;
	v27 =	vmul.f32 v41, v4  }
0x3aa: {  	v61 =	vld [tilespmem:s20+$0xFFFFFDF0];
	v23 =	vadd.f32 v23, v24;
	v24 =	vmul.f32 v62, v4;
	v29 =	vadd.f32 v29, v53  }
0x3ab: {  	v53 =	vld [tilespmem:s20+$0x260];
	v7 =	vadd.f32 v27, v7;
	v27 =	vmul.f32 v31, v4;
	v31 =	vmul.f32 v57, v4  }
0x3ac: {  	v25 =	vmul.f32 v58, v4;
	v5 =	vmul.f32 v51, v5;
	v57 =	vld [tilespmem:s20+$0xFFFFFB70]  }
0x3ad: {  	v8 =	vadd.f32 v27, v8;
	v3 =	vadd.f32 v31, v3;
	v27 =	vmul.f32 v60, v4;
	v31 =	vld [tilespmem:s20+$0xFFFFFBF0]  }
0x3ae: {  	v1 =	vadd.f32 v24, v1;
	v24 =	vmul.f32 v49, v4;
	v9 =	vadd.f32 v25, v9;
	v25 =	vld [tilespmem:s20+$0xFFFFFC70]  }
0x3af: {  	v5 =	vadd.f32 v5, v6;
	v6 =	vld [tilespmem:s20+$0x3E0];
	v10 =	vadd.f32 v27, v10;
	v27 =	vmul.f32 v63, v4  }
0x3b0: {  	v2 =	vbroadcast v2, $0xF;
	v28 =	vmul.f32 v28, v4;
	v30 =	vld [tilespmem:s20+$0xE0];
	v24 =	vadd.f32 v24, v26  }
0x3b1: {  	v55 =	vld [tilespmem:s20+$0x360];
	v26 =	vmul.f32 v50, v4;
	v15 =	vadd.f32 v27, v15;
	v27 =	vmul.f32 v57, v11  }
0x3b2: {  	v21 =	vadd.f32 v52, v21;
	v19 =	vadd.f32 v28, v19;
	v60 =	vld [tilespmem:s20+$0xFFFFFD70];
	v31 =	vmul.f32 v31, v11  }
0x3b3: {  	v54 =	vld [tilespmem:s20+$0x2E0];
	v18 =	vadd.f32 v26, v18;
	v25 =	vmul.f32 v25, v11;
	v7 =	vadd.f32 v27, v7  }
0x3b4: {  	v62 =	vld [tilespmem:s20+$0xFFFFFF70];
	v26 =	vmul.f32 v53, v4;
	v6 =	vmul.f32 v6, v4;
	v22 =	vadd.f32 v31, v22  }
0x3b5: {  	v30 =	vmul.f32 v30, v4;
	v63 =	vmul.f32 v59, v11;
	v8 =	vadd.f32 v25, v8;
	v27 =	vld [tilespmem:s20+$0xFFFFFEF0];
	(xrf2) =	vadd.scan.msk.f32 $0xffff, v7  }
0x3b6: {  	v16 =	vadd.f32 v26, v16;
	v26 =	vld [tilespmem:s20+$0xF0];
	v6 =	vadd.f32 v6, v20;
	v7 =	vmul.f32 v55, v4;
	(xrf2) =	vadd.scan.msk.f32 $0xffff, v22  }
0x3b7: {  	v20 =	vmul.f32 v61, v11;
	v3 =	vadd.f32 v63, v3;
	v31 =	vld [tilespmem:s20+$0xFFFFFFF0];
	(xrf2) =	vadd.scan.msk.f32 $0xffff, v8;
	v8 =	vmul.f32 v60, v11  }
0x3b8: {  	v58 =	vmul.f32 v48, v4;
	v29 =	vadd.f32 v30, v29;
	v30 =	vld [tilespmem:s20+$0xFFFFFE70];
	v7 =	vadd.f32 v7, v21  }
0x3b9: {  	v21 =	vld [tilespmem:s20+$0x170];
	(xrf2) =	vadd.scan.msk.f32 $0xffff, v3;
	v3 =	vadd.f32 v8, v23;
	v8 =	vadd.f32 v20, v9;
	v9 =	vmul.f32 v62, v11  }
0x3ba: {  	v28 =	vmul.f32 v54, v4;
	v14 =	vadd.f32 v58, v14;
	v25 =	vld [tilespmem:s20+$0x70];
	v27 =	vmul.f32 v27, v11  }
0x3bb: {  	v4 =	vmul.f32 v56, v4;
	v22 =	vld [tilespmem:s20+$0x1F0];
	v33 =	vadd.f32 v9, v15;
	v15 =	vmul.f32 v26, v11  }
0x3bc: {  	v17 =	vadd.f32 v28, v17;
	v28 =	vld [tilespmem:s20+$0x270];
	v27 =	vadd.f32 v27, v1;
	v1 =	vmul.f32 v31, v11  }
0x3bd: {  	v2 =	vsel vm0, v2, v13;
	v4 =	vadd.f32 v4, v5;
	v5 =	vmul.f32 v30, v11;
	v20 =	vld [tilespmem:s20+$0x2F0]  }
0x3be: {  	vm0 =	vmmov vm0;
	v23 =	vld [tilespmem:s20+$0x3F0];
	v30 =	vadd.f32 v1, v14;
	v1 =	vmul.f32 v21, v11  }
0x3bf: {  	v5 =	vadd.f32 v5, v10;
	v10 =	vld [tilespmem:s20+$0x370];
	v9 =	vmul.f32 v25, v11;
	v42 =	vadd.f32 v15, v29;
	v15, _, _ =	vpop (xrf2)  }
0x3c0: {  	v45 =	vld [tilespmem:s18+$0x0];
	v14 =	vmul.f32 v22, v11;
	v39 =	vadd.f32 v1, v18;
	v1 =	vbroadcast v15, $0xF  }
0x3c1: {  	v21 =	vld [tilespmem:s20+$0x470];
	v22 =	vimm.f32 $0.0e+00;
	v43 =	vadd.f32 v9, v24;
	v9 =	vmul.f32 v28, v11  }
0x3c2: {  	s19 =	simm.s32 $0xDCC0;
	v44 =	vld [tilespmem:s18+$0x10];
	v37 =	vadd.f32 v14, v19;
	v14 =	vmul.f32 v20, v11;
	v20 =	vimm.f32 $0.0e+00;
	v15, _, _ =	vpop (xrf2);
	(xrf2) =	vadd.scan.msk.f32 $0xffff, v3  }
0x3c3: {  	v32 =	vld [tilespmem:s19+$0xFFFFFFD0];
	v19 =	vimm.f32 $0.0e+00;
	v28 =	vadd.f32 v9, v16;
	v16 =	vmul.f32 v23, v11  }
0x3c4: {  	s10 =	simm.s32 $0xFB00;
	v46 =	vld [tilespmem:s18+$0xFFFFFFF0];
	v18 =	vimm.f32 $0.0e+00;
	v9 =	vmul.f32 v10, v11;
	v10 =	vsel vm0, v1, v13;
	v1, _, _ =	vpop (xrf2)  }
0x3c5: {  	v58 =	vld [tilespmem:s10+$0x490];
	v26 =	vadd.f32 v14, v17;
	v3 =	vimm.f32 $0.0e+00;
	v24 =	vadd.f32 v16, v6;
	v6, _, _ =	vpop (xrf2);
	(xrf2) =	vadd.scan.msk.f32 $0xffff, v8  }
0x3c6: {  	v41 =	vld [tilespmem:s18+$0x20];
	v15 =	vbroadcast v15, $0xF;
	v14 =	vmul.f32 v21, v11;
	v25 =	vadd.f32 v9, v7  }
0x3c7: {  	v63 =	vld [tilespmem:s18+$0xFFFFFFC0];
	v21 =	vimm.f32 $0.0e+00;
	v16 =	vimm.f32 $0.0e+00;
	v7 =	vimm.f32 $0.0e+00  }
0x3c8: {  	v31 =	vld [tilespmem:s19+$0xFFFFFFC0];
	v11 =	vsel vm0, v15, v13;
	v23 =	vadd.f32 v14, v4;
	v15 =	vimm.f32 $0.0e+00;
	(xrf2) =	vadd.scan.msk.f32 $0xffff, v5  }
0x3c9: {  	v60 =	vld [tilespmem:s18+$0xFFFFFFD0];
	v14 =	vimm.f32 $0.0e+00;
	v4 =	vimm.f32 $0.0e+00;
	v17 =	vbroadcast v1, $0xF  }
0x3ca: {  	v61 =	vld [tilespmem:s10+$0x480];
	v8 =	vimm.f32 $0.0e+00;
	v62 =	vbroadcast v6, $0xF;
	v6 =	vimm.f32 $0.0e+00  }
0x3cb: {  	s24 =	simm.s32 $0x1;
	s20 =	simm.s32 $0x2;
	v1 =	vld [tilespmem:s18+$0xFFFFFFE0];
	v5 =	vimm.f32 $0.0e+00;
	v9 =	vsel vm0, v17, v13;
	v17 =	vimm.f32 $0.0e+00;
	(xrf2) =	vadd.scan.msk.f32 $0xffff, v27  }
.LBB2_5:
0x3cc: {  	p0 =	sne.s32 s20, $0xF;
	v35 =	vld [tilespmem:s19+$0xFFFFFFE0];
	v13 =	vsel vm0, v62, v13;
	v27, _, _ =	vpop (xrf2)  }
0x3cd: {  	v29 =	vmul.f32 v63, v31;
	v36 =	vld [tilespmem:s10+$0x4A0];
	v48 =	vbroadcast v27, $0xF  }
0x3ce: {  	v34 =	vld [tilespmem:s19+$0xFFFFFFF0];
	v40 =	vmul.f32 v60, v32;
	(xrf2) =	vadd.scan.msk.f32 $0xffff, v33  }
0x3cf: {  	v47 =	vld [tilespmem:s10+$0x4B0];
	v22 =	vsel vm0, v48, v22;
	v27, _, _ =	vpop (xrf2)  }
0x3d0: {  	v33 =	vld [tilespmem:s19+$0x0];
	v29 =	vadd.f32 v40, v29;
	v40 =	vmul.f32 v61, v31;
	v50 =	vmul.f32 v58, v32  }
0x3d1: {  	v27 =	vbroadcast v27, $0xF;
	v1 =	vmul.f32 v1, v35;
	v49 =	vld [tilespmem:s10+$0x4C0];
	(xrf2) =	vadd.scan.msk.f32 $0xffff, v30  }
0x3d2: {  	v30 =	vld [tilespmem:s19+$0x10];
	v40 =	vadd.f32 v50, v40;
	v36 =	vmul.f32 v36, v35;
	v48, _, _ =	vpop (xrf2)  }
0x3d3: {  	v1 =	vadd.f32 v1, v29;
	v51 =	vmul.f32 v46, v34;
	v50 =	vld [tilespmem:s10+$0x4D0];
	v48 =	vbroadcast v48, $0xF  }
0x3d4: {  	v21 =	vsel vm0, v27, v21;
	v29 =	vld [tilespmem:s19+$0x20];
	v36 =	vadd.f32 v36, v40;
	v40 =	vmul.f32 v47, v34;
	(xrf2) =	vadd.scan.msk.f32 $0xffff, v43  }
0x3d5: {  	v1 =	vadd.f32 v51, v1;
	v43 =	vmul.f32 v45, v33;
	v45 =	vld [tilespmem:s10+$0x4E0];
	v20 =	vsel vm0, v48, v20;
	v46, _, _ =	vpop (xrf2)  }
0x3d6: {  	v27 =	vld [tilespmem:s19+$0x30];
	v36 =	vadd.f32 v40, v36;
	v40 =	vmul.f32 v49, v33;
	v47 =	vbroadcast v46, $0xF  }
0x3d7: {  	v1 =	vadd.f32 v43, v1;
	v43 =	vmul.f32 v44, v30;
	v44 =	vld [tilespmem:s10+$0x4F0];
	(xrf2) =	vadd.scan.msk.f32 $0xffff, v42  }
0x3d8: {  	v42 =	vld [tilespmem:s10+$0xFFFFFB00];
	v36 =	vadd.f32 v40, v36;
	v40 =	vmul.f32 v50, v30;
	v19 =	vsel vm0, v47, v19;
	v46, _, _ =	vpop (xrf2)  }
0x3d9: {  	v1 =	vadd.f32 v43, v1;
	v48 =	vmul.f32 v41, v29;
	v43 =	vld [tilespmem:s10+$0xFFFFFB10];
	v46 =	vbroadcast v46, $0xF  }
0x3da: {  	v47 =	vld [tilespmem:s10+$0xFFFFFB80];
	v36 =	vadd.f32 v40, v36;
	v40 =	vmul.f32 v45, v29;
	(xrf2) =	vadd.scan.msk.f32 $0xffff, v39  }
0x3db: {  	v1 =	vadd.f32 v48, v1;
	v38 =	vmul.f32 v38, v27;
	v39 =	vld [tilespmem:s10+$0xFFFFFB90];
	v18 =	vsel vm0, v46, v18;
	v41, _, _ =	vpop (xrf2)  }
0x3dc: {  	v45 =	vld [tilespmem:s10+$0xFFFFFC00];
	v46 =	vadd.f32 v40, v36;
	v40 =	vmul.f32 v44, v27;
	v41 =	vbroadcast v41, $0xF  }
0x3dd: {  	v1 =	vadd.f32 v38, v1;
	v38 =	vmul.f32 v42, v31;
	v42 =	vld [tilespmem:s10+$0xFFFFFC10];
	(xrf2) =	vadd.scan.msk.f32 $0xffff, v37  }
0x3de: {  	v37 =	vmul.f32 v43, v32;
	v43 =	vld [tilespmem:s10+$0xFFFFFC80];
	v40 =	vadd.f32 v40, v46;
	v17 =	vsel vm0, v41, v17;
	v36, _, _ =	vpop (xrf2)  }
0x3df: {  	v41 =	vmul.f32 v47, v31;
	v44 =	vld [tilespmem:s10+$0xFFFFFC90];
	v46 =	vbroadcast v36, $0xF  }
0x3e0: {  	v36 =	vadd.f32 v37, v38;
	v37 =	vmul.f32 v39, v32;
	v39 =	vld [tilespmem:s10+$0xFFFFFD00];
	(xrf2) =	vadd.scan.msk.f32 $0xffff, v40  }
0x3e1: {  	v38 =	vmul.f32 v45, v31;
	v40 =	vld [tilespmem:s10+$0xFFFFFD10];
	v16 =	vsel vm0, v46, v16;
	v45, _, _ =	vpop (xrf2)  }
0x3e2: {  	v37 =	vadd.f32 v37, v41;
	v41 =	vmul.f32 v42, v32;
	v42 =	vld [tilespmem:s10+$0xFFFFFD80];
	v45 =	vbroadcast v45, $0xF  }
0x3e3: {  	v43 =	vmul.f32 v43, v31;
	v46 =	vld [tilespmem:s10+$0xFFFFFD90];
	(xrf2) =	vadd.scan.msk.f32 $0xffff, v1  }
0x3e4: {  	v38 =	vadd.f32 v41, v38;
	v1 =	vmul.f32 v44, v32;
	v41 =	vld [tilespmem:s10+$0xFFFFFE00];
	v15 =	vsel vm0, v45, v15;
	v44, _, _ =	vpop (xrf2)  }
0x3e5: {  	v39 =	vmul.f32 v39, v31;
	v45 =	vld [tilespmem:s10+$0xFFFFFE10];
	v48 =	vbroadcast v44, $0xF  }
0x3e6: {  	v1 =	vadd.f32 v1, v43;
	v40 =	vmul.f32 v40, v32;
	v43 =	vld [tilespmem:s10+$0xFFFFFE80];
	(xrf2) =	vadd.scan.msk.f32 $0xffff, v28  }
0x3e7: {  	v42 =	vmul.f32 v42, v31;
	v47 =	vld [tilespmem:s10+$0xFFFFFE90];
	v14 =	vsel vm0, v48, v14;
	v44, _, _ =	vpop (xrf2)  }
0x3e8: {  	v28 =	vadd.f32 v40, v39;
	v39 =	vmul.f32 v46, v32;
	v40 =	vld [tilespmem:s10+$0xFFFFFF00];
	v44 =	vbroadcast v44, $0xF  }
0x3e9: {  	v41 =	vmul.f32 v41, v31;
	v46 =	vld [tilespmem:s10+$0xFFFFFF10];
	(xrf2) =	vadd.scan.msk.f32 $0xffff, v26  }
0x3ea: {  	v26 =	vadd.f32 v39, v42;
	v39 =	vmul.f32 v45, v32;
	v42 =	vld [tilespmem:s10+$0xFFFFFF80];
	v45, _, _ =	vpop (xrf2);
	v8 =	vsel vm0, v44, v8  }
0x3eb: {  	v44 =	vmov s24;
	s24 =	smov.u32 s20;
	v43 =	vmul.f32 v43, v31;
	v48 =	vld [tilespmem:s10+$0xFFFFFF90];
	v49 =	vbroadcast v45, $0xF  }
0x3ec: {  	vm1 =	veq.s32 v44, v0;
	v39 =	vadd.f32 v39, v41;
	v41 =	vmul.f32 v47, v32;
	v44 =	vld [tilespmem:s10+$0x0];
	(xrf2) =	vadd.scan.msk.f32 $0xffff, v25  }
0x3ed: {  	v25 =	vmul.f32 v40, v31;
	v40 =	vld [tilespmem:s10+$0x10];
	v2 =	vsel vm1, v49, v2;
	v45, _, _ =	vpop (xrf2)  }
0x3ee: {  	v49 =	vbroadcast v45, $0xF;
	v41 =	vadd.f32 v41, v43;
	v43 =	vmul.f32 v46, v32;
	v46 =	vld [tilespmem:s10+$0x80]  }
0x3ef: {  	v42 =	vmul.f32 v42, v31;
	v47 =	vld [tilespmem:s10+$0x90];
	(xrf2) =	vadd.scan.msk.f32 $0xffff, v24  }
0x3f0: {  	v12 =	vsel vm1, v49, v12;
	v24 =	vadd.f32 v43, v25;
	v25 =	vmul.f32 v48, v32;
	v43 =	vld [tilespmem:s10+$0x100];
	v45, _, _ =	vpop (xrf2)  }
0x3f1: {  	v44 =	vmul.f32 v44, v31;
	v48 =	vld [tilespmem:s10+$0x110];
	v49 =	vbroadcast v45, $0xF  }
0x3f2: {  	v25 =	vadd.f32 v25, v42;
	v40 =	vmul.f32 v40, v32;
	v42 =	vld [tilespmem:s10+$0x180];
	(xrf2) =	vadd.scan.msk.f32 $0xffff, v23  }
0x3f3: {  	v23 =	vmul.f32 v46, v31;
	v46 =	vld [tilespmem:s10+$0x190];
	v7 =	vsel vm0, v49, v7;
	v45, _, _ =	vpop (xrf2)  }
0x3f4: {  	v40 =	vadd.f32 v40, v44;
	v44 =	vmul.f32 v47, v32;
	v47 =	vld [tilespmem:s10+$0x200];
	v50 =	vbroadcast v45, $0xF  }
0x3f5: {  	v43 =	vmul.f32 v43, v31;
	v49 =	vld [tilespmem:s10+$0x210]  }
0x3f6: {  	v23 =	vadd.f32 v44, v23;
	v44 =	vmul.f32 v48, v32;
	v48 =	vld [tilespmem:s10+$0x280];
	v6 =	vsel vm0, v50, v6;
	v45, _, _ =	vpop (xrf2)  }
0x3f7: {  	v42 =	vmul.f32 v42, v31;
	v50 =	vld [tilespmem:s10+$0x290];
	v52 =	vbroadcast v45, $0xF  }
0x3f8: {  	v43 =	vadd.f32 v44, v43;
	v44 =	vmul.f32 v46, v32;
	v46 =	vld [tilespmem:s10+$0x300]  }
0x3f9: {  	v47 =	vmul.f32 v47, v31;
	v51 =	vld [tilespmem:s10+$0x310];
	v5 =	vsel vm0, v52, v5;
	v45, _, _ =	vpop (xrf2)  }
0x3fa: {  	v42 =	vadd.f32 v44, v42;
	v44 =	vmul.f32 v49, v32;
	v49 =	vld [tilespmem:s10+$0x380];
	v53 =	vbroadcast v45, $0xF  }
0x3fb: {  	v48 =	vmul.f32 v48, v31;
	v52 =	vld [tilespmem:s10+$0x390]  }
0x3fc: {  	v44 =	vadd.f32 v44, v47;
	v47 =	vmul.f32 v50, v32;
	v50 =	vld [tilespmem:s10+$0x400];
	v4 =	vsel vm0, v53, v4;
	v45, _, _ =	vpop (xrf2)  }
0x3fd: {  	v46 =	vmul.f32 v46, v31;
	v53 =	vld [tilespmem:s10+$0x410];
	v45 =	vbroadcast v45, $0xF  }
0x3fe: {  	v54 =	vld [tilespmem:s10+$0xFFFFFB20];
	v47 =	vadd.f32 v47, v48;
	v48 =	vmul.f32 v51, v32  }
0x3ff: {  	v51 =	vld [tilespmem:s10+$0xFFFFFBA0];
	v49 =	vmul.f32 v49, v31;
	v3 =	vsel vm0, v45, v3;
	vm0 =	vmmov vm1  }
0x400: {  	v45 =	vld [tilespmem:s10+$0xFFFFFC20];
	v46 =	vadd.f32 v48, v46;
	v48 =	vmul.f32 v52, v32  }
0x401: {  	v52 =	vld [tilespmem:s10+$0xFFFFFCA0];
	v31 =	vmul.f32 v50, v31  }
0x402: {  	v50 =	vld [tilespmem:s10+$0xFFFFFD20];
	v48 =	vadd.f32 v48, v49;
	v32 =	vmul.f32 v53, v32  }
0x403: {  	v49 =	vmul.f32 v54, v35;
	v53 =	vld [tilespmem:s10+$0xFFFFFDA0]  }
0x404: {  	v51 =	vmul.f32 v51, v35;
	v54 =	vld [tilespmem:s10+$0xFFFFFE20];
	v31 =	vadd.f32 v32, v31  }
0x405: {  	v32 =	vadd.f32 v49, v36;
	v36 =	vmul.f32 v45, v35;
	v45 =	vld [tilespmem:s10+$0xFFFFFEA0]  }
0x406: {  	v37 =	vadd.f32 v51, v37;
	v49 =	vmul.f32 v52, v35;
	v51 =	vld [tilespmem:s10+$0xFFFFFF20]  }
0x407: {  	v36 =	vadd.f32 v36, v38;
	v38 =	vmul.f32 v50, v35;
	v50 =	vld [tilespmem:s10+$0xFFFFFFA0]  }
0x408: {  	v1 =	vadd.f32 v49, v1;
	v49 =	vmul.f32 v53, v35;
	v52 =	vld [tilespmem:s10+$0x20]  }
0x409: {  	v28 =	vadd.f32 v38, v28;
	v38 =	vmul.f32 v54, v35;
	v53 =	vld [tilespmem:s10+$0xA0]  }
0x40a: {  	v26 =	vadd.f32 v49, v26;
	v45 =	vmul.f32 v45, v35;
	v49 =	vld [tilespmem:s10+$0x120]  }
0x40b: {  	v38 =	vadd.f32 v38, v39;
	v39 =	vmul.f32 v51, v35;
	v51 =	vld [tilespmem:s10+$0x1A0]  }
0x40c: {  	v41 =	vadd.f32 v45, v41;
	v45 =	vmul.f32 v50, v35;
	v50 =	vld [tilespmem:s10+$0x220]  }
0x40d: {  	v24 =	vadd.f32 v39, v24;
	v39 =	vmul.f32 v52, v35;
	v52 =	vld [tilespmem:s10+$0x2A0]  }
0x40e: {  	v25 =	vadd.f32 v45, v25;
	v45 =	vmul.f32 v53, v35;
	v53 =	vld [tilespmem:s10+$0x320]  }
0x40f: {  	v39 =	vadd.f32 v39, v40;
	v40 =	vmul.f32 v49, v35;
	v49 =	vld [tilespmem:s10+$0x3A0]  }
0x410: {  	v23 =	vadd.f32 v45, v23;
	v45 =	vmul.f32 v51, v35;
	v51 =	vld [tilespmem:s10+$0x420]  }
0x411: {  	v54 =	vld [tilespmem:s10+$0xFFFFFB30];
	v40 =	vadd.f32 v40, v43;
	v43 =	vmul.f32 v50, v35  }
0x412: {  	v50 =	vld [tilespmem:s10+$0xFFFFFBB0];
	v42 =	vadd.f32 v45, v42;
	v45 =	vmul.f32 v52, v35  }
0x413: {  	v52 =	vld [tilespmem:s10+$0xFFFFFC30];
	v43 =	vadd.f32 v43, v44;
	v44 =	vmul.f32 v53, v35  }
0x414: {  	v53 =	vld [tilespmem:s10+$0xFFFFFCB0];
	v45 =	vadd.f32 v45, v47;
	v47 =	vmul.f32 v49, v35  }
0x415: {  	v49 =	vld [tilespmem:s10+$0xFFFFFD30];
	v44 =	vadd.f32 v44, v46;
	v35 =	vmul.f32 v51, v35  }
0x416: {  	v46 =	vmul.f32 v54, v34;
	v51 =	vld [tilespmem:s10+$0xFFFFFDB0];
	v47 =	vadd.f32 v47, v48  }
0x417: {  	v48 =	vmul.f32 v50, v34;
	v50 =	vld [tilespmem:s10+$0xFFFFFE30];
	v31 =	vadd.f32 v35, v31  }
0x418: {  	v32 =	vadd.f32 v46, v32;
	v35 =	vmul.f32 v52, v34;
	v46 =	vld [tilespmem:s10+$0xFFFFFEB0]  }
0x419: {  	v37 =	vadd.f32 v48, v37;
	v48 =	vmul.f32 v53, v34;
	v52 =	vld [tilespmem:s10+$0xFFFFFF30]  }
0x41a: {  	v35 =	vadd.f32 v35, v36;
	v36 =	vmul.f32 v49, v34;
	v49 =	vld [tilespmem:s10+$0xFFFFFFB0]  }
0x41b: {  	v1 =	vadd.f32 v48, v1;
	v48 =	vmul.f32 v51, v34;
	v51 =	vld [tilespmem:s10+$0x30]  }
0x41c: {  	v28 =	vadd.f32 v36, v28;
	v36 =	vmul.f32 v50, v34;
	v50 =	vld [tilespmem:s10+$0xB0]  }
0x41d: {  	v26 =	vadd.f32 v48, v26;
	v46 =	vmul.f32 v46, v34;
	v48 =	vld [tilespmem:s10+$0x130]  }
0x41e: {  	v36 =	vadd.f32 v36, v38;
	v38 =	vmul.f32 v52, v34;
	v52 =	vld [tilespmem:s10+$0x1B0]  }
0x41f: {  	v41 =	vadd.f32 v46, v41;
	v46 =	vmul.f32 v49, v34;
	v49 =	vld [tilespmem:s10+$0x230]  }
0x420: {  	v24 =	vadd.f32 v38, v24;
	v38 =	vmul.f32 v51, v34;
	v51 =	vld [tilespmem:s10+$0x2B0]  }
0x421: {  	v25 =	vadd.f32 v46, v25;
	v46 =	vmul.f32 v50, v34;
	v50 =	vld [tilespmem:s10+$0x330]  }
0x422: {  	v38 =	vadd.f32 v38, v39;
	v39 =	vmul.f32 v48, v34;
	v48 =	vld [tilespmem:s10+$0x3B0]  }
0x423: {  	v23 =	vadd.f32 v46, v23;
	v46 =	vmul.f32 v52, v34;
	v52 =	vld [tilespmem:s10+$0x430]  }
0x424: {  	v53 =	vld [tilespmem:s10+$0xFFFFFB40];
	v39 =	vadd.f32 v39, v40;
	v40 =	vmul.f32 v49, v34  }
0x425: {  	v49 =	vld [tilespmem:s10+$0xFFFFFBC0];
	v42 =	vadd.f32 v46, v42;
	v46 =	vmul.f32 v51, v34  }
0x426: {  	v51 =	vld [tilespmem:s10+$0xFFFFFC40];
	v40 =	vadd.f32 v40, v43;
	v43 =	vmul.f32 v50, v34  }
0x427: {  	v50 =	vld [tilespmem:s10+$0xFFFFFCC0];
	v45 =	vadd.f32 v46, v45;
	v46 =	vmul.f32 v48, v34  }
0x428: {  	v48 =	vld [tilespmem:s10+$0xFFFFFD40];
	v43 =	vadd.f32 v43, v44;
	v34 =	vmul.f32 v52, v34  }
0x429: {  	v44 =	vmul.f32 v53, v33;
	v52 =	vld [tilespmem:s10+$0xFFFFFDC0];
	v46 =	vadd.f32 v46, v47  }
0x42a: {  	v47 =	vmul.f32 v49, v33;
	v49 =	vld [tilespmem:s10+$0xFFFFFE40];
	v31 =	vadd.f32 v34, v31  }
0x42b: {  	v32 =	vadd.f32 v44, v32;
	v34 =	vmul.f32 v51, v33;
	v44 =	vld [tilespmem:s10+$0xFFFFFEC0]  }
0x42c: {  	v37 =	vadd.f32 v47, v37;
	v47 =	vmul.f32 v50, v33;
	v50 =	vld [tilespmem:s10+$0xFFFFFF40]  }
0x42d: {  	v34 =	vadd.f32 v34, v35;
	v35 =	vmul.f32 v48, v33;
	v48 =	vld [tilespmem:s10+$0xFFFFFFC0]  }
0x42e: {  	v1 =	vadd.f32 v47, v1;
	v47 =	vmul.f32 v52, v33;
	v51 =	vld [tilespmem:s10+$0x40]  }
0x42f: {  	v28 =	vadd.f32 v35, v28;
	v35 =	vmul.f32 v49, v33;
	v49 =	vld [tilespmem:s10+$0xC0]  }
0x430: {  	v26 =	vadd.f32 v47, v26;
	v44 =	vmul.f32 v44, v33;
	v47 =	vld [tilespmem:s10+$0x140]  }
0x431: {  	v35 =	vadd.f32 v35, v36;
	v36 =	vmul.f32 v50, v33;
	v50 =	vld [tilespmem:s10+$0x1C0]  }
0x432: {  	v41 =	vadd.f32 v44, v41;
	v44 =	vmul.f32 v48, v33;
	v48 =	vld [tilespmem:s10+$0x240]  }
0x433: {  	v24 =	vadd.f32 v36, v24;
	v36 =	vmul.f32 v51, v33;
	v51 =	vld [tilespmem:s10+$0x2C0]  }
0x434: {  	v25 =	vadd.f32 v44, v25;
	v44 =	vmul.f32 v49, v33;
	v49 =	vld [tilespmem:s10+$0x340]  }
0x435: {  	v36 =	vadd.f32 v36, v38;
	v38 =	vmul.f32 v47, v33;
	v47 =	vld [tilespmem:s10+$0x3C0]  }
0x436: {  	v23 =	vadd.f32 v44, v23;
	v44 =	vmul.f32 v50, v33;
	v50 =	vld [tilespmem:s10+$0x440]  }
0x437: {  	v52 =	vld [tilespmem:s10+$0xFFFFFB50];
	v38 =	vadd.f32 v38, v39;
	v39 =	vmul.f32 v48, v33  }
0x438: {  	v48 =	vld [tilespmem:s10+$0xFFFFFBD0];
	v42 =	vadd.f32 v44, v42;
	v44 =	vmul.f32 v51, v33  }
0x439: {  	v51 =	vld [tilespmem:s10+$0xFFFFFC50];
	v39 =	vadd.f32 v39, v40;
	v40 =	vmul.f32 v49, v33  }
0x43a: {  	v49 =	vld [tilespmem:s10+$0xFFFFFCD0];
	v44 =	vadd.f32 v44, v45;
	v45 =	vmul.f32 v47, v33  }
0x43b: {  	v47 =	vld [tilespmem:s10+$0xFFFFFD50];
	v40 =	vadd.f32 v40, v43;
	v33 =	vmul.f32 v50, v33  }
0x43c: {  	v43 =	vmul.f32 v52, v30;
	v50 =	vld [tilespmem:s10+$0xFFFFFDD0];
	v45 =	vadd.f32 v45, v46  }
0x43d: {  	v46 =	vmul.f32 v48, v30;
	v48 =	vld [tilespmem:s10+$0xFFFFFE50];
	v31 =	vadd.f32 v33, v31  }
0x43e: {  	v32 =	vadd.f32 v43, v32;
	v33 =	vmul.f32 v51, v30;
	v43 =	vld [tilespmem:s10+$0xFFFFFED0]  }
0x43f: {  	v37 =	vadd.f32 v46, v37;
	v46 =	vmul.f32 v49, v30;
	v49 =	vld [tilespmem:s10+$0xFFFFFF50]  }
0x440: {  	v33 =	vadd.f32 v33, v34;
	v34 =	vmul.f32 v47, v30;
	v47 =	vld [tilespmem:s10+$0xFFFFFFD0]  }
0x441: {  	v1 =	vadd.f32 v46, v1;
	v46 =	vmul.f32 v50, v30;
	v50 =	vld [tilespmem:s10+$0x50]  }
0x442: {  	v28 =	vadd.f32 v34, v28;
	v34 =	vmul.f32 v48, v30;
	v48 =	vld [tilespmem:s10+$0xD0]  }
0x443: {  	v26 =	vadd.f32 v46, v26;
	v43 =	vmul.f32 v43, v30;
	v46 =	vld [tilespmem:s10+$0x150]  }
0x444: {  	v34 =	vadd.f32 v34, v35;
	v35 =	vmul.f32 v49, v30;
	v49 =	vld [tilespmem:s10+$0x1D0]  }
0x445: {  	v41 =	vadd.f32 v43, v41;
	v43 =	vmul.f32 v47, v30;
	v47 =	vld [tilespmem:s10+$0x250]  }
0x446: {  	v24 =	vadd.f32 v35, v24;
	v35 =	vmul.f32 v50, v30;
	v50 =	vld [tilespmem:s10+$0x2D0]  }
0x447: {  	v25 =	vadd.f32 v43, v25;
	v43 =	vmul.f32 v48, v30;
	v48 =	vld [tilespmem:s10+$0x350]  }
0x448: {  	v35 =	vadd.f32 v35, v36;
	v36 =	vmul.f32 v46, v30;
	v46 =	vld [tilespmem:s10+$0x3D0]  }
0x449: {  	v23 =	vadd.f32 v43, v23;
	v43 =	vmul.f32 v49, v30;
	v49 =	vld [tilespmem:s10+$0x450]  }
0x44a: {  	v51 =	vld [tilespmem:s10+$0xFFFFFB60];
	v36 =	vadd.f32 v36, v38;
	v38 =	vmul.f32 v47, v30  }
0x44b: {  	v47 =	vld [tilespmem:s10+$0xFFFFFBE0];
	v42 =	vadd.f32 v43, v42;
	v43 =	vmul.f32 v50, v30  }
0x44c: {  	v50 =	vld [tilespmem:s10+$0xFFFFFC60];
	v38 =	vadd.f32 v38, v39;
	v39 =	vmul.f32 v48, v30  }
0x44d: {  	v48 =	vld [tilespmem:s10+$0xFFFFFCE0];
	v43 =	vadd.f32 v43, v44;
	v44 =	vmul.f32 v46, v30  }
0x44e: {  	v46 =	vld [tilespmem:s10+$0xFFFFFD60];
	v39 =	vadd.f32 v39, v40;
	v30 =	vmul.f32 v49, v30  }
0x44f: {  	v40 =	vmul.f32 v51, v29;
	v49 =	vld [tilespmem:s10+$0xFFFFFDE0];
	v44 =	vadd.f32 v44, v45  }
0x450: {  	v45 =	vmul.f32 v47, v29;
	v47 =	vld [tilespmem:s10+$0xFFFFFE60];
	v30 =	vadd.f32 v30, v31  }
0x451: {  	v31 =	vadd.f32 v40, v32;
	v32 =	vmul.f32 v50, v29;
	v40 =	vld [tilespmem:s10+$0xFFFFFEE0]  }
0x452: {  	v37 =	vadd.f32 v45, v37;
	v45 =	vmul.f32 v48, v29;
	v48 =	vld [tilespmem:s10+$0xFFFFFF60]  }
0x453: {  	v32 =	vadd.f32 v32, v33;
	v33 =	vmul.f32 v46, v29;
	v46 =	vld [tilespmem:s10+$0xFFFFFFE0]  }
0x454: {  	v1 =	vadd.f32 v45, v1;
	v45 =	vmul.f32 v49, v29;
	v49 =	vld [tilespmem:s10+$0x60]  }
0x455: {  	v28 =	vadd.f32 v33, v28;
	v33 =	vmul.f32 v47, v29;
	v47 =	vld [tilespmem:s10+$0xE0]  }
0x456: {  	v26 =	vadd.f32 v45, v26;
	v40 =	vmul.f32 v40, v29;
	v45 =	vld [tilespmem:s10+$0x160]  }
0x457: {  	v33 =	vadd.f32 v33, v34;
	v34 =	vmul.f32 v48, v29;
	v48 =	vld [tilespmem:s10+$0x1E0]  }
0x458: {  	v40 =	vadd.f32 v40, v41;
	v41 =	vmul.f32 v46, v29;
	v46 =	vld [tilespmem:s10+$0x260]  }
0x459: {  	v24 =	vadd.f32 v34, v24;
	v34 =	vmul.f32 v49, v29;
	v49 =	vld [tilespmem:s10+$0x2E0]  }
0x45a: {  	v25 =	vadd.f32 v41, v25;
	v41 =	vmul.f32 v47, v29;
	v47 =	vld [tilespmem:s10+$0x360]  }
0x45b: {  	v34 =	vadd.f32 v34, v35;
	v35 =	vmul.f32 v45, v29;
	v45 =	vld [tilespmem:s10+$0x3E0]  }
0x45c: {  	v23 =	vadd.f32 v41, v23;
	v41 =	vmul.f32 v48, v29;
	v48 =	vld [tilespmem:s10+$0x460]  }
0x45d: {  	v50 =	vld [tilespmem:s10+$0xFFFFFB70];
	v35 =	vadd.f32 v35, v36;
	v36 =	vmul.f32 v46, v29  }
0x45e: {  	v46 =	vld [tilespmem:s10+$0xFFFFFBF0];
	v51 =	vadd.f32 v41, v42;
	v41 =	vmul.f32 v49, v29  }
0x45f: {  	v42 =	vld [tilespmem:s10+$0xFFFFFC70];
	v36 =	vadd.f32 v36, v38;
	v38 =	vmul.f32 v47, v29  }
0x460: {  	v47 =	vld [tilespmem:s10+$0xFFFFFCF0];
	v49 =	vadd.f32 v41, v43;
	v41 =	vmul.f32 v45, v29  }
0x461: {  	v43 =	vld [tilespmem:s10+$0xFFFFFD70];
	v52 =	vadd.f32 v38, v39;
	v29 =	vmul.f32 v48, v29  }
0x462: {  	v38 =	vmul.f32 v50, v27;
	v39 =	vld [tilespmem:s10+$0xFFFFFDF0];
	v48 =	vadd.f32 v41, v44  }
0x463: {  	v41 =	vmul.f32 v46, v27;
	v44 =	vld [tilespmem:s10+$0xFFFFFE70];
	v29 =	vadd.f32 v29, v30  }
0x464: {  	v30 =	vadd.f32 v38, v31;
	v31 =	vmul.f32 v42, v27;
	v38 =	vld [tilespmem:s10+$0xFFFFFEF0]  }
0x465: {  	v37 =	vadd.f32 v41, v37;
	v41 =	vmul.f32 v47, v27;
	v42 =	vld [tilespmem:s10+$0xFFFFFF70]  }
0x466: {  	v31 =	vadd.f32 v31, v32;
	v32 =	vmul.f32 v43, v27;
	v43 =	vld [tilespmem:s10+$0xFFFFFFF0];
	(xrf2) =	vadd.scan.msk.f32 $0xffff, v30  }
0x467: {  	v1 =	vadd.f32 v41, v1;
	v30 =	vmul.f32 v39, v27;
	v39 =	vld [tilespmem:s10+$0x70]  }
0x468: {  	v32 =	vadd.f32 v32, v28;
	v28 =	vmul.f32 v44, v27;
	v41 =	vld [tilespmem:s10+$0xF0]  }
0x469: {  	v47 =	vadd.f32 v30, v26;
	v26 =	vmul.f32 v38, v27;
	v38 =	vld [tilespmem:s10+$0x170];
	(xrf2) =	vadd.scan.msk.f32 $0xffff, v37  }
0x46a: {  	v50 =	vadd.f32 v28, v33;
	v28 =	vmul.f32 v42, v27;
	v37 =	vld [tilespmem:s10+$0x1F0]  }
0x46b: {  	v40 =	vadd.f32 v26, v40;
	v26 =	vmul.f32 v43, v27;
	v44 =	vld [tilespmem:s10+$0x270]  }
0x46c: {  	v33 =	vadd.f32 v28, v24;
	v24 =	vmul.f32 v39, v27;
	v28 =	vld [tilespmem:s10+$0x2F0];
	(xrf2) =	vadd.scan.msk.f32 $0xffff, v31  }
0x46d: {  	v30 =	vadd.f32 v26, v25;
	v25 =	vmul.f32 v41, v27;
	v26 =	vld [tilespmem:s10+$0x370]  }
0x46e: {  	v43 =	vadd.f32 v24, v34;
	v41 =	vmul.f32 v38, v27;
	v31 =	vld [tilespmem:s10+$0x3F0]  }
0x46f: {  	s18 =	sadd.s32 $0x80, s18;
	v42 =	vadd.f32 v25, v23;
	v23 =	vmul.f32 v37, v27;
	v34 =	vld [tilespmem:s10+$0x470];
	(xrf2) =	vadd.scan.msk.f32 $0xffff, v1  }
0x470: {  	v38 =	vld [tilespmem:s18+$0x30];
	v39 =	vadd.f32 v41, v35;
	v1 =	vmul.f32 v44, v27;
	v24, _, _ =	vpop (xrf2)  }
0x471: {  	v41 =	vld [tilespmem:s18+$0x20];
	v25 =	vbroadcast v24, $0xF;
	v37 =	vadd.f32 v23, v51;
	v23 =	vmul.f32 v28, v27  }
0x472: {  	v44 =	vld [tilespmem:s18+$0x10];
	v28 =	vadd.f32 v1, v36;
	v1 =	vmul.f32 v26, v27;
	(xrf2) =	vadd.scan.msk.f32 $0xffff, v32  }
0x473: {  	v45 =	vld [tilespmem:s18+$0x0];
	v10 =	vsel vm0, v25, v10;
	v26 =	vadd.f32 v23, v49;
	v23 =	vmul.f32 v31, v27;
	v24, _, _ =	vpop (xrf2)  }
0x474: {  	v46 =	vld [tilespmem:s18+$0xFFFFFFF0];
	v31 =	vbroadcast v24, $0xF;
	v25 =	vadd.f32 v1, v52;
	v32 =	vmul.f32 v34, v27  }
0x475: {  	v1 =	vld [tilespmem:s18+$0xFFFFFFE0];
	v24 =	vadd.f32 v23, v48;
	(xrf2) =	vadd.scan.msk.f32 $0xffff, v47  }
0x476: {  	v63 =	vld [tilespmem:s18+$0xFFFFFFC0];
	v11 =	vsel vm0, v31, v11;
	v23 =	vadd.f32 v32, v29;
	v27, _, _ =	vpop (xrf2)  }
.Ltmp1:
0x477: {  	s19 =	sadd.s32 $0x80, s19;
	v60 =	vld [tilespmem:s18+$0xFFFFFFD0];
	v29 =	vbroadcast v27, $0xF;
	(pc) =	sbr.rel @p0 .LBB2_5-.Ltmp1, $4  }
0x478: {  	v31 =	vld [tilespmem:s19+$0xFFFFFFC0];
	(xrf2) =	vadd.scan.msk.f32 $0xffff, v50  }
0x479: {  	s10 =	sadd.s32 $0xA00, s10;
	v32 =	vld [tilespmem:s19+$0xFFFFFFD0];
	v9 =	vsel vm0, v29, v9;
	v27, _, _ =	vpop (xrf2)  }
0x47a: {  	v61 =	vld [tilespmem:s10+$0x480];
	v62 =	vbroadcast v27, $0xF  }
0x47b: {  	s20 =	sadd.s32 $0x1, s20;
	v58 =	vld [tilespmem:s10+$0x490];
	(xrf2) =	vadd.scan.msk.f32 $0xffff, v40  }
0x47c: {  	v57 =	vld [tilespmem:s10+$0xFFFFFC00];
	_ =	sdelay $0x4  }
0x47d: {  	[tilespmem:$0x1F340] =	vst v57;
	v57 =	vld [tilespmem:s10+$0xFFFFFC80];
	_ =	sdelay $0x4  }
0x47e: {  	[tilespmem:$0x1F350] =	vst v57;
	v57 =	vld [tilespmem:s10+$0xFFFFFC90];
	_ =	sdelay $0x4  }
0x47f: {  	[tilespmem:$0x1F360] =	vst v57;
	v57 =	vld [tilespmem:s10+$0xFFFFFD00];
	_ =	sdelay $0x4  }
0x480: {  	[tilespmem:$0x1F370] =	vst v57;
	v57 =	vld [tilespmem:s10+$0xFFFFFD10];
	_ =	sdelay $0x4  }
0x481: {  	[tilespmem:$0x1F380] =	vst v57;
	v57 =	vld [tilespmem:s10+$0xFFFFFD80];
	_ =	sdelay $0x4  }
0x482: {  	[tilespmem:$0x1F390] =	vst v57;
	v57 =	vld [tilespmem:s10+$0xFFFFFD90];
	_ =	sdelay $0x4  }
0x483: {  	[tilespmem:$0x1F3A0] =	vst v57;
	v57 =	vld [tilespmem:s10+$0xFFFFFE00];
	_ =	sdelay $0x4  }
0x484: {  	[tilespmem:$0x1F3B0] =	vst v57;
	v57 =	vld [tilespmem:s10+$0xFFFFFE10];
	_ =	sdelay $0x4  }
0x485: {  	[tilespmem:$0x1F3C0] =	vst v57;
	v57 =	vld [tilespmem:s10+$0xFFFFFE80];
	_ =	sdelay $0x4  }
0x486: {  	[tilespmem:$0x1F3D0] =	vst v57;
	v57 =	vld [tilespmem:s10+$0xFFFFFE90];
	_ =	sdelay $0x4  }
0x487: {  	[tilespmem:$0x1F3E0] =	vst v57;
	v57 =	vld [tilespmem:s10+$0xFFFFFF00];
	_ =	sdelay $0x4  }
0x488: {  	[tilespmem:$0x1F3F0] =	vst v57;
	v57 =	vld [tilespmem:s10+$0xFFFFFF10];
	_ =	sdelay $0x4  }
0x489: {  	[tilespmem:$0x1F400] =	vst v57;
	v57 =	vld [tilespmem:s10+$0xFFFFFF80];
	_ =	sdelay $0x4  }
0x48a: {  	[tilespmem:$0x1F410] =	vst v57;
	v57 =	vld [tilespmem:s10+$0xFFFFFF90];
	_ =	sdelay $0x4  }
0x48b: {  	[tilespmem:$0x1F420] =	vst v57;
	v57 =	vld [tilespmem:s10+$0x0];
	_ =	sdelay $0x4  }
0x48c: {  	[tilespmem:$0x1F430] =	vst v57;
	v57 =	vld [tilespmem:s10+$0x10];
	_ =	sdelay $0x4  }
0x48d: {  	[tilespmem:$0x1F440] =	vst v57;
	v57 =	vld [tilespmem:s10+$0x80];
	_ =	sdelay $0x4  }
0x48e: {  	[tilespmem:$0x1F450] =	vst v57;
	v57 =	vld [tilespmem:s10+$0x90];
	_ =	sdelay $0x4  }
0x48f: {  	[tilespmem:$0x1F460] =	vst v57;
	v57 =	vld [tilespmem:s10+$0x100];
	_ =	sdelay $0x4  }
0x490: {  	[tilespmem:$0x1F470] =	vst v57;
	v57 =	vld [tilespmem:s10+$0x110];
	_ =	sdelay $0x4  }
0x491: {  	[tilespmem:$0x1F480] =	vst v57;
	v57 =	vld [tilespmem:s10+$0x180];
	_ =	sdelay $0x4  }
0x492: {  	[tilespmem:$0x1F490] =	vst v57;
	v57 =	vld [tilespmem:s10+$0x190];
	_ =	sdelay $0x4  }
0x493: {  	[tilespmem:$0x1F4A0] =	vst v57;
	v57 =	vld [tilespmem:s10+$0x200];
	_ =	sdelay $0x4  }
0x494: {  	[tilespmem:$0x1F4B0] =	vst v57;
	v57 =	vld [tilespmem:s10+$0x210];
	_ =	sdelay $0x4  }
0x495: {  	[tilespmem:$0x1F4C0] =	vst v57;
	v57 =	vld [tilespmem:s10+$0x280];
	_ =	sdelay $0x4  }
0x496: {  	[tilespmem:$0x1F4D0] =	vst v57;
	v57 =	vld [tilespmem:s10+$0x290];
	_ =	sdelay $0x4  }
0x497: {  	[tilespmem:$0x1F4E0] =	vst v57;
	v57 =	vld [tilespmem:s10+$0x300];
	_ =	sdelay $0x4  }
0x498: {  	[tilespmem:$0x1F4F0] =	vst v57;
	v57 =	vld [tilespmem:s10+$0x310];
	_ =	sdelay $0x4  }
0x499: {  	[tilespmem:$0x1F500] =	vst v57;
	v57 =	vld [tilespmem:s10+$0x380];
	_ =	sdelay $0x4  }
0x49a: {  	[tilespmem:$0x1F510] =	vst v57;
	v57 =	vld [tilespmem:s10+$0x390];
	_ =	sdelay $0x4  }
0x49b: {  	[tilespmem:$0x1F520] =	vst v57;
	v57 =	vld [tilespmem:s10+$0x400];
	_ =	sdelay $0x4  }
0x49c: {  	[tilespmem:$0x1F530] =	vst v57;
	v57 =	vld [tilespmem:s10+$0x410];
	_ =	sdelay $0x4  }
0x49d: {  	[tilespmem:$0x1F540] =	vst v57;
	v57 =	vld [tilespmem:s10+$0xFFFFFB20];
	_ =	sdelay $0x4  }
0x49e: {  	[tilespmem:$0x1F550] =	vst v57;
	v57 =	vld [tilespmem:s10+$0xFFFFFBA0];
	_ =	sdelay $0x4  }
0x49f: {  	[tilespmem:$0x1F560] =	vst v57;
	v57 =	vld [tilespmem:s10+$0xFFFFFC20];
	_ =	sdelay $0x1  }
0x4a0: {  	v40 =	vld [tilespmem:s19+$0xFFFFFFE0]  }
0x4a1: {  	v47 =	vld [tilespmem:s10+$0x4A0]  }
0x4a2: {  	v36 =	vld [tilespmem:s19+$0xFFFFFFF0]  }
0x4a3: {  	[tilespmem:$0x1F570] =	vst v57;
	v57 =	vld [tilespmem:s10+$0xFFFFFCA0]  }
0x4a4: {  	v48 =	vld [tilespmem:s10+$0x4B0];
	v61 =	vmul.f32 v61, v31;
	v58 =	vmul.f32 v58, v32  }
0x4a5: {  	v35 =	vld [tilespmem:s19+$0x0]  }
0x4a6: {  	v58 =	vadd.f32 v58, v61;
	v61 =	vld [tilespmem:s10+$0xFFFFFDA0]  }
0x4a7: {  	v49 =	vld [tilespmem:s10+$0x4C0]  }
0x4a8: {  	v63 =	vmul.f32 v63, v31;
	v60 =	vmul.f32 v60, v32;
	[tilespmem:$0x1F580] =	vst v57;
	v57 =	vld [tilespmem:s10+$0xFFFFFD20]  }
0x4a9: {  	v34 =	vld [tilespmem:s19+$0x10];
	v47 =	vmul.f32 v47, v40  }
0x4aa: {  	v50 =	vld [tilespmem:s10+$0x4D0];
	v60 =	vadd.f32 v60, v63;
	v1 =	vmul.f32 v1, v40  }
0x4ab: {  	[tilespmem:$0x1F5A0] =	vst v61;
	v61 =	vadd.f32 v47, v58;
	v58 =	vld [tilespmem:s10+$0xFFFFFEA0]  }
0x4ac: {  	v1 =	vadd.f32 v1, v60;
	v60 =	vmul.f32 v46, v36  }
0x4ad: {  	[tilespmem:$0x1F590] =	vst v57;
	v57 =	vmul.f32 v48, v36  }
0x4ae: {  	v1 =	vadd.f32 v60, v1  }
0x4af: {  	v29 =	vld [tilespmem:s19+$0x20];
	(xrf2) =	vadd.scan.msk.f32 $0xffff, v33;
	v60 =	vmul.f32 v50, v34;
	v47 =	vadd.f32 v57, v61;
	v61 =	vmul.f32 v49, v35  }
0x4b0: {  	v51 =	vld [tilespmem:s10+$0x4E0];
	(xrf2) =	vadd.scan.msk.f32 $0xffff, v30;
	[tilespmem:$0x1F5B0] =	vst v58;
	v58 =	vmul.f32 v45, v35  }
0x4b1: {  	(xrf2) =	vadd.scan.msk.f32 $0xffff, v43;
	v57 =	vld [tilespmem:s10+$0xFFFFFFA0];
	v47 =	vadd.f32 v61, v47  }
0x4b2: {  	v27 =	vld [tilespmem:s19+$0x30];
	v1 =	vadd.f32 v58, v1;
	v61 =	vmul.f32 v44, v34  }
0x4b3: {  	v52 =	vld [tilespmem:s10+$0x4F0];
	v33 =	vadd.f32 v60, v47;
	v60, _, _ =	vpop (xrf2)  }
0x4b4: {  	v1 =	vadd.f32 v61, v1;
	v61 =	vbroadcast v60, $0xF  }
0x4b5: {  	(xrf2) =	vadd.scan.msk.f32 $0xffff, v42;
	v58 =	vmul.f32 v51, v29  }
0x4b6: {  	v13 =	vsel vm0, v62, v13;
	(xrf2) =	vadd.scan.msk.f32 $0xffff, v39;
	[tilespmem:$0x1F5C0] =	vst v57;
	v57, _, _ =	vpop (xrf2);
	v22 =	vsel vm0, v61, v22;
	v61 =	vld [tilespmem:s10+$0x3A0]  }
0x4b7: {  	v53 =	vld [tilespmem:s10+$0xFFFFFB00];
	[tilespmem:$0x1F800] =	vst v13;
	v62 =	vmul.f32 v41, v29;
	v13 =	vadd.f32 v58, v33;
	v33, _, _ =	vpop (xrf2)  }
0x4b8: {  	v54 =	vld [tilespmem:s10+$0xFFFFFB10];
	v47 =	vbroadcast v57, $0xF;
	v58 =	vmul.f32 v52, v27;
	v57, _, _ =	vpop (xrf2)  }
0x4b9: {  	v55 =	vld [tilespmem:s10+$0xFFFFFB80];
	v1 =	vadd.f32 v62, v1;
	v52 =	vmul.f32 v38, v27;
	v60, _, _ =	vpop (xrf2)  }
0x4ba: {  	v56 =	vld [tilespmem:s10+$0xFFFFFB90];
	v13 =	vadd.f32 v58, v13;
	v58 =	vbroadcast v33, $0xF;
	v33 =	vbroadcast v57, $0xF;
	v38, _, _ =	vpop (xrf2)  }
0x4bb: {  	v51 =	vld [tilespmem:s10+$0x420];
	[tilespmem:$0x1F5D0] =	vst v61;
	v61, _, _ =	vpop (xrf2)  }
0x4bc: {  	(xrf2) =	vadd.scan.msk.f32 $0xffff, v37;
	v1 =	vadd.f32 v52, v1;
	v19 =	vsel vm0, v33, v19;
	v33 =	vbroadcast v61, $0xF  }
0x4bd: {  	v53 =	vmul.f32 v53, v31;
	(xrf2) =	vadd.scan.msk.f32 $0xffff, v13  }
0x4be: {  	v49 =	vmul.f32 v55, v31;
	(xrf2) =	vadd.scan.msk.f32 $0xffff, v1;
	v1 =	vmul.f32 v54, v32  }
0x4bf: {  	v52 =	vbroadcast v38, $0xF;
	v38 =	vmul.f32 v56, v32;
	v61, _, _ =	vpop (xrf2)  }
0x4c0: {  	[tilespmem:$0x1F5E0] =	vst v51;
	v51 =	vadd.f32 v1, v53;
	v1 =	vbroadcast v61, $0xF;
	v16 =	vsel vm0, v33, v16;
	v33, _, _ =	vpop (xrf2)  }
0x4c1: {  	v49 =	vadd.f32 v38, v49;
	v38 =	vbroadcast v33, $0xF  }
0x4c2: {  	v1 =	vsel vm0, v1, v15  }
0x4c3: {  	v21 =	vsel vm0, v47, v21;
	v47 =	vbroadcast v60, $0xF;
	v60 =	vld [tilespmem:s10+$0xFFFFFB30];
	[tilespmem:$0x1F890] =	vst v1;
	v1 =	vsel vm0, v38, v14  }
0x4c4: {  	[tilespmem:$0x1F8A0] =	vst v1;
	v1 =	vld [tilespmem:$0x1F3B0];
	_ =	sdelay $0x2  }
0x4c5: {  	v59 =	vld [tilespmem:s10+$0xFFFFFC10]  }
0x4c6: {  	[tilespmem:$0x1F5F0] =	vst v60;
	v60 =	vld [tilespmem:$0x1F340]  }
0x4c7: {  	v38 =	vmul.f32 v1, v31;
	v1, _, _ =	vpop (xrf2)  }
0x4c8: {  	[tilespmem:$0x1F830] =	vst v1;
	v1 =	vld [tilespmem:$0x1F3C0];
	_ =	sdelay $0x1  }
0x4c9: {  	v13 =	vsel vm0, v52, v17  }
0x4ca: {  	v50 =	vmul.f32 v59, v32;
	[tilespmem:$0x1F870] =	vst v13;
	v13 =	vmul.f32 v60, v31;
	_ =	sdelay $0x1  }
0x4cb: {  	v50 =	vadd.f32 v50, v13;
	v13 =	vmul.f32 v1, v32;
	v1 =	vld [tilespmem:$0x1F3D0];
	_ =	sdelay $0x4  }
0x4cc: {  	v14 =	vmul.f32 v1, v31;
	v1, _, _ =	vpop (xrf2)  }
0x4cd: {  	[tilespmem:$0x1F8B0] =	vst v1;
	v1 =	vld [tilespmem:s10+$0x30];
	_ =	sdelay $0x4  }
0x4ce: {  	[tilespmem:$0x1F660] =	vst v1;
	v1 =	vld [tilespmem:$0x1F3E0];
	_ =	sdelay $0x4  }
0x4cf: {  	[tilespmem:$0x1F880] =	vst v16;
	v16 =	vmul.f32 v1, v32;
	v1 =	vld [tilespmem:$0x1F3F0];
	_ =	sdelay $0x2  }
0x4d0: {  	v20 =	vsel vm0, v58, v20  }
0x4d1: {  	[tilespmem:$0x1F840] =	vst v20;
	v20 =	vld [tilespmem:$0x1F350]  }
0x4d2: {  	v17 =	vmul.f32 v1, v31;
	v1 =	vld [tilespmem:s10+$0xB0];
	_ =	sdelay $0x1  }
0x4d3: {  	v30 =	vld [tilespmem:s10+$0xFFFFFBB0];
	_ =	sdelay $0x1  }
0x4d4: {  	v48 =	vmul.f32 v20, v31;
	v20 =	vld [tilespmem:s10+$0xFFFFFE30]  }
0x4d5: {  	[tilespmem:$0x1F670] =	vst v1;
	v1 =	vld [tilespmem:$0x1F400];
	_ =	sdelay $0x1  }
0x4d6: {  	[tilespmem:$0x1F600] =	vst v30;
	v30 =	vld [tilespmem:$0x1F370];
	_ =	sdelay $0x1  }
0x4d7: {  	[tilespmem:$0x1F820] =	vst v21;
	v21 =	vld [tilespmem:s10+$0xFFFFFD30]  }
0x4d8: {  	[tilespmem:$0x1F640] =	vst v20;
	v20 =	vmul.f32 v1, v32;
	v1 =	vld [tilespmem:s10+$0x130];
	_ =	sdelay $0x1  }
0x4d9: {  	v53 =	vmul.f32 v30, v31;
	v30 =	vld [tilespmem:$0x1F3A0]  }
0x4da: {  	[tilespmem:$0x1F810] =	vst v22;
	v22 =	vld [tilespmem:$0x1F360]  }
0x4db: {  	[tilespmem:$0x1F620] =	vst v21;
	v21 =	vld [tilespmem:$0x1F390]  }
0x4dc: {  	[tilespmem:$0x1F680] =	vst v1;
	v1 =	vld [tilespmem:$0x1F410];
	_ =	sdelay $0x1  }
0x4dd: {  	v33 =	vmul.f32 v30, v32;
	v30 =	vld [tilespmem:s10+$0x1B0];
	_ =	sdelay $0x1  }
0x4de: {  	v37 =	vld [tilespmem:s10+$0xFFFFFDB0];
	v52 =	vmul.f32 v22, v32  }
0x4df: {  	v22 =	vmul.f32 v21, v31;
	v21 =	vmul.f32 v1, v31;
	v1 =	vld [tilespmem:$0x1F420];
	_ =	sdelay $0x1  }
0x4e0: {  	[tilespmem:$0x1F690] =	vst v30;
	v30 =	vld [tilespmem:s10+$0x2B0];
	_ =	sdelay $0x2  }
0x4e1: {  	[tilespmem:$0x1F630] =	vst v37;
	v37 =	vld [tilespmem:s10+$0xFFFFFEB0];
	v1 =	vmul.f32 v1, v32  }
0x4e2: {  	v58 =	vld [tilespmem:s10+$0xFFFFFC30]  }
0x4e3: {  	[tilespmem:$0x1F6B0] =	vst v30;
	v30 =	vadd.f32 v1, v21;
	v1 =	vld [tilespmem:$0x1F470]  }
0x4e4: {  	v54 =	vadd.f32 v33, v22;
	v33 =	vld [tilespmem:$0x1F430];
	_ =	sdelay $0x2  }
0x4e5: {  	v60 =	vld [tilespmem:$0x1F380]  }
0x4e6: {  	[tilespmem:$0x1F610] =	vst v58;
	v58 =	vmul.f32 v1, v31;
	v1 =	vld [tilespmem:$0x1F480]  }
0x4e7: {  	[tilespmem:$0x1F650] =	vst v37;
	v37 =	vmul.f32 v33, v31;
	v33 =	vld [tilespmem:s10+$0x330]  }
0x4e8: {  	v21 =	vld [tilespmem:$0x1F4B0];
	_ =	sdelay $0x1  }
0x4e9: {  	v18 =	vsel vm0, v47, v18;
	v22 =	vld [tilespmem:$0x1F460]  }
0x4ea: {  	v61 =	vmul.f32 v60, v32;
	v60 =	vadd.f32 v20, v17;
	v17 =	vld [tilespmem:$0x1F450];
	v1 =	vmul.f32 v1, v32  }
0x4eb: {  	v20 =	vld [tilespmem:s10+$0x3B0]  }
0x4ec: {  	[tilespmem:$0x1F6C0] =	vst v33;
	v33 =	vmul.f32 v21, v31;
	v21 =	vadd.f32 v1, v58;
	v1 =	vld [tilespmem:$0x1F4D0]  }
0x4ed: {  	[tilespmem:$0x1F860] =	vst v18;
	v15 =	vmov s24;
	v18, _, _ =	vpop (xrf2)  }
0x4ee: {  	[tilespmem:$0x1F850] =	vst v19;
	vm1 =	veq.s32 v15, v0;
	v19 =	vbroadcast v18, $0xF  }
0x4ef: {  	v55 =	vadd.f32 v13, v38;
	v38 =	vld [tilespmem:$0x1F440];
	v13 =	vmul.f32 v22, v32;
	v18 =	vmul.f32 v17, v31  }
0x4f0: {  	v12 =	vsel vm1, v19, v12;
	v19 =	vld [tilespmem:$0x1F4A0]  }
0x4f1: {  	[tilespmem:$0x1F6D0] =	vst v20;
	v20 =	vadd.f32 v13, v18;
	v18 =	vmul.f32 v1, v31;
	v1 =	vld [tilespmem:$0x1F4E0];
	_ =	sdelay $0x2  }
0x4f2: {  	[tilespmem:$0x1F7F0] =	vst v12;
	v12 =	vmul.f32 v38, v32;
	_ =	sdelay $0x1  }
0x4f3: {  	v22 =	vadd.f32 v12, v37;
	v12 =	vmul.f32 v19, v32;
	v19 =	vmul.f32 v1, v32;
	v1 =	vld [tilespmem:s10+$0xFFFFFB40];
	_ =	sdelay $0x4  }
0x4f4: {  	[tilespmem:$0x1F6F0] =	vst v1;
	v1 =	vld [tilespmem:$0x1F4F0];
	_ =	sdelay $0x2  }
0x4f5: {  	v37 =	vld [tilespmem:$0x1F490];
	_ =	sdelay $0x1  }
0x4f6: {  	v56 =	vmul.f32 v1, v31;
	v1 =	vld [tilespmem:$0x1F500];
	_ =	sdelay $0x2  }
0x4f7: {  	v38 =	vmul.f32 v37, v31;
	_ =	sdelay $0x1  }
0x4f8: {  	v37 =	vadd.f32 v12, v38;
	v12 =	vmul.f32 v1, v32;
	v1 =	vld [tilespmem:s10+$0xFFFFFBC0];
	_ =	sdelay $0x4  }
0x4f9: {  	[tilespmem:$0x1F700] =	vst v1;
	v1 =	vld [tilespmem:$0x1F510];
	_ =	sdelay $0x4  }
0x4fa: {  	v53 =	vadd.f32 v61, v53;
	v61 =	vmul.f32 v1, v31;
	v1 =	vld [tilespmem:$0x1F520];
	_ =	sdelay $0x4  }
0x4fb: {  	v1 =	vmul.f32 v1, v32  }
0x4fc: {  	v38 =	vld [tilespmem:s10+$0xFFFFFC40]  }
0x4fd: {  	v57 =	vadd.f32 v16, v14;
	v14 =	vadd.f32 v1, v61;
	v1 =	vld [tilespmem:$0x1F550];
	_ =	sdelay $0x4  }
0x4fe: {  	[tilespmem:$0x1F710] =	vst v38;
	v38 =	vmul.f32 v1, v40;
	v1 =	vld [tilespmem:s10+$0xFFFFFD40];
	_ =	sdelay $0x4  }
0x4ff: {  	[tilespmem:$0x1F730] =	vst v1;
	v1 =	vld [tilespmem:$0x1F560]  }
0x500: {  	v16 =	vld [tilespmem:s10+$0x230];
	_ =	sdelay $0x3  }
0x501: {  	v61 =	vmul.f32 v1, v40;
	v1 =	vld [tilespmem:$0x1F570]  }
0x502: {  	[tilespmem:$0x1F6A0] =	vst v16;
	v16 =	vld [tilespmem:$0x1F4C0];
	_ =	sdelay $0x3  }
0x503: {  	v17 =	vld [tilespmem:s10+$0x430];
	v1 =	vmul.f32 v1, v40  }
0x504: {  	v13 =	vmul.f32 v16, v32;
	v16 =	vld [tilespmem:$0x1F540]  }
0x505: {  	v15 =	vadd.f32 v1, v50;
	v1 =	vld [tilespmem:$0x1F5A0];
	_ =	sdelay $0x4  }
0x506: {  	[tilespmem:$0x1F6E0] =	vst v17;
	v17 =	vmul.f32 v16, v32;
	v32 =	vadd.f32 v61, v49;
	v61 =	vmul.f32 v1, v40;
	v1 =	vld [tilespmem:s10+$0xFFFFFEC0];
	_ =	sdelay $0x1  }
0x507: {  	v58 =	vld [tilespmem:$0x1F530];
	_ =	sdelay $0x2  }
0x508: {  	[tilespmem:$0x1F760] =	vst v1;
	v1 =	vld [tilespmem:s10+$0xFFFFFF40];
	_ =	sdelay $0x1  }
0x509: {  	v46 =	vld [tilespmem:s10+$0xFFFFFF20];
	v31 =	vmul.f32 v58, v31  }
0x50a: {  	v19 =	vadd.f32 v19, v18;
	v18 =	vld [tilespmem:s10+$0xFFFFFCC0]  }
0x50b: {  	v31 =	vadd.f32 v17, v31;
	v17 =	vld [tilespmem:$0x1F580]  }
0x50c: {  	[tilespmem:$0x1F770] =	vst v1;
	v1 =	vld [tilespmem:$0x1F5B0];
	_ =	sdelay $0x3  }
0x50d: {  	[tilespmem:$0x1F720] =	vst v18;
	v18 =	vmul.f32 v17, v40  }
0x50e: {  	v17 =	vmul.f32 v1, v40;
	v1 =	vmul.f32 v46, v40  }
0x50f: {  	v49 =	vadd.f32 v61, v54  }
0x510: {  	v54 =	vadd.f32 v17, v57;
	v17 =	vadd.f32 v1, v60;
	v1 =	vld [tilespmem:s10+$0xC0]  }
0x511: {  	v43 =	vld [tilespmem:s10+$0xA0];
	v52 =	vadd.f32 v52, v48  }
0x512: {  	v39 =	vld [tilespmem:s10+$0x220]  }
0x513: {  	v52 =	vadd.f32 v18, v52;
	v18 =	vld [tilespmem:$0x1F5C0]  }
0x514: {  	v51 =	vadd.f32 v38, v51;
	v38 =	vld [tilespmem:$0x1F590]  }
0x515: {  	[tilespmem:$0x1F780] =	vst v1;
	v1 =	vld [tilespmem:s10+$0x140];
	_ =	sdelay $0x2  }
0x516: {  	v33 =	vadd.f32 v13, v33  }
0x517: {  	v63 =	vld [tilespmem:s10+$0xFFFFFE20];
	v13 =	vadd.f32 v12, v56;
	v12 =	vmul.f32 v38, v40;
	v38 =	vmul.f32 v18, v40  }
0x518: {  	v44 =	vld [tilespmem:s10+$0x1A0];
	v60 =	vmul.f32 v43, v40;
	[tilespmem:$0x1F790] =	vst v1;
	v1 =	vmul.f32 v39, v40  }
0x519: {  	v16 =	vld [tilespmem:s10+$0xFFFFFDC0];
	v30 =	vadd.f32 v38, v30  }
0x51a: {  	v38 =	vadd.f32 v60, v20;
	v20 =	vadd.f32 v1, v33;
	v1 =	vld [tilespmem:$0x1F5D0];
	_ =	sdelay $0x3  }
0x51b: {  	[tilespmem:$0x1F740] =	vst v16;
	v16 =	vadd.f32 v12, v53;
	v12 =	vmul.f32 v63, v40  }
0x51c: {  	v63 =	vmul.f32 v44, v40;
	v44 =	vmul.f32 v1, v40;
	v1 =	vld [tilespmem:s10+$0x2C0];
	_ =	sdelay $0x2  }
0x51d: {  	v45 =	vld [tilespmem:s10+$0x20];
	_ =	sdelay $0x1  }
0x51e: {  	[tilespmem:$0x1F7C0] =	vst v1;
	v1 =	vld [tilespmem:$0x1F5E0];
	_ =	sdelay $0x2  }
0x51f: {  	v50 =	vmul.f32 v45, v40;
	_ =	sdelay $0x1  }
0x520: {  	v18 =	vadd.f32 v50, v22;
	v50 =	vmul.f32 v1, v40;
	v1 =	vld [tilespmem:s10+$0x340];
	_ =	sdelay $0x4  }
0x521: {  	[tilespmem:$0x1F7D0] =	vst v1;
	v1 =	vld [tilespmem:$0x1F5F0];
	_ =	sdelay $0x4  }
0x522: {  	v53 =	vadd.f32 v12, v55;
	v55 =	vmul.f32 v1, v36;
	v1 =	vld [tilespmem:$0x1F600];
	_ =	sdelay $0x4  }
0x523: {  	v56 =	vmul.f32 v1, v36;
	v1 =	vld [tilespmem:s10+$0x3C0];
	_ =	sdelay $0x1  }
0x524: {  	v42 =	vld [tilespmem:s10+$0x120]  }
0x525: {  	v59 =	vld [tilespmem:s10+$0xFFFFFCB0]  }
0x526: {  	v62 =	vld [tilespmem:s10+$0x320]  }
0x527: {  	[tilespmem:$0x1F7E0] =	vst v1;
	v1 =	vld [tilespmem:$0x1F610]  }
0x528: {  	v39 =	vld [tilespmem:s10+$0x1C0];
	_ =	sdelay $0x2  }
0x529: {  	v61 =	vmul.f32 v42, v40;
	v42 =	vmul.f32 v62, v40  }
0x52a: {  	v41 =	vld [tilespmem:s10+$0x2A0];
	v57 =	vmul.f32 v1, v36;
	v1 =	vmul.f32 v59, v36  }
0x52b: {  	[tilespmem:$0x1F7A0] =	vst v39;
	v39 =	vadd.f32 v61, v21  }
0x52c: {  	v21 =	vadd.f32 v42, v13;
	v13 =	vadd.f32 v1, v52;
	v1 =	vld [tilespmem:$0x1F630];
	_ =	sdelay $0x2  }
0x52d: {  	v41 =	vmul.f32 v41, v40;
	_ =	sdelay $0x1  }
0x52e: {  	v19 =	vadd.f32 v41, v19;
	v41 =	vadd.f32 v44, v14;
	v14 =	vmul.f32 v1, v36;
	v1 =	vld [tilespmem:$0x1F640];
	_ =	sdelay $0x4  }
0x52f: {  	v44 =	vmul.f32 v1, v36;
	v1 =	vld [tilespmem:$0x1F650];
	_ =	sdelay $0x4  }
0x530: {  	v1 =	vmul.f32 v1, v36  }
0x531: {  	v22 =	vadd.f32 v50, v31  }
0x532: {  	v31 =	vadd.f32 v14, v49;
	v14 =	vadd.f32 v1, v54;
	v1 =	vld [tilespmem:$0x1F660];
	_ =	sdelay $0x4  }
0x533: {  	v50 =	vmul.f32 v1, v36;
	v1 =	vld [tilespmem:$0x1F670];
	_ =	sdelay $0x3  }
0x534: {  	v43 =	vld [tilespmem:s10+$0x240]  }
0x535: {  	v12 =	vmul.f32 v1, v36;
	v1 =	vld [tilespmem:$0x1F680];
	_ =	sdelay $0x4  }
0x536: {  	[tilespmem:$0x1F7B0] =	vst v43;
	v43 =	vadd.f32 v50, v18;
	v18 =	vmul.f32 v1, v36;
	v1 =	vld [tilespmem:$0x1F690];
	_ =	sdelay $0x2  }
0x537: {  	v58 =	vld [tilespmem:s10+$0xFFFFFE40];
	_ =	sdelay $0x1  }
0x538: {  	v37 =	vadd.f32 v63, v37;
	v1 =	vmul.f32 v1, v36  }
0x539: {  	v48 =	vld [tilespmem:s10+$0xFFFFFFB0]  }
0x53a: {  	v39 =	vadd.f32 v18, v39;
	v18 =	vadd.f32 v1, v37;
	v1 =	vld [tilespmem:$0x1F6C0]  }
0x53b: {  	[tilespmem:$0x1F750] =	vst v58;
	v58 =	vld [tilespmem:$0x1F620];
	_ =	sdelay $0x3  }
0x53c: {  	v49 =	vmul.f32 v1, v36;
	v1 =	vld [tilespmem:$0x1F6D0]  }
0x53d: {  	v48 =	vmul.f32 v48, v36;
	v59 =	vmul.f32 v58, v36  }
0x53e: {  	v47 =	vld [tilespmem:s10+$0xFFFFFF30]  }
0x53f: {  	v42 =	vadd.f32 v59, v16;
	v16 =	vadd.f32 v48, v30;
	v48 =	vld [tilespmem:$0x1F6B0]  }
0x540: {  	v40 =	vadd.f32 v44, v53;
	v44 =	vadd.f32 v12, v38;
	v38 =	vld [tilespmem:$0x1F6A0]  }
0x541: {  	v50 =	vmul.f32 v1, v36;
	v1 =	vld [tilespmem:$0x1F6E0];
	_ =	sdelay $0x2  }
0x542: {  	v47 =	vmul.f32 v47, v36  }
0x543: {  	v12 =	vmul.f32 v48, v36  }
0x544: {  	v17 =	vadd.f32 v47, v17;
	v47 =	vmul.f32 v38, v36;
	v36 =	vmul.f32 v1, v36;
	v1 =	vld [tilespmem:$0x1F6F0];
	_ =	sdelay $0x4  }
0x545: {  	v30 =	vadd.f32 v12, v19;
	v12 =	vmul.f32 v1, v35;
	v1 =	vld [tilespmem:$0x1F700];
	_ =	sdelay $0x1  }
0x546: {  	v63 =	vld [tilespmem:s10+$0x440]  }
0x547: {  	v45 =	vld [tilespmem:s10+$0x40]  }
0x548: {  	v62 =	vld [tilespmem:s10+$0xFFFFFB50]  }
0x549: {  	v19 =	vmul.f32 v1, v35;
	v1 =	vld [tilespmem:$0x1F710]  }
0x54a: {  	v46 =	vld [tilespmem:s10+$0xFFFFFFC0]  }
0x54b: {  	v60 =	vld [tilespmem:s10+$0xFFFFFBD0]  }
0x54c: {  	v61 =	vld [tilespmem:s10+$0xFFFFFC50]  }
0x54d: {  	v33 =	vadd.f32 v55, v51;
	v55 =	vld [tilespmem:s10+$0xFFFFFFD0]  }
0x54e: {  	v51 =	vld [tilespmem:s10+$0xD0];
	v32 =	vadd.f32 v56, v32;
	v15 =	vadd.f32 v57, v15;
	v1 =	vmul.f32 v1, v35  }
0x54f: {  	v56 =	vld [tilespmem:s10+$0xFFFFFE50]  }
0x550: {  	v32 =	vadd.f32 v19, v32;
	v19 =	vadd.f32 v1, v15;
	v1 =	vld [tilespmem:$0x1F730]  }
0x551: {  	v58 =	vld [tilespmem:s10+$0xFFFFFD50]  }
0x552: {  	v37 =	vld [tilespmem:$0x1F720]  }
0x553: {  	v59 =	vld [tilespmem:s10+$0xFFFFFCD0]  }
0x554: {  	v48 =	vld [tilespmem:$0x1F770]  }
0x555: {  	v38 =	vadd.f32 v50, v41;
	v41 =	vmul.f32 v1, v35;
	v1 =	vld [tilespmem:$0x1F740]  }
0x556: {  	v57 =	vld [tilespmem:s10+$0xFFFFFDD0]  }
0x557: {  	v52 =	vld [tilespmem:s10+$0x50];
	v22 =	vadd.f32 v36, v22;
	v36 =	vmul.f32 v37, v35  }
0x558: {  	v53 =	vld [tilespmem:s10+$0xFFFFFF50]  }
0x559: {  	v54 =	vld [tilespmem:s10+$0xFFFFFED0];
	v37 =	vadd.f32 v36, v13  }
0x55a: {  	v33 =	vadd.f32 v12, v33;
	v12 =	vmul.f32 v48, v35;
	v36 =	vmul.f32 v1, v35;
	v1 =	vld [tilespmem:$0x1F750]  }
0x55b: {  	v20 =	vadd.f32 v47, v20;
	v47 =	vld [tilespmem:s10+$0x1D0]  }
0x55c: {  	v21 =	vadd.f32 v49, v21;
	v49 =	vld [tilespmem:s10+$0x250];
	v15 =	vadd.f32 v12, v17;
	v12 =	vmul.f32 v45, v35  }
0x55d: {  	v50 =	vld [tilespmem:s10+$0x150]  }
0x55e: {  	v60 =	vmul.f32 v60, v34;
	v17 =	vadd.f32 v12, v43;
	v43 =	vld [tilespmem:$0x1F7A0]  }
0x55f: {  	v48 =	vld [tilespmem:s10+$0x2D0];
	v1 =	vmul.f32 v1, v35  }
0x560: {  	v32 =	vadd.f32 v60, v32;
	v60 =	vmul.f32 v59, v34;
	v59 =	vld [tilespmem:s10+$0xFFFFFE60]  }
0x561: {  	v13 =	vadd.f32 v1, v40;
	v1 =	vld [tilespmem:$0x1F780]  }
0x562: {  	v61 =	vmul.f32 v61, v34;
	v45 =	vld [tilespmem:s10+$0x3D0]  }
0x563: {  	v41 =	vadd.f32 v41, v42;
	v42 =	vld [tilespmem:$0x1F760];
	v43 =	vmul.f32 v43, v35  }
0x564: {  	v19 =	vadd.f32 v61, v19;
	v61 =	vmul.f32 v58, v34;
	v58 =	vld [tilespmem:s10+$0xFFFFFEE0]  }
0x565: {  	v18 =	vadd.f32 v43, v18;
	v43 =	vld [tilespmem:$0x1F7D0];
	v40 =	vmul.f32 v46, v35  }
0x566: {  	v31 =	vadd.f32 v36, v31;
	v36 =	vmul.f32 v1, v35;
	v1 =	vld [tilespmem:$0x1F790]  }
0x567: {  	v47 =	vmul.f32 v47, v34;
	v16 =	vadd.f32 v40, v16;
	v40 =	vld [tilespmem:$0x1F7B0]  }
0x568: {  	v57 =	vmul.f32 v57, v34;
	v42 =	vmul.f32 v42, v35;
	v36 =	vadd.f32 v36, v44;
	v44 =	vld [tilespmem:$0x1F7C0]  }
0x569: {  	v54 =	vmul.f32 v54, v34;
	v18 =	vadd.f32 v47, v18;
	v47 =	vld [tilespmem:s10+$0x260]  }
0x56a: {  	v14 =	vadd.f32 v42, v14;
	v42 =	vld [tilespmem:s10+$0x450];
	v31 =	vadd.f32 v57, v31;
	v57 =	vmul.f32 v55, v34  }
0x56b: {  	v55 =	vmul.f32 v49, v34;
	v49 =	vld [tilespmem:s10+$0x1E0];
	v1 =	vmul.f32 v1, v35  }
0x56c: {  	v14 =	vadd.f32 v54, v14;
	v54 =	vld [tilespmem:s10+$0x60];
	v12 =	vmul.f32 v40, v35  }
0x56d: {  	v46 =	vld [tilespmem:s10+$0x350];
	v1 =	vadd.f32 v1, v39;
	v39 =	vmul.f32 v44, v35  }
0x56e: {  	v12 =	vadd.f32 v12, v20;
	v20 =	vmul.f32 v43, v35;
	v43 =	vld [tilespmem:s10+$0xFFFFFC60]  }
0x56f: {  	v30 =	vadd.f32 v39, v30;
	v39 =	vld [tilespmem:$0x1F7E0]  }
0x570: {  	v51 =	vmul.f32 v51, v34;
	v20 =	vadd.f32 v20, v21;
	v21 =	vmul.f32 v62, v34;
	v62 =	vld [tilespmem:s10+$0xFFFFFD60]  }
0x571: {  	v45 =	vmul.f32 v45, v34;
	v16 =	vadd.f32 v57, v16;
	v57 =	vmul.f32 v48, v34;
	v40 =	vld [tilespmem:s10+$0xFFFFFB60]  }
0x572: {  	v44 =	vld [tilespmem:s10+$0xFFFFFBE0];
	v21 =	vadd.f32 v21, v33;
	v33 =	vadd.f32 v60, v37;
	v60 =	vmul.f32 v56, v34  }
0x573: {  	v36 =	vadd.f32 v51, v36;
	v12 =	vadd.f32 v55, v12;
	v56 =	vld [tilespmem:s10+$0xFFFFFF60];
	v51 =	vmul.f32 v43, v29  }
0x574: {  	v43 =	vld [tilespmem:s10+$0xFFFFFC70];
	v13 =	vadd.f32 v60, v13;
	v39 =	vmul.f32 v39, v35;
	v35 =	vmul.f32 v63, v35  }
0x575: {  	v60 =	vmul.f32 v52, v34;
	v52 =	vld [tilespmem:s10+$0xE0];
	v30 =	vadd.f32 v57, v30;
	v57 =	vmul.f32 v62, v29  }
0x576: {  	v63 =	vld [tilespmem:s10+$0xFFFFFCE0];
	v22 =	vadd.f32 v35, v22;
	v35 =	vadd.f32 v61, v41;
	v61 =	vmul.f32 v53, v34  }
0x577: {  	v19 =	vadd.f32 v51, v19;
	v62 =	vmul.f32 v58, v29;
	v51 =	vld [tilespmem:s10+$0xFFFFFD70];
	v17 =	vadd.f32 v60, v17  }
0x578: {  	v38 =	vadd.f32 v39, v38;
	v39 =	vld [tilespmem:s10+$0xFFFFFDE0];
	v15 =	vadd.f32 v61, v15;
	v61 =	vmul.f32 v50, v34  }
0x579: {  	v60 =	vmul.f32 v46, v34;
	v48 =	vmul.f32 v44, v29;
	v44 =	vld [tilespmem:s10+$0xFFFFFB70];
	v14 =	vadd.f32 v62, v14  }
0x57a: {  	v38 =	vadd.f32 v45, v38;
	v45 =	vld [tilespmem:s10+$0xFFFFFBF0];
	v1 =	vadd.f32 v61, v1;
	v61 =	vmul.f32 v40, v29  }
0x57b: {  	v46 =	vld [tilespmem:s10+$0x2E0];
	v62 =	vmul.f32 v49, v29;
	v20 =	vadd.f32 v60, v20;
	v55 =	vmul.f32 v63, v29  }
0x57c: {  	v32 =	vadd.f32 v48, v32;
	v53 =	vld [tilespmem:s10+$0xFFFFFFE0];
	v21 =	vadd.f32 v61, v21;
	v61 =	vmul.f32 v59, v29  }
0x57d: {  	(xrf2) =	vadd.scan.msk.f32 $0xffff, v28;
	v58 =	vmul.f32 v52, v29;
	v60 =	vmul.f32 v39, v29;
	v33 =	vadd.f32 v55, v33;
	v55 =	vld [tilespmem:s10+$0xFFFFFCF0]  }
0x57e: {  	(xrf2) =	vadd.scan.msk.f32 $0xffff, v26;
	v18 =	vadd.f32 v62, v18;
	v41 =	vld [tilespmem:s10+$0xFFFFFE70];
	v13 =	vadd.f32 v61, v13;
	v61 =	vmul.f32 v44, v27  }
0x57f: {  	(xrf2) =	vadd.scan.msk.f32 $0xffff, v25;
	v34 =	vmul.f32 v42, v34;
	v31 =	vadd.f32 v60, v31;
	v60 =	vld [tilespmem:s10+$0xFFFFFDF0];
	v44 =	vmul.f32 v45, v27  }
0x580: {  	(xrf2) =	vadd.scan.msk.f32 $0xffff, v24;
	v50 =	vld [tilespmem:s10+$0x160];
	v35 =	vadd.f32 v57, v35;
	v57 =	vmul.f32 v54, v29;
	v21 =	vadd.f32 v61, v21  }
0x581: {  	(xrf2) =	vadd.scan.msk.f32 $0xffff, v23;
	v42 =	vld [tilespmem:s10+$0x3E0];
	v63 =	vmul.f32 v56, v29;
	v56 =	vmul.f32 v53, v29;
	v52 =	vadd.f32 v44, v32  }
0x582: {  	v22 =	vadd.f32 v34, v22;
	v34 =	vld [tilespmem:s10+$0xFFFFFEF0];
	v53 =	vmul.f32 v43, v27;
	v55 =	vmul.f32 v55, v27;
	(xrf2) =	vadd.scan.msk.f32 $0xffff, v21  }
0x583: {  	v25 =	vadd.f32 v58, v36;
	v58 =	vmul.f32 v51, v27;
	v17 =	vadd.f32 v57, v17;
	v45 =	vld [tilespmem:s10+$0xFFFFFF70];
	(xrf2) =	vadd.scan.msk.f32 $0xffff, v52  }
0x584: {  	v49 =	vld [tilespmem:s10+$0xFFFFFFF0];
	v19 =	vadd.f32 v53, v19;
	v28 =	vadd.f32 v55, v33;
	v60 =	vmul.f32 v60, v27  }
0x585: {  	v54 =	vld [tilespmem:s10+$0x70];
	v35 =	vadd.f32 v58, v35;
	v62 =	vmul.f32 v41, v27;
	v59 =	vmul.f32 v50, v29  }
0x586: {  	v16 =	vadd.f32 v56, v16;
	v56 =	vld [tilespmem:s10+$0xF0];
	v57 =	vmul.f32 v42, v29;
	(xrf2) =	vadd.scan.msk.f32 $0xffff, v19;
	v31 =	vadd.f32 v60, v31  }
0x587: {  	v41, _, _ =	vpop (xrf2);
	v1 =	vadd.f32 v59, v1;
	v59 =	vld [tilespmem:s10+$0x170];
	v42 =	vmul.f32 v34, v27;
	v13 =	vadd.f32 v62, v13;
	(xrf2) =	vadd.scan.msk.f32 $0xffff, v28  }
0x588: {  	v37 =	vld [tilespmem:s10+$0x460];
	v15 =	vadd.f32 v63, v15;
	v63 =	vmul.f32 v47, v29;
	v26 =	vmul.f32 v45, v27;
	v28, _, _ =	vpop (xrf2);
	(xrf2) =	vadd.scan.msk.f32 $0xffff, v35  }
0x589: {  	v40 =	vld [tilespmem:s10+$0x360];
	v47 =	vmul.f32 v46, v29;
	v14 =	vadd.f32 v42, v14;
	v45 =	vmul.f32 v49, v27;
	v35, _, _ =	vpop (xrf2);
	(xrf2) =	vadd.scan.msk.f32 $0xffff, v31  }
0x58a: {  	v43 =	vld [tilespmem:s10+$0x2F0];
	v12 =	vadd.f32 v63, v12;
	v21 =	vmul.f32 v54, v27;
	v15 =	vadd.f32 v26, v15;
	v31, _, _ =	vpop (xrf2);
	(xrf2) =	vadd.scan.msk.f32 $0xffff, v13  }
0x58b: {  	v23 =	vadd.f32 v47, v30;
	v63 =	vld [tilespmem:s10+$0x270];
	v47 =	vmul.f32 v56, v27;
	v16 =	vadd.f32 v45, v16;
	v13, _, _ =	vpop (xrf2);
	(xrf2) =	vadd.scan.msk.f32 $0xffff, v14  }
0x58c: {  	v46 =	vld [tilespmem:s10+$0x3F0];
	v24 =	vmul.f32 v59, v27;
	v17 =	vadd.f32 v21, v17;
	(xrf2) =	vadd.scan.msk.f32 $0xffff, v15;
	v52, _, _ =	vpop (xrf2)  }
0x58d: {  	v61 =	vld [tilespmem:s10+$0x1F0];
	v32 =	vadd.f32 v57, v38;
	v50 =	vadd.f32 v47, v25;
	(xrf2) =	vadd.scan.msk.f32 $0xffff, v16;
	v57, _, _ =	vpop (xrf2)  }
0x58e: {  	v44 =	vld [tilespmem:s10+$0x370];
	v1 =	vadd.f32 v24, v1;
	(xrf2) =	vadd.scan.msk.f32 $0xffff, v17;
	v59 =	vbroadcast v57, $0xF  }
0x58f: {  	vm2 =	vmmov vm1;
	v49 =	vld [tilespmem:s10+$0x470];
	s10 =	sand.u32 $0x70, s26;
	(xrf2) =	vadd.scan.msk.f32 $0xffff, v50  }
0x590: {  	v51 =	vmul.f32 v63, v27;
	s18 =	sadd.s32 s10, s29;
	v63, _, _ =	vpop (xrf2);
	(xrf2) =	vadd.scan.msk.f32 $0xffff, v1;
	v1 =	vsel vm2, v59, v11  }
0x591: {  	[tilespmem:s18+$0x100] =	vst v1;
	v1 =	vld [tilespmem:$0x1F800]  }
0x592: {  	v48 =	vmul.f32 v40, v29  }
0x593: {  	v56 =	vmul.f32 v46, v27;
	v24, _, _ =	vpop (xrf2)  }
0x594: {  	v20 =	vadd.f32 v48, v20;
	v25 =	vld [tilespmem:$0x1F7F0];
	v48 =	vmul.f32 v61, v27;
	v17 =	vbroadcast v24, $0xF  }
0x595: {  	v29 =	vmul.f32 v37, v29;
	v54 =	vmul.f32 v43, v27  }
0x596: {  	v62 =	vadd.f32 v56, v32;
	v32 =	vld [tilespmem:$0x1F810];
	v18 =	vadd.f32 v48, v18;
	v1 =	vsel vm2, v17, v1  }
0x597: {  	v22 =	vadd.f32 v29, v22;
	v12 =	vadd.f32 v51, v12;
	[tilespmem:s18+$0x200] =	vst v1;
	v1 =	vld [tilespmem:$0x1F820]  }
0x598: {  	v39 =	vld [tilespmem:$0x1F830];
	v58 =	vadd.f32 v54, v23;
	v55 =	vmul.f32 v44, v27;
	v53 =	vbroadcast v52, $0xF;
	(xrf2) =	vadd.scan.msk.f32 $0xffff, v18;
	v26, _, _ =	vpop (xrf2)  }
0x599: {  	v40 =	vld [tilespmem:$0x1F840];
	v61 =	vmul.f32 v49, v27;
	[tilespmem:s18+$0x0] =	vst v25;
	v23 =	vbroadcast v63, $0xF;
	(xrf2) =	vadd.scan.msk.f32 $0xffff, v12;
	v29, _, _ =	vpop (xrf2)  }
0x59a: {  	v42 =	vld [tilespmem:$0x1F850];
	v10 =	vsel vm2, v53, v10;
	v27 =	vbroadcast v26, $0xF;
	(xrf2) =	vadd.scan.msk.f32 $0xffff, v58;
	v11 =	vbroadcast v29, $0xF  }
0x59b: {  	v41 =	vbroadcast v41, $0xF;
	v44 =	vld [tilespmem:$0x1F860];
	[tilespmem:s18+$0x80] =	vst v10;
	v9 =	vsel vm2, v23, v9;
	v30, _, _ =	vpop (xrf2)  }
0x59c: {  	v46 =	vld [tilespmem:$0x1F870];
	s26 =	sor.u32 s28, s10;
	[tilespmem:s18+$0x180] =	vst v9;
	v9 =	vsel vm2, v27, v32;
	v33 =	vbroadcast v30, $0xF;
	v34, _, _ =	vpop (xrf2);
	v1 =	vsel vm2, v11, v1  }
0x59d: {  	s28 =	sor.u32 $0x300, s26;
	v60 =	vadd.f32 v55, v20;
	v49 =	vld [tilespmem:$0x1F880];
	v14 =	vbroadcast v39, $0xF;
	v36 =	vbroadcast v34, $0xF;
	v37, _, _ =	vpop (xrf2);
	[tilespmem:s18+$0x280] =	vst v9  }
0x59e: {  	s29 =	sor.u32 $0x380, s26;
	v16 =	vadd.f32 v61, v22;
	v52 =	vld [tilespmem:$0x1F890];
	v10 =	vsel vm2, v33, v40;
	v12 =	vbroadcast v37, $0xF;
	v38, _, _ =	vpop (xrf2);
	[tilespmem:s28+$0x18C00] =	vst v1  }
0x59f: {  	s30 =	sadd.s32 s10, s30;
	v53 =	vld [tilespmem:$0x1F8A0];
	(xrf2) =	vadd.scan.msk.f32 $0xffff, v60;
	v9 =	vbroadcast v38, $0xF;
	v11 =	vsel vm2, v36, v42;
	[tilespmem:s29+$0x18C00] =	vst v10;
	v1, _, _ =	vpop (xrf2)  }
0x5a0: {  	s31 =	sadd.s32 s10, s31;
	(xrf2) =	vadd.scan.msk.f32 $0xffff, v62;
	v12 =	vsel vm2, v12, v44;
	[tilespmem:s30+$0x0] =	vst v11;
	v43, _, _ =	vpop (xrf2);
	v1 =	vbroadcast v1, $0xF  }
0x5a1: {  	s1 =	sadd.s32 s10, s1;
	(xrf2) =	vadd.scan.msk.f32 $0xffff, v16;
	v9 =	vsel vm2, v9, v46;
	[tilespmem:s31+$0x0] =	vst v12;
	v45, _, _ =	vpop (xrf2);
	v10 =	vbroadcast v43, $0xF  }
0x5a2: {  	s0 =	sadd.s32 s10, s0;
	v48 =	vbroadcast v28, $0xF;
	[tilespmem:s1+$0x0] =	vst v9;
	v47, _, _ =	vpop (xrf2);
	v1 =	vsel vm2, v1, v49;
	v11 =	vbroadcast v45, $0xF  }
0x5a3: {  	s14 =	sadd.s32 s10, s14;
	v8 =	vsel vm0, v14, v8;
	v50, _, _ =	vpop (xrf2);
	v10 =	vsel vm2, v10, v52;
	v12 =	vbroadcast v47, $0xF;
	[tilespmem:s0+$0x0] =	vst v1  }
0x5a4: {  	s15 =	sadd.s32 s10, s15;
	v1 =	vsel vm0, v48, v6;
	v6 =	vsel vm2, v11, v53;
	v9 =	vbroadcast v50, $0xF;
	v54, _, _ =	vpop (xrf2);
	[tilespmem:s14+$0x0] =	vst v10  }
0x5a5: {  	v7 =	vsel vm0, v41, v7;
	s18 =	sadd.s32 s10, s17;
	v8 =	vsel vm2, v12, v8;
	v55 =	vbroadcast v54, $0xF;
	[tilespmem:s15+$0x0] =	vst v6  }
0x5a6: {  	s19 =	sadd.s32 s10, s23;
	v60 =	vbroadcast v13, $0xF;
	v7 =	vsel vm2, v9, v7;
	[tilespmem:s18+$0x0] =	vst v8  }
0x5a7: {  	s20 =	sadd.s32 s10, s11;
	v1 =	vsel vm2, v55, v1;
	[tilespmem:s19+$0x0] =	vst v7  }
0x5a8: {  	[tilespmem:s20+$0x0] =	vst v1;
	v1 =	vsel vm0, v60, v3;
	v3 =	vld [tilespmem:$0x1F8B0]  }
0x5a9: {  	v51 =	vbroadcast v35, $0xF;
	v56, _, _ =	vpop (xrf2)  }
0x5aa: {  	v57 =	vbroadcast v31, $0xF;
	v58 =	vbroadcast v56, $0xF;
	v59, _, _ =	vpop (xrf2)  }
0x5ab: {  	v5 =	vsel vm0, v51, v5;
	v61 =	vbroadcast v59, $0xF;
	v62, _, _ =	vpop (xrf2)  }
0x5ac: {  	s23 =	sadd.s32 s10, s12;
	v4 =	vsel vm0, v57, v4;
	v5 =	vsel vm2, v58, v5;
	v63 =	vbroadcast v62, $0xF  }
0x5ad: {  	s25 =	sadd.s32 $0x1, s25;
	s24 =	sadd.s32 s10, s5;
	v4 =	vsel vm2, v61, v4;
	[tilespmem:s23+$0x0] =	vst v5;
	v3 =	vbroadcast v3, $0xF  }
0x5ae: {  	p0 =	sne.s32 s25, $0x10;
	s26 =	sadd.s32 s10, s6;
	v1 =	vsel vm2, v63, v1;
	[tilespmem:s24+$0x0] =	vst v4  }
.Ltmp2:
0x5af: {  	s28 =	sadd.s32 s10, s7;
	[tilespmem:s26+$0x0] =	vst v1;
	v2 =	vsel vm1, v3, v2;
	(pc) =	sbr.rel @p0 .LBB2_2-.Ltmp2, $4  }
0x5b0: {  	s29 =	sadd.s32 s10, s8;
	v1 =	vimm.f32 $0.0e+00;
	[tilespmem:s28+$0x0] =	vst v2  }
0x5b1: {  	s30 =	sadd.s32 s10, s9;
	[tilespmem:s29+$0x0] =	vst v1  }
0x5b2: {  	s31 =	sadd.s32 s10, s4;
	[tilespmem:s30+$0x0] =	vst v1  }
0x5b3: {  	[tilespmem:s31+$0x0] =	vst v1  }
0x5b4: {  	s9 =	simm.s32 $0x0;
	s0 =	rddreg [dreg:$0x9];
	s1 =	simm.s32 $0x18C00  }
0x5b5: {  	[hbm4b:s0+s9] =	stream.linear.scatter [tilespmem:s1], [sflag:$0x3], $0x3000, $0x38;
	[tilespmem:$0x1BC00] =	vst v63  }
0x5b6: {  	s1 =	simm.s32 $0x3  }
0x5b7: {  	_ =	swait.ge [sflag:s1], $0x3000  }
0x5b8: {  	s4 =	rddreg [dreg:$0xb]  }
0x5b9: {  	s31 =	rddreg [dreg:$0xa];
	s4 =	sadd.s32 $0x1, s4  }
0x5ba: {  	p0 =	sne.s32 s4, s31  }
.Ltmp3:
0x5bb: {  	_ = 	snop;
	(pc) =	sbr.rel @p0 .LBB2_1-.Ltmp3, $3  }
0x5bc: {  	_ =	sdelay $0x1  }
0x5bd: {  	[sflag:s1] =	ssyncset.done $0x0  }
0x5be: {  	[sflag:s1] =	ssyncadd.s32 $0xFFFFD000  }
0x5bf: {  	_ =	sfence.sel $0x180000  }
0x5c0: {  	[bflag:$0x0] =	sbarrier.arrive $0xFFFF  }
0x5c1: {  	_ =	strace $0x90000047  }
0x5c2: {  	s0 =	stileid.u32;
	[bflag:$0x2] =	sbarrier.arrive $0xFFFF  }
0x5c3: {  	p0 =	sne.s32 s0, $0x0;
	s0 =	rddreg [dreg:$0x5]  }
0x5c4: {  	s0 =	sadd.s32 @!p0 $0x100000, s0  }
0x5c5: {  	[sflag:s0] =	ssyncadd.tile.s32 @!p0 $0x1;
	_ =	shalt  }
.Lfunc_end2:
_tile_overlayer_lowered:
.L_overlay_start_2:
0x5c6: {  	(tag) =	ssettag $0x2  }
0x5c7: {  	s0 =	rddreg [dreg:$0x0];
	s2 =	stileid.u32  }
0x5c8: {  	s1 =	rddreg [dreg:$0x1];
	p0 =	sne.s32 s2, $0x0  }
0x5c9: {  	s3 =	rddreg [dreg:$0x2];
	[bflag:$0x3] =	sbarrier.arrive $0xFFFF;
	s2 =	simm.s32 @!p0 $0x1C03  }
0x5ca: {  	[timem:s3], [sflag:s2] =	dma.local @!p0 [hbm:s0], s1  }
0x5cb: {  	s0 =	simm.s32 @!p0 $0x3  }
0x5cc: {  	_ =	swait.ge @!p0 [sflag:s0], s1  }
0x5cd: {  	s1 =	ssub.s32 @!p0 $0x0, s1;
	[sflag:s0] =	ssyncset.done @!p0 $0x0  }
0x5ce: {  	[sflag:s0] =	ssyncadd.s32 @!p0 s1  }
0x5cf: {  	[bflag:$0x3] =	sbarrier.arrive $0xFFFF  }
0x5d0: {  	_ =	shalt  }

</sc_bundles>
